<compile_context>
chip_gen: v7x
topology: tpu7x:2x2x1
jax: 0.10.2.dev20260603
libtpu: 0.0.44.dev20260713+nightly
codegen_flags: <defaults>
</compile_context>

<pallas_src>
import functools

import jax
import jax.numpy as jnp
from jax import lax
from jax.experimental import pallas as pl
from jax.experimental.pallas import tpu as pltpu, tpu_sc as plsc

_CHUNK = 16


def _make_gather(B: int, D: int, with_lu: bool):
    info = plsc.get_sparse_core_info()
    NC, NS = info.num_cores, info.num_subcores
    NW = NC * NS
    assert B % (8 * NW) == 0
    b_per_w = B // NW
    assert b_per_w % _CHUNK == 0
    mesh = plsc.VectorSubcoreMesh(core_axis_name="c", subcore_axis_name="s")

    out_type = [jax.ShapeDtypeStruct((B, D), jnp.float32)]
    scratch = [
        pltpu.VMEM((b_per_w,), jnp.int32),
        pltpu.VMEM((_CHUNK, 8, D), jnp.float32),
        pltpu.VMEM((b_per_w, D), jnp.float32),
        pltpu.SemaphoreType.DMA,
    ]
    if with_lu:
        out_type.append(jax.ShapeDtypeStruct((B,), jnp.int32))
        scratch += [
            pltpu.VMEM((b_per_w,), jnp.int32),
            pltpu.SemaphoreType.DMA,
        ]

    @functools.partial(
        pl.kernel,
        out_type=tuple(out_type),
        mesh=mesh,
        scratch_types=scratch,
        compiler_params=pltpu.CompilerParams(
            skip_device_barrier=True, needs_layout_passes=False),
    )
    def gather(table_hbm, *rest):
        if with_lu:
            (lu_hbm, idx_hbm, out_hbm, lu_out_hbm,
             idx_v, stage_v, rows_v, sem, lu_v, lsem) = rest
        else:
            (idx_hbm, out_hbm,
             idx_v, stage_v, rows_v, sem) = rest
        wid = lax.axis_index("s") * NC + lax.axis_index("c")
        base = wid * b_per_w
        pltpu.sync_copy(idx_hbm.at[pl.ds(base, b_per_w)], idx_v)

        if with_lu:
            lu_cp = pltpu.make_async_copy(lu_hbm.at[idx_v], lu_v, lsem)
            lu_cp.start()

        def chunk_body(ci, _):
            c = pl.multiple_of(ci * _CHUNK, _CHUNK)
            iv = idx_v[pl.ds(c, 16)]

            for l in range(16):
                i = iv[l]
                g = pl.multiple_of((i // 8) * 8, 8)
                pltpu.make_async_copy(
                    table_hbm.at[pl.ds(g, 8)], stage_v.at[l], sem).start()

            pltpu.make_async_copy(
                table_hbm.at[pl.ds(0, 8 * _CHUNK)].reshape(_CHUNK, 8, D),
                stage_v, sem).wait()

            for l in range(16):
                r = iv[l] % 8
                for k in range(0, D, 16):
                    rows_v[c + l, pl.ds(k, 16)] = stage_v[l, r, pl.ds(k, 16)]
            return 0

        lax.fori_loop(0, b_per_w // _CHUNK, chunk_body, 0)

        pltpu.sync_copy(rows_v, out_hbm.at[pl.ds(base, b_per_w)])
        if with_lu:
            lu_cp.wait()
            pltpu.sync_copy(lu_v, lu_out_hbm.at[pl.ds(base, b_per_w)])

    return gather


def kernel(memory, pos_memory, last_update, n_id):
    B = n_id.shape[0]
    D = memory.shape[1]
    n_id = n_id.astype(jnp.int32)
    gather = _make_gather(B, D, True)
    z, lu = gather(memory, last_update, n_id)
    pos_z, _ = gather(pos_memory, last_update, n_id)
    return (z, pos_z, lu)

# --- scband reference (transcript-rebuilt; emitter-appended) ---
"""Pipeline reference for scband-position-passing-tgn-39977555591654 (READ-ONLY COPY).

The authoritative reference and input builder live on the scoring server;
editing this copy changes nothing except your own understanding.
"""

import jax, jax.numpy as jnp
import numpy as np

NUM_NODES = 1000000
MEMORY_DIM = 64
BATCH = 16384

def setup_inputs(seed: int = 0) -> dict:
    key = jax.random.key(seed)
    k1, k2, k3 = jax.random.split(key, 3)
    n_id = jax.random.randint(k1, (BATCH,), 0, NUM_NODES, dtype=jnp.int64) if jax.config.read('jax_enable_x64') else jax.random.randint(k1, (BATCH,), 0, NUM_NODES, dtype=jnp.int32)
    # Learned / state tensors: two TGN memory tables plus last_update buffer.
    memory = jax.random.normal(k2, (NUM_NODES, MEMORY_DIM), dtype=jnp.float32) * 0.02
    pos_memory = jax.random.normal(k3, (NUM_NODES, MEMORY_DIM), dtype=jnp.float32) * 0.02
    last_update = jnp.zeros((NUM_NODES,), dtype=jnp.int32)
    return {"memory": memory, "pos_memory": pos_memory, "last_update": last_update, "n_id": n_id}

def reference(memory, pos_memory, last_update, n_id):
    # PositionPassingTGN.forward(n_id):
    #   z, last_update = self.memory(n_id)        -> gather from TGN memory state
    #   pos_z, _       = self.pos_memory(n_id)    -> gather from positional TGN memory state
    # In eval mode (and at reset state, with empty message stores) TGNMemory.forward
    # reduces to a pure row-gather of the memory table and last_update buffer.
    z = jnp.take(memory, n_id, axis=0)
    pos_z = jnp.take(pos_memory, n_id, axis=0)
    lu = jnp.take(last_update, n_id, axis=0)
    return (z, pos_z, lu)

if __name__ == "__main__":
    import jax
    _d = setup_inputs()
    print(jax.jit(kernel)(*tuple(_d.values())))

</pallas_src>

<mosaic_0001>
#map = affine_map<(d0, d1) -> (0, 0)>
#map1 = affine_map<(d0, d1) -> (0)>
module attributes {stable_mosaic.version = 14 : i64} {
  func.func @gather(%arg0: i32, %arg1: i32, %arg2: memref<1000000x64xf32, #tpu.memory_space<hbm>>, %arg3: memref<1000000xi32, #tpu.memory_space<hbm>>, %arg4: memref<16384xi32, #tpu.memory_space<hbm>>, %arg5: memref<16384x64xf32, #tpu.memory_space<hbm>>, %arg6: memref<16384xi32, #tpu.memory_space<hbm>>, %arg7: memref<512xi32, #tpu.memory_space<vmem>>, %arg8: memref<16x8x64xf32, #tpu.memory_space<vmem>>, %arg9: memref<512x64xf32, #tpu.memory_space<vmem>>, %arg10: memref<!tpu.dma_semaphore, #tpu.memory_space<semaphore_mem>>, %arg11: memref<512xi32, #tpu.memory_space<vmem>>, %arg12: memref<!tpu.dma_semaphore, #tpu.memory_space<semaphore_mem>>) attributes {dimension_semantics = [#tpu.dimension_semantics<core_parallel>, #tpu.dimension_semantics<subcore_parallel>], iteration_bounds = array<i64: 2, 16>, scalar_prefetch = 0 : i64, scratch_operands = 6 : i64, tpu.core_type = #tpu.core_type<sc_vector_subcore>, window_params = [{transform_indices = #map}, {transform_indices = #map1}, {transform_indices = #map1}, {transform_indices = #map}, {transform_indices = #map1}]} {
    %mul3A = arith.constant 2 : i32
    %mul3A_0 = arith.muli %arg1, %mul3A : i32
    %add3A = arith.addi %mul3A_0, %arg0 : i32
    %mul3A_1 = arith.constant 512 : i32
    %mul3A_2 = arith.muli %add3A, %mul3A_1 : i32
    "tpu.region"() ({
      %run_scoped3A = tpu.sem_alloc : memref<!tpu.dma_semaphore, #tpu.memory_space<semaphore_mem>>
      %dma_start3A_11 = tpu.memref_slice %arg4[%mul3A_2] : memref<16384xi32, #tpu.memory_space<hbm>> -> memref<512xi32, #tpu.memory_space<hbm>>
      %dma_start3A_12 = tpu.memref_slice %arg4[%mul3A_2] : memref<16384xi32, #tpu.memory_space<hbm>> -> memref<512xi32, #tpu.memory_space<hbm>>
      tpu.enqueue_dma source(%dma_start3A_12 : memref<512xi32, #tpu.memory_space<hbm>>) target(%arg7 : memref<512xi32, #tpu.memory_space<vmem>>) target_semaphore(%run_scoped3A : memref<!tpu.dma_semaphore, #tpu.memory_space<semaphore_mem>>)
      %dma_wait3A_13 = tpu.memref_slice %arg4[%mul3A_2] : memref<16384xi32, #tpu.memory_space<hbm>> -> memref<512xi32, #tpu.memory_space<hbm>>
      %dma_wait3A_14 = tpu.memref_slice %arg4[%mul3A_2] : memref<16384xi32, #tpu.memory_space<hbm>> -> memref<512xi32, #tpu.memory_space<hbm>>
      tpu.wait_dma2 semaphore(%run_scoped3A : memref<!tpu.dma_semaphore, #tpu.memory_space<semaphore_mem>>) src(%dma_wait3A_14 : memref<512xi32, #tpu.memory_space<hbm>>) dst(%arg7 : memref<512xi32, #tpu.memory_space<vmem>>)
      tpu.yield
    }) : () -> ()
    %dma_start3A = arith.constant 0 : i32
    %dma_start3A_3 = tpu.memref_slice %arg3[%dma_start3A] : memref<1000000xi32, #tpu.memory_space<hbm>> -> memref<1000000xi32, #tpu.memory_space<hbm>>
    tpu.enqueue_indirect_dma source(%dma_start3A_3 : memref<1000000xi32, #tpu.memory_space<hbm>>) target(%arg11 : memref<512xi32, #tpu.memory_space<vmem>>) offsets(%arg7 : memref<512xi32, #tpu.memory_space<vmem>>) semaphore(%arg12 : memref<!tpu.dma_semaphore, #tpu.memory_space<semaphore_mem>>)
    %scan3A = arith.constant 0 : i32
    %scan3A_4 = arith.constant 0 : i32
    %scan3A_5 = arith.constant 32 : i32
    %scan3A_6 = arith.addi %scan3A_4, %scan3A_5 : i32
    %scan3A_7 = arith.constant 1 : i32
    %scan3A_8 = scf.for %scan3A_11 = %scan3A_4 to %scan3A_6 step %scan3A_7 iter_args(%scan3A_12 = %scan3A) -> (i32)  : i32 {
      %mul3A_13 = arith.constant 16 : i32
      %mul3A_14 = arith.muli %scan3A_11, %mul3A_13 : i32
      %multiple_of3A = tpu.assume_multiple %mul3A_14, 16 : i32
      %get3A = arith.index_cast %multiple_of3A : i32 to index
      %get3A_15 = tpu.vector_load %arg7[%get3A] {strides = array<i32>} : memref<512xi32, #tpu.memory_space<vmem>>, vector<16xi32>,
      %slice3A = vector.extract_strided_slice %get3A_15 {offsets = [0], sizes = [1], strides = [1]} : vector<16xi32> to vector<1xi32>
      %squeeze3A = vector.extract %slice3A[0] : i32 from vector<1xi32>
      %jit3A = arith.constant 8 : i32
      %div3A = arith.divsi %squeeze3A, %jit3A : i32
      %sign3A = arith.constant 0 : i32
      %sign3A_16 = arith.cmpi sgt, %squeeze3A, %sign3A : i32
      %sign3A_17 = arith.extui %sign3A_16 : i1 to i32
      %sign3A_18 = arith.constant 0 : i32
      %sign3A_19 = arith.cmpi slt, %squeeze3A, %sign3A_18 : i32
      %sign3A_20 = arith.extui %sign3A_19 : i1 to i32
      %sign3A_21 = arith.subi %sign3A_17, %sign3A_20 : i32
      %sign3A_22 = arith.constant 0 : i32
      %sign3A_23 = arith.cmpi sgt, %jit3A, %sign3A_22 : i32
      %sign3A_24 = arith.extui %sign3A_23 : i1 to i32
      %sign3A_25 = arith.constant 0 : i32
      %sign3A_26 = arith.cmpi slt, %jit3A, %sign3A_25 : i32
      %sign3A_27 = arith.extui %sign3A_26 : i1 to i32
      %sign3A_28 = arith.subi %sign3A_24, %sign3A_27 : i32
      %ne3A = arith.cmpi ne, %sign3A_21, %sign3A_28 : i32
      %rem3A = arith.remsi %squeeze3A, %jit3A : i32
      %ne3A_29 = arith.constant 0 : i32
      %ne3A_30 = arith.cmpi ne, %rem3A, %ne3A_29 : i32
      %and3A = arith.andi %ne3A, %ne3A_30 : i1
      %sub3A = arith.constant 1 : i32
      %sub3A_31 = arith.subi %div3A, %sub3A : i32
      %select_n3A = arith.select %and3A, %sub3A_31, %div3A : i32
      %mul3A_32 = arith.constant 8 : i32
      %mul3A_33 = arith.muli %select_n3A, %mul3A_32 : i32
      %multiple_of3A_34 = tpu.assume_multiple %mul3A_33, 8 : i32
      %dma_start3A_35 = arith.constant 0 : i32
      %dma_start3A_36 = arith.constant 0 : i32
      %dma_start3A_37 = arith.constant 0 : i32
      %dma_start3A_38 = tpu.memref_slice %arg8[%dma_start3A_35, %dma_start3A_36, %dma_start3A_37] : memref<16x8x64xf32, #tpu.memory_space<vmem>> -> memref<1x8x64xf32, #tpu.memory_space<vmem>>
      %dma_start3A_39 = tpu.memref_squeeze %dma_start3A_38 : memref<1x8x64xf32, #tpu.memory_space<vmem>> -> memref<8x64xf32, #tpu.memory_space<vmem>>
      %dma_start3A_40 = arith.constant 0 : i32
      %dma_start3A_41 = tpu.memref_slice %arg2[%multiple_of3A_34, %dma_start3A_40] : memref<1000000x64xf32, #tpu.memory_space<hbm>> -> memref<8x64xf32, #tpu.memory_space<hbm>>
      %dma_start3A_42 = arith.constant 0 : i32
      %dma_start3A_43 = arith.constant 0 : i32
      %dma_start3A_44 = tpu.memref_slice %arg8[%dma_start3A_35, %dma_start3A_42, %dma_start3A_43] : memref<16x8x64xf32, #tpu.memory_space<vmem>> -> memref<1x8x64xf32, #tpu.memory_space<vmem>>
      %dma_start3A_45 = tpu.memref_squeeze %dma_start3A_44 : memref<1x8x64xf32, #tpu.memory_space<vmem>> -> memref<8x64xf32, #tpu.memory_space<vmem>>
      %dma_start3A_46 = arith.constant 0 : i32
      %dma_start3A_47 = tpu.memref_slice %arg2[%multiple_of3A_34, %dma_start3A_46] : memref<1000000x64xf32, #tpu.memory_space<hbm>> -> memref<8x64xf32, #tpu.memory_space<hbm>>
      tpu.enqueue_dma source(%dma_start3A_47 : memref<8x64xf32, #tpu.memory_space<hbm>>) target(%dma_start3A_45 : memref<8x64xf32, #tpu.memory_space<vmem>>) target_semaphore(%arg10 : memref<!tpu.dma_semaphore, #tpu.memory_space<semaphore_mem>>)
      %slice3A_48 = vector.extract_strided_slice %get3A_15 {offsets = [1], sizes = [1], strides = [1]} : vector<16xi32> to vector<1xi32>
      %squeeze3A_49 = vector.extract %slice3A_48[0] : i32 from vector<1xi32>
      %jit3A_50 = arith.constant 8 : i32
      %div3A_51 = arith.divsi %squeeze3A_49, %jit3A_50 : i32
      %sign3A_52 = arith.constant 0 : i32
      %sign3A_53 = arith.cmpi sgt, %squeeze3A_49, %sign3A_52 : i32
      %sign3A_54 = arith.extui %sign3A_53 : i1 to i32
      %sign3A_55 = arith.constant 0 : i32
      %sign3A_56 = arith.cmpi slt, %squeeze3A_49, %sign3A_55 : i32
      %sign3A_57 = arith.extui %sign3A_56 : i1 to i32
      %sign3A_58 = arith.subi %sign3A_54, %sign3A_57 : i32
      %sign3A_59 = arith.constant 0 : i32
      %sign3A_60 = arith.cmpi sgt, %jit3A_50, %sign3A_59 : i32
      %sign3A_61 = arith.extui %sign3A_60 : i1 to i32
      %sign3A_62 = arith.constant 0 : i32
      %sign3A_63 = arith.cmpi slt, %jit3A_50, %sign3A_62 : i32
      %sign3A_64 = arith.extui %sign3A_63 : i1 to i32
      %sign3A_65 = arith.subi %sign3A_61, %sign3A_64 : i32
      %ne3A_66 = arith.cmpi ne, %sign3A_58, %sign3A_65 : i32
      %rem3A_67 = arith.remsi %squeeze3A_49, %jit3A_50 : i32
      %ne3A_68 = arith.constant 0 : i32
      %ne3A_69 = arith.cmpi ne, %rem3A_67, %ne3A_68 : i32
      %and3A_70 = arith.andi %ne3A_66, %ne3A_69 : i1
      %sub3A_71 = arith.constant 1 : i32
      %sub3A_72 = arith.subi %div3A_51, %sub3A_71 : i32
      %select_n3A_73 = arith.select %and3A_70, %sub3A_72, %div3A_51 : i32
      %mul3A_74 = arith.constant 8 : i32
      %mul3A_75 = arith.muli %select_n3A_73, %mul3A_74 : i32
      %multiple_of3A_76 = tpu.assume_multiple %mul3A_75, 8 : i32
      %dma_start3A_77 = arith.constant 1 : i32
      %dma_start3A_78 = arith.constant 0 : i32
      %dma_start3A_79 = arith.constant 0 : i32
      %dma_start3A_80 = tpu.memref_slice %arg8[%dma_start3A_77, %dma_start3A_78, %dma_start3A_79] : memref<16x8x64xf32, #tpu.memory_space<vmem>> -> memref<1x8x64xf32, #tpu.memory_space<vmem>>
      %dma_start3A_81 = tpu.memref_squeeze %dma_start3A_80 : memref<1x8x64xf32, #tpu.memory_space<vmem>> -> memref<8x64xf32, #tpu.memory_space<vmem>>
      %dma_start3A_82 = arith.constant 0 : i32
      %dma_start3A_83 = tpu.memref_slice %arg2[%multiple_of3A_76, %dma_start3A_82] : memref<1000000x64xf32, #tpu.memory_space<hbm>> -> memref<8x64xf32, #tpu.memory_space<hbm>>
      %dma_start3A_84 = arith.constant 0 : i32
      %dma_start3A_85 = arith.constant 0 : i32
      %dma_start3A_86 = tpu.memref_slice %arg8[%dma_start3A_77, %dma_start3A_84, %dma_start3A_85] : memref<16x8x64xf32, #tpu.memory_space<vmem>> -> memref<1x8x64xf32, #tpu.memory_space<vmem>>
      %dma_start3A_87 = tpu.memref_squeeze %dma_start3A_86 : memref<1x8x64xf32, #tpu.memory_space<vmem>> -> memref<8x64xf32, #tpu.memory_space<vmem>>
      %dma_start3A_88 = arith.constant 0 : i32
      %dma_start3A_89 = tpu.memref_slice %arg2[%multiple_of3A_76, %dma_start3A_88] : memref<1000000x64xf32, #tpu.memory_space<hbm>> -> memref<8x64xf32, #tpu.memory_space<hbm>>
      tpu.enqueue_dma source(%dma_start3A_89 : memref<8x64xf32, #tpu.memory_space<hbm>>) target(%dma_start3A_87 : memref<8x64xf32, #tpu.memory_space<vmem>>) target_semaphore(%arg10 : memref<!tpu.dma_semaphore, #tpu.memory_space<semaphore_mem>>)
      %slice3A_90 = vector.extract_strided_slice %get3A_15 {offsets = [2], sizes = [1], strides = [1]} : vector<16xi32> to vector<1xi32>
      %squeeze3A_91 = vector.extract %slice3A_90[0] : i32 from vector<1xi32>
      %jit3A_92 = arith.constant 8 : i32
      %div3A_93 = arith.divsi %squeeze3A_91, %jit3A_92 : i32
      %sign3A_94 = arith.constant 0 : i32
      %sign3A_95 = arith.cmpi sgt, %squeeze3A_91, %sign3A_94 : i32
      %sign3A_96 = arith.extui %sign3A_95 : i1 to i32
      %sign3A_97 = arith.constant 0 : i32
      %sign3A_98 = arith.cmpi slt, %squeeze3A_91, %sign3A_97 : i32
      %sign3A_99 = arith.extui %sign3A_98 : i1 to i32
      %sign3A_100 = arith.subi %sign3A_96, %sign3A_99 : i32
      %sign3A_101 = arith.constant 0 : i32
      %sign3A_102 = arith.cmpi sgt, %jit3A_92, %sign3A_101 : i32
      %sign3A_103 = arith.extui %sign3A_102 : i1 to i32
      %sign3A_104 = arith.constant 0 : i32
      %sign3A_105 = arith.cmpi slt, %jit3A_92, %sign3A_104 : i32
      %sign3A_106 = arith.extui %sign3A_105 : i1 to i32
      %sign3A_107 = arith.subi %sign3A_103, %sign3A_106 : i32
      %ne3A_108 = arith.cmpi ne, %sign3A_100, %sign3A_107 : i32
      %rem3A_109 = arith.remsi %squeeze3A_91, %jit3A_92 : i32
      %ne3A_110 = arith.constant 0 : i32
      %ne3A_111 = arith.cmpi ne, %rem3A_109, %ne3A_110 : i32
      %and3A_112 = arith.andi %ne3A_108, %ne3A_111 : i1
      %sub3A_113 = arith.constant 1 : i32
      %sub3A_114 = arith.subi %div3A_93, %sub3A_113 : i32
      %select_n3A_115 = arith.select %and3A_112, %sub3A_114, %div3A_93 : i32
      %mul3A_116 = arith.constant 8 : i32
      %mul3A_117 = arith.muli %select_n3A_115, %mul3A_116 : i32
      %multiple_of3A_118 = tpu.assume_multiple %mul3A_117, 8 : i32
      %dma_start3A_119 = arith.constant 2 : i32
      %dma_start3A_120 = arith.constant 0 : i32
      %dma_start3A_121 = arith.constant 0 : i32
      %dma_start3A_122 = tpu.memref_slice %arg8[%dma_start3A_119, %dma_start3A_120, %dma_start3A_121] : memref<16x8x64xf32, #tpu.memory_space<vmem>> -> memref<1x8x64xf32, #tpu.memory_space<vmem>>
      %dma_start3A_123 = tpu.memref_squeeze %dma_start3A_122 : memref<1x8x64xf32, #tpu.memory_space<vmem>> -> memref<8x64xf32, #tpu.memory_space<vmem>>
      %dma_start3A_124 = arith.constant 0 : i32
      %dma_start3A_125 = tpu.memref_slice %arg2[%multiple_of3A_118, %dma_start3A_124] : memref<1000000x64xf32, #tpu.memory_space<hbm>> -> memref<8x64xf32, #tpu.memory_space<hbm>>
      %dma_start3A_126 = arith.constant 0 : i32
      %dma_start3A_127 = arith.constant 0 : i32
      %dma_start3A_128 = tpu.memref_slice %arg8[%dma_start3A_119, %dma_start3A_126, %dma_start3A_127] : memref<16x8x64xf32, #tpu.memory_space<vmem>> -> memref<1x8x64xf32, #tpu.memory_space<vmem>>
      %dma_start3A_129 = tpu.memref_squeeze %dma_start3A_128 : memref<1x8x64xf32, #tpu.memory_space<vmem>> -> memref<8x64xf32, #tpu.memory_space<vmem>>
      %dma_start3A_130 = arith.constant 0 : i32
      %dma_start3A_131 = tpu.memref_slice %arg2[%multiple_of3A_118, %dma_start3A_130] : memref<1000000x64xf32, #tpu.memory_space<hbm>> -> memref<8x64xf32, #tpu.memory_space<hbm>>
      tpu.enqueue_dma source(%dma_start3A_131 : memref<8x64xf32, #tpu.memory_space<hbm>>) target(%dma_start3A_129 : memref<8x64xf32, #tpu.memory_space<vmem>>) target_semaphore(%arg10 : memref<!tpu.dma_semaphore, #tpu.memory_space<semaphore_mem>>)
      %slice3A_132 = vector.extract_strided_slice %get3A_15 {offsets = [3], sizes = [1], strides = [1]} : vector<16xi32> to vector<1xi32>
      %squeeze3A_133 = vector.extract %slice3A_132[0] : i32 from vector<1xi32>
      %jit3A_134 = arith.constant 8 : i32
      %div3A_135 = arith.divsi %squeeze3A_133, %jit3A_134 : i32
      %sign3A_136 = arith.constant 0 : i32
      %sign3A_137 = arith.cmpi sgt, %squeeze3A_133, %sign3A_136 : i32
      %sign3A_138 = arith.extui %sign3A_137 : i1 to i32
      %sign3A_139 = arith.constant 0 : i32
      %sign3A_140 = arith.cmpi slt, %squeeze3A_133, %sign3A_139 : i32
      %sign3A_141 = arith.extui %sign3A_140 : i1 to i32
      %sign3A_142 = arith.subi %sign3A_138, %sign3A_141 : i32
      %sign3A_143 = arith.constant 0 : i32
      %sign3A_144 = arith.cmpi sgt, %jit3A_134, %sign3A_143 : i32
      %sign3A_145 = arith.extui %sign3A_144 : i1 to i32
      %sign3A_146 = arith.constant 0 : i32
      %sign3A_147 = arith.cmpi slt, %jit3A_134, %sign3A_146 : i32
      %sign3A_148 = arith.extui %sign3A_147 : i1 to i32
      %sign3A_149 = arith.subi %sign3A_145, %sign3A_148 : i32
      %ne3A_150 = arith.cmpi ne, %sign3A_142, %sign3A_149 : i32
      %rem3A_151 = arith.remsi %squeeze3A_133, %jit3A_134 : i32
      %ne3A_152 = arith.constant 0 : i32
      %ne3A_153 = arith.cmpi ne, %rem3A_151, %ne3A_152 : i32
      %and3A_154 = arith.andi %ne3A_150, %ne3A_153 : i1
      %sub3A_155 = arith.constant 1 : i32
      %sub3A_156 = arith.subi %div3A_135, %sub3A_155 : i32
      %select_n3A_157 = arith.select %and3A_154, %sub3A_156, %div3A_135 : i32
      %mul3A_158 = arith.constant 8 : i32
      %mul3A_159 = arith.muli %select_n3A_157, %mul3A_158 : i32
      %multiple_of3A_160 = tpu.assume_multiple %mul3A_159, 8 : i32
      %dma_start3A_161 = arith.constant 3 : i32
      %dma_start3A_162 = arith.constant 0 : i32
      %dma_start3A_163 = arith.constant 0 : i32
      %dma_start3A_164 = tpu.memref_slice %arg8[%dma_start3A_161, %dma_start3A_162, %dma_start3A_163] : memref<16x8x64xf32, #tpu.memory_space<vmem>> -> memref<1x8x64xf32, #tpu.memory_space<vmem>>
      %dma_start3A_165 = tpu.memref_squeeze %dma_start3A_164 : memref<1x8x64xf32, #tpu.memory_space<vmem>> -> memref<8x64xf32, #tpu.memory_space<vmem>>
      %dma_start3A_166 = arith.constant 0 : i32
      %dma_start3A_167 = tpu.memref_slice %arg2[%multiple_of3A_160, %dma_start3A_166] : memref<1000000x64xf32, #tpu.memory_space<hbm>> -> memref<8x64xf32, #tpu.memory_space<hbm>>
      %dma_start3A_168 = arith.constant 0 : i32
      %dma_start3A_169 = arith.constant 0 : i32
      %dma_start3A_170 = tpu.memref_slice %arg8[%dma_start3A_161, %dma_start3A_168, %dma_start3A_169] : memref<16x8x64xf32, #tpu.memory_space<vmem>> -> memref<1x8x64xf32, #tpu.memory_space<vmem>>
      %dma_start3A_171 = tpu.memref_squeeze %dma_start3A_170 : memref<1x8x64xf32, #tpu.memory_space<vmem>> -> memref<8x64xf32, #tpu.memory_space<vmem>>
      %dma_start3A_172 = arith.constant 0 : i32
      %dma_start3A_173 = tpu.memref_slice %arg2[%multiple_of3A_160, %dma_start3A_172] : memref<1000000x64xf32, #tpu.memory_space<hbm>> -> memref<8x64xf32, #tpu.memory_space<hbm>>
      tpu.enqueue_dma source(%dma_start3A_173 : memref<8x64xf32, #tpu.memory_space<hbm>>) target(%dma_start3A_171 : memref<8x64xf32, #tpu.memory_space<vmem>>) target_semaphore(%arg10 : memref<!tpu.dma_semaphore, #tpu.memory_space<semaphore_mem>>)
      %slice3A_174 = vector.extract_strided_slice %get3A_15 {offsets = [4], sizes = [1], strides = [1]} : vector<16xi32> to vector<1xi32>
      %squeeze3A_175 = vector.extract %slice3A_174[0] : i32 from vector<1xi32>
      %jit3A_176 = arith.constant 8 : i32
      %div3A_177 = arith.divsi %squeeze3A_175, %jit3A_176 : i32
      %sign3A_178 = arith.constant 0 : i32
      %sign3A_179 = arith.cmpi sgt, %squeeze3A_175, %sign3A_178 : i32
      %sign3A_180 = arith.extui %sign3A_179 : i1 to i32
      %sign3A_181 = arith.constant 0 : i32
      %sign3A_182 = arith.cmpi slt, %squeeze3A_175, %sign3A_181 : i32
      %sign3A_183 = arith.extui %sign3A_182 : i1 to i32
      %sign3A_184 = arith.subi %sign3A_180, %sign3A_183 : i32
      %sign3A_185 = arith.constant 0 : i32
      %sign3A_186 = arith.cmpi sgt, %jit3A_176, %sign3A_185 : i32
      %sign3A_187 = arith.extui %sign3A_186 : i1 to i32
      %sign3A_188 = arith.constant 0 : i32
      %sign3A_189 = arith.cmpi slt, %jit3A_176, %sign3A_188 : i32
      %sign3A_190 = arith.extui %sign3A_189 : i1 to i32
      %sign3A_191 = arith.subi %sign3A_187, %sign3A_190 : i32
      %ne3A_192 = arith.cmpi ne, %sign3A_184, %sign3A_191 : i32
      %rem3A_193 = arith.remsi %squeeze3A_175, %jit3A_176 : i32
      %ne3A_194 = arith.constant 0 : i32
      %ne3A_195 = arith.cmpi ne, %rem3A_193, %ne3A_194 : i32
      %and3A_196 = arith.andi %ne3A_192, %ne3A_195 : i1
      %sub3A_197 = arith.constant 1 : i32
      %sub3A_198 = arith.subi %div3A_177, %sub3A_197 : i32
      %select_n3A_199 = arith.select %and3A_196, %sub3A_198, %div3A_177 : i32
      %mul3A_200 = arith.constant 8 : i32
      %mul3A_201 = arith.muli %select_n3A_199, %mul3A_200 : i32
      %multiple_of3A_202 = tpu.assume_multiple %mul3A_201, 8 : i32
      %dma_start3A_203 = arith.constant 4 : i32
      %dma_start3A_204 = arith.constant 0 : i32
      %dma_start3A_205 = arith.constant 0 : i32
      %dma_start3A_206 = tpu.memref_slice %arg8[%dma_start3A_203, %dma_start3A_204, %dma_start3A_205] : memref<16x8x64xf32, #tpu.memory_space<vmem>> -> memref<1x8x64xf32, #tpu.memory_space<vmem>>
      %dma_start3A_207 = tpu.memref_squeeze %dma_start3A_206 : memref<1x8x64xf32, #tpu.memory_space<vmem>> -> memref<8x64xf32, #tpu.memory_space<vmem>>
      %dma_start3A_208 = arith.constant 0 : i32
      %dma_start3A_209 = tpu.memref_slice %arg2[%multiple_of3A_202, %dma_start3A_208] : memref<1000000x64xf32, #tpu.memory_space<hbm>> -> memref<8x64xf32, #tpu.memory_space<hbm>>
      %dma_start3A_210 = arith.constant 0 : i32
      %dma_start3A_211 = arith.constant 0 : i32
      %dma_start3A_212 = tpu.memref_slice %arg8[%dma_start3A_203, %dma_start3A_210, %dma_start3A_211] : memref<16x8x64xf32, #tpu.memory_space<vmem>> -> memref<1x8x64xf32, #tpu.memory_space<vmem>>
      %dma_start3A_213 = tpu.memref_squeeze %dma_start3A_212 : memref<1x8x64xf32, #tpu.memory_space<vmem>> -> memref<8x64xf32, #tpu.memory_space<vmem>>
      %dma_start3A_214 = arith.constant 0 : i32
      %dma_start3A_215 = tpu.memref_slice %arg2[%multiple_of3A_202, %dma_start3A_214] : memref<1000000x64xf32, #tpu.memory_space<hbm>> -> memref<8x64xf32, #tpu.memory_space<hbm>>
      tpu.enqueue_dma source(%dma_start3A_215 : memref<8x64xf32, #tpu.memory_space<hbm>>) target(%dma_start3A_213 : memref<8x64xf32, #tpu.memory_space<vmem>>) target_semaphore(%arg10 : memref<!tpu.dma_semaphore, #tpu.memory_space<semaphore_mem>>)
      %slice3A_216 = vector.extract_strided_slice %get3A_15 {offsets = [5], sizes = [1], strides = [1]} : vector<16xi32> to vector<1xi32>
      %squeeze3A_217 = vector.extract %slice3A_216[0] : i32 from vector<1xi32>
      %jit3A_218 = arith.constant 8 : i32
      %div3A_219 = arith.divsi %squeeze3A_217, %jit3A_218 : i32
      %sign3A_220 = arith.constant 0 : i32
      %sign3A_221 = arith.cmpi sgt, %squeeze3A_217, %sign3A_220 : i32
      %sign3A_222 = arith.extui %sign3A_221 : i1 to i32
      %sign3A_223 = arith.constant 0 : i32
      %sign3A_224 = arith.cmpi slt, %squeeze3A_217, %sign3A_223 : i32
      %sign3A_225 = arith.extui %sign3A_224 : i1 to i32
      %sign3A_226 = arith.subi %sign3A_222, %sign3A_225 : i32
      %sign3A_227 = arith.constant 0 : i32
      %sign3A_228 = arith.cmpi sgt, %jit3A_218, %sign3A_227 : i32
      %sign3A_229 = arith.extui %sign3A_228 : i1 to i32
      %sign3A_230 = arith.constant 0 : i32
      %sign3A_231 = arith.cmpi slt, %jit3A_218, %sign3A_230 : i32
      %sign3A_232 = arith.extui %sign3A_231 : i1 to i32
      %sign3A_233 = arith.subi %sign3A_229, %sign3A_232 : i32
      %ne3A_234 = arith.cmpi ne, %sign3A_226, %sign3A_233 : i32
      %rem3A_235 = arith.remsi %squeeze3A_217, %jit3A_218 : i32
      %ne3A_236 = arith.constant 0 : i32
      %ne3A_237 = arith.cmpi ne, %rem3A_235, %ne3A_236 : i32
      %and3A_238 = arith.andi %ne3A_234, %ne3A_237 : i1
      %sub3A_239 = arith.constant 1 : i32
      %sub3A_240 = arith.subi %div3A_219, %sub3A_239 : i32
      %select_n3A_241 = arith.select %and3A_238, %sub3A_240, %div3A_219 : i32
      %mul3A_242 = arith.constant 8 : i32
      %mul3A_243 = arith.muli %select_n3A_241, %mul3A_242 : i32
      %multiple_of3A_244 = tpu.assume_multiple %mul3A_243, 8 : i32
      %dma_start3A_245 = arith.constant 5 : i32
      %dma_start3A_246 = arith.constant 0 : i32
      %dma_start3A_247 = arith.constant 0 : i32
      %dma_start3A_248 = tpu.memref_slice %arg8[%dma_start3A_245, %dma_start3A_246, %dma_start3A_247] : memref<16x8x64xf32, #tpu.memory_space<vmem>> -> memref<1x8x64xf32, #tpu.memory_space<vmem>>
      %dma_start3A_249 = tpu.memref_squeeze %dma_start3A_248 : memref<1x8x64xf32, #tpu.memory_space<vmem>> -> memref<8x64xf32, #tpu.memory_space<vmem>>
      %dma_start3A_250 = arith.constant 0 : i32
      %dma_start3A_251 = tpu.memref_slice %arg2[%multiple_of3A_244, %dma_start3A_250] : memref<1000000x64xf32, #tpu.memory_space<hbm>> -> memref<8x64xf32, #tpu.memory_space<hbm>>
      %dma_start3A_252 = arith.constant 0 : i32
      %dma_start3A_253 = arith.constant 0 : i32
      %dma_start3A_254 = tpu.memref_slice %arg8[%dma_start3A_245, %dma_start3A_252, %dma_start3A_253] : memref<16x8x64xf32, #tpu.memory_space<vmem>> -> memref<1x8x64xf32, #tpu.memory_space<vmem>>
      %dma_start3A_255 = tpu.memref_squeeze %dma_start3A_254 : memref<1x8x64xf32, #tpu.memory_space<vmem>> -> memref<8x64xf32, #tpu.memory_space<vmem>>
      %dma_start3A_256 = arith.constant 0 : i32
      %dma_start3A_257 = tpu.memref_slice %arg2[%multiple_of3A_244, %dma_start3A_256] : memref<1000000x64xf32, #tpu.memory_space<hbm>> -> memref<8x64xf32, #tpu.memory_space<hbm>>
      tpu.enqueue_dma source(%dma_start3A_257 : memref<8x64xf32, #tpu.memory_space<hbm>>) target(%dma_start3A_255 : memref<8x64xf32, #tpu.memory_space<vmem>>) target_semaphore(%arg10 : memref<!tpu.dma_semaphore, #tpu.memory_space<semaphore_mem>>)
      %slice3A_258 = vector.extract_strided_slice %get3A_15 {offsets = [6], sizes = [1], strides = [1]} : vector<16xi32> to vector<1xi32>
      %squeeze3A_259 = vector.extract %slice3A_258[0] : i32 from vector<1xi32>
      %jit3A_260 = arith.constant 8 : i32
      %div3A_261 = arith.divsi %squeeze3A_259, %jit3A_260 : i32
      %sign3A_262 = arith.constant 0 : i32
      %sign3A_263 = arith.cmpi sgt, %squeeze3A_259, %sign3A_262 : i32
      %sign3A_264 = arith.extui %sign3A_263 : i1 to i32
      %sign3A_265 = arith.constant 0 : i32
      %sign3A_266 = arith.cmpi slt, %squeeze3A_259, %sign3A_265 : i32
      %sign3A_267 = arith.extui %sign3A_266 : i1 to i32
      %sign3A_268 = arith.subi %sign3A_264, %sign3A_267 : i32
      %sign3A_269 = arith.constant 0 : i32
      %sign3A_270 = arith.cmpi sgt, %jit3A_260, %sign3A_269 : i32
      %sign3A_271 = arith.extui %sign3A_270 : i1 to i32
      %sign3A_272 = arith.constant 0 : i32
      %sign3A_273 = arith.cmpi slt, %jit3A_260, %sign3A_272 : i32
      %sign3A_274 = arith.extui %sign3A_273 : i1 to i32
      %sign3A_275 = arith.subi %sign3A_271, %sign3A_274 : i32
      %ne3A_276 = arith.cmpi ne, %sign3A_268, %sign3A_275 : i32
      %rem3A_277 = arith.remsi %squeeze3A_259, %jit3A_260 : i32
      %ne3A_278 = arith.constant 0 : i32
      %ne3A_279 = arith.cmpi ne, %rem3A_277, %ne3A_278 : i32
      %and3A_280 = arith.andi %ne3A_276, %ne3A_279 : i1
      %sub3A_281 = arith.constant 1 : i32
      %sub3A_282 = arith.subi %div3A_261, %sub3A_281 : i32
      %select_n3A_283 = arith.select %and3A_280, %sub3A_282, %div3A_261 : i32
      %mul3A_284 = arith.constant 8 : i32
      %mul3A_285 = arith.muli %select_n3A_283, %mul3A_284 : i32
      %multiple_of3A_286 = tpu.assume_multiple %mul3A_285, 8 : i32
      %dma_start3A_287 = arith.constant 6 : i32
      %dma_start3A_288 = arith.constant 0 : i32
      %dma_start3A_289 = arith.constant 0 : i32
      %dma_start3A_290 = tpu.memref_slice %arg8[%dma_start3A_287, %dma_start3A_288, %dma_start3A_289] : memref<16x8x64xf32, #tpu.memory_space<vmem>> -> memref<1x8x64xf32, #tpu.memory_space<vmem>>
      %dma_start3A_291 = tpu.memref_squeeze %dma_start3A_290 : memref<1x8x64xf32, #tpu.memory_space<vmem>> -> memref<8x64xf32, #tpu.memory_space<vmem>>
      %dma_start3A_292 = arith.constant 0 : i32
      %dma_start3A_293 = tpu.memref_slice %arg2[%multiple_of3A_286, %dma_start3A_292] : memref<1000000x64xf32, #tpu.memory_space<hbm>> -> memref<8x64xf32, #tpu.memory_space<hbm>>
      %dma_start3A_294 = arith.constant 0 : i32
      %dma_start3A_295 = arith.constant 0 : i32
      %dma_start3A_296 = tpu.memref_slice %arg8[%dma_start3A_287, %dma_start3A_294, %dma_start3A_295] : memref<16x8x64xf32, #tpu.memory_space<vmem>> -> memref<1x8x64xf32, #tpu.memory_space<vmem>>
      %dma_start3A_297 = tpu.memref_squeeze %dma_start3A_296 : memref<1x8x64xf32, #tpu.memory_space<vmem>> -> memref<8x64xf32, #tpu.memory_space<vmem>>
      %dma_start3A_298 = arith.constant 0 : i32
      %dma_start3A_299 = tpu.memref_slice %arg2[%multiple_of3A_286, %dma_start3A_298] : memref<1000000x64xf32, #tpu.memory_space<hbm>> -> memref<8x64xf32, #tpu.memory_space<hbm>>
      tpu.enqueue_dma source(%dma_start3A_299 : memref<8x64xf32, #tpu.memory_space<hbm>>) target(%dma_start3A_297 : memref<8x64xf32, #tpu.memory_space<vmem>>) target_semaphore(%arg10 : memref<!tpu.dma_semaphore, #tpu.memory_space<semaphore_mem>>)
      %slice3A_300 = vector.extract_strided_slice %get3A_15 {offsets = [7], sizes = [1], strides = [1]} : vector<16xi32> to vector<1xi32>
      %squeeze3A_301 = vector.extract %slice3A_300[0] : i32 from vector<1xi32>
      %jit3A_302 = arith.constant 8 : i32
      %div3A_303 = arith.divsi %squeeze3A_301, %jit3A_302 : i32
      %sign3A_304 = arith.constant 0 : i32
      %sign3A_305 = arith.cmpi sgt, %squeeze3A_301, %sign3A_304 : i32
      %sign3A_306 = arith.extui %sign3A_305 : i1 to i32
      %sign3A_307 = arith.constant 0 : i32
      %sign3A_308 = arith.cmpi slt, %squeeze3A_301, %sign3A_307 : i32
      %sign3A_309 = arith.extui %sign3A_308 : i1 to i32
      %sign3A_310 = arith.subi %sign3A_306, %sign3A_309 : i32
      %sign3A_311 = arith.constant 0 : i32
      %sign3A_312 = arith.cmpi sgt, %jit3A_302, %sign3A_311 : i32
      %sign3A_313 = arith.extui %sign3A_312 : i1 to i32
      %sign3A_314 = arith.constant 0 : i32
      %sign3A_315 = arith.cmpi slt, %jit3A_302, %sign3A_314 : i32
      %sign3A_316 = arith.extui %sign3A_315 : i1 to i32
      %sign3A_317 = arith.subi %sign3A_313, %sign3A_316 : i32
      %ne3A_318 = arith.cmpi ne, %sign3A_310, %sign3A_317 : i32
      %rem3A_319 = arith.remsi %squeeze3A_301, %jit3A_302 : i32
      %ne3A_320 = arith.constant 0 : i32
      %ne3A_321 = arith.cmpi ne, %rem3A_319, %ne3A_320 : i32
      %and3A_322 = arith.andi %ne3A_318, %ne3A_321 : i1
      %sub3A_323 = arith.constant 1 : i32
      %sub3A_324 = arith.subi %div3A_303, %sub3A_323 : i32
      %select_n3A_325 = arith.select %and3A_322, %sub3A_324, %div3A_303 : i32
      %mul3A_326 = arith.constant 8 : i32
      %mul3A_327 = arith.muli %select_n3A_325, %mul3A_326 : i32
      %multiple_of3A_328 = tpu.assume_multiple %mul3A_327, 8 : i32
      %dma_start3A_329 = arith.constant 7 : i32
      %dma_start3A_330 = arith.constant 0 : i32
      %dma_start3A_331 = arith.constant 0 : i32
      %dma_start3A_332 = tpu.memref_slice %arg8[%dma_start3A_329, %dma_start3A_330, %dma_start3A_331] : memref<16x8x64xf32, #tpu.memory_space<vmem>> -> memref<1x8x64xf32, #tpu.memory_space<vmem>>
      %dma_start3A_333 = tpu.memref_squeeze %dma_start3A_332 : memref<1x8x64xf32, #tpu.memory_space<vmem>> -> memref<8x64xf32, #tpu.memory_space<vmem>>
      %dma_start3A_334 = arith.constant 0 : i32
      %dma_start3A_335 = tpu.memref_slice %arg2[%multiple_of3A_328, %dma_start3A_334] : memref<1000000x64xf32, #tpu.memory_space<hbm>> -> memref<8x64xf32, #tpu.memory_space<hbm>>
      %dma_start3A_336 = arith.constant 0 : i32
      %dma_start3A_337 = arith.constant 0 : i32
      %dma_start3A_338 = tpu.memref_slice %arg8[%dma_start3A_329, %dma_start3A_336, %dma_start3A_337] : memref<16x8x64xf32, #tpu.memory_space<vmem>> -> memref<1x8x64xf32, #tpu.memory_space<vmem>>
      %dma_start3A_339 = tpu.memref_squeeze %dma_start3A_338 : memref<1x8x64xf32, #tpu.memory_space<vmem>> -> memref<8x64xf32, #tpu.memory_space<vmem>>
      %dma_start3A_340 = arith.constant 0 : i32
      %dma_start3A_341 = tpu.memref_slice %arg2[%multiple_of3A_328, %dma_start3A_340] : memref<1000000x64xf32, #tpu.memory_space<hbm>> -> memref<8x64xf32, #tpu.memory_space<hbm>>
      tpu.enqueue_dma source(%dma_start3A_341 : memref<8x64xf32, #tpu.memory_space<hbm>>) target(%dma_start3A_339 : memref<8x64xf32, #tpu.memory_space<vmem>>) target_semaphore(%arg10 : memref<!tpu.dma_semaphore, #tpu.memory_space<semaphore_mem>>)
      %slice3A_342 = vector.extract_strided_slice %get3A_15 {offsets = [8], sizes = [1], strides = [1]} : vector<16xi32> to vector<1xi32>
      %squeeze3A_343 = vector.extract %slice3A_342[0] : i32 from vector<1xi32>
      %jit3A_344 = arith.constant 8 : i32
      %div3A_345 = arith.divsi %squeeze3A_343, %jit3A_344 : i32
      %sign3A_346 = arith.constant 0 : i32
      %sign3A_347 = arith.cmpi sgt, %squeeze3A_343, %sign3A_346 : i32
      %sign3A_348 = arith.extui %sign3A_347 : i1 to i32
      %sign3A_349 = arith.constant 0 : i32
      %sign3A_350 = arith.cmpi slt, %squeeze3A_343, %sign3A_349 : i32
      %sign3A_351 = arith.extui %sign3A_350 : i1 to i32
      %sign3A_352 = arith.subi %sign3A_348, %sign3A_351 : i32
      %sign3A_353 = arith.constant 0 : i32
      %sign3A_354 = arith.cmpi sgt, %jit3A_344, %sign3A_353 : i32
      %sign3A_355 = arith.extui %sign3A_354 : i1 to i32
      %sign3A_356 = arith.constant 0 : i32
      %sign3A_357 = arith.cmpi slt, %jit3A_344, %sign3A_356 : i32
      %sign3A_358 = arith.extui %sign3A_357 : i1 to i32
      %sign3A_359 = arith.subi %sign3A_355, %sign3A_358 : i32
      %ne3A_360 = arith.cmpi ne, %sign3A_352, %sign3A_359 : i32
      %rem3A_361 = arith.remsi %squeeze3A_343, %jit3A_344 : i32
      %ne3A_362 = arith.constant 0 : i32
      %ne3A_363 = arith.cmpi ne, %rem3A_361, %ne3A_362 : i32
      %and3A_364 = arith.andi %ne3A_360, %ne3A_363 : i1
      %sub3A_365 = arith.constant 1 : i32
      %sub3A_366 = arith.subi %div3A_345, %sub3A_365 : i32
      %select_n3A_367 = arith.select %and3A_364, %sub3A_366, %div3A_345 : i32
      %mul3A_368 = arith.constant 8 : i32
      %mul3A_369 = arith.muli %select_n3A_367, %mul3A_368 : i32
      %multiple_of3A_370 = tpu.assume_multiple %mul3A_369, 8 : i32
      %dma_start3A_371 = arith.constant 8 : i32
      %dma_start3A_372 = arith.constant 0 : i32
      %dma_start3A_373 = arith.constant 0 : i32
      %dma_start3A_374 = tpu.memref_slice %arg8[%dma_start3A_371, %dma_start3A_372, %dma_start3A_373] : memref<16x8x64xf32, #tpu.memory_space<vmem>> -> memref<1x8x64xf32, #tpu.memory_space<vmem>>
      %dma_start3A_375 = tpu.memref_squeeze %dma_start3A_374 : memref<1x8x64xf32, #tpu.memory_space<vmem>> -> memref<8x64xf32, #tpu.memory_space<vmem>>
      %dma_start3A_376 = arith.constant 0 : i32
      %dma_start3A_377 = tpu.memref_slice %arg2[%multiple_of3A_370, %dma_start3A_376] : memref<1000000x64xf32, #tpu.memory_space<hbm>> -> memref<8x64xf32, #tpu.memory_space<hbm>>
      %dma_start3A_378 = arith.constant 0 : i32
      %dma_start3A_379 = arith.constant 0 : i32
      %dma_start3A_380 = tpu.memref_slice %arg8[%dma_start3A_371, %dma_start3A_378, %dma_start3A_379] : memref<16x8x64xf32, #tpu.memory_space<vmem>> -> memref<1x8x64xf32, #tpu.memory_space<vmem>>
      %dma_start3A_381 = tpu.memref_squeeze %dma_start3A_380 : memref<1x8x64xf32, #tpu.memory_space<vmem>> -> memref<8x64xf32, #tpu.memory_space<vmem>>
      %dma_start3A_382 = arith.constant 0 : i32
      %dma_start3A_383 = tpu.memref_slice %arg2[%multiple_of3A_370, %dma_start3A_382] : memref<1000000x64xf32, #tpu.memory_space<hbm>> -> memref<8x64xf32, #tpu.memory_space<hbm>>
      tpu.enqueue_dma source(%dma_start3A_383 : memref<8x64xf32, #tpu.memory_space<hbm>>) target(%dma_start3A_381 : memref<8x64xf32, #tpu.memory_space<vmem>>) target_semaphore(%arg10 : memref<!tpu.dma_semaphore, #tpu.memory_space<semaphore_mem>>)
      %slice3A_384 = vector.extract_strided_slice %get3A_15 {offsets = [9], sizes = [1], strides = [1]} : vector<16xi32> to vector<1xi32>
      %squeeze3A_385 = vector.extract %slice3A_384[0] : i32 from vector<1xi32>
      %jit3A_386 = arith.constant 8 : i32
      %div3A_387 = arith.divsi %squeeze3A_385, %jit3A_386 : i32
      %sign3A_388 = arith.constant 0 : i32
      %sign3A_389 = arith.cmpi sgt, %squeeze3A_385, %sign3A_388 : i32
      %sign3A_390 = arith.extui %sign3A_389 : i1 to i32
      %sign3A_391 = arith.constant 0 : i32
      %sign3A_392 = arith.cmpi slt, %squeeze3A_385, %sign3A_391 : i32
      %sign3A_393 = arith.extui %sign3A_392 : i1 to i32
      %sign3A_394 = arith.subi %sign3A_390, %sign3A_393 : i32
      %sign3A_395 = arith.constant 0 : i32
      %sign3A_396 = arith.cmpi sgt, %jit3A_386, %sign3A_395 : i32
      %sign3A_397 = arith.extui %sign3A_396 : i1 to i32
      %sign3A_398 = arith.constant 0 : i32
      %sign3A_399 = arith.cmpi slt, %jit3A_386, %sign3A_398 : i32
      %sign3A_400 = arith.extui %sign3A_399 : i1 to i32
      %sign3A_401 = arith.subi %sign3A_397, %sign3A_400 : i32
      %ne3A_402 = arith.cmpi ne, %sign3A_394, %sign3A_401 : i32
      %rem3A_403 = arith.remsi %squeeze3A_385, %jit3A_386 : i32
      %ne3A_404 = arith.constant 0 : i32
      %ne3A_405 = arith.cmpi ne, %rem3A_403, %ne3A_404 : i32
      %and3A_406 = arith.andi %ne3A_402, %ne3A_405 : i1
      %sub3A_407 = arith.constant 1 : i32
      %sub3A_408 = arith.subi %div3A_387, %sub3A_407 : i32
      %select_n3A_409 = arith.select %and3A_406, %sub3A_408, %div3A_387 : i32
      %mul3A_410 = arith.constant 8 : i32
      %mul3A_411 = arith.muli %select_n3A_409, %mul3A_410 : i32
      %multiple_of3A_412 = tpu.assume_multiple %mul3A_411, 8 : i32
      %dma_start3A_413 = arith.constant 9 : i32
      %dma_start3A_414 = arith.constant 0 : i32
      %dma_start3A_415 = arith.constant 0 : i32
      %dma_start3A_416 = tpu.memref_slice %arg8[%dma_start3A_413, %dma_start3A_414, %dma_start3A_415] : memref<16x8x64xf32, #tpu.memory_space<vmem>> -> memref<1x8x64xf32, #tpu.memory_space<vmem>>
      %dma_start3A_417 = tpu.memref_squeeze %dma_start3A_416 : memref<1x8x64xf32, #tpu.memory_space<vmem>> -> memref<8x64xf32, #tpu.memory_space<vmem>>
      %dma_start3A_418 = arith.constant 0 : i32
      %dma_start3A_419 = tpu.memref_slice %arg2[%multiple_of3A_412, %dma_start3A_418] : memref<1000000x64xf32, #tpu.memory_space<hbm>> -> memref<8x64xf32, #tpu.memory_space<hbm>>
      %dma_start3A_420 = arith.constant 0 : i32
      %dma_start3A_421 = arith.constant 0 : i32
      %dma_start3A_422 = tpu.memref_slice %arg8[%dma_start3A_413, %dma_start3A_420, %dma_start3A_421] : memref<16x8x64xf32, #tpu.memory_space<vmem>> -> memref<1x8x64xf32, #tpu.memory_space<vmem>>
      %dma_start3A_423 = tpu.memref_squeeze %dma_start3A_422 : memref<1x8x64xf32, #tpu.memory_space<vmem>> -> memref<8x64xf32, #tpu.memory_space<vmem>>
      %dma_start3A_424 = arith.constant 0 : i32
      %dma_start3A_425 = tpu.memref_slice %arg2[%multiple_of3A_412, %dma_start3A_424] : memref<1000000x64xf32, #tpu.memory_space<hbm>> -> memref<8x64xf32, #tpu.memory_space<hbm>>
      tpu.enqueue_dma source(%dma_start3A_425 : memref<8x64xf32, #tpu.memory_space<hbm>>) target(%dma_start3A_423 : memref<8x64xf32, #tpu.memory_space<vmem>>) target_semaphore(%arg10 : memref<!tpu.dma_semaphore, #tpu.memory_space<semaphore_mem>>)
      %slice3A_426 = vector.extract_strided_slice %get3A_15 {offsets = [10], sizes = [1], strides = [1]} : vector<16xi32> to vector<1xi32>
      %squeeze3A_427 = vector.extract %slice3A_426[0] : i32 from vector<1xi32>
      %jit3A_428 = arith.constant 8 : i32
      %div3A_429 = arith.divsi %squeeze3A_427, %jit3A_428 : i32
      %sign3A_430 = arith.constant 0 : i32
      %sign3A_431 = arith.cmpi sgt, %squeeze3A_427, %sign3A_430 : i32
      %sign3A_432 = arith.extui %sign3A_431 : i1 to i32
      %sign3A_433 = arith.constant 0 : i32
      %sign3A_434 = arith.cmpi slt, %squeeze3A_427, %sign3A_433 : i32
      %sign3A_435 = arith.extui %sign3A_434 : i1 to i32
      %sign3A_436 = arith.subi %sign3A_432, %sign3A_435 : i32
      %sign3A_437 = arith.constant 0 : i32
      %sign3A_438 = arith.cmpi sgt, %jit3A_428, %sign3A_437 : i32
      %sign3A_439 = arith.extui %sign3A_438 : i1 to i32
      %sign3A_440 = arith.constant 0 : i32
      %sign3A_441 = arith.cmpi slt, %jit3A_428, %sign3A_440 : i32
      %sign3A_442 = arith.extui %sign3A_441 : i1 to i32
      %sign3A_443 = arith.subi %sign3A_439, %sign3A_442 : i32
      %ne3A_444 = arith.cmpi ne, %sign3A_436, %sign3A_443 : i32
      %rem3A_445 = arith.remsi %squeeze3A_427, %jit3A_428 : i32
      %ne3A_446 = arith.constant 0 : i32
      %ne3A_447 = arith.cmpi ne, %rem3A_445, %ne3A_446 : i32
      %and3A_448 = arith.andi %ne3A_444, %ne3A_447 : i1
      %sub3A_449 = arith.constant 1 : i32
      %sub3A_450 = arith.subi %div3A_429, %sub3A_449 : i32
      %select_n3A_451 = arith.select %and3A_448, %sub3A_450, %div3A_429 : i32
      %mul3A_452 = arith.constant 8 : i32
      %mul3A_453 = arith.muli %select_n3A_451, %mul3A_452 : i32
      %multiple_of3A_454 = tpu.assume_multiple %mul3A_453, 8 : i32
      %dma_start3A_455 = arith.constant 10 : i32
      %dma_start3A_456 = arith.constant 0 : i32
      %dma_start3A_457 = arith.constant 0 : i32
      %dma_start3A_458 = tpu.memref_slice %arg8[%dma_start3A_455, %dma_start3A_456, %dma_start3A_457] : memref<16x8x64xf32, #tpu.memory_space<vmem>> -> memref<1x8x64xf32, #tpu.memory_space<vmem>>
      %dma_start3A_459 = tpu.memref_squeeze %dma_start3A_458 : memref<1x8x64xf32, #tpu.memory_space<vmem>> -> memref<8x64xf32, #tpu.memory_space<vmem>>
      %dma_start3A_460 = arith.constant 0 : i32
      %dma_start3A_461 = tpu.memref_slice %arg2[%multiple_of3A_454, %dma_start3A_460] : memref<1000000x64xf32, #tpu.memory_space<hbm>> -> memref<8x64xf32, #tpu.memory_space<hbm>>
      %dma_start3A_462 = arith.constant 0 : i32
      %dma_start3A_463 = arith.constant 0 : i32
      %dma_start3A_464 = tpu.memref_slice %arg8[%dma_start3A_455, %dma_start3A_462, %dma_start3A_463] : memref<16x8x64xf32, #tpu.memory_space<vmem>> -> memref<1x8x64xf32, #tpu.memory_space<vmem>>
      %dma_start3A_465 = tpu.memref_squeeze %dma_start3A_464 : memref<1x8x64xf32, #tpu.memory_space<vmem>> -> memref<8x64xf32, #tpu.memory_space<vmem>>
      %dma_start3A_466 = arith.constant 0 : i32
      %dma_start3A_467 = tpu.memref_slice %arg2[%multiple_of3A_454, %dma_start3A_466] : memref<1000000x64xf32, #tpu.memory_space<hbm>> -> memref<8x64xf32, #tpu.memory_space<hbm>>
      tpu.enqueue_dma source(%dma_start3A_467 : memref<8x64xf32, #tpu.memory_space<hbm>>) target(%dma_start3A_465 : memref<8x64xf32, #tpu.memory_space<vmem>>) target_semaphore(%arg10 : memref<!tpu.dma_semaphore, #tpu.memory_space<semaphore_mem>>)
      %slice3A_468 = vector.extract_strided_slice %get3A_15 {offsets = [11], sizes = [1], strides = [1]} : vector<16xi32> to vector<1xi32>
      %squeeze3A_469 = vector.extract %slice3A_468[0] : i32 from vector<1xi32>
      %jit3A_470 = arith.constant 8 : i32
      %div3A_471 = arith.divsi %squeeze3A_469, %jit3A_470 : i32
      %sign3A_472 = arith.constant 0 : i32
      %sign3A_473 = arith.cmpi sgt, %squeeze3A_469, %sign3A_472 : i32
      %sign3A_474 = arith.extui %sign3A_473 : i1 to i32
      %sign3A_475 = arith.constant 0 : i32
      %sign3A_476 = arith.cmpi slt, %squeeze3A_469, %sign3A_475 : i32
      %sign3A_477 = arith.extui %sign3A_476 : i1 to i32
      %sign3A_478 = arith.subi %sign3A_474, %sign3A_477 : i32
      %sign3A_479 = arith.constant 0 : i32
      %sign3A_480 = arith.cmpi sgt, %jit3A_470, %sign3A_479 : i32
      %sign3A_481 = arith.extui %sign3A_480 : i1 to i32
      %sign3A_482 = arith.constant 0 : i32
      %sign3A_483 = arith.cmpi slt, %jit3A_470, %sign3A_482 : i32
      %sign3A_484 = arith.extui %sign3A_483 : i1 to i32
      %sign3A_485 = arith.subi %sign3A_481, %sign3A_484 : i32
      %ne3A_486 = arith.cmpi ne, %sign3A_478, %sign3A_485 : i32
      %rem3A_487 = arith.remsi %squeeze3A_469, %jit3A_470 : i32
      %ne3A_488 = arith.constant 0 : i32
      %ne3A_489 = arith.cmpi ne, %rem3A_487, %ne3A_488 : i32
      %and3A_490 = arith.andi %ne3A_486, %ne3A_489 : i1
      %sub3A_491 = arith.constant 1 : i32
      %sub3A_492 = arith.subi %div3A_471, %sub3A_491 : i32
      %select_n3A_493 = arith.select %and3A_490, %sub3A_492, %div3A_471 : i32
      %mul3A_494 = arith.constant 8 : i32
      %mul3A_495 = arith.muli %select_n3A_493, %mul3A_494 : i32
      %multiple_of3A_496 = tpu.assume_multiple %mul3A_495, 8 : i32
      %dma_start3A_497 = arith.constant 11 : i32
      %dma_start3A_498 = arith.constant 0 : i32
      %dma_start3A_499 = arith.constant 0 : i32
      %dma_start3A_500 = tpu.memref_slice %arg8[%dma_start3A_497, %dma_start3A_498, %dma_start3A_499] : memref<16x8x64xf32, #tpu.memory_space<vmem>> -> memref<1x8x64xf32, #tpu.memory_space<vmem>>
      %dma_start3A_501 = tpu.memref_squeeze %dma_start3A_500 : memref<1x8x64xf32, #tpu.memory_space<vmem>> -> memref<8x64xf32, #tpu.memory_space<vmem>>
      %dma_start3A_502 = arith.constant 0 : i32
      %dma_start3A_503 = tpu.memref_slice %arg2[%multiple_of3A_496, %dma_start3A_502] : memref<1000000x64xf32, #tpu.memory_space<hbm>> -> memref<8x64xf32, #tpu.memory_space<hbm>>
      %dma_start3A_504 = arith.constant 0 : i32
      %dma_start3A_505 = arith.constant 0 : i32
      %dma_start3A_506 = tpu.memref_slice %arg8[%dma_start3A_497, %dma_start3A_504, %dma_start3A_505] : memref<16x8x64xf32, #tpu.memory_space<vmem>> -> memref<1x8x64xf32, #tpu.memory_space<vmem>>
      %dma_start3A_507 = tpu.memref_squeeze %dma_start3A_506 : memref<1x8x64xf32, #tpu.memory_space<vmem>> -> memref<8x64xf32, #tpu.memory_space<vmem>>
      %dma_start3A_508 = arith.constant 0 : i32
      %dma_start3A_509 = tpu.memref_slice %arg2[%multiple_of3A_496, %dma_start3A_508] : memref<1000000x64xf32, #tpu.memory_space<hbm>> -> memref<8x64xf32, #tpu.memory_space<hbm>>
      tpu.enqueue_dma source(%dma_start3A_509 : memref<8x64xf32, #tpu.memory_space<hbm>>) target(%dma_start3A_507 : memref<8x64xf32, #tpu.memory_space<vmem>>) target_semaphore(%arg10 : memref<!tpu.dma_semaphore, #tpu.memory_space<semaphore_mem>>)
      %slice3A_510 = vector.extract_strided_slice %get3A_15 {offsets = [12], sizes = [1], strides = [1]} : vector<16xi32> to vector<1xi32>
      %squeeze3A_511 = vector.extract %slice3A_510[0] : i32 from vector<1xi32>
      %jit3A_512 = arith.constant 8 : i32
      %div3A_513 = arith.divsi %squeeze3A_511, %jit3A_512 : i32
      %sign3A_514 = arith.constant 0 : i32
      %sign3A_515 = arith.cmpi sgt, %squeeze3A_511, %sign3A_514 : i32
      %sign3A_516 = arith.extui %sign3A_515 : i1 to i32
      %sign3A_517 = arith.constant 0 : i32
      %sign3A_518 = arith.cmpi slt, %squeeze3A_511, %sign3A_517 : i32
      %sign3A_519 = arith.extui %sign3A_518 : i1 to i32
      %sign3A_520 = arith.subi %sign3A_516, %sign3A_519 : i32
      %sign3A_521 = arith.constant 0 : i32
      %sign3A_522 = arith.cmpi sgt, %jit3A_512, %sign3A_521 : i32
      %sign3A_523 = arith.extui %sign3A_522 : i1 to i32
      %sign3A_524 = arith.constant 0 : i32
      %sign3A_525 = arith.cmpi slt, %jit3A_512, %sign3A_524 : i32
      %sign3A_526 = arith.extui %sign3A_525 : i1 to i32
      %sign3A_527 = arith.subi %sign3A_523, %sign3A_526 : i32
      %ne3A_528 = arith.cmpi ne, %sign3A_520, %sign3A_527 : i32
      %rem3A_529 = arith.remsi %squeeze3A_511, %jit3A_512 : i32
      %ne3A_530 = arith.constant 0 : i32
      %ne3A_531 = arith.cmpi ne, %rem3A_529, %ne3A_530 : i32
      %and3A_532 = arith.andi %ne3A_528, %ne3A_531 : i1
      %sub3A_533 = arith.constant 1 : i32
      %sub3A_534 = arith.subi %div3A_513, %sub3A_533 : i32
      %select_n3A_535 = arith.select %and3A_532, %sub3A_534, %div3A_513 : i32
      %mul3A_536 = arith.constant 8 : i32
      %mul3A_537 = arith.muli %select_n3A_535, %mul3A_536 : i32
      %multiple_of3A_538 = tpu.assume_multiple %mul3A_537, 8 : i32
      %dma_start3A_539 = arith.constant 12 : i32
      %dma_start3A_540 = arith.constant 0 : i32
      %dma_start3A_541 = arith.constant 0 : i32
      %dma_start3A_542 = tpu.memref_slice %arg8[%dma_start3A_539, %dma_start3A_540, %dma_start3A_541] : memref<16x8x64xf32, #tpu.memory_space<vmem>> -> memref<1x8x64xf32, #tpu.memory_space<vmem>>
      %dma_start3A_543 = tpu.memref_squeeze %dma_start3A_542 : memref<1x8x64xf32, #tpu.memory_space<vmem>> -> memref<8x64xf32, #tpu.memory_space<vmem>>
      %dma_start3A_544 = arith.constant 0 : i32
      %dma_start3A_545 = tpu.memref_slice %arg2[%multiple_of3A_538, %dma_start3A_544] : memref<1000000x64xf32, #tpu.memory_space<hbm>> -> memref<8x64xf32, #tpu.memory_space<hbm>>
      %dma_start3A_546 = arith.constant 0 : i32
      %dma_start3A_547 = arith.constant 0 : i32
      %dma_start3A_548 = tpu.memref_slice %arg8[%dma_start3A_539, %dma_start3A_546, %dma_start3A_547] : memref<16x8x64xf32, #tpu.memory_space<vmem>> -> memref<1x8x64xf32, #tpu.memory_space<vmem>>
      %dma_start3A_549 = tpu.memref_squeeze %dma_start3A_548 : memref<1x8x64xf32, #tpu.memory_space<vmem>> -> memref<8x64xf32, #tpu.memory_space<vmem>>
      %dma_start3A_550 = arith.constant 0 : i32
      %dma_start3A_551 = tpu.memref_slice %arg2[%multiple_of3A_538, %dma_start3A_550] : memref<1000000x64xf32, #tpu.memory_space<hbm>> -> memref<8x64xf32, #tpu.memory_space<hbm>>
      tpu.enqueue_dma source(%dma_start3A_551 : memref<8x64xf32, #tpu.memory_space<hbm>>) target(%dma_start3A_549 : memref<8x64xf32, #tpu.memory_space<vmem>>) target_semaphore(%arg10 : memref<!tpu.dma_semaphore, #tpu.memory_space<semaphore_mem>>)
      %slice3A_552 = vector.extract_strided_slice %get3A_15 {offsets = [13], sizes = [1], strides = [1]} : vector<16xi32> to vector<1xi32>
      %squeeze3A_553 = vector.extract %slice3A_552[0] : i32 from vector<1xi32>
      %jit3A_554 = arith.constant 8 : i32
      %div3A_555 = arith.divsi %squeeze3A_553, %jit3A_554 : i32
      %sign3A_556 = arith.constant 0 : i32
      %sign3A_557 = arith.cmpi sgt, %squeeze3A_553, %sign3A_556 : i32
      %sign3A_558 = arith.extui %sign3A_557 : i1 to i32
      %sign3A_559 = arith.constant 0 : i32
      %sign3A_560 = arith.cmpi slt, %squeeze3A_553, %sign3A_559 : i32
      %sign3A_561 = arith.extui %sign3A_560 : i1 to i32
      %sign3A_562 = arith.subi %sign3A_558, %sign3A_561 : i32
      %sign3A_563 = arith.constant 0 : i32
      %sign3A_564 = arith.cmpi sgt, %jit3A_554, %sign3A_563 : i32
      %sign3A_565 = arith.extui %sign3A_564 : i1 to i32
      %sign3A_566 = arith.constant 0 : i32
      %sign3A_567 = arith.cmpi slt, %jit3A_554, %sign3A_566 : i32
      %sign3A_568 = arith.extui %sign3A_567 : i1 to i32
      %sign3A_569 = arith.subi %sign3A_565, %sign3A_568 : i32
      %ne3A_570 = arith.cmpi ne, %sign3A_562, %sign3A_569 : i32
      %rem3A_571 = arith.remsi %squeeze3A_553, %jit3A_554 : i32
      %ne3A_572 = arith.constant 0 : i32
      %ne3A_573 = arith.cmpi ne, %rem3A_571, %ne3A_572 : i32
      %and3A_574 = arith.andi %ne3A_570, %ne3A_573 : i1
      %sub3A_575 = arith.constant 1 : i32
      %sub3A_576 = arith.subi %div3A_555, %sub3A_575 : i32
      %select_n3A_577 = arith.select %and3A_574, %sub3A_576, %div3A_555 : i32
      %mul3A_578 = arith.constant 8 : i32
      %mul3A_579 = arith.muli %select_n3A_577, %mul3A_578 : i32
      %multiple_of3A_580 = tpu.assume_multiple %mul3A_579, 8 : i32
      %dma_start3A_581 = arith.constant 13 : i32
      %dma_start3A_582 = arith.constant 0 : i32
      %dma_start3A_583 = arith.constant 0 : i32
      %dma_start3A_584 = tpu.memref_slice %arg8[%dma_start3A_581, %dma_start3A_582, %dma_start3A_583] : memref<16x8x64xf32, #tpu.memory_space<vmem>> -> memref<1x8x64xf32, #tpu.memory_space<vmem>>
      %dma_start3A_585 = tpu.memref_squeeze %dma_start3A_584 : memref<1x8x64xf32, #tpu.memory_space<vmem>> -> memref<8x64xf32, #tpu.memory_space<vmem>>
      %dma_start3A_586 = arith.constant 0 : i32
      %dma_start3A_587 = tpu.memref_slice %arg2[%multiple_of3A_580, %dma_start3A_586] : memref<1000000x64xf32, #tpu.memory_space<hbm>> -> memref<8x64xf32, #tpu.memory_space<hbm>>
      %dma_start3A_588 = arith.constant 0 : i32
      %dma_start3A_589 = arith.constant 0 : i32
      %dma_start3A_590 = tpu.memref_slice %arg8[%dma_start3A_581, %dma_start3A_588, %dma_start3A_589] : memref<16x8x64xf32, #tpu.memory_space<vmem>> -> memref<1x8x64xf32, #tpu.memory_space<vmem>>
      %dma_start3A_591 = tpu.memref_squeeze %dma_start3A_590 : memref<1x8x64xf32, #tpu.memory_space<vmem>> -> memref<8x64xf32, #tpu.memory_space<vmem>>
      %dma_start3A_592 = arith.constant 0 : i32
      %dma_start3A_593 = tpu.memref_slice %arg2[%multiple_of3A_580, %dma_start3A_592] : memref<1000000x64xf32, #tpu.memory_space<hbm>> -> memref<8x64xf32, #tpu.memory_space<hbm>>
      tpu.enqueue_dma source(%dma_start3A_593 : memref<8x64xf32, #tpu.memory_space<hbm>>) target(%dma_start3A_591 : memref<8x64xf32, #tpu.memory_space<vmem>>) target_semaphore(%arg10 : memref<!tpu.dma_semaphore, #tpu.memory_space<semaphore_mem>>)
      %slice3A_594 = vector.extract_strided_slice %get3A_15 {offsets = [14], sizes = [1], strides = [1]} : vector<16xi32> to vector<1xi32>
      %squeeze3A_595 = vector.extract %slice3A_594[0] : i32 from vector<1xi32>
      %jit3A_596 = arith.constant 8 : i32
      %div3A_597 = arith.divsi %squeeze3A_595, %jit3A_596 : i32
      %sign3A_598 = arith.constant 0 : i32
      %sign3A_599 = arith.cmpi sgt, %squeeze3A_595, %sign3A_598 : i32
      %sign3A_600 = arith.extui %sign3A_599 : i1 to i32
      %sign3A_601 = arith.constant 0 : i32
      %sign3A_602 = arith.cmpi slt, %squeeze3A_595, %sign3A_601 : i32
      %sign3A_603 = arith.extui %sign3A_602 : i1 to i32
      %sign3A_604 = arith.subi %sign3A_600, %sign3A_603 : i32
      %sign3A_605 = arith.constant 0 : i32
      %sign3A_606 = arith.cmpi sgt, %jit3A_596, %sign3A_605 : i32
      %sign3A_607 = arith.extui %sign3A_606 : i1 to i32
      %sign3A_608 = arith.constant 0 : i32
      %sign3A_609 = arith.cmpi slt, %jit3A_596, %sign3A_608 : i32
      %sign3A_610 = arith.extui %sign3A_609 : i1 to i32
      %sign3A_611 = arith.subi %sign3A_607, %sign3A_610 : i32
      %ne3A_612 = arith.cmpi ne, %sign3A_604, %sign3A_611 : i32
      %rem3A_613 = arith.remsi %squeeze3A_595, %jit3A_596 : i32
      %ne3A_614 = arith.constant 0 : i32
      %ne3A_615 = arith.cmpi ne, %rem3A_613, %ne3A_614 : i32
      %and3A_616 = arith.andi %ne3A_612, %ne3A_615 : i1
      %sub3A_617 = arith.constant 1 : i32
      %sub3A_618 = arith.subi %div3A_597, %sub3A_617 : i32
      %select_n3A_619 = arith.select %and3A_616, %sub3A_618, %div3A_597 : i32
      %mul3A_620 = arith.constant 8 : i32
      %mul3A_621 = arith.muli %select_n3A_619, %mul3A_620 : i32
      %multiple_of3A_622 = tpu.assume_multiple %mul3A_621, 8 : i32
      %dma_start3A_623 = arith.constant 14 : i32
      %dma_start3A_624 = arith.constant 0 : i32
      %dma_start3A_625 = arith.constant 0 : i32
      %dma_start3A_626 = tpu.memref_slice %arg8[%dma_start3A_623, %dma_start3A_624, %dma_start3A_625] : memref<16x8x64xf32, #tpu.memory_space<vmem>> -> memref<1x8x64xf32, #tpu.memory_space<vmem>>
      %dma_start3A_627 = tpu.memref_squeeze %dma_start3A_626 : memref<1x8x64xf32, #tpu.memory_space<vmem>> -> memref<8x64xf32, #tpu.memory_space<vmem>>
      %dma_start3A_628 = arith.constant 0 : i32
      %dma_start3A_629 = tpu.memref_slice %arg2[%multiple_of3A_622, %dma_start3A_628] : memref<1000000x64xf32, #tpu.memory_space<hbm>> -> memref<8x64xf32, #tpu.memory_space<hbm>>
      %dma_start3A_630 = arith.constant 0 : i32
      %dma_start3A_631 = arith.constant 0 : i32
      %dma_start3A_632 = tpu.memref_slice %arg8[%dma_start3A_623, %dma_start3A_630, %dma_start3A_631] : memref<16x8x64xf32, #tpu.memory_space<vmem>> -> memref<1x8x64xf32, #tpu.memory_space<vmem>>
      %dma_start3A_633 = tpu.memref_squeeze %dma_start3A_632 : memref<1x8x64xf32, #tpu.memory_space<vmem>> -> memref<8x64xf32, #tpu.memory_space<vmem>>
      %dma_start3A_634 = arith.constant 0 : i32
      %dma_start3A_635 = tpu.memref_slice %arg2[%multiple_of3A_622, %dma_start3A_634] : memref<1000000x64xf32, #tpu.memory_space<hbm>> -> memref<8x64xf32, #tpu.memory_space<hbm>>
      tpu.enqueue_dma source(%dma_start3A_635 : memref<8x64xf32, #tpu.memory_space<hbm>>) target(%dma_start3A_633 : memref<8x64xf32, #tpu.memory_space<vmem>>) target_semaphore(%arg10 : memref<!tpu.dma_semaphore, #tpu.memory_space<semaphore_mem>>)
      %slice3A_636 = vector.extract_strided_slice %get3A_15 {offsets = [15], sizes = [1], strides = [1]} : vector<16xi32> to vector<1xi32>
      %squeeze3A_637 = vector.extract %slice3A_636[0] : i32 from vector<1xi32>
      %jit3A_638 = arith.constant 8 : i32
      %div3A_639 = arith.divsi %squeeze3A_637, %jit3A_638 : i32
      %sign3A_640 = arith.constant 0 : i32
      %sign3A_641 = arith.cmpi sgt, %squeeze3A_637, %sign3A_640 : i32
      %sign3A_642 = arith.extui %sign3A_641 : i1 to i32
      %sign3A_643 = arith.constant 0 : i32
      %sign3A_644 = arith.cmpi slt, %squeeze3A_637, %sign3A_643 : i32
      %sign3A_645 = arith.extui %sign3A_644 : i1 to i32
      %sign3A_646 = arith.subi %sign3A_642, %sign3A_645 : i32
      %sign3A_647 = arith.constant 0 : i32
      %sign3A_648 = arith.cmpi sgt, %jit3A_638, %sign3A_647 : i32
      %sign3A_649 = arith.extui %sign3A_648 : i1 to i32
      %sign3A_650 = arith.constant 0 : i32
      %sign3A_651 = arith.cmpi slt, %jit3A_638, %sign3A_650 : i32
      %sign3A_652 = arith.extui %sign3A_651 : i1 to i32
      %sign3A_653 = arith.subi %sign3A_649, %sign3A_652 : i32
      %ne3A_654 = arith.cmpi ne, %sign3A_646, %sign3A_653 : i32
      %rem3A_655 = arith.remsi %squeeze3A_637, %jit3A_638 : i32
      %ne3A_656 = arith.constant 0 : i32
      %ne3A_657 = arith.cmpi ne, %rem3A_655, %ne3A_656 : i32
      %and3A_658 = arith.andi %ne3A_654, %ne3A_657 : i1
      %sub3A_659 = arith.constant 1 : i32
      %sub3A_660 = arith.subi %div3A_639, %sub3A_659 : i32
      %select_n3A_661 = arith.select %and3A_658, %sub3A_660, %div3A_639 : i32
      %mul3A_662 = arith.constant 8 : i32
      %mul3A_663 = arith.muli %select_n3A_661, %mul3A_662 : i32
      %multiple_of3A_664 = tpu.assume_multiple %mul3A_663, 8 : i32
      %dma_start3A_665 = arith.constant 15 : i32
      %dma_start3A_666 = arith.constant 0 : i32
      %dma_start3A_667 = arith.constant 0 : i32
      %dma_start3A_668 = tpu.memref_slice %arg8[%dma_start3A_665, %dma_start3A_666, %dma_start3A_667] : memref<16x8x64xf32, #tpu.memory_space<vmem>> -> memref<1x8x64xf32, #tpu.memory_space<vmem>>
      %dma_start3A_669 = tpu.memref_squeeze %dma_start3A_668 : memref<1x8x64xf32, #tpu.memory_space<vmem>> -> memref<8x64xf32, #tpu.memory_space<vmem>>
      %dma_start3A_670 = arith.constant 0 : i32
      %dma_start3A_671 = tpu.memref_slice %arg2[%multiple_of3A_664, %dma_start3A_670] : memref<1000000x64xf32, #tpu.memory_space<hbm>> -> memref<8x64xf32, #tpu.memory_space<hbm>>
      %dma_start3A_672 = arith.constant 0 : i32
      %dma_start3A_673 = arith.constant 0 : i32
      %dma_start3A_674 = tpu.memref_slice %arg8[%dma_start3A_665, %dma_start3A_672, %dma_start3A_673] : memref<16x8x64xf32, #tpu.memory_space<vmem>> -> memref<1x8x64xf32, #tpu.memory_space<vmem>>
      %dma_start3A_675 = tpu.memref_squeeze %dma_start3A_674 : memref<1x8x64xf32, #tpu.memory_space<vmem>> -> memref<8x64xf32, #tpu.memory_space<vmem>>
      %dma_start3A_676 = arith.constant 0 : i32
      %dma_start3A_677 = tpu.memref_slice %arg2[%multiple_of3A_664, %dma_start3A_676] : memref<1000000x64xf32, #tpu.memory_space<hbm>> -> memref<8x64xf32, #tpu.memory_space<hbm>>
      tpu.enqueue_dma source(%dma_start3A_677 : memref<8x64xf32, #tpu.memory_space<hbm>>) target(%dma_start3A_675 : memref<8x64xf32, #tpu.memory_space<vmem>>) target_semaphore(%arg10 : memref<!tpu.dma_semaphore, #tpu.memory_space<semaphore_mem>>)
      %dma_wait3A_678 = arith.constant 0 : i32
      %dma_wait3A_679 = arith.constant 0 : i32
      %dma_wait3A_680 = tpu.memref_slice %arg2[%dma_wait3A_678, %dma_wait3A_679] : memref<1000000x64xf32, #tpu.memory_space<hbm>> -> memref<128x64xf32, #tpu.memory_space<hbm>>
      %dma_wait3A_681 = tpu.memref_reshape %dma_wait3A_680 : memref<128x64xf32, #tpu.memory_space<hbm>> -> memref<16x8x64xf32, #tpu.memory_space<hbm>>
      %dma_wait3A_682 = arith.constant 0 : i32
      %dma_wait3A_683 = arith.constant 0 : i32
      %dma_wait3A_684 = tpu.memref_slice %arg2[%dma_wait3A_682, %dma_wait3A_683] : memref<1000000x64xf32, #tpu.memory_space<hbm>> -> memref<128x64xf32, #tpu.memory_space<hbm>>
      %dma_wait3A_685 = tpu.memref_reshape %dma_wait3A_684 : memref<128x64xf32, #tpu.memory_space<hbm>> -> memref<16x8x64xf32, #tpu.memory_space<hbm>>
      tpu.wait_dma2 semaphore(%arg10 : memref<!tpu.dma_semaphore, #tpu.memory_space<semaphore_mem>>) src(%dma_wait3A_685 : memref<16x8x64xf32, #tpu.memory_space<hbm>>) dst(%arg8 : memref<16x8x64xf32, #tpu.memory_space<vmem>>)
      %slice3A_686 = vector.extract_strided_slice %get3A_15 {offsets = [0], sizes = [1], strides = [1]} : vector<16xi32> to vector<1xi32>
      %squeeze3A_687 = vector.extract %slice3A_686[0] : i32 from vector<1xi32>
      %jit3A_688 = arith.constant 8 : i32
      %eq3A = arith.constant 0 : i32
      %eq3A_689 = arith.cmpi eq, %jit3A_688, %eq3A : i32
      %jit3A_690 = arith.constant 1 : i32
      %select_n3A_691 = arith.select %eq3A_689, %jit3A_690, %jit3A_688 : i32
      %rem3A_692 = arith.remsi %squeeze3A_687, %select_n3A_691 : i32
      %ne3A_693 = arith.constant 0 : i32
      %ne3A_694 = arith.cmpi ne, %rem3A_692, %ne3A_693 : i32
      %lt3A = arith.constant 0 : i32
      %lt3A_695 = arith.cmpi slt, %rem3A_692, %lt3A : i32
      %lt3A_696 = arith.constant 0 : i32
      %lt3A_697 = arith.cmpi slt, %select_n3A_691, %lt3A_696 : i32
      %ne3A_698 = arith.xori %lt3A_695, %lt3A_697 : i1
      %and3A_699 = arith.andi %ne3A_698, %ne3A_694 : i1
      %add3A_700 = arith.addi %rem3A_692, %select_n3A_691 : i32
      %select_n3A_701 = arith.select %and3A_699, %add3A_700, %rem3A_692 : i32
      %get3A_702 = arith.constant 0 : i32
      %get3A_703 = arith.index_cast %get3A_702 : i32 to index
      %get3A_704 = arith.index_cast %select_n3A_701 : i32 to index
      %get3A_705 = arith.constant 0 : index
      %get3A_706 = tpu.vector_load %arg8[%get3A_703, %get3A_704, %get3A_705] {strides = array<i32>} : memref<16x8x64xf32, #tpu.memory_space<vmem>>, vector<16xf32>,
      %add3A_707 = arith.constant 0 : i32
      %add3A_708 = arith.addi %multiple_of3A, %add3A_707 : i32
      %swap3A = arith.index_cast %add3A_708 : i32 to index
      %swap3A_709 = arith.constant 0 : index
      %swap3A_710 = tpu.vector_load %arg9[%swap3A, %swap3A_709] {strides = array<i32>} : memref<512x64xf32, #tpu.memory_space<vmem>>, vector<16xf32>,
      tpu.vector_store %arg9[%swap3A, %swap3A_709], %get3A_706 {strides = array<i32>} : memref<512x64xf32, #tpu.memory_space<vmem>>, vector<16xf32>,
      %get3A_711 = arith.constant 0 : i32
      %get3A_712 = arith.index_cast %get3A_711 : i32 to index
      %get3A_713 = arith.index_cast %select_n3A_701 : i32 to index
      %get3A_714 = arith.constant 16 : index
      %get3A_715 = tpu.vector_load %arg8[%get3A_712, %get3A_713, %get3A_714] {strides = array<i32>} : memref<16x8x64xf32, #tpu.memory_space<vmem>>, vector<16xf32>,
      %add3A_716 = arith.constant 0 : i32
      %add3A_717 = arith.addi %multiple_of3A, %add3A_716 : i32
      %swap3A_718 = arith.index_cast %add3A_717 : i32 to index
      %swap3A_719 = arith.constant 16 : index
      %swap3A_720 = tpu.vector_load %arg9[%swap3A_718, %swap3A_719] {strides = array<i32>} : memref<512x64xf32, #tpu.memory_space<vmem>>, vector<16xf32>,
      tpu.vector_store %arg9[%swap3A_718, %swap3A_719], %get3A_715 {strides = array<i32>} : memref<512x64xf32, #tpu.memory_space<vmem>>, vector<16xf32>,
      %get3A_721 = arith.constant 0 : i32
      %get3A_722 = arith.index_cast %get3A_721 : i32 to index
      %get3A_723 = arith.index_cast %select_n3A_701 : i32 to index
      %get3A_724 = arith.constant 32 : index
      %get3A_725 = tpu.vector_load %arg8[%get3A_722, %get3A_723, %get3A_724] {strides = array<i32>} : memref<16x8x64xf32, #tpu.memory_space<vmem>>, vector<16xf32>,
      %add3A_726 = arith.constant 0 : i32
      %add3A_727 = arith.addi %multiple_of3A, %add3A_726 : i32
      %swap3A_728 = arith.index_cast %add3A_727 : i32 to index
      %swap3A_729 = arith.constant 32 : index
      %swap3A_730 = tpu.vector_load %arg9[%swap3A_728, %swap3A_729] {strides = array<i32>} : memref<512x64xf32, #tpu.memory_space<vmem>>, vector<16xf32>,
      tpu.vector_store %arg9[%swap3A_728, %swap3A_729], %get3A_725 {strides = array<i32>} : memref<512x64xf32, #tpu.memory_space<vmem>>, vector<16xf32>,
      %get3A_731 = arith.constant 0 : i32
      %get3A_732 = arith.index_cast %get3A_731 : i32 to index
      %get3A_733 = arith.index_cast %select_n3A_701 : i32 to index
      %get3A_734 = arith.constant 48 : index
      %get3A_735 = tpu.vector_load %arg8[%get3A_732, %get3A_733, %get3A_734] {strides = array<i32>} : memref<16x8x64xf32, #tpu.memory_space<vmem>>, vector<16xf32>,
      %add3A_736 = arith.constant 0 : i32
      %add3A_737 = arith.addi %multiple_of3A, %add3A_736 : i32
      %swap3A_738 = arith.index_cast %add3A_737 : i32 to index
      %swap3A_739 = arith.constant 48 : index
      %swap3A_740 = tpu.vector_load %arg9[%swap3A_738, %swap3A_739] {strides = array<i32>} : memref<512x64xf32, #tpu.memory_space<vmem>>, vector<16xf32>,
      tpu.vector_store %arg9[%swap3A_738, %swap3A_739], %get3A_735 {strides = array<i32>} : memref<512x64xf32, #tpu.memory_space<vmem>>, vector<16xf32>,
      %slice3A_741 = vector.extract_strided_slice %get3A_15 {offsets = [1], sizes = [1], strides = [1]} : vector<16xi32> to vector<1xi32>
      %squeeze3A_742 = vector.extract %slice3A_741[0] : i32 from vector<1xi32>
      %jit3A_743 = arith.constant 8 : i32
      %eq3A_744 = arith.constant 0 : i32
      %eq3A_745 = arith.cmpi eq, %jit3A_743, %eq3A_744 : i32
      %jit3A_746 = arith.constant 1 : i32
      %select_n3A_747 = arith.select %eq3A_745, %jit3A_746, %jit3A_743 : i32
      %rem3A_748 = arith.remsi %squeeze3A_742, %select_n3A_747 : i32
      %ne3A_749 = arith.constant 0 : i32
      %ne3A_750 = arith.cmpi ne, %rem3A_748, %ne3A_749 : i32
      %lt3A_751 = arith.constant 0 : i32
      %lt3A_752 = arith.cmpi slt, %rem3A_748, %lt3A_751 : i32
      %lt3A_753 = arith.constant 0 : i32
      %lt3A_754 = arith.cmpi slt, %select_n3A_747, %lt3A_753 : i32
      %ne3A_755 = arith.xori %lt3A_752, %lt3A_754 : i1
      %and3A_756 = arith.andi %ne3A_755, %ne3A_750 : i1
      %add3A_757 = arith.addi %rem3A_748, %select_n3A_747 : i32
      %select_n3A_758 = arith.select %and3A_756, %add3A_757, %rem3A_748 : i32
      %get3A_759 = arith.constant 1 : i32
      %get3A_760 = arith.index_cast %get3A_759 : i32 to index
      %get3A_761 = arith.index_cast %select_n3A_758 : i32 to index
      %get3A_762 = arith.constant 0 : index
      %get3A_763 = tpu.vector_load %arg8[%get3A_760, %get3A_761, %get3A_762] {strides = array<i32>} : memref<16x8x64xf32, #tpu.memory_space<vmem>>, vector<16xf32>,
      %add3A_764 = arith.constant 1 : i32
      %add3A_765 = arith.addi %multiple_of3A, %add3A_764 : i32
      %swap3A_766 = arith.index_cast %add3A_765 : i32 to index
      %swap3A_767 = arith.constant 0 : index
      %swap3A_768 = tpu.vector_load %arg9[%swap3A_766, %swap3A_767] {strides = array<i32>} : memref<512x64xf32, #tpu.memory_space<vmem>>, vector<16xf32>,
      tpu.vector_store %arg9[%swap3A_766, %swap3A_767], %get3A_763 {strides = array<i32>} : memref<512x64xf32, #tpu.memory_space<vmem>>, vector<16xf32>,
      %get3A_769 = arith.constant 1 : i32
      %get3A_770 = arith.index_cast %get3A_769 : i32 to index
      %get3A_771 = arith.index_cast %select_n3A_758 : i32 to index
      %get3A_772 = arith.constant 16 : index
      %get3A_773 = tpu.vector_load %arg8[%get3A_770, %get3A_771, %get3A_772] {strides = array<i32>} : memref<16x8x64xf32, #tpu.memory_space<vmem>>, vector<16xf32>,
      %add3A_774 = arith.constant 1 : i32
      %add3A_775 = arith.addi %multiple_of3A, %add3A_774 : i32
      %swap3A_776 = arith.index_cast %add3A_775 : i32 to index
      %swap3A_777 = arith.constant 16 : index
      %swap3A_778 = tpu.vector_load %arg9[%swap3A_776, %swap3A_777] {strides = array<i32>} : memref<512x64xf32, #tpu.memory_space<vmem>>, vector<16xf32>,
      tpu.vector_store %arg9[%swap3A_776, %swap3A_777], %get3A_773 {strides = array<i32>} : memref<512x64xf32, #tpu.memory_space<vmem>>, vector<16xf32>,
      %get3A_779 = arith.constant 1 : i32
      %get3A_780 = arith.index_cast %get3A_779 : i32 to index
      %get3A_781 = arith.index_cast %select_n3A_758 : i32 to index
      %get3A_782 = arith.constant 32 : index
      %get3A_783 = tpu.vector_load %arg8[%get3A_780, %get3A_781, %get3A_782] {strides = array<i32>} : memref<16x8x64xf32, #tpu.memory_space<vmem>>, vector<16xf32>,
      %add3A_784 = arith.constant 1 : i32
      %add3A_785 = arith.addi %multiple_of3A, %add3A_784 : i32
      %swap3A_786 = arith.index_cast %add3A_785 : i32 to index
      %swap3A_787 = arith.constant 32 : index
      %swap3A_788 = tpu.vector_load %arg9[%swap3A_786, %swap3A_787] {strides = array<i32>} : memref<512x64xf32, #tpu.memory_space<vmem>>, vector<16xf32>,
      tpu.vector_store %arg9[%swap3A_786, %swap3A_787], %get3A_783 {strides = array<i32>} : memref<512x64xf32, #tpu.memory_space<vmem>>, vector<16xf32>,
      %get3A_789 = arith.constant 1 : i32
      %get3A_790 = arith.index_cast %get3A_789 : i32 to index
      %get3A_791 = arith.index_cast %select_n3A_758 : i32 to index
      %get3A_792 = arith.constant 48 : index
      %get3A_793 = tpu.vector_load %arg8[%get3A_790, %get3A_791, %get3A_792] {strides = array<i32>} : memref<16x8x64xf32, #tpu.memory_space<vmem>>, vector<16xf32>,
      %add3A_794 = arith.constant 1 : i32
      %add3A_795 = arith.addi %multiple_of3A, %add3A_794 : i32
      %swap3A_796 = arith.index_cast %add3A_795 : i32 to index
      %swap3A_797 = arith.constant 48 : index
      %swap3A_798 = tpu.vector_load %arg9[%swap3A_796, %swap3A_797] {strides = array<i32>} : memref<512x64xf32, #tpu.memory_space<vmem>>, vector<16xf32>,
      tpu.vector_store %arg9[%swap3A_796, %swap3A_797], %get3A_793 {strides = array<i32>} : memref<512x64xf32, #tpu.memory_space<vmem>>, vector<16xf32>,
      %slice3A_799 = vector.extract_strided_slice %get3A_15 {offsets = [2], sizes = [1], strides = [1]} : vector<16xi32> to vector<1xi32>
      %squeeze3A_800 = vector.extract %slice3A_799[0] : i32 from vector<1xi32>
      %jit3A_801 = arith.constant 8 : i32
      %eq3A_802 = arith.constant 0 : i32
      %eq3A_803 = arith.cmpi eq, %jit3A_801, %eq3A_802 : i32
      %jit3A_804 = arith.constant 1 : i32
      %select_n3A_805 = arith.select %eq3A_803, %jit3A_804, %jit3A_801 : i32
      %rem3A_806 = arith.remsi %squeeze3A_800, %select_n3A_805 : i32
      %ne3A_807 = arith.constant 0 : i32
      %ne3A_808 = arith.cmpi ne, %rem3A_806, %ne3A_807 : i32
      %lt3A_809 = arith.constant 0 : i32
      %lt3A_810 = arith.cmpi slt, %rem3A_806, %lt3A_809 : i32
      %lt3A_811 = arith.constant 0 : i32
      %lt3A_812 = arith.cmpi slt, %select_n3A_805, %lt3A_811 : i32
      %ne3A_813 = arith.xori %lt3A_810, %lt3A_812 : i1
      %and3A_814 = arith.andi %ne3A_813, %ne3A_808 : i1
      %add3A_815 = arith.addi %rem3A_806, %select_n3A_805 : i32
      %select_n3A_816 = arith.select %and3A_814, %add3A_815, %rem3A_806 : i32
      %get3A_817 = arith.constant 2 : i32
      %get3A_818 = arith.index_cast %get3A_817 : i32 to index
      %get3A_819 = arith.index_cast %select_n3A_816 : i32 to index
      %get3A_820 = arith.constant 0 : index
      %get3A_821 = tpu.vector_load %arg8[%get3A_818, %get3A_819, %get3A_820] {strides = array<i32>} : memref<16x8x64xf32, #tpu.memory_space<vmem>>, vector<16xf32>,
      %add3A_822 = arith.constant 2 : i32
      %add3A_823 = arith.addi %multiple_of3A, %add3A_822 : i32
      %swap3A_824 = arith.index_cast %add3A_823 : i32 to index
      %swap3A_825 = arith.constant 0 : index
      %swap3A_826 = tpu.vector_load %arg9[%swap3A_824, %swap3A_825] {strides = array<i32>} : memref<512x64xf32, #tpu.memory_space<vmem>>, vector<16xf32>,
      tpu.vector_store %arg9[%swap3A_824, %swap3A_825], %get3A_821 {strides = array<i32>} : memref<512x64xf32, #tpu.memory_space<vmem>>, vector<16xf32>,
      %get3A_827 = arith.constant 2 : i32
      %get3A_828 = arith.index_cast %get3A_827 : i32 to index
      %get3A_829 = arith.index_cast %select_n3A_816 : i32 to index
      %get3A_830 = arith.constant 16 : index
      %get3A_831 = tpu.vector_load %arg8[%get3A_828, %get3A_829, %get3A_830] {strides = array<i32>} : memref<16x8x64xf32, #tpu.memory_space<vmem>>, vector<16xf32>,
      %add3A_832 = arith.constant 2 : i32
      %add3A_833 = arith.addi %multiple_of3A, %add3A_832 : i32
      %swap3A_834 = arith.index_cast %add3A_833 : i32 to index
      %swap3A_835 = arith.constant 16 : index
      %swap3A_836 = tpu.vector_load %arg9[%swap3A_834, %swap3A_835] {strides = array<i32>} : memref<512x64xf32, #tpu.memory_space<vmem>>, vector<16xf32>,
      tpu.vector_store %arg9[%swap3A_834, %swap3A_835], %get3A_831 {strides = array<i32>} : memref<512x64xf32, #tpu.memory_space<vmem>>, vector<16xf32>,
      %get3A_837 = arith.constant 2 : i32
      %get3A_838 = arith.index_cast %get3A_837 : i32 to index
      %get3A_839 = arith.index_cast %select_n3A_816 : i32 to index
      %get3A_840 = arith.constant 32 : index
      %get3A_841 = tpu.vector_load %arg8[%get3A_838, %get3A_839, %get3A_840] {strides = array<i32>} : memref<16x8x64xf32, #tpu.memory_space<vmem>>, vector<16xf32>,
      %add3A_842 = arith.constant 2 : i32
      %add3A_843 = arith.addi %multiple_of3A, %add3A_842 : i32
      %swap3A_844 = arith.index_cast %add3A_843 : i32 to index
      %swap3A_845 = arith.constant 32 : index
      %swap3A_846 = tpu.vector_load %arg9[%swap3A_844, %swap3A_845] {strides = array<i32>} : memref<512x64xf32, #tpu.memory_space<vmem>>, vector<16xf32>,
      tpu.vector_store %arg9[%swap3A_844, %swap3A_845], %get3A_841 {strides = array<i32>} : memref<512x64xf32, #tpu.memory_space<vmem>>, vector<16xf32>,
      %get3A_847 = arith.constant 2 : i32
      %get3A_848 = arith.index_cast %get3A_847 : i32 to index
      %get3A_849 = arith.index_cast %select_n3A_816 : i32 to index
      %get3A_850 = arith.constant 48 : index
      %get3A_851 = tpu.vector_load %arg8[%get3A_848, %get3A_849, %get3A_850] {strides = array<i32>} : memref<16x8x64xf32, #tpu.memory_space<vmem>>, vector<16xf32>,
      %add3A_852 = arith.constant 2 : i32
      %add3A_853 = arith.addi %multiple_of3A, %add3A_852 : i32
      %swap3A_854 = arith.index_cast %add3A_853 : i32 to index
      %swap3A_855 = arith.constant 48 : index
      %swap3A_856 = tpu.vector_load %arg9[%swap3A_854, %swap3A_855] {strides = array<i32>} : memref<512x64xf32, #tpu.memory_space<vmem>>, vector<16xf32>,
      tpu.vector_store %arg9[%swap3A_854, %swap3A_855], %get3A_851 {strides = array<i32>} : memref<512x64xf32, #tpu.memory_space<vmem>>, vector<16xf32>,
      %slice3A_857 = vector.extract_strided_slice %get3A_15 {offsets = [3], sizes = [1], strides = [1]} : vector<16xi32> to vector<1xi32>
      %squeeze3A_858 = vector.extract %slice3A_857[0] : i32 from vector<1xi32>
      %jit3A_859 = arith.constant 8 : i32
      %eq3A_860 = arith.constant 0 : i32
      %eq3A_861 = arith.cmpi eq, %jit3A_859, %eq3A_860 : i32
      %jit3A_862 = arith.constant 1 : i32
      %select_n3A_863 = arith.select %eq3A_861, %jit3A_862, %jit3A_859 : i32
      %rem3A_864 = arith.remsi %squeeze3A_858, %select_n3A_863 : i32
      %ne3A_865 = arith.constant 0 : i32
      %ne3A_866 = arith.cmpi ne, %rem3A_864, %ne3A_865 : i32
      %lt3A_867 = arith.constant 0 : i32
      %lt3A_868 = arith.cmpi slt, %rem3A_864, %lt3A_867 : i32
      %lt3A_869 = arith.constant 0 : i32
      %lt3A_870 = arith.cmpi slt, %select_n3A_863, %lt3A_869 : i32
      %ne3A_871 = arith.xori %lt3A_868, %lt3A_870 : i1
      %and3A_872 = arith.andi %ne3A_871, %ne3A_866 : i1
      %add3A_873 = arith.addi %rem3A_864, %select_n3A_863 : i32
      %select_n3A_874 = arith.select %and3A_872, %add3A_873, %rem3A_864 : i32
      %get3A_875 = arith.constant 3 : i32
      %get3A_876 = arith.index_cast %get3A_875 : i32 to index
      %get3A_877 = arith.index_cast %select_n3A_874 : i32 to index
      %get3A_878 = arith.constant 0 : index
      %get3A_879 = tpu.vector_load %arg8[%get3A_876, %get3A_877, %get3A_878] {strides = array<i32>} : memref<16x8x64xf32, #tpu.memory_space<vmem>>, vector<16xf32>,
      %add3A_880 = arith.constant 3 : i32
      %add3A_881 = arith.addi %multiple_of3A, %add3A_880 : i32
      %swap3A_882 = arith.index_cast %add3A_881 : i32 to index
      %swap3A_883 = arith.constant 0 : index
      %swap3A_884 = tpu.vector_load %arg9[%swap3A_882, %swap3A_883] {strides = array<i32>} : memref<512x64xf32, #tpu.memory_space<vmem>>, vector<16xf32>,
      tpu.vector_store %arg9[%swap3A_882, %swap3A_883], %get3A_879 {strides = array<i32>} : memref<512x64xf32, #tpu.memory_space<vmem>>, vector<16xf32>,
      %get3A_885 = arith.constant 3 : i32
      %get3A_886 = arith.index_cast %get3A_885 : i32 to index
      %get3A_887 = arith.index_cast %select_n3A_874 : i32 to index
      %get3A_888 = arith.constant 16 : index
      %get3A_889 = tpu.vector_load %arg8[%get3A_886, %get3A_887, %get3A_888] {strides = array<i32>} : memref<16x8x64xf32, #tpu.memory_space<vmem>>, vector<16xf32>,
      %add3A_890 = arith.constant 3 : i32
      %add3A_891 = arith.addi %multiple_of3A, %add3A_890 : i32
      %swap3A_892 = arith.index_cast %add3A_891 : i32 to index
      %swap3A_893 = arith.constant 16 : index
      %swap3A_894 = tpu.vector_load %arg9[%swap3A_892, %swap3A_893] {strides = array<i32>} : memref<512x64xf32, #tpu.memory_space<vmem>>, vector<16xf32>,
      tpu.vector_store %arg9[%swap3A_892, %swap3A_893], %get3A_889 {strides = array<i32>} : memref<512x64xf32, #tpu.memory_space<vmem>>, vector<16xf32>,
      %get3A_895 = arith.constant 3 : i32
      %get3A_896 = arith.index_cast %get3A_895 : i32 to index
      %get3A_897 = arith.index_cast %select_n3A_874 : i32 to index
      %get3A_898 = arith.constant 32 : index
      %get3A_899 = tpu.vector_load %arg8[%get3A_896, %get3A_897, %get3A_898] {strides = array<i32>} : memref<16x8x64xf32, #tpu.memory_space<vmem>>, vector<16xf32>,
      %add3A_900 = arith.constant 3 : i32
      %add3A_901 = arith.addi %multiple_of3A, %add3A_900 : i32
      %swap3A_902 = arith.index_cast %add3A_901 : i32 to index
      %swap3A_903 = arith.constant 32 : index
      %swap3A_904 = tpu.vector_load %arg9[%swap3A_902, %swap3A_903] {strides = array<i32>} : memref<512x64xf32, #tpu.memory_space<vmem>>, vector<16xf32>,
      tpu.vector_store %arg9[%swap3A_902, %swap3A_903], %get3A_899 {strides = array<i32>} : memref<512x64xf32, #tpu.memory_space<vmem>>, vector<16xf32>,
      %get3A_905 = arith.constant 3 : i32
      %get3A_906 = arith.index_cast %get3A_905 : i32 to index
      %get3A_907 = arith.index_cast %select_n3A_874 : i32 to index
      %get3A_908 = arith.constant 48 : index
      %get3A_909 = tpu.vector_load %arg8[%get3A_906, %get3A_907, %get3A_908] {strides = array<i32>} : memref<16x8x64xf32, #tpu.memory_space<vmem>>, vector<16xf32>,
      %add3A_910 = arith.constant 3 : i32
      %add3A_911 = arith.addi %multiple_of3A, %add3A_910 : i32
      %swap3A_912 = arith.index_cast %add3A_911 : i32 to index
      %swap3A_913 = arith.constant 48 : index
      %swap3A_914 = tpu.vector_load %arg9[%swap3A_912, %swap3A_913] {strides = array<i32>} : memref<512x64xf32, #tpu.memory_space<vmem>>, vector<16xf32>,
      tpu.vector_store %arg9[%swap3A_912, %swap3A_913], %get3A_909 {strides = array<i32>} : memref<512x64xf32, #tpu.memory_space<vmem>>, vector<16xf32>,
      %slice3A_915 = vector.extract_strided_slice %get3A_15 {offsets = [4], sizes = [1], strides = [1]} : vector<16xi32> to vector<1xi32>
      %squeeze3A_916 = vector.extract %slice3A_915[0] : i32 from vector<1xi32>
      %jit3A_917 = arith.constant 8 : i32
      %eq3A_918 = arith.constant 0 : i32
      %eq3A_919 = arith.cmpi eq, %jit3A_917, %eq3A_918 : i32
      %jit3A_920 = arith.constant 1 : i32
      %select_n3A_921 = arith.select %eq3A_919, %jit3A_920, %jit3A_917 : i32
      %rem3A_922 = arith.remsi %squeeze3A_916, %select_n3A_921 : i32
      %ne3A_923 = arith.constant 0 : i32
      %ne3A_924 = arith.cmpi ne, %rem3A_922, %ne3A_923 : i32
      %lt3A_925 = arith.constant 0 : i32
      %lt3A_926 = arith.cmpi slt, %rem3A_922, %lt3A_925 : i32
      %lt3A_927 = arith.constant 0 : i32
      %lt3A_928 = arith.cmpi slt, %select_n3A_921, %lt3A_927 : i32
      %ne3A_929 = arith.xori %lt3A_926, %lt3A_928 : i1
      %and3A_930 = arith.andi %ne3A_929, %ne3A_924 : i1
      %add3A_931 = arith.addi %rem3A_922, %select_n3A_921 : i32
      %select_n3A_932 = arith.select %and3A_930, %add3A_931, %rem3A_922 : i32
      %get3A_933 = arith.constant 4 : i32
      %get3A_934 = arith.index_cast %get3A_933 : i32 to index
      %get3A_935 = arith.index_cast %select_n3A_932 : i32 to index
      %get3A_936 = arith.constant 0 : index
      %get3A_937 = tpu.vector_load %arg8[%get3A_934, %get3A_935, %get3A_936] {strides = array<i32>} : memref<16x8x64xf32, #tpu.memory_space<vmem>>, vector<16xf32>,
      %add3A_938 = arith.constant 4 : i32
      %add3A_939 = arith.addi %multiple_of3A, %add3A_938 : i32
      %swap3A_940 = arith.index_cast %add3A_939 : i32 to index
      %swap3A_941 = arith.constant 0 : index
      %swap3A_942 = tpu.vector_load %arg9[%swap3A_940, %swap3A_941] {strides = array<i32>} : memref<512x64xf32, #tpu.memory_space<vmem>>, vector<16xf32>,
      tpu.vector_store %arg9[%swap3A_940, %swap3A_941], %get3A_937 {strides = array<i32>} : memref<512x64xf32, #tpu.memory_space<vmem>>, vector<16xf32>,
      %get3A_943 = arith.constant 4 : i32
      %get3A_944 = arith.index_cast %get3A_943 : i32 to index
      %get3A_945 = arith.index_cast %select_n3A_932 : i32 to index
      %get3A_946 = arith.constant 16 : index
      %get3A_947 = tpu.vector_load %arg8[%get3A_944, %get3A_945, %get3A_946] {strides = array<i32>} : memref<16x8x64xf32, #tpu.memory_space<vmem>>, vector<16xf32>,
      %add3A_948 = arith.constant 4 : i32
      %add3A_949 = arith.addi %multiple_of3A, %add3A_948 : i32
      %swap3A_950 = arith.index_cast %add3A_949 : i32 to index
      %swap3A_951 = arith.constant 16 : index
      %swap3A_952 = tpu.vector_load %arg9[%swap3A_950, %swap3A_951] {strides = array<i32>} : memref<512x64xf32, #tpu.memory_space<vmem>>, vector<16xf32>,
      tpu.vector_store %arg9[%swap3A_950, %swap3A_951], %get3A_947 {strides = array<i32>} : memref<512x64xf32, #tpu.memory_space<vmem>>, vector<16xf32>,
      %get3A_953 = arith.constant 4 : i32
      %get3A_954 = arith.index_cast %get3A_953 : i32 to index
      %get3A_955 = arith.index_cast %select_n3A_932 : i32 to index
      %get3A_956 = arith.constant 32 : index
      %get3A_957 = tpu.vector_load %arg8[%get3A_954, %get3A_955, %get3A_956] {strides = array<i32>} : memref<16x8x64xf32, #tpu.memory_space<vmem>>, vector<16xf32>,
      %add3A_958 = arith.constant 4 : i32
      %add3A_959 = arith.addi %multiple_of3A, %add3A_958 : i32
      %swap3A_960 = arith.index_cast %add3A_959 : i32 to index
      %swap3A_961 = arith.constant 32 : index
      %swap3A_962 = tpu.vector_load %arg9[%swap3A_960, %swap3A_961] {strides = array<i32>} : memref<512x64xf32, #tpu.memory_space<vmem>>, vector<16xf32>,
      tpu.vector_store %arg9[%swap3A_960, %swap3A_961], %get3A_957 {strides = array<i32>} : memref<512x64xf32, #tpu.memory_space<vmem>>, vector<16xf32>,
      %get3A_963 = arith.constant 4 : i32
      %get3A_964 = arith.index_cast %get3A_963 : i32 to index
      %get3A_965 = arith.index_cast %select_n3A_932 : i32 to index
      %get3A_966 = arith.constant 48 : index
      %get3A_967 = tpu.vector_load %arg8[%get3A_964, %get3A_965, %get3A_966] {strides = array<i32>} : memref<16x8x64xf32, #tpu.memory_space<vmem>>, vector<16xf32>,
      %add3A_968 = arith.constant 4 : i32
      %add3A_969 = arith.addi %multiple_of3A, %add3A_968 : i32
      %swap3A_970 = arith.index_cast %add3A_969 : i32 to index
      %swap3A_971 = arith.constant 48 : index
      %swap3A_972 = tpu.vector_load %arg9[%swap3A_970, %swap3A_971] {strides = array<i32>} : memref<512x64xf32, #tpu.memory_space<vmem>>, vector<16xf32>,
      tpu.vector_store %arg9[%swap3A_970, %swap3A_971], %get3A_967 {strides = array<i32>} : memref<512x64xf32, #tpu.memory_space<vmem>>, vector<16xf32>,
      %slice3A_973 = vector.extract_strided_slice %get3A_15 {offsets = [5], sizes = [1], strides = [1]} : vector<16xi32> to vector<1xi32>
      %squeeze3A_974 = vector.extract %slice3A_973[0] : i32 from vector<1xi32>
      %jit3A_975 = arith.constant 8 : i32
      %eq3A_976 = arith.constant 0 : i32
      %eq3A_977 = arith.cmpi eq, %jit3A_975, %eq3A_976 : i32
      %jit3A_978 = arith.constant 1 : i32
      %select_n3A_979 = arith.select %eq3A_977, %jit3A_978, %jit3A_975 : i32
      %rem3A_980 = arith.remsi %squeeze3A_974, %select_n3A_979 : i32
      %ne3A_981 = arith.constant 0 : i32
      %ne3A_982 = arith.cmpi ne, %rem3A_980, %ne3A_981 : i32
      %lt3A_983 = arith.constant 0 : i32
      %lt3A_984 = arith.cmpi slt, %rem3A_980, %lt3A_983 : i32
      %lt3A_985 = arith.constant 0 : i32
      %lt3A_986 = arith.cmpi slt, %select_n3A_979, %lt3A_985 : i32
      %ne3A_987 = arith.xori %lt3A_984, %lt3A_986 : i1
      %and3A_988 = arith.andi %ne3A_987, %ne3A_982 : i1
      %add3A_989 = arith.addi %rem3A_980, %select_n3A_979 : i32
      %select_n3A_990 = arith.select %and3A_988, %add3A_989, %rem3A_980 : i32
      %get3A_991 = arith.constant 5 : i32
      %get3A_992 = arith.index_cast %get3A_991 : i32 to index
      %get3A_993 = arith.index_cast %select_n3A_990 : i32 to index
      %get3A_994 = arith.constant 0 : index
      %get3A_995 = tpu.vector_load %arg8[%get3A_992, %get3A_993, %get3A_994] {strides = array<i32>} : memref<16x8x64xf32, #tpu.memory_space<vmem>>, vector<16xf32>,
      %add3A_996 = arith.constant 5 : i32
      %add3A_997 = arith.addi %multiple_of3A, %add3A_996 : i32
      %swap3A_998 = arith.index_cast %add3A_997 : i32 to index
      %swap3A_999 = arith.constant 0 : index
      %swap3A_1000 = tpu.vector_load %arg9[%swap3A_998, %swap3A_999] {strides = array<i32>} : memref<512x64xf32, #tpu.memory_space<vmem>>, vector<16xf32>,
      tpu.vector_store %arg9[%swap3A_998, %swap3A_999], %get3A_995 {strides = array<i32>} : memref<512x64xf32, #tpu.memory_space<vmem>>, vector<16xf32>,
      %get3A_1001 = arith.constant 5 : i32
      %get3A_1002 = arith.index_cast %get3A_1001 : i32 to index
      %get3A_1003 = arith.index_cast %select_n3A_990 : i32 to index
      %get3A_1004 = arith.constant 16 : index
      %get3A_1005 = tpu.vector_load %arg8[%get3A_1002, %get3A_1003, %get3A_1004] {strides = array<i32>} : memref<16x8x64xf32, #tpu.memory_space<vmem>>, vector<16xf32>,
      %add3A_1006 = arith.constant 5 : i32
      %add3A_1007 = arith.addi %multiple_of3A, %add3A_1006 : i32
      %swap3A_1008 = arith.index_cast %add3A_1007 : i32 to index
      %swap3A_1009 = arith.constant 16 : index
      %swap3A_1010 = tpu.vector_load %arg9[%swap3A_1008, %swap3A_1009] {strides = array<i32>} : memref<512x64xf32, #tpu.memory_space<vmem>>, vector<16xf32>,
      tpu.vector_store %arg9[%swap3A_1008, %swap3A_1009], %get3A_1005 {strides = array<i32>} : memref<512x64xf32, #tpu.memory_space<vmem>>, vector<16xf32>,
      %get3A_1011 = arith.constant 5 : i32
      %get3A_1012 = arith.index_cast %get3A_1011 : i32 to index
      %get3A_1013 = arith.index_cast %select_n3A_990 : i32 to index
      %get3A_1014 = arith.constant 32 : index
      %get3A_1015 = tpu.vector_load %arg8[%get3A_1012, %get3A_1013, %get3A_1014] {strides = array<i32>} : memref<16x8x64xf32, #tpu.memory_space<vmem>>, vector<16xf32>,
      %add3A_1016 = arith.constant 5 : i32
      %add3A_1017 = arith.addi %multiple_of3A, %add3A_1016 : i32
      %swap3A_1018 = arith.index_cast %add3A_1017 : i32 to index
      %swap3A_1019 = arith.constant 32 : index
      %swap3A_1020 = tpu.vector_load %arg9[%swap3A_1018, %swap3A_1019] {strides = array<i32>} : memref<512x64xf32, #tpu.memory_space<vmem>>, vector<16xf32>,
      tpu.vector_store %arg9[%swap3A_1018, %swap3A_1019], %get3A_1015 {strides = array<i32>} : memref<512x64xf32, #tpu.memory_space<vmem>>, vector<16xf32>,
      %get3A_1021 = arith.constant 5 : i32
      %get3A_1022 = arith.index_cast %get3A_1021 : i32 to index
      %get3A_1023 = arith.index_cast %select_n3A_990 : i32 to index
      %get3A_1024 = arith.constant 48 : index
      %get3A_1025 = tpu.vector_load %arg8[%get3A_1022, %get3A_1023, %get3A_1024] {strides = array<i32>} : memref<16x8x64xf32, #tpu.memory_space<vmem>>, vector<16xf32>,
      %add3A_1026 = arith.constant 5 : i32
      %add3A_1027 = arith.addi %multiple_of3A, %add3A_1026 : i32
      %swap3A_1028 = arith.index_cast %add3A_1027 : i32 to index
      %swap3A_1029 = arith.constant 48 : index
      %swap3A_1030 = tpu.vector_load %arg9[%swap3A_1028, %swap3A_1029] {strides = array<i32>} : memref<512x64xf32, #tpu.memory_space<vmem>>, vector<16xf32>,
      tpu.vector_store %arg9[%swap3A_1028, %swap3A_1029], %get3A_1025 {strides = array<i32>} : memref<512x64xf32, #tpu.memory_space<vmem>>, vector<16xf32>,
      %slice3A_1031 = vector.extract_strided_slice %get3A_15 {offsets = [6], sizes = [1], strides = [1]} : vector<16xi32> to vector<1xi32>
      %squeeze3A_1032 = vector.extract %slice3A_1031[0] : i32 from vector<1xi32>
      %jit3A_1033 = arith.constant 8 : i32
      %eq3A_1034 = arith.constant 0 : i32
      %eq3A_1035 = arith.cmpi eq, %jit3A_1033, %eq3A_1034 : i32
      %jit3A_1036 = arith.constant 1 : i32
      %select_n3A_1037 = arith.select %eq3A_1035, %jit3A_1036, %jit3A_1033 : i32
      %rem3A_1038 = arith.remsi %squeeze3A_1032, %select_n3A_1037 : i32
      %ne3A_1039 = arith.constant 0 : i32
      %ne3A_1040 = arith.cmpi ne, %rem3A_1038, %ne3A_1039 : i32
      %lt3A_1041 = arith.constant 0 : i32
      %lt3A_1042 = arith.cmpi slt, %rem3A_1038, %lt3A_1041 : i32
      %lt3A_1043 = arith.constant 0 : i32
      %lt3A_1044 = arith.cmpi slt, %select_n3A_1037, %lt3A_1043 : i32
      %ne3A_1045 = arith.xori %lt3A_1042, %lt3A_1044 : i1
      %and3A_1046 = arith.andi %ne3A_1045, %ne3A_1040 : i1
      %add3A_1047 = arith.addi %rem3A_1038, %select_n3A_1037 : i32
      %select_n3A_1048 = arith.select %and3A_1046, %add3A_1047, %rem3A_1038 : i32
      %get3A_1049 = arith.constant 6 : i32
      %get3A_1050 = arith.index_cast %get3A_1049 : i32 to index
      %get3A_1051 = arith.index_cast %select_n3A_1048 : i32 to index
      %get3A_1052 = arith.constant 0 : index
      %get3A_1053 = tpu.vector_load %arg8[%get3A_1050, %get3A_1051, %get3A_1052] {strides = array<i32>} : memref<16x8x64xf32, #tpu.memory_space<vmem>>, vector<16xf32>,
      %add3A_1054 = arith.constant 6 : i32
      %add3A_1055 = arith.addi %multiple_of3A, %add3A_1054 : i32
      %swap3A_1056 = arith.index_cast %add3A_1055 : i32 to index
      %swap3A_1057 = arith.constant 0 : index
      %swap3A_1058 = tpu.vector_load %arg9[%swap3A_1056, %swap3A_1057] {strides = array<i32>} : memref<512x64xf32, #tpu.memory_space<vmem>>, vector<16xf32>,
      tpu.vector_store %arg9[%swap3A_1056, %swap3A_1057], %get3A_1053 {strides = array<i32>} : memref<512x64xf32, #tpu.memory_space<vmem>>, vector<16xf32>,
      %get3A_1059 = arith.constant 6 : i32
      %get3A_1060 = arith.index_cast %get3A_1059 : i32 to index
      %get3A_1061 = arith.index_cast %select_n3A_1048 : i32 to index
      %get3A_1062 = arith.constant 16 : index
      %get3A_1063 = tpu.vector_load %arg8[%get3A_1060, %get3A_1061, %get3A_1062] {strides = array<i32>} : memref<16x8x64xf32, #tpu.memory_space<vmem>>, vector<16xf32>,
      %add3A_1064 = arith.constant 6 : i32
      %add3A_1065 = arith.addi %multiple_of3A, %add3A_1064 : i32
      %swap3A_1066 = arith.index_cast %add3A_1065 : i32 to index
      %swap3A_1067 = arith.constant 16 : index
      %swap3A_1068 = tpu.vector_load %arg9[%swap3A_1066, %swap3A_1067] {strides = array<i32>} : memref<512x64xf32, #tpu.memory_space<vmem>>, vector<16xf32>,
      tpu.vector_store %arg9[%swap3A_1066, %swap3A_1067], %get3A_1063 {strides = array<i32>} : memref<512x64xf32, #tpu.memory_space<vmem>>, vector<16xf32>,
      %get3A_1069 = arith.constant 6 : i32
      %get3A_1070 = arith.index_cast %get3A_1069 : i32 to index
      %get3A_1071 = arith.index_cast %select_n3A_1048 : i32 to index
      %get3A_1072 = arith.constant 32 : index
      %get3A_1073 = tpu.vector_load %arg8[%get3A_1070, %get3A_1071, %get3A_1072] {strides = array<i32>} : memref<16x8x64xf32, #tpu.memory_space<vmem>>, vector<16xf32>,
      %add3A_1074 = arith.constant 6 : i32
      %add3A_1075 = arith.addi %multiple_of3A, %add3A_1074 : i32
      %swap3A_1076 = arith.index_cast %add3A_1075 : i32 to index
      %swap3A_1077 = arith.constant 32 : index
      %swap3A_1078 = tpu.vector_load %arg9[%swap3A_1076, %swap3A_1077] {strides = array<i32>} : memref<512x64xf32, #tpu.memory_space<vmem>>, vector<16xf32>,
      tpu.vector_store %arg9[%swap3A_1076, %swap3A_1077], %get3A_1073 {strides = array<i32>} : memref<512x64xf32, #tpu.memory_space<vmem>>, vector<16xf32>,
      %get3A_1079 = arith.constant 6 : i32
      %get3A_1080 = arith.index_cast %get3A_1079 : i32 to index
      %get3A_1081 = arith.index_cast %select_n3A_1048 : i32 to index
      %get3A_1082 = arith.constant 48 : index
      %get3A_1083 = tpu.vector_load %arg8[%get3A_1080, %get3A_1081, %get3A_1082] {strides = array<i32>} : memref<16x8x64xf32, #tpu.memory_space<vmem>>, vector<16xf32>,
      %add3A_1084 = arith.constant 6 : i32
      %add3A_1085 = arith.addi %multiple_of3A, %add3A_1084 : i32
      %swap3A_1086 = arith.index_cast %add3A_1085 : i32 to index
      %swap3A_1087 = arith.constant 48 : index
      %swap3A_1088 = tpu.vector_load %arg9[%swap3A_1086, %swap3A_1087] {strides = array<i32>} : memref<512x64xf32, #tpu.memory_space<vmem>>, vector<16xf32>,
      tpu.vector_store %arg9[%swap3A_1086, %swap3A_1087], %get3A_1083 {strides = array<i32>} : memref<512x64xf32, #tpu.memory_space<vmem>>, vector<16xf32>,
      %slice3A_1089 = vector.extract_strided_slice %get3A_15 {offsets = [7], sizes = [1], strides = [1]} : vector<16xi32> to vector<1xi32>
      %squeeze3A_1090 = vector.extract %slice3A_1089[0] : i32 from vector<1xi32>
      %jit3A_1091 = arith.constant 8 : i32
      %eq3A_1092 = arith.constant 0 : i32
      %eq3A_1093 = arith.cmpi eq, %jit3A_1091, %eq3A_1092 : i32
      %jit3A_1094 = arith.constant 1 : i32
      %select_n3A_1095 = arith.select %eq3A_1093, %jit3A_1094, %jit3A_1091 : i32
      %rem3A_1096 = arith.remsi %squeeze3A_1090, %select_n3A_1095 : i32
      %ne3A_1097 = arith.constant 0 : i32
      %ne3A_1098 = arith.cmpi ne, %rem3A_1096, %ne3A_1097 : i32
      %lt3A_1099 = arith.constant 0 : i32
      %lt3A_1100 = arith.cmpi slt, %rem3A_1096, %lt3A_1099 : i32
      %lt3A_1101 = arith.constant 0 : i32
      %lt3A_1102 = arith.cmpi slt, %select_n3A_1095, %lt3A_1101 : i32
      %ne3A_1103 = arith.xori %lt3A_1100, %lt3A_1102 : i1
      %and3A_1104 = arith.andi %ne3A_1103, %ne3A_1098 : i1
      %add3A_1105 = arith.addi %rem3A_1096, %select_n3A_1095 : i32
      %select_n3A_1106 = arith.select %and3A_1104, %add3A_1105, %rem3A_1096 : i32
      %get3A_1107 = arith.constant 7 : i32
      %get3A_1108 = arith.index_cast %get3A_1107 : i32 to index
      %get3A_1109 = arith.index_cast %select_n3A_1106 : i32 to index
      %get3A_1110 = arith.constant 0 : index
      %get3A_1111 = tpu.vector_load %arg8[%get3A_1108, %get3A_1109, %get3A_1110] {strides = array<i32>} : memref<16x8x64xf32, #tpu.memory_space<vmem>>, vector<16xf32>,
      %add3A_1112 = arith.constant 7 : i32
      %add3A_1113 = arith.addi %multiple_of3A, %add3A_1112 : i32
      %swap3A_1114 = arith.index_cast %add3A_1113 : i32 to index
      %swap3A_1115 = arith.constant 0 : index
      %swap3A_1116 = tpu.vector_load %arg9[%swap3A_1114, %swap3A_1115] {strides = array<i32>} : memref<512x64xf32, #tpu.memory_space<vmem>>, vector<16xf32>,
      tpu.vector_store %arg9[%swap3A_1114, %swap3A_1115], %get3A_1111 {strides = array<i32>} : memref<512x64xf32, #tpu.memory_space<vmem>>, vector<16xf32>,
      %get3A_1117 = arith.constant 7 : i32
      %get3A_1118 = arith.index_cast %get3A_1117 : i32 to index
      %get3A_1119 = arith.index_cast %select_n3A_1106 : i32 to index
      %get3A_1120 = arith.constant 16 : index
      %get3A_1121 = tpu.vector_load %arg8[%get3A_1118, %get3A_1119, %get3A_1120] {strides = array<i32>} : memref<16x8x64xf32, #tpu.memory_space<vmem>>, vector<16xf32>,
      %add3A_1122 = arith.constant 7 : i32
      %add3A_1123 = arith.addi %multiple_of3A, %add3A_1122 : i32
      %swap3A_1124 = arith.index_cast %add3A_1123 : i32 to index
      %swap3A_1125 = arith.constant 16 : index
      %swap3A_1126 = tpu.vector_load %arg9[%swap3A_1124, %swap3A_1125] {strides = array<i32>} : memref<512x64xf32, #tpu.memory_space<vmem>>, vector<16xf32>,
      tpu.vector_store %arg9[%swap3A_1124, %swap3A_1125], %get3A_1121 {strides = array<i32>} : memref<512x64xf32, #tpu.memory_space<vmem>>, vector<16xf32>,
      %get3A_1127 = arith.constant 7 : i32
      %get3A_1128 = arith.index_cast %get3A_1127 : i32 to index
      %get3A_1129 = arith.index_cast %select_n3A_1106 : i32 to index
      %get3A_1130 = arith.constant 32 : index
      %get3A_1131 = tpu.vector_load %arg8[%get3A_1128, %get3A_1129, %get3A_1130] {strides = array<i32>} : memref<16x8x64xf32, #tpu.memory_space<vmem>>, vector<16xf32>,
      %add3A_1132 = arith.constant 7 : i32
      %add3A_1133 = arith.addi %multiple_of3A, %add3A_1132 : i32
      %swap3A_1134 = arith.index_cast %add3A_1133 : i32 to index
      %swap3A_1135 = arith.constant 32 : index
      %swap3A_1136 = tpu.vector_load %arg9[%swap3A_1134, %swap3A_1135] {strides = array<i32>} : memref<512x64xf32, #tpu.memory_space<vmem>>, vector<16xf32>,
      tpu.vector_store %arg9[%swap3A_1134, %swap3A_1135], %get3A_1131 {strides = array<i32>} : memref<512x64xf32, #tpu.memory_space<vmem>>, vector<16xf32>,
      %get3A_1137 = arith.constant 7 : i32
      %get3A_1138 = arith.index_cast %get3A_1137 : i32 to index
      %get3A_1139 = arith.index_cast %select_n3A_1106 : i32 to index
      %get3A_1140 = arith.constant 48 : index
      %get3A_1141 = tpu.vector_load %arg8[%get3A_1138, %get3A_1139, %get3A_1140] {strides = array<i32>} : memref<16x8x64xf32, #tpu.memory_space<vmem>>, vector<16xf32>,
      %add3A_1142 = arith.constant 7 : i32
      %add3A_1143 = arith.addi %multiple_of3A, %add3A_1142 : i32
      %swap3A_1144 = arith.index_cast %add3A_1143 : i32 to index
      %swap3A_1145 = arith.constant 48 : index
      %swap3A_1146 = tpu.vector_load %arg9[%swap3A_1144, %swap3A_1145] {strides = array<i32>} : memref<512x64xf32, #tpu.memory_space<vmem>>, vector<16xf32>,
      tpu.vector_store %arg9[%swap3A_1144, %swap3A_1145], %get3A_1141 {strides = array<i32>} : memref<512x64xf32, #tpu.memory_space<vmem>>, vector<16xf32>,
      %slice3A_1147 = vector.extract_strided_slice %get3A_15 {offsets = [8], sizes = [1], strides = [1]} : vector<16xi32> to vector<1xi32>
      %squeeze3A_1148 = vector.extract %slice3A_1147[0] : i32 from vector<1xi32>
      %jit3A_1149 = arith.constant 8 : i32
      %eq3A_1150 = arith.constant 0 : i32
      %eq3A_1151 = arith.cmpi eq, %jit3A_1149, %eq3A_1150 : i32
      %jit3A_1152 = arith.constant 1 : i32
      %select_n3A_1153 = arith.select %eq3A_1151, %jit3A_1152, %jit3A_1149 : i32
      %rem3A_1154 = arith.remsi %squeeze3A_1148, %select_n3A_1153 : i32
      %ne3A_1155 = arith.constant 0 : i32
      %ne3A_1156 = arith.cmpi ne, %rem3A_1154, %ne3A_1155 : i32
      %lt3A_1157 = arith.constant 0 : i32
      %lt3A_1158 = arith.cmpi slt, %rem3A_1154, %lt3A_1157 : i32
      %lt3A_1159 = arith.constant 0 : i32
      %lt3A_1160 = arith.cmpi slt, %select_n3A_1153, %lt3A_1159 : i32
      %ne3A_1161 = arith.xori %lt3A_1158, %lt3A_1160 : i1
      %and3A_1162 = arith.andi %ne3A_1161, %ne3A_1156 : i1
      %add3A_1163 = arith.addi %rem3A_1154, %select_n3A_1153 : i32
      %select_n3A_1164 = arith.select %and3A_1162, %add3A_1163, %rem3A_1154 : i32
      %get3A_1165 = arith.constant 8 : i32
      %get3A_1166 = arith.index_cast %get3A_1165 : i32 to index
      %get3A_1167 = arith.index_cast %select_n3A_1164 : i32 to index
      %get3A_1168 = arith.constant 0 : index
      %get3A_1169 = tpu.vector_load %arg8[%get3A_1166, %get3A_1167, %get3A_1168] {strides = array<i32>} : memref<16x8x64xf32, #tpu.memory_space<vmem>>, vector<16xf32>,
      %add3A_1170 = arith.constant 8 : i32
      %add3A_1171 = arith.addi %multiple_of3A, %add3A_1170 : i32
      %swap3A_1172 = arith.index_cast %add3A_1171 : i32 to index
      %swap3A_1173 = arith.constant 0 : index
      %swap3A_1174 = tpu.vector_load %arg9[%swap3A_1172, %swap3A_1173] {strides = array<i32>} : memref<512x64xf32, #tpu.memory_space<vmem>>, vector<16xf32>,
      tpu.vector_store %arg9[%swap3A_1172, %swap3A_1173], %get3A_1169 {strides = array<i32>} : memref<512x64xf32, #tpu.memory_space<vmem>>, vector<16xf32>,
      %get3A_1175 = arith.constant 8 : i32
      %get3A_1176 = arith.index_cast %get3A_1175 : i32 to index
      %get3A_1177 = arith.index_cast %select_n3A_1164 : i32 to index
      %get3A_1178 = arith.constant 16 : index
      %get3A_1179 = tpu.vector_load %arg8[%get3A_1176, %get3A_1177, %get3A_1178] {strides = array<i32>} : memref<16x8x64xf32, #tpu.memory_space<vmem>>, vector<16xf32>,
      %add3A_1180 = arith.constant 8 : i32
      %add3A_1181 = arith.addi %multiple_of3A, %add3A_1180 : i32
      %swap3A_1182 = arith.index_cast %add3A_1181 : i32 to index
      %swap3A_1183 = arith.constant 16 : index
      %swap3A_1184 = tpu.vector_load %arg9[%swap3A_1182, %swap3A_1183] {strides = array<i32>} : memref<512x64xf32, #tpu.memory_space<vmem>>, vector<16xf32>,
      tpu.vector_store %arg9[%swap3A_1182, %swap3A_1183], %get3A_1179 {strides = array<i32>} : memref<512x64xf32, #tpu.memory_space<vmem>>, vector<16xf32>,
      %get3A_1185 = arith.constant 8 : i32
      %get3A_1186 = arith.index_cast %get3A_1185 : i32 to index
      %get3A_1187 = arith.index_cast %select_n3A_1164 : i32 to index
      %get3A_1188 = arith.constant 32 : index
      %get3A_1189 = tpu.vector_load %arg8[%get3A_1186, %get3A_1187, %get3A_1188] {strides = array<i32>} : memref<16x8x64xf32, #tpu.memory_space<vmem>>, vector<16xf32>,
      %add3A_1190 = arith.constant 8 : i32
      %add3A_1191 = arith.addi %multiple_of3A, %add3A_1190 : i32
      %swap3A_1192 = arith.index_cast %add3A_1191 : i32 to index
      %swap3A_1193 = arith.constant 32 : index
      %swap3A_1194 = tpu.vector_load %arg9[%swap3A_1192, %swap3A_1193] {strides = array<i32>} : memref<512x64xf32, #tpu.memory_space<vmem>>, vector<16xf32>,
      tpu.vector_store %arg9[%swap3A_1192, %swap3A_1193], %get3A_1189 {strides = array<i32>} : memref<512x64xf32, #tpu.memory_space<vmem>>, vector<16xf32>,
      %get3A_1195 = arith.constant 8 : i32
      %get3A_1196 = arith.index_cast %get3A_1195 : i32 to index
      %get3A_1197 = arith.index_cast %select_n3A_1164 : i32 to index
      %get3A_1198 = arith.constant 48 : index
      %get3A_1199 = tpu.vector_load %arg8[%get3A_1196, %get3A_1197, %get3A_1198] {strides = array<i32>} : memref<16x8x64xf32, #tpu.memory_space<vmem>>, vector<16xf32>,
      %add3A_1200 = arith.constant 8 : i32
      %add3A_1201 = arith.addi %multiple_of3A, %add3A_1200 : i32
      %swap3A_1202 = arith.index_cast %add3A_1201 : i32 to index
      %swap3A_1203 = arith.constant 48 : index
      %swap3A_1204 = tpu.vector_load %arg9[%swap3A_1202, %swap3A_1203] {strides = array<i32>} : memref<512x64xf32, #tpu.memory_space<vmem>>, vector<16xf32>,
      tpu.vector_store %arg9[%swap3A_1202, %swap3A_1203], %get3A_1199 {strides = array<i32>} : memref<512x64xf32, #tpu.memory_space<vmem>>, vector<16xf32>,
      %slice3A_1205 = vector.extract_strided_slice %get3A_15 {offsets = [9], sizes = [1], strides = [1]} : vector<16xi32> to vector<1xi32>
      %squeeze3A_1206 = vector.extract %slice3A_1205[0] : i32 from vector<1xi32>
      %jit3A_1207 = arith.constant 8 : i32
      %eq3A_1208 = arith.constant 0 : i32
      %eq3A_1209 = arith.cmpi eq, %jit3A_1207, %eq3A_1208 : i32
      %jit3A_1210 = arith.constant 1 : i32
      %select_n3A_1211 = arith.select %eq3A_1209, %jit3A_1210, %jit3A_1207 : i32
      %rem3A_1212 = arith.remsi %squeeze3A_1206, %select_n3A_1211 : i32
      %ne3A_1213 = arith.constant 0 : i32
      %ne3A_1214 = arith.cmpi ne, %rem3A_1212, %ne3A_1213 : i32
      %lt3A_1215 = arith.constant 0 : i32
      %lt3A_1216 = arith.cmpi slt, %rem3A_1212, %lt3A_1215 : i32
      %lt3A_1217 = arith.constant 0 : i32
      %lt3A_1218 = arith.cmpi slt, %select_n3A_1211, %lt3A_1217 : i32
      %ne3A_1219 = arith.xori %lt3A_1216, %lt3A_1218 : i1
      %and3A_1220 = arith.andi %ne3A_1219, %ne3A_1214 : i1
      %add3A_1221 = arith.addi %rem3A_1212, %select_n3A_1211 : i32
      %select_n3A_1222 = arith.select %and3A_1220, %add3A_1221, %rem3A_1212 : i32
      %get3A_1223 = arith.constant 9 : i32
      %get3A_1224 = arith.index_cast %get3A_1223 : i32 to index
      %get3A_1225 = arith.index_cast %select_n3A_1222 : i32 to index
      %get3A_1226 = arith.constant 0 : index
      %get3A_1227 = tpu.vector_load %arg8[%get3A_1224, %get3A_1225, %get3A_1226] {strides = array<i32>} : memref<16x8x64xf32, #tpu.memory_space<vmem>>, vector<16xf32>,
      %add3A_1228 = arith.constant 9 : i32
      %add3A_1229 = arith.addi %multiple_of3A, %add3A_1228 : i32
      %swap3A_1230 = arith.index_cast %add3A_1229 : i32 to index
      %swap3A_1231 = arith.constant 0 : index
      %swap3A_1232 = tpu.vector_load %arg9[%swap3A_1230, %swap3A_1231] {strides = array<i32>} : memref<512x64xf32, #tpu.memory_space<vmem>>, vector<16xf32>,
      tpu.vector_store %arg9[%swap3A_1230, %swap3A_1231], %get3A_1227 {strides = array<i32>} : memref<512x64xf32, #tpu.memory_space<vmem>>, vector<16xf32>,
      %get3A_1233 = arith.constant 9 : i32
      %get3A_1234 = arith.index_cast %get3A_1233 : i32 to index
      %get3A_1235 = arith.index_cast %select_n3A_1222 : i32 to index
      %get3A_1236 = arith.constant 16 : index
      %get3A_1237 = tpu.vector_load %arg8[%get3A_1234, %get3A_1235, %get3A_1236] {strides = array<i32>} : memref<16x8x64xf32, #tpu.memory_space<vmem>>, vector<16xf32>,
      %add3A_1238 = arith.constant 9 : i32
      %add3A_1239 = arith.addi %multiple_of3A, %add3A_1238 : i32
      %swap3A_1240 = arith.index_cast %add3A_1239 : i32 to index
      %swap3A_1241 = arith.constant 16 : index
      %swap3A_1242 = tpu.vector_load %arg9[%swap3A_1240, %swap3A_1241] {strides = array<i32>} : memref<512x64xf32, #tpu.memory_space<vmem>>, vector<16xf32>,
      tpu.vector_store %arg9[%swap3A_1240, %swap3A_1241], %get3A_1237 {strides = array<i32>} : memref<512x64xf32, #tpu.memory_space<vmem>>, vector<16xf32>,
      %get3A_1243 = arith.constant 9 : i32
      %get3A_1244 = arith.index_cast %get3A_1243 : i32 to index
      %get3A_1245 = arith.index_cast %select_n3A_1222 : i32 to index
      %get3A_1246 = arith.constant 32 : index
      %get3A_1247 = tpu.vector_load %arg8[%get3A_1244, %get3A_1245, %get3A_1246] {strides = array<i32>} : memref<16x8x64xf32, #tpu.memory_space<vmem>>, vector<16xf32>,
      %add3A_1248 = arith.constant 9 : i32
      %add3A_1249 = arith.addi %multiple_of3A, %add3A_1248 : i32
      %swap3A_1250 = arith.index_cast %add3A_1249 : i32 to index
      %swap3A_1251 = arith.constant 32 : index
      %swap3A_1252 = tpu.vector_load %arg9[%swap3A_1250, %swap3A_1251] {strides = array<i32>} : memref<512x64xf32, #tpu.memory_space<vmem>>, vector<16xf32>,
      tpu.vector_store %arg9[%swap3A_1250, %swap3A_1251], %get3A_1247 {strides = array<i32>} : memref<512x64xf32, #tpu.memory_space<vmem>>, vector<16xf32>,
      %get3A_1253 = arith.constant 9 : i32
      %get3A_1254 = arith.index_cast %get3A_1253 : i32 to index
      %get3A_1255 = arith.index_cast %select_n3A_1222 : i32 to index
      %get3A_1256 = arith.constant 48 : index
      %get3A_1257 = tpu.vector_load %arg8[%get3A_1254, %get3A_1255, %get3A_1256] {strides = array<i32>} : memref<16x8x64xf32, #tpu.memory_space<vmem>>, vector<16xf32>,
      %add3A_1258 = arith.constant 9 : i32
      %add3A_1259 = arith.addi %multiple_of3A, %add3A_1258 : i32
      %swap3A_1260 = arith.index_cast %add3A_1259 : i32 to index
      %swap3A_1261 = arith.constant 48 : index
      %swap3A_1262 = tpu.vector_load %arg9[%swap3A_1260, %swap3A_1261] {strides = array<i32>} : memref<512x64xf32, #tpu.memory_space<vmem>>, vector<16xf32>,
      tpu.vector_store %arg9[%swap3A_1260, %swap3A_1261], %get3A_1257 {strides = array<i32>} : memref<512x64xf32, #tpu.memory_space<vmem>>, vector<16xf32>,
      %slice3A_1263 = vector.extract_strided_slice %get3A_15 {offsets = [10], sizes = [1], strides = [1]} : vector<16xi32> to vector<1xi32>
      %squeeze3A_1264 = vector.extract %slice3A_1263[0] : i32 from vector<1xi32>
      %jit3A_1265 = arith.constant 8 : i32
      %eq3A_1266 = arith.constant 0 : i32
      %eq3A_1267 = arith.cmpi eq, %jit3A_1265, %eq3A_1266 : i32
      %jit3A_1268 = arith.constant 1 : i32
      %select_n3A_1269 = arith.select %eq3A_1267, %jit3A_1268, %jit3A_1265 : i32
      %rem3A_1270 = arith.remsi %squeeze3A_1264, %select_n3A_1269 : i32
      %ne3A_1271 = arith.constant 0 : i32
      %ne3A_1272 = arith.cmpi ne, %rem3A_1270, %ne3A_1271 : i32
      %lt3A_1273 = arith.constant 0 : i32
      %lt3A_1274 = arith.cmpi slt, %rem3A_1270, %lt3A_1273 : i32
      %lt3A_1275 = arith.constant 0 : i32
      %lt3A_1276 = arith.cmpi slt, %select_n3A_1269, %lt3A_1275 : i32
      %ne3A_1277 = arith.xori %lt3A_1274, %lt3A_1276 : i1
      %and3A_1278 = arith.andi %ne3A_1277, %ne3A_1272 : i1
      %add3A_1279 = arith.addi %rem3A_1270, %select_n3A_1269 : i32
      %select_n3A_1280 = arith.select %and3A_1278, %add3A_1279, %rem3A_1270 : i32
      %get3A_1281 = arith.constant 10 : i32
      %get3A_1282 = arith.index_cast %get3A_1281 : i32 to index
      %get3A_1283 = arith.index_cast %select_n3A_1280 : i32 to index
      %get3A_1284 = arith.constant 0 : index
      %get3A_1285 = tpu.vector_load %arg8[%get3A_1282, %get3A_1283, %get3A_1284] {strides = array<i32>} : memref<16x8x64xf32, #tpu.memory_space<vmem>>, vector<16xf32>,
      %add3A_1286 = arith.constant 10 : i32
      %add3A_1287 = arith.addi %multiple_of3A, %add3A_1286 : i32
      %swap3A_1288 = arith.index_cast %add3A_1287 : i32 to index
      %swap3A_1289 = arith.constant 0 : index
      %swap3A_1290 = tpu.vector_load %arg9[%swap3A_1288, %swap3A_1289] {strides = array<i32>} : memref<512x64xf32, #tpu.memory_space<vmem>>, vector<16xf32>,
      tpu.vector_store %arg9[%swap3A_1288, %swap3A_1289], %get3A_1285 {strides = array<i32>} : memref<512x64xf32, #tpu.memory_space<vmem>>, vector<16xf32>,
      %get3A_1291 = arith.constant 10 : i32
      %get3A_1292 = arith.index_cast %get3A_1291 : i32 to index
      %get3A_1293 = arith.index_cast %select_n3A_1280 : i32 to index
      %get3A_1294 = arith.constant 16 : index
      %get3A_1295 = tpu.vector_load %arg8[%get3A_1292, %get3A_1293, %get3A_1294] {strides = array<i32>} : memref<16x8x64xf32, #tpu.memory_space<vmem>>, vector<16xf32>,
      %add3A_1296 = arith.constant 10 : i32
      %add3A_1297 = arith.addi %multiple_of3A, %add3A_1296 : i32
      %swap3A_1298 = arith.index_cast %add3A_1297 : i32 to index
      %swap3A_1299 = arith.constant 16 : index
      %swap3A_1300 = tpu.vector_load %arg9[%swap3A_1298, %swap3A_1299] {strides = array<i32>} : memref<512x64xf32, #tpu.memory_space<vmem>>, vector<16xf32>,
      tpu.vector_store %arg9[%swap3A_1298, %swap3A_1299], %get3A_1295 {strides = array<i32>} : memref<512x64xf32, #tpu.memory_space<vmem>>, vector<16xf32>,
      %get3A_1301 = arith.constant 10 : i32
      %get3A_1302 = arith.index_cast %get3A_1301 : i32 to index
      %get3A_1303 = arith.index_cast %select_n3A_1280 : i32 to index
      %get3A_1304 = arith.constant 32 : index
      %get3A_1305 = tpu.vector_load %arg8[%get3A_1302, %get3A_1303, %get3A_1304] {strides = array<i32>} : memref<16x8x64xf32, #tpu.memory_space<vmem>>, vector<16xf32>,
      %add3A_1306 = arith.constant 10 : i32
      %add3A_1307 = arith.addi %multiple_of3A, %add3A_1306 : i32
      %swap3A_1308 = arith.index_cast %add3A_1307 : i32 to index
      %swap3A_1309 = arith.constant 32 : index
      %swap3A_1310 = tpu.vector_load %arg9[%swap3A_1308, %swap3A_1309] {strides = array<i32>} : memref<512x64xf32, #tpu.memory_space<vmem>>, vector<16xf32>,
      tpu.vector_store %arg9[%swap3A_1308, %swap3A_1309], %get3A_1305 {strides = array<i32>} : memref<512x64xf32, #tpu.memory_space<vmem>>, vector<16xf32>,
      %get3A_1311 = arith.constant 10 : i32
      %get3A_1312 = arith.index_cast %get3A_1311 : i32 to index
      %get3A_1313 = arith.index_cast %select_n3A_1280 : i32 to index
      %get3A_1314 = arith.constant 48 : index
      %get3A_1315 = tpu.vector_load %arg8[%get3A_1312, %get3A_1313, %get3A_1314] {strides = array<i32>} : memref<16x8x64xf32, #tpu.memory_space<vmem>>, vector<16xf32>,
      %add3A_1316 = arith.constant 10 : i32
      %add3A_1317 = arith.addi %multiple_of3A, %add3A_1316 : i32
      %swap3A_1318 = arith.index_cast %add3A_1317 : i32 to index
      %swap3A_1319 = arith.constant 48 : index
      %swap3A_1320 = tpu.vector_load %arg9[%swap3A_1318, %swap3A_1319] {strides = array<i32>} : memref<512x64xf32, #tpu.memory_space<vmem>>, vector<16xf32>,
      tpu.vector_store %arg9[%swap3A_1318, %swap3A_1319], %get3A_1315 {strides = array<i32>} : memref<512x64xf32, #tpu.memory_space<vmem>>, vector<16xf32>,
      %slice3A_1321 = vector.extract_strided_slice %get3A_15 {offsets = [11], sizes = [1], strides = [1]} : vector<16xi32> to vector<1xi32>
      %squeeze3A_1322 = vector.extract %slice3A_1321[0] : i32 from vector<1xi32>
      %jit3A_1323 = arith.constant 8 : i32
      %eq3A_1324 = arith.constant 0 : i32
      %eq3A_1325 = arith.cmpi eq, %jit3A_1323, %eq3A_1324 : i32
      %jit3A_1326 = arith.constant 1 : i32
      %select_n3A_1327 = arith.select %eq3A_1325, %jit3A_1326, %jit3A_1323 : i32
      %rem3A_1328 = arith.remsi %squeeze3A_1322, %select_n3A_1327 : i32
      %ne3A_1329 = arith.constant 0 : i32
      %ne3A_1330 = arith.cmpi ne, %rem3A_1328, %ne3A_1329 : i32
      %lt3A_1331 = arith.constant 0 : i32
      %lt3A_1332 = arith.cmpi slt, %rem3A_1328, %lt3A_1331 : i32
      %lt3A_1333 = arith.constant 0 : i32
      %lt3A_1334 = arith.cmpi slt, %select_n3A_1327, %lt3A_1333 : i32
      %ne3A_1335 = arith.xori %lt3A_1332, %lt3A_1334 : i1
      %and3A_1336 = arith.andi %ne3A_1335, %ne3A_1330 : i1
      %add3A_1337 = arith.addi %rem3A_1328, %select_n3A_1327 : i32
      %select_n3A_1338 = arith.select %and3A_1336, %add3A_1337, %rem3A_1328 : i32
      %get3A_1339 = arith.constant 11 : i32
      %get3A_1340 = arith.index_cast %get3A_1339 : i32 to index
      %get3A_1341 = arith.index_cast %select_n3A_1338 : i32 to index
      %get3A_1342 = arith.constant 0 : index
      %get3A_1343 = tpu.vector_load %arg8[%get3A_1340, %get3A_1341, %get3A_1342] {strides = array<i32>} : memref<16x8x64xf32, #tpu.memory_space<vmem>>, vector<16xf32>,
      %add3A_1344 = arith.constant 11 : i32
      %add3A_1345 = arith.addi %multiple_of3A, %add3A_1344 : i32
      %swap3A_1346 = arith.index_cast %add3A_1345 : i32 to index
      %swap3A_1347 = arith.constant 0 : index
      %swap3A_1348 = tpu.vector_load %arg9[%swap3A_1346, %swap3A_1347] {strides = array<i32>} : memref<512x64xf32, #tpu.memory_space<vmem>>, vector<16xf32>,
      tpu.vector_store %arg9[%swap3A_1346, %swap3A_1347], %get3A_1343 {strides = array<i32>} : memref<512x64xf32, #tpu.memory_space<vmem>>, vector<16xf32>,
      %get3A_1349 = arith.constant 11 : i32
      %get3A_1350 = arith.index_cast %get3A_1349 : i32 to index
      %get3A_1351 = arith.index_cast %select_n3A_1338 : i32 to index
      %get3A_1352 = arith.constant 16 : index
      %get3A_1353 = tpu.vector_load %arg8[%get3A_1350, %get3A_1351, %get3A_1352] {strides = array<i32>} : memref<16x8x64xf32, #tpu.memory_space<vmem>>, vector<16xf32>,
      %add3A_1354 = arith.constant 11 : i32
      %add3A_1355 = arith.addi %multiple_of3A, %add3A_1354 : i32
      %swap3A_1356 = arith.index_cast %add3A_1355 : i32 to index
      %swap3A_1357 = arith.constant 16 : index
      %swap3A_1358 = tpu.vector_load %arg9[%swap3A_1356, %swap3A_1357] {strides = array<i32>} : memref<512x64xf32, #tpu.memory_space<vmem>>, vector<16xf32>,
      tpu.vector_store %arg9[%swap3A_1356, %swap3A_1357], %get3A_1353 {strides = array<i32>} : memref<512x64xf32, #tpu.memory_space<vmem>>, vector<16xf32>,
      %get3A_1359 = arith.constant 11 : i32
      %get3A_1360 = arith.index_cast %get3A_1359 : i32 to index
      %get3A_1361 = arith.index_cast %select_n3A_1338 : i32 to index
      %get3A_1362 = arith.constant 32 : index
      %get3A_1363 = tpu.vector_load %arg8[%get3A_1360, %get3A_1361, %get3A_1362] {strides = array<i32>} : memref<16x8x64xf32, #tpu.memory_space<vmem>>, vector<16xf32>,
      %add3A_1364 = arith.constant 11 : i32
      %add3A_1365 = arith.addi %multiple_of3A, %add3A_1364 : i32
      %swap3A_1366 = arith.index_cast %add3A_1365 : i32 to index
      %swap3A_1367 = arith.constant 32 : index
      %swap3A_1368 = tpu.vector_load %arg9[%swap3A_1366, %swap3A_1367] {strides = array<i32>} : memref<512x64xf32, #tpu.memory_space<vmem>>, vector<16xf32>,
      tpu.vector_store %arg9[%swap3A_1366, %swap3A_1367], %get3A_1363 {strides = array<i32>} : memref<512x64xf32, #tpu.memory_space<vmem>>, vector<16xf32>,
      %get3A_1369 = arith.constant 11 : i32
      %get3A_1370 = arith.index_cast %get3A_1369 : i32 to index
      %get3A_1371 = arith.index_cast %select_n3A_1338 : i32 to index
      %get3A_1372 = arith.constant 48 : index
      %get3A_1373 = tpu.vector_load %arg8[%get3A_1370, %get3A_1371, %get3A_1372] {strides = array<i32>} : memref<16x8x64xf32, #tpu.memory_space<vmem>>, vector<16xf32>,
      %add3A_1374 = arith.constant 11 : i32
      %add3A_1375 = arith.addi %multiple_of3A, %add3A_1374 : i32
      %swap3A_1376 = arith.index_cast %add3A_1375 : i32 to index
      %swap3A_1377 = arith.constant 48 : index
      %swap3A_1378 = tpu.vector_load %arg9[%swap3A_1376, %swap3A_1377] {strides = array<i32>} : memref<512x64xf32, #tpu.memory_space<vmem>>, vector<16xf32>,
      tpu.vector_store %arg9[%swap3A_1376, %swap3A_1377], %get3A_1373 {strides = array<i32>} : memref<512x64xf32, #tpu.memory_space<vmem>>, vector<16xf32>,
      %slice3A_1379 = vector.extract_strided_slice %get3A_15 {offsets = [12], sizes = [1], strides = [1]} : vector<16xi32> to vector<1xi32>
      %squeeze3A_1380 = vector.extract %slice3A_1379[0] : i32 from vector<1xi32>
      %jit3A_1381 = arith.constant 8 : i32
      %eq3A_1382 = arith.constant 0 : i32
      %eq3A_1383 = arith.cmpi eq, %jit3A_1381, %eq3A_1382 : i32
      %jit3A_1384 = arith.constant 1 : i32
      %select_n3A_1385 = arith.select %eq3A_1383, %jit3A_1384, %jit3A_1381 : i32
      %rem3A_1386 = arith.remsi %squeeze3A_1380, %select_n3A_1385 : i32
      %ne3A_1387 = arith.constant 0 : i32
      %ne3A_1388 = arith.cmpi ne, %rem3A_1386, %ne3A_1387 : i32
      %lt3A_1389 = arith.constant 0 : i32
      %lt3A_1390 = arith.cmpi slt, %rem3A_1386, %lt3A_1389 : i32
      %lt3A_1391 = arith.constant 0 : i32
      %lt3A_1392 = arith.cmpi slt, %select_n3A_1385, %lt3A_1391 : i32
      %ne3A_1393 = arith.xori %lt3A_1390, %lt3A_1392 : i1
      %and3A_1394 = arith.andi %ne3A_1393, %ne3A_1388 : i1
      %add3A_1395 = arith.addi %rem3A_1386, %select_n3A_1385 : i32
      %select_n3A_1396 = arith.select %and3A_1394, %add3A_1395, %rem3A_1386 : i32
      %get3A_1397 = arith.constant 12 : i32
      %get3A_1398 = arith.index_cast %get3A_1397 : i32 to index
      %get3A_1399 = arith.index_cast %select_n3A_1396 : i32 to index
      %get3A_1400 = arith.constant 0 : index
      %get3A_1401 = tpu.vector_load %arg8[%get3A_1398, %get3A_1399, %get3A_1400] {strides = array<i32>} : memref<16x8x64xf32, #tpu.memory_space<vmem>>, vector<16xf32>,
      %add3A_1402 = arith.constant 12 : i32
      %add3A_1403 = arith.addi %multiple_of3A, %add3A_1402 : i32
      %swap3A_1404 = arith.index_cast %add3A_1403 : i32 to index
      %swap3A_1405 = arith.constant 0 : index
      %swap3A_1406 = tpu.vector_load %arg9[%swap3A_1404, %swap3A_1405] {strides = array<i32>} : memref<512x64xf32, #tpu.memory_space<vmem>>, vector<16xf32>,
      tpu.vector_store %arg9[%swap3A_1404, %swap3A_1405], %get3A_1401 {strides = array<i32>} : memref<512x64xf32, #tpu.memory_space<vmem>>, vector<16xf32>,
      %get3A_1407 = arith.constant 12 : i32
      %get3A_1408 = arith.index_cast %get3A_1407 : i32 to index
      %get3A_1409 = arith.index_cast %select_n3A_1396 : i32 to index
      %get3A_1410 = arith.constant 16 : index
      %get3A_1411 = tpu.vector_load %arg8[%get3A_1408, %get3A_1409, %get3A_1410] {strides = array<i32>} : memref<16x8x64xf32, #tpu.memory_space<vmem>>, vector<16xf32>,
      %add3A_1412 = arith.constant 12 : i32
      %add3A_1413 = arith.addi %multiple_of3A, %add3A_1412 : i32
      %swap3A_1414 = arith.index_cast %add3A_1413 : i32 to index
      %swap3A_1415 = arith.constant 16 : index
      %swap3A_1416 = tpu.vector_load %arg9[%swap3A_1414, %swap3A_1415] {strides = array<i32>} : memref<512x64xf32, #tpu.memory_space<vmem>>, vector<16xf32>,
      tpu.vector_store %arg9[%swap3A_1414, %swap3A_1415], %get3A_1411 {strides = array<i32>} : memref<512x64xf32, #tpu.memory_space<vmem>>, vector<16xf32>,
      %get3A_1417 = arith.constant 12 : i32
      %get3A_1418 = arith.index_cast %get3A_1417 : i32 to index
      %get3A_1419 = arith.index_cast %select_n3A_1396 : i32 to index
      %get3A_1420 = arith.constant 32 : index
      %get3A_1421 = tpu.vector_load %arg8[%get3A_1418, %get3A_1419, %get3A_1420] {strides = array<i32>} : memref<16x8x64xf32, #tpu.memory_space<vmem>>, vector<16xf32>,
      %add3A_1422 = arith.constant 12 : i32
      %add3A_1423 = arith.addi %multiple_of3A, %add3A_1422 : i32
      %swap3A_1424 = arith.index_cast %add3A_1423 : i32 to index
      %swap3A_1425 = arith.constant 32 : index
      %swap3A_1426 = tpu.vector_load %arg9[%swap3A_1424, %swap3A_1425] {strides = array<i32>} : memref<512x64xf32, #tpu.memory_space<vmem>>, vector<16xf32>,
      tpu.vector_store %arg9[%swap3A_1424, %swap3A_1425], %get3A_1421 {strides = array<i32>} : memref<512x64xf32, #tpu.memory_space<vmem>>, vector<16xf32>,
      %get3A_1427 = arith.constant 12 : i32
      %get3A_1428 = arith.index_cast %get3A_1427 : i32 to index
      %get3A_1429 = arith.index_cast %select_n3A_1396 : i32 to index
      %get3A_1430 = arith.constant 48 : index
      %get3A_1431 = tpu.vector_load %arg8[%get3A_1428, %get3A_1429, %get3A_1430] {strides = array<i32>} : memref<16x8x64xf32, #tpu.memory_space<vmem>>, vector<16xf32>,
      %add3A_1432 = arith.constant 12 : i32
      %add3A_1433 = arith.addi %multiple_of3A, %add3A_1432 : i32
      %swap3A_1434 = arith.index_cast %add3A_1433 : i32 to index
      %swap3A_1435 = arith.constant 48 : index
      %swap3A_1436 = tpu.vector_load %arg9[%swap3A_1434, %swap3A_1435] {strides = array<i32>} : memref<512x64xf32, #tpu.memory_space<vmem>>, vector<16xf32>,
      tpu.vector_store %arg9[%swap3A_1434, %swap3A_1435], %get3A_1431 {strides = array<i32>} : memref<512x64xf32, #tpu.memory_space<vmem>>, vector<16xf32>,
      %slice3A_1437 = vector.extract_strided_slice %get3A_15 {offsets = [13], sizes = [1], strides = [1]} : vector<16xi32> to vector<1xi32>
      %squeeze3A_1438 = vector.extract %slice3A_1437[0] : i32 from vector<1xi32>
      %jit3A_1439 = arith.constant 8 : i32
      %eq3A_1440 = arith.constant 0 : i32
      %eq3A_1441 = arith.cmpi eq, %jit3A_1439, %eq3A_1440 : i32
      %jit3A_1442 = arith.constant 1 : i32
      %select_n3A_1443 = arith.select %eq3A_1441, %jit3A_1442, %jit3A_1439 : i32
      %rem3A_1444 = arith.remsi %squeeze3A_1438, %select_n3A_1443 : i32
      %ne3A_1445 = arith.constant 0 : i32
      %ne3A_1446 = arith.cmpi ne, %rem3A_1444, %ne3A_1445 : i32
      %lt3A_1447 = arith.constant 0 : i32
      %lt3A_1448 = arith.cmpi slt, %rem3A_1444, %lt3A_1447 : i32
      %lt3A_1449 = arith.constant 0 : i32
      %lt3A_1450 = arith.cmpi slt, %select_n3A_1443, %lt3A_1449 : i32
      %ne3A_1451 = arith.xori %lt3A_1448, %lt3A_1450 : i1
      %and3A_1452 = arith.andi %ne3A_1451, %ne3A_1446 : i1
      %add3A_1453 = arith.addi %rem3A_1444, %select_n3A_1443 : i32
      %select_n3A_1454 = arith.select %and3A_1452, %add3A_1453, %rem3A_1444 : i32
      %get3A_1455 = arith.constant 13 : i32
      %get3A_1456 = arith.index_cast %get3A_1455 : i32 to index
      %get3A_1457 = arith.index_cast %select_n3A_1454 : i32 to index
      %get3A_1458 = arith.constant 0 : index
      %get3A_1459 = tpu.vector_load %arg8[%get3A_1456, %get3A_1457, %get3A_1458] {strides = array<i32>} : memref<16x8x64xf32, #tpu.memory_space<vmem>>, vector<16xf32>,
      %add3A_1460 = arith.constant 13 : i32
      %add3A_1461 = arith.addi %multiple_of3A, %add3A_1460 : i32
      %swap3A_1462 = arith.index_cast %add3A_1461 : i32 to index
      %swap3A_1463 = arith.constant 0 : index
      %swap3A_1464 = tpu.vector_load %arg9[%swap3A_1462, %swap3A_1463] {strides = array<i32>} : memref<512x64xf32, #tpu.memory_space<vmem>>, vector<16xf32>,
      tpu.vector_store %arg9[%swap3A_1462, %swap3A_1463], %get3A_1459 {strides = array<i32>} : memref<512x64xf32, #tpu.memory_space<vmem>>, vector<16xf32>,
      %get3A_1465 = arith.constant 13 : i32
      %get3A_1466 = arith.index_cast %get3A_1465 : i32 to index
      %get3A_1467 = arith.index_cast %select_n3A_1454 : i32 to index
      %get3A_1468 = arith.constant 16 : index
      %get3A_1469 = tpu.vector_load %arg8[%get3A_1466, %get3A_1467, %get3A_1468] {strides = array<i32>} : memref<16x8x64xf32, #tpu.memory_space<vmem>>, vector<16xf32>,
      %add3A_1470 = arith.constant 13 : i32
      %add3A_1471 = arith.addi %multiple_of3A, %add3A_1470 : i32
      %swap3A_1472 = arith.index_cast %add3A_1471 : i32 to index
      %swap3A_1473 = arith.constant 16 : index
      %swap3A_1474 = tpu.vector_load %arg9[%swap3A_1472, %swap3A_1473] {strides = array<i32>} : memref<512x64xf32, #tpu.memory_space<vmem>>, vector<16xf32>,
      tpu.vector_store %arg9[%swap3A_1472, %swap3A_1473], %get3A_1469 {strides = array<i32>} : memref<512x64xf32, #tpu.memory_space<vmem>>, vector<16xf32>,
      %get3A_1475 = arith.constant 13 : i32
      %get3A_1476 = arith.index_cast %get3A_1475 : i32 to index
      %get3A_1477 = arith.index_cast %select_n3A_1454 : i32 to index
      %get3A_1478 = arith.constant 32 : index
      %get3A_1479 = tpu.vector_load %arg8[%get3A_1476, %get3A_1477, %get3A_1478] {strides = array<i32>} : memref<16x8x64xf32, #tpu.memory_space<vmem>>, vector<16xf32>,
      %add3A_1480 = arith.constant 13 : i32
      %add3A_1481 = arith.addi %multiple_of3A, %add3A_1480 : i32
      %swap3A_1482 = arith.index_cast %add3A_1481 : i32 to index
      %swap3A_1483 = arith.constant 32 : index
      %swap3A_1484 = tpu.vector_load %arg9[%swap3A_1482, %swap3A_1483] {strides = array<i32>} : memref<512x64xf32, #tpu.memory_space<vmem>>, vector<16xf32>,
      tpu.vector_store %arg9[%swap3A_1482, %swap3A_1483], %get3A_1479 {strides = array<i32>} : memref<512x64xf32, #tpu.memory_space<vmem>>, vector<16xf32>,
      %get3A_1485 = arith.constant 13 : i32
      %get3A_1486 = arith.index_cast %get3A_1485 : i32 to index
      %get3A_1487 = arith.index_cast %select_n3A_1454 : i32 to index
      %get3A_1488 = arith.constant 48 : index
      %get3A_1489 = tpu.vector_load %arg8[%get3A_1486, %get3A_1487, %get3A_1488] {strides = array<i32>} : memref<16x8x64xf32, #tpu.memory_space<vmem>>, vector<16xf32>,
      %add3A_1490 = arith.constant 13 : i32
      %add3A_1491 = arith.addi %multiple_of3A, %add3A_1490 : i32
      %swap3A_1492 = arith.index_cast %add3A_1491 : i32 to index
      %swap3A_1493 = arith.constant 48 : index
      %swap3A_1494 = tpu.vector_load %arg9[%swap3A_1492, %swap3A_1493] {strides = array<i32>} : memref<512x64xf32, #tpu.memory_space<vmem>>, vector<16xf32>,
      tpu.vector_store %arg9[%swap3A_1492, %swap3A_1493], %get3A_1489 {strides = array<i32>} : memref<512x64xf32, #tpu.memory_space<vmem>>, vector<16xf32>,
      %slice3A_1495 = vector.extract_strided_slice %get3A_15 {offsets = [14], sizes = [1], strides = [1]} : vector<16xi32> to vector<1xi32>
      %squeeze3A_1496 = vector.extract %slice3A_1495[0] : i32 from vector<1xi32>
      %jit3A_1497 = arith.constant 8 : i32
      %eq3A_1498 = arith.constant 0 : i32
      %eq3A_1499 = arith.cmpi eq, %jit3A_1497, %eq3A_1498 : i32
      %jit3A_1500 = arith.constant 1 : i32
      %select_n3A_1501 = arith.select %eq3A_1499, %jit3A_1500, %jit3A_1497 : i32
      %rem3A_1502 = arith.remsi %squeeze3A_1496, %select_n3A_1501 : i32
      %ne3A_1503 = arith.constant 0 : i32
      %ne3A_1504 = arith.cmpi ne, %rem3A_1502, %ne3A_1503 : i32
      %lt3A_1505 = arith.constant 0 : i32
      %lt3A_1506 = arith.cmpi slt, %rem3A_1502, %lt3A_1505 : i32
      %lt3A_1507 = arith.constant 0 : i32
      %lt3A_1508 = arith.cmpi slt, %select_n3A_1501, %lt3A_1507 : i32
      %ne3A_1509 = arith.xori %lt3A_1506, %lt3A_1508 : i1
      %and3A_1510 = arith.andi %ne3A_1509, %ne3A_1504 : i1
      %add3A_1511 = arith.addi %rem3A_1502, %select_n3A_1501 : i32
      %select_n3A_1512 = arith.select %and3A_1510, %add3A_1511, %rem3A_1502 : i32
      %get3A_1513 = arith.constant 14 : i32
      %get3A_1514 = arith.index_cast %get3A_1513 : i32 to index
      %get3A_1515 = arith.index_cast %select_n3A_1512 : i32 to index
      %get3A_1516 = arith.constant 0 : index
      %get3A_1517 = tpu.vector_load %arg8[%get3A_1514, %get3A_1515, %get3A_1516] {strides = array<i32>} : memref<16x8x64xf32, #tpu.memory_space<vmem>>, vector<16xf32>,
      %add3A_1518 = arith.constant 14 : i32
      %add3A_1519 = arith.addi %multiple_of3A, %add3A_1518 : i32
      %swap3A_1520 = arith.index_cast %add3A_1519 : i32 to index
      %swap3A_1521 = arith.constant 0 : index
      %swap3A_1522 = tpu.vector_load %arg9[%swap3A_1520, %swap3A_1521] {strides = array<i32>} : memref<512x64xf32, #tpu.memory_space<vmem>>, vector<16xf32>,
      tpu.vector_store %arg9[%swap3A_1520, %swap3A_1521], %get3A_1517 {strides = array<i32>} : memref<512x64xf32, #tpu.memory_space<vmem>>, vector<16xf32>,
      %get3A_1523 = arith.constant 14 : i32
      %get3A_1524 = arith.index_cast %get3A_1523 : i32 to index
      %get3A_1525 = arith.index_cast %select_n3A_1512 : i32 to index
      %get3A_1526 = arith.constant 16 : index
      %get3A_1527 = tpu.vector_load %arg8[%get3A_1524, %get3A_1525, %get3A_1526] {strides = array<i32>} : memref<16x8x64xf32, #tpu.memory_space<vmem>>, vector<16xf32>,
      %add3A_1528 = arith.constant 14 : i32
      %add3A_1529 = arith.addi %multiple_of3A, %add3A_1528 : i32
      %swap3A_1530 = arith.index_cast %add3A_1529 : i32 to index
      %swap3A_1531 = arith.constant 16 : index
      %swap3A_1532 = tpu.vector_load %arg9[%swap3A_1530, %swap3A_1531] {strides = array<i32>} : memref<512x64xf32, #tpu.memory_space<vmem>>, vector<16xf32>,
      tpu.vector_store %arg9[%swap3A_1530, %swap3A_1531], %get3A_1527 {strides = array<i32>} : memref<512x64xf32, #tpu.memory_space<vmem>>, vector<16xf32>,
      %get3A_1533 = arith.constant 14 : i32
      %get3A_1534 = arith.index_cast %get3A_1533 : i32 to index
      %get3A_1535 = arith.index_cast %select_n3A_1512 : i32 to index
      %get3A_1536 = arith.constant 32 : index
      %get3A_1537 = tpu.vector_load %arg8[%get3A_1534, %get3A_1535, %get3A_1536] {strides = array<i32>} : memref<16x8x64xf32, #tpu.memory_space<vmem>>, vector<16xf32>,
      %add3A_1538 = arith.constant 14 : i32
      %add3A_1539 = arith.addi %multiple_of3A, %add3A_1538 : i32
      %swap3A_1540 = arith.index_cast %add3A_1539 : i32 to index
      %swap3A_1541 = arith.constant 32 : index
      %swap3A_1542 = tpu.vector_load %arg9[%swap3A_1540, %swap3A_1541] {strides = array<i32>} : memref<512x64xf32, #tpu.memory_space<vmem>>, vector<16xf32>,
      tpu.vector_store %arg9[%swap3A_1540, %swap3A_1541], %get3A_1537 {strides = array<i32>} : memref<512x64xf32, #tpu.memory_space<vmem>>, vector<16xf32>,
      %get3A_1543 = arith.constant 14 : i32
      %get3A_1544 = arith.index_cast %get3A_1543 : i32 to index
      %get3A_1545 = arith.index_cast %select_n3A_1512 : i32 to index
      %get3A_1546 = arith.constant 48 : index
      %get3A_1547 = tpu.vector_load %arg8[%get3A_1544, %get3A_1545, %get3A_1546] {strides = array<i32>} : memref<16x8x64xf32, #tpu.memory_space<vmem>>, vector<16xf32>,
      %add3A_1548 = arith.constant 14 : i32
      %add3A_1549 = arith.addi %multiple_of3A, %add3A_1548 : i32
      %swap3A_1550 = arith.index_cast %add3A_1549 : i32 to index
      %swap3A_1551 = arith.constant 48 : index
      %swap3A_1552 = tpu.vector_load %arg9[%swap3A_1550, %swap3A_1551] {strides = array<i32>} : memref<512x64xf32, #tpu.memory_space<vmem>>, vector<16xf32>,
      tpu.vector_store %arg9[%swap3A_1550, %swap3A_1551], %get3A_1547 {strides = array<i32>} : memref<512x64xf32, #tpu.memory_space<vmem>>, vector<16xf32>,
      %slice3A_1553 = vector.extract_strided_slice %get3A_15 {offsets = [15], sizes = [1], strides = [1]} : vector<16xi32> to vector<1xi32>
      %squeeze3A_1554 = vector.extract %slice3A_1553[0] : i32 from vector<1xi32>
      %jit3A_1555 = arith.constant 8 : i32
      %eq3A_1556 = arith.constant 0 : i32
      %eq3A_1557 = arith.cmpi eq, %jit3A_1555, %eq3A_1556 : i32
      %jit3A_1558 = arith.constant 1 : i32
      %select_n3A_1559 = arith.select %eq3A_1557, %jit3A_1558, %jit3A_1555 : i32
      %rem3A_1560 = arith.remsi %squeeze3A_1554, %select_n3A_1559 : i32
      %ne3A_1561 = arith.constant 0 : i32
      %ne3A_1562 = arith.cmpi ne, %rem3A_1560, %ne3A_1561 : i32
      %lt3A_1563 = arith.constant 0 : i32
      %lt3A_1564 = arith.cmpi slt, %rem3A_1560, %lt3A_1563 : i32
      %lt3A_1565 = arith.constant 0 : i32
      %lt3A_1566 = arith.cmpi slt, %select_n3A_1559, %lt3A_1565 : i32
      %ne3A_1567 = arith.xori %lt3A_1564, %lt3A_1566 : i1
      %and3A_1568 = arith.andi %ne3A_1567, %ne3A_1562 : i1
      %add3A_1569 = arith.addi %rem3A_1560, %select_n3A_1559 : i32
      %select_n3A_1570 = arith.select %and3A_1568, %add3A_1569, %rem3A_1560 : i32
      %get3A_1571 = arith.constant 15 : i32
      %get3A_1572 = arith.index_cast %get3A_1571 : i32 to index
      %get3A_1573 = arith.index_cast %select_n3A_1570 : i32 to index
      %get3A_1574 = arith.constant 0 : index
      %get3A_1575 = tpu.vector_load %arg8[%get3A_1572, %get3A_1573, %get3A_1574] {strides = array<i32>} : memref<16x8x64xf32, #tpu.memory_space<vmem>>, vector<16xf32>,
      %add3A_1576 = arith.constant 15 : i32
      %add3A_1577 = arith.addi %multiple_of3A, %add3A_1576 : i32
      %swap3A_1578 = arith.index_cast %add3A_1577 : i32 to index
      %swap3A_1579 = arith.constant 0 : index
      %swap3A_1580 = tpu.vector_load %arg9[%swap3A_1578, %swap3A_1579] {strides = array<i32>} : memref<512x64xf32, #tpu.memory_space<vmem>>, vector<16xf32>,
      tpu.vector_store %arg9[%swap3A_1578, %swap3A_1579], %get3A_1575 {strides = array<i32>} : memref<512x64xf32, #tpu.memory_space<vmem>>, vector<16xf32>,
      %get3A_1581 = arith.constant 15 : i32
      %get3A_1582 = arith.index_cast %get3A_1581 : i32 to index
      %get3A_1583 = arith.index_cast %select_n3A_1570 : i32 to index
      %get3A_1584 = arith.constant 16 : index
      %get3A_1585 = tpu.vector_load %arg8[%get3A_1582, %get3A_1583, %get3A_1584] {strides = array<i32>} : memref<16x8x64xf32, #tpu.memory_space<vmem>>, vector<16xf32>,
      %add3A_1586 = arith.constant 15 : i32
      %add3A_1587 = arith.addi %multiple_of3A, %add3A_1586 : i32
      %swap3A_1588 = arith.index_cast %add3A_1587 : i32 to index
      %swap3A_1589 = arith.constant 16 : index
      %swap3A_1590 = tpu.vector_load %arg9[%swap3A_1588, %swap3A_1589] {strides = array<i32>} : memref<512x64xf32, #tpu.memory_space<vmem>>, vector<16xf32>,
      tpu.vector_store %arg9[%swap3A_1588, %swap3A_1589], %get3A_1585 {strides = array<i32>} : memref<512x64xf32, #tpu.memory_space<vmem>>, vector<16xf32>,
      %get3A_1591 = arith.constant 15 : i32
      %get3A_1592 = arith.index_cast %get3A_1591 : i32 to index
      %get3A_1593 = arith.index_cast %select_n3A_1570 : i32 to index
      %get3A_1594 = arith.constant 32 : index
      %get3A_1595 = tpu.vector_load %arg8[%get3A_1592, %get3A_1593, %get3A_1594] {strides = array<i32>} : memref<16x8x64xf32, #tpu.memory_space<vmem>>, vector<16xf32>,
      %add3A_1596 = arith.constant 15 : i32
      %add3A_1597 = arith.addi %multiple_of3A, %add3A_1596 : i32
      %swap3A_1598 = arith.index_cast %add3A_1597 : i32 to index
      %swap3A_1599 = arith.constant 32 : index
      %swap3A_1600 = tpu.vector_load %arg9[%swap3A_1598, %swap3A_1599] {strides = array<i32>} : memref<512x64xf32, #tpu.memory_space<vmem>>, vector<16xf32>,
      tpu.vector_store %arg9[%swap3A_1598, %swap3A_1599], %get3A_1595 {strides = array<i32>} : memref<512x64xf32, #tpu.memory_space<vmem>>, vector<16xf32>,
      %get3A_1601 = arith.constant 15 : i32
      %get3A_1602 = arith.index_cast %get3A_1601 : i32 to index
      %get3A_1603 = arith.index_cast %select_n3A_1570 : i32 to index
      %get3A_1604 = arith.constant 48 : index
      %get3A_1605 = tpu.vector_load %arg8[%get3A_1602, %get3A_1603, %get3A_1604] {strides = array<i32>} : memref<16x8x64xf32, #tpu.memory_space<vmem>>, vector<16xf32>,
      %add3A_1606 = arith.constant 15 : i32
      %add3A_1607 = arith.addi %multiple_of3A, %add3A_1606 : i32
      %swap3A_1608 = arith.index_cast %add3A_1607 : i32 to index
      %swap3A_1609 = arith.constant 48 : index
      %swap3A_1610 = tpu.vector_load %arg9[%swap3A_1608, %swap3A_1609] {strides = array<i32>} : memref<512x64xf32, #tpu.memory_space<vmem>>, vector<16xf32>,
      tpu.vector_store %arg9[%swap3A_1608, %swap3A_1609], %get3A_1605 {strides = array<i32>} : memref<512x64xf32, #tpu.memory_space<vmem>>, vector<16xf32>,
      %scan3A_1611 = arith.constant 0 : i32
      scf.yield %scan3A_1611 : i32
    }
    %scan3A_9 = arith.constant 32 : i32
    "tpu.region"() ({
      %run_scoped3A = tpu.sem_alloc : memref<!tpu.dma_semaphore, #tpu.memory_space<semaphore_mem>>
      %dma_start3A_11 = arith.constant 0 : i32
      %dma_start3A_12 = tpu.memref_slice %arg5[%mul3A_2, %dma_start3A_11] : memref<16384x64xf32, #tpu.memory_space<hbm>> -> memref<512x64xf32, #tpu.memory_space<hbm>>
      %dma_start3A_13 = arith.constant 0 : i32
      %dma_start3A_14 = tpu.memref_slice %arg5[%mul3A_2, %dma_start3A_13] : memref<16384x64xf32, #tpu.memory_space<hbm>> -> memref<512x64xf32, #tpu.memory_space<hbm>>
      tpu.enqueue_dma source(%arg9 : memref<512x64xf32, #tpu.memory_space<vmem>>) target(%dma_start3A_14 : memref<512x64xf32, #tpu.memory_space<hbm>>) target_semaphore(%run_scoped3A : memref<!tpu.dma_semaphore, #tpu.memory_space<semaphore_mem>>)
      %dma_wait3A_15 = arith.constant 0 : i32
      %dma_wait3A_16 = tpu.memref_slice %arg5[%mul3A_2, %dma_wait3A_15] : memref<16384x64xf32, #tpu.memory_space<hbm>> -> memref<512x64xf32, #tpu.memory_space<hbm>>
      %dma_wait3A_17 = arith.constant 0 : i32
      %dma_wait3A_18 = tpu.memref_slice %arg5[%mul3A_2, %dma_wait3A_17] : memref<16384x64xf32, #tpu.memory_space<hbm>> -> memref<512x64xf32, #tpu.memory_space<hbm>>
      tpu.wait_dma2 semaphore(%run_scoped3A : memref<!tpu.dma_semaphore, #tpu.memory_space<semaphore_mem>>) src(%arg9 : memref<512x64xf32, #tpu.memory_space<vmem>>) dst(%dma_wait3A_18 : memref<512x64xf32, #tpu.memory_space<hbm>>)
      tpu.yield
    }) : () -> ()
    %dma_wait3A = arith.constant 0 : i32
    %dma_wait3A_10 = tpu.memref_slice %arg3[%dma_wait3A] : memref<1000000xi32, #tpu.memory_space<hbm>> -> memref<1000000xi32, #tpu.memory_space<hbm>>
    tpu.wait_indirect_dma semaphore(%arg12 : memref<!tpu.dma_semaphore, #tpu.memory_space<semaphore_mem>>) src(%dma_wait3A_10 : memref<1000000xi32, #tpu.memory_space<hbm>>) dst(%arg11 : memref<512xi32, #tpu.memory_space<vmem>>)
    "tpu.region"() ({
      %run_scoped3A = tpu.sem_alloc : memref<!tpu.dma_semaphore, #tpu.memory_space<semaphore_mem>>
      %dma_start3A_11 = tpu.memref_slice %arg6[%mul3A_2] : memref<16384xi32, #tpu.memory_space<hbm>> -> memref<512xi32, #tpu.memory_space<hbm>>
      %dma_start3A_12 = tpu.memref_slice %arg6[%mul3A_2] : memref<16384xi32, #tpu.memory_space<hbm>> -> memref<512xi32, #tpu.memory_space<hbm>>
      tpu.enqueue_dma source(%arg11 : memref<512xi32, #tpu.memory_space<vmem>>) target(%dma_start3A_12 : memref<512xi32, #tpu.memory_space<hbm>>) target_semaphore(%run_scoped3A : memref<!tpu.dma_semaphore, #tpu.memory_space<semaphore_mem>>)
      %dma_wait3A_13 = tpu.memref_slice %arg6[%mul3A_2] : memref<16384xi32, #tpu.memory_space<hbm>> -> memref<512xi32, #tpu.memory_space<hbm>>
      %dma_wait3A_14 = tpu.memref_slice %arg6[%mul3A_2] : memref<16384xi32, #tpu.memory_space<hbm>> -> memref<512xi32, #tpu.memory_space<hbm>>
      tpu.wait_dma2 semaphore(%run_scoped3A : memref<!tpu.dma_semaphore, #tpu.memory_space<semaphore_mem>>) src(%arg11 : memref<512xi32, #tpu.memory_space<vmem>>) dst(%dma_wait3A_14 : memref<512xi32, #tpu.memory_space<hbm>>)
      tpu.yield
    }) : () -> ()
    return
  }
}

#map = affine_map<(d0, d1) -> (0, 0)>
#map1 = affine_map<(d0, d1) -> (0)>
module attributes {stable_mosaic.version = 14 : i64} {
  func.func @gather(%arg0: i32, %arg1: i32, %arg2: memref<1000000x64xf32, #tpu.memory_space<hbm>>, %arg3: memref<1000000xi32, #tpu.memory_space<hbm>>, %arg4: memref<16384xi32, #tpu.memory_space<hbm>>, %arg5: memref<16384x64xf32, #tpu.memory_space<hbm>>, %arg6: memref<16384xi32, #tpu.memory_space<hbm>>, %arg7: memref<512xi32, #tpu.memory_space<vmem>>, %arg8: memref<16x8x64xf32, #tpu.memory_space<vmem>>, %arg9: memref<512x64xf32, #tpu.memory_space<vmem>>, %arg10: memref<!tpu.dma_semaphore, #tpu.memory_space<semaphore_mem>>, %arg11: memref<512xi32, #tpu.memory_space<vmem>>, %arg12: memref<!tpu.dma_semaphore, #tpu.memory_space<semaphore_mem>>) attributes {dimension_semantics = [#tpu.dimension_semantics<core_parallel>, #tpu.dimension_semantics<subcore_parallel>], iteration_bounds = array<i64: 2, 16>, scalar_prefetch = 0 : i64, scratch_operands = 6 : i64, tpu.core_type = #tpu.core_type<sc_vector_subcore>, window_params = [{transform_indices = #map}, {transform_indices = #map1}, {transform_indices = #map1}, {transform_indices = #map}, {transform_indices = #map1}]} {
    %mul3A = arith.constant 2 : i32
    %mul3A_0 = arith.muli %arg1, %mul3A : i32
    %add3A = arith.addi %mul3A_0, %arg0 : i32
    %mul3A_1 = arith.constant 512 : i32
    %mul3A_2 = arith.muli %add3A, %mul3A_1 : i32
    "tpu.region"() ({
      %run_scoped3A = tpu.sem_alloc : memref<!tpu.dma_semaphore, #tpu.memory_space<semaphore_mem>>
      %dma_start3A_11 = tpu.memref_slice %arg4[%mul3A_2] : memref<16384xi32, #tpu.memory_space<hbm>> -> memref<512xi32, #tpu.memory_space<hbm>>
      %dma_start3A_12 = tpu.memref_slice %arg4[%mul3A_2] : memref<16384xi32, #tpu.memory_space<hbm>> -> memref<512xi32, #tpu.memory_space<hbm>>
      tpu.enqueue_dma source(%dma_start3A_12 : memref<512xi32, #tpu.memory_space<hbm>>) target(%arg7 : memref<512xi32, #tpu.memory_space<vmem>>) target_semaphore(%run_scoped3A : memref<!tpu.dma_semaphore, #tpu.memory_space<semaphore_mem>>)
      %dma_wait3A_13 = tpu.memref_slice %arg4[%mul3A_2] : memref<16384xi32, #tpu.memory_space<hbm>> -> memref<512xi32, #tpu.memory_space<hbm>>
      %dma_wait3A_14 = tpu.memref_slice %arg4[%mul3A_2] : memref<16384xi32, #tpu.memory_space<hbm>> -> memref<512xi32, #tpu.memory_space<hbm>>
      tpu.wait_dma2 semaphore(%run_scoped3A : memref<!tpu.dma_semaphore, #tpu.memory_space<semaphore_mem>>) src(%dma_wait3A_14 : memref<512xi32, #tpu.memory_space<hbm>>) dst(%arg7 : memref<512xi32, #tpu.memory_space<vmem>>)
      tpu.yield
    }) : () -> ()
    %dma_start3A = arith.constant 0 : i32
    %dma_start3A_3 = tpu.memref_slice %arg3[%dma_start3A] : memref<1000000xi32, #tpu.memory_space<hbm>> -> memref<1000000xi32, #tpu.memory_space<hbm>>
    tpu.enqueue_indirect_dma source(%dma_start3A_3 : memref<1000000xi32, #tpu.memory_space<hbm>>) target(%arg11 : memref<512xi32, #tpu.memory_space<vmem>>) offsets(%arg7 : memref<512xi32, #tpu.memory_space<vmem>>) semaphore(%arg12 : memref<!tpu.dma_semaphore, #tpu.memory_space<semaphore_mem>>)
    %scan3A = arith.constant 0 : i32
    %scan3A_4 = arith.constant 0 : i32
    %scan3A_5 = arith.constant 32 : i32
    %scan3A_6 = arith.addi %scan3A_4, %scan3A_5 : i32
    %scan3A_7 = arith.constant 1 : i32
    %scan3A_8 = scf.for %scan3A_11 = %scan3A_4 to %scan3A_6 step %scan3A_7 iter_args(%scan3A_12 = %scan3A) -> (i32)  : i32 {
      %mul3A_13 = arith.constant 16 : i32
      %mul3A_14 = arith.muli %scan3A_11, %mul3A_13 : i32
      %multiple_of3A = tpu.assume_multiple %mul3A_14, 16 : i32
      %get3A = arith.index_cast %multiple_of3A : i32 to index
      %get3A_15 = tpu.vector_load %arg7[%get3A] {strides = array<i32>} : memref<512xi32, #tpu.memory_space<vmem>>, vector<16xi32>,
      %slice3A = vector.extract_strided_slice %get3A_15 {offsets = [0], sizes = [1], strides = [1]} : vector<16xi32> to vector<1xi32>
      %squeeze3A = vector.extract %slice3A[0] : i32 from vector<1xi32>
      %jit3A = arith.constant 8 : i32
      %div3A = arith.divsi %squeeze3A, %jit3A : i32
      %sign3A = arith.constant 0 : i32
      %sign3A_16 = arith.cmpi sgt, %squeeze3A, %sign3A : i32
      %sign3A_17 = arith.extui %sign3A_16 : i1 to i32
      %sign3A_18 = arith.constant 0 : i32
      %sign3A_19 = arith.cmpi slt, %squeeze3A, %sign3A_18 : i32
      %sign3A_20 = arith.extui %sign3A_19 : i1 to i32
      %sign3A_21 = arith.subi %sign3A_17, %sign3A_20 : i32
      %sign3A_22 = arith.constant 0 : i32
      %sign3A_23 = arith.cmpi sgt, %jit3A, %sign3A_22 : i32
      %sign3A_24 = arith.extui %sign3A_23 : i1 to i32
      %sign3A_25 = arith.constant 0 : i32
      %sign3A_26 = arith.cmpi slt, %jit3A, %sign3A_25 : i32
      %sign3A_27 = arith.extui %sign3A_26 : i1 to i32
      %sign3A_28 = arith.subi %sign3A_24, %sign3A_27 : i32
      %ne3A = arith.cmpi ne, %sign3A_21, %sign3A_28 : i32
      %rem3A = arith.remsi %squeeze3A, %jit3A : i32
      %ne3A_29 = arith.constant 0 : i32
      %ne3A_30 = arith.cmpi ne, %rem3A, %ne3A_29 : i32
      %and3A = arith.andi %ne3A, %ne3A_30 : i1
      %sub3A = arith.constant 1 : i32
      %sub3A_31 = arith.subi %div3A, %sub3A : i32
      %select_n3A = arith.select %and3A, %sub3A_31, %div3A : i32
      %mul3A_32 = arith.constant 8 : i32
      %mul3A_33 = arith.muli %select_n3A, %mul3A_32 : i32
      %multiple_of3A_34 = tpu.assume_multiple %mul3A_33, 8 : i32
      %dma_start3A_35 = arith.constant 0 : i32
      %dma_start3A_36 = arith.constant 0 : i32
      %dma_start3A_37 = arith.constant 0 : i32
      %dma_start3A_38 = tpu.memref_slice %arg8[%dma_start3A_35, %dma_start3A_36, %dma_start3A_37] : memref<16x8x64xf32, #tpu.memory_space<vmem>> -> memref<1x8x64xf32, #tpu.memory_space<vmem>>
      %dma_start3A_39 = tpu.memref_squeeze %dma_start3A_38 : memref<1x8x64xf32, #tpu.memory_space<vmem>> -> memref<8x64xf32, #tpu.memory_space<vmem>>
      %dma_start3A_40 = arith.constant 0 : i32
      %dma_start3A_41 = tpu.memref_slice %arg2[%multiple_of3A_34, %dma_start3A_40] : memref<1000000x64xf32, #tpu.memory_space<hbm>> -> memref<8x64xf32, #tpu.memory_space<hbm>>
      %dma_start3A_42 = arith.constant 0 : i32
      %dma_start3A_43 = arith.constant 0 : i32
      %dma_start3A_44 = tpu.memref_slice %arg8[%dma_start3A_35, %dma_start3A_42, %dma_start3A_43] : memref<16x8x64xf32, #tpu.memory_space<vmem>> -> memref<1x8x64xf32, #tpu.memory_space<vmem>>
      %dma_start3A_45 = tpu.memref_squeeze %dma_start3A_44 : memref<1x8x64xf32, #tpu.memory_space<vmem>> -> memref<8x64xf32, #tpu.memory_space<vmem>>
      %dma_start3A_46 = arith.constant 0 : i32
      %dma_start3A_47 = tpu.memref_slice %arg2[%multiple_of3A_34, %dma_start3A_46] : memref<1000000x64xf32, #tpu.memory_space<hbm>> -> memref<8x64xf32, #tpu.memory_space<hbm>>
      tpu.enqueue_dma source(%dma_start3A_47 : memref<8x64xf32, #tpu.memory_space<hbm>>) target(%dma_start3A_45 : memref<8x64xf32, #tpu.memory_space<vmem>>) target_semaphore(%arg10 : memref<!tpu.dma_semaphore, #tpu.memory_space<semaphore_mem>>)
      %slice3A_48 = vector.extract_strided_slice %get3A_15 {offsets = [1], sizes = [1], strides = [1]} : vector<16xi32> to vector<1xi32>
      %squeeze3A_49 = vector.extract %slice3A_48[0] : i32 from vector<1xi32>
      %jit3A_50 = arith.constant 8 : i32
      %div3A_51 = arith.divsi %squeeze3A_49, %jit3A_50 : i32
      %sign3A_52 = arith.constant 0 : i32
      %sign3A_53 = arith.cmpi sgt, %squeeze3A_49, %sign3A_52 : i32
      %sign3A_54 = arith.extui %sign3A_53 : i1 to i32
      %sign3A_55 = arith.constant 0 : i32
      %sign3A_56 = arith.cmpi slt, %squeeze3A_49, %sign3A_55 : i32
      %sign3A_57 = arith.extui %sign3A_56 : i1 to i32
      %sign3A_58 = arith.subi %sign3A_54, %sign3A_57 : i32
      %sign3A_59 = arith.constant 0 : i32
      %sign3A_60 = arith.cmpi sgt, %jit3A_50, %sign3A_59 : i32
      %sign3A_61 = arith.extui %sign3A_60 : i1 to i32
      %sign3A_62 = arith.constant 0 : i32
      %sign3A_63 = arith.cmpi slt, %jit3A_50, %sign3A_62 : i32
      %sign3A_64 = arith.extui %sign3A_63 : i1 to i32
      %sign3A_65 = arith.subi %sign3A_61, %sign3A_64 : i32
      %ne3A_66 = arith.cmpi ne, %sign3A_58, %sign3A_65 : i32
      %rem3A_67 = arith.remsi %squeeze3A_49, %jit3A_50 : i32
      %ne3A_68 = arith.constant 0 : i32
      %ne3A_69 = arith.cmpi ne, %rem3A_67, %ne3A_68 : i32
      %and3A_70 = arith.andi %ne3A_66, %ne3A_69 : i1
      %sub3A_71 = arith.constant 1 : i32
      %sub3A_72 = arith.subi %div3A_51, %sub3A_71 : i32
      %select_n3A_73 = arith.select %and3A_70, %sub3A_72, %div3A_51 : i32
      %mul3A_74 = arith.constant 8 : i32
      %mul3A_75 = arith.muli %select_n3A_73, %mul3A_74 : i32
      %multiple_of3A_76 = tpu.assume_multiple %mul3A_75, 8 : i32
      %dma_start3A_77 = arith.constant 1 : i32
      %dma_start3A_78 = arith.constant 0 : i32
      %dma_start3A_79 = arith.constant 0 : i32
      %dma_start3A_80 = tpu.memref_slice %arg8[%dma_start3A_77, %dma_start3A_78, %dma_start3A_79] : memref<16x8x64xf32, #tpu.memory_space<vmem>> -> memref<1x8x64xf32, #tpu.memory_space<vmem>>
      %dma_start3A_81 = tpu.memref_squeeze %dma_start3A_80 : memref<1x8x64xf32, #tpu.memory_space<vmem>> -> memref<8x64xf32, #tpu.memory_space<vmem>>
      %dma_start3A_82 = arith.constant 0 : i32
      %dma_start3A_83 = tpu.memref_slice %arg2[%multiple_of3A_76, %dma_start3A_82] : memref<1000000x64xf32, #tpu.memory_space<hbm>> -> memref<8x64xf32, #tpu.memory_space<hbm>>
      %dma_start3A_84 = arith.constant 0 : i32
      %dma_start3A_85 = arith.constant 0 : i32
      %dma_start3A_86 = tpu.memref_slice %arg8[%dma_start3A_77, %dma_start3A_84, %dma_start3A_85] : memref<16x8x64xf32, #tpu.memory_space<vmem>> -> memref<1x8x64xf32, #tpu.memory_space<vmem>>
      %dma_start3A_87 = tpu.memref_squeeze %dma_start3A_86 : memref<1x8x64xf32, #tpu.memory_space<vmem>> -> memref<8x64xf32, #tpu.memory_space<vmem>>
      %dma_start3A_88 = arith.constant 0 : i32
      %dma_start3A_89 = tpu.memref_slice %arg2[%multiple_of3A_76, %dma_start3A_88] : memref<1000000x64xf32, #tpu.memory_space<hbm>> -> memref<8x64xf32, #tpu.memory_space<hbm>>
      tpu.enqueue_dma source(%dma_start3A_89 : memref<8x64xf32, #tpu.memory_space<hbm>>) target(%dma_start3A_87 : memref<8x64xf32, #tpu.memory_space<vmem>>) target_semaphore(%arg10 : memref<!tpu.dma_semaphore, #tpu.memory_space<semaphore_mem>>)
      %slice3A_90 = vector.extract_strided_slice %get3A_15 {offsets = [2], sizes = [1], strides = [1]} : vector<16xi32> to vector<1xi32>
      %squeeze3A_91 = vector.extract %slice3A_90[0] : i32 from vector<1xi32>
      %jit3A_92 = arith.constant 8 : i32
      %div3A_93 = arith.divsi %squeeze3A_91, %jit3A_92 : i32
      %sign3A_94 = arith.constant 0 : i32
      %sign3A_95 = arith.cmpi sgt, %squeeze3A_91, %sign3A_94 : i32
      %sign3A_96 = arith.extui %sign3A_95 : i1 to i32
      %sign3A_97 = arith.constant 0 : i32
      %sign3A_98 = arith.cmpi slt, %squeeze3A_91, %sign3A_97 : i32
      %sign3A_99 = arith.extui %sign3A_98 : i1 to i32
      %sign3A_100 = arith.subi %sign3A_96, %sign3A_99 : i32
      %sign3A_101 = arith.constant 0 : i32
      %sign3A_102 = arith.cmpi sgt, %jit3A_92, %sign3A_101 : i32
      %sign3A_103 = arith.extui %sign3A_102 : i1 to i32
      %sign3A_104 = arith.constant 0 : i32
      %sign3A_105 = arith.cmpi slt, %jit3A_92, %sign3A_104 : i32
      %sign3A_106 = arith.extui %sign3A_105 : i1 to i32
      %sign3A_107 = arith.subi %sign3A_103, %sign3A_106 : i32
      %ne3A_108 = arith.cmpi ne, %sign3A_100, %sign3A_107 : i32
      %rem3A_109 = arith.remsi %squeeze3A_91, %jit3A_92 : i32
      %ne3A_110 = arith.constant 0 : i32
      %ne3A_111 = arith.cmpi ne, %rem3A_109, %ne3A_110 : i32
      %and3A_112 = arith.andi %ne3A_108, %ne3A_111 : i1
      %sub3A_113 = arith.constant 1 : i32
      %sub3A_114 = arith.subi %div3A_93, %sub3A_113 : i32
      %select_n3A_115 = arith.select %and3A_112, %sub3A_114, %div3A_93 : i32
      %mul3A_116 = arith.constant 8 : i32
      %mul3A_117 = arith.muli %select_n3A_115, %mul3A_116 : i32
      %multiple_of3A_118 = tpu.assume_multiple %mul3A_117, 8 : i32
      %dma_start3A_119 = arith.constant 2 : i32
      %dma_start3A_120 = arith.constant 0 : i32
      %dma_start3A_121 = arith.constant 0 : i32
      %dma_start3A_122 = tpu.memref_slice %arg8[%dma_start3A_119, %dma_start3A_120, %dma_start3A_121] : memref<16x8x64xf32, #tpu.memory_space<vmem>> -> memref<1x8x64xf32, #tpu.memory_space<vmem>>
      %dma_start3A_123 = tpu.memref_squeeze %dma_start3A_122 : memref<1x8x64xf32, #tpu.memory_space<vmem>> -> memref<8x64xf32, #tpu.memory_space<vmem>>
      %dma_start3A_124 = arith.constant 0 : i32
      %dma_start3A_125 = tpu.memref_slice %arg2[%multiple_of3A_118, %dma_start3A_124] : memref<1000000x64xf32, #tpu.memory_space<hbm>> -> memref<8x64xf32, #tpu.memory_space<hbm>>
      %dma_start3A_126 = arith.constant 0 : i32
      %dma_start3A_127 = arith.constant 0 : i32
      %dma_start3A_128 = tpu.memref_slice %arg8[%dma_start3A_119, %dma_start3A_126, %dma_start3A_127] : memref<16x8x64xf32, #tpu.memory_space<vmem>> -> memref<1x8x64xf32, #tpu.memory_space<vmem>>
      %dma_start3A_129 = tpu.memref_squeeze %dma_start3A_128 : memref<1x8x64xf32, #tpu.memory_space<vmem>> -> memref<8x64xf32, #tpu.memory_space<vmem>>
      %dma_start3A_130 = arith.constant 0 : i32
      %dma_start3A_131 = tpu.memref_slice %arg2[%multiple_of3A_118, %dma_start3A_130] : memref<1000000x64xf32, #tpu.memory_space<hbm>> -> memref<8x64xf32, #tpu.memory_space<hbm>>
      tpu.enqueue_dma source(%dma_start3A_131 : memref<8x64xf32, #tpu.memory_space<hbm>>) target(%dma_start3A_129 : memref<8x64xf32, #tpu.memory_space<vmem>>) target_semaphore(%arg10 : memref<!tpu.dma_semaphore, #tpu.memory_space<semaphore_mem>>)
      %slice3A_132 = vector.extract_strided_slice %get3A_15 {offsets = [3], sizes = [1], strides = [1]} : vector<16xi32> to vector<1xi32>
      %squeeze3A_133 = vector.extract %slice3A_132[0] : i32 from vector<1xi32>
      %jit3A_134 = arith.constant 8 : i32
      %div3A_135 = arith.divsi %squeeze3A_133, %jit3A_134 : i32
      %sign3A_136 = arith.constant 0 : i32
      %sign3A_137 = arith.cmpi sgt, %squeeze3A_133, %sign3A_136 : i32
      %sign3A_138 = arith.extui %sign3A_137 : i1 to i32
      %sign3A_139 = arith.constant 0 : i32
      %sign3A_140 = arith.cmpi slt, %squeeze3A_133, %sign3A_139 : i32
      %sign3A_141 = arith.extui %sign3A_140 : i1 to i32
      %sign3A_142 = arith.subi %sign3A_138, %sign3A_141 : i32
      %sign3A_143 = arith.constant 0 : i32
      %sign3A_144 = arith.cmpi sgt, %jit3A_134, %sign3A_143 : i32
      %sign3A_145 = arith.extui %sign3A_144 : i1 to i32
      %sign3A_146 = arith.constant 0 : i32
      %sign3A_147 = arith.cmpi slt, %jit3A_134, %sign3A_146 : i32
      %sign3A_148 = arith.extui %sign3A_147 : i1 to i32
      %sign3A_149 = arith.subi %sign3A_145, %sign3A_148 : i32
      %ne3A_150 = arith.cmpi ne, %sign3A_142, %sign3A_149 : i32
      %rem3A_151 = arith.remsi %squeeze3A_133, %jit3A_134 : i32
      %ne3A_152 = arith.constant 0 : i32
      %ne3A_153 = arith.cmpi ne, %rem3A_151, %ne3A_152 : i32
      %and3A_154 = arith.andi %ne3A_150, %ne3A_153 : i1
      %sub3A_155 = arith.constant 1 : i32
      %sub3A_156 = arith.subi %div3A_135, %sub3A_155 : i32
      %select_n3A_157 = arith.select %and3A_154, %sub3A_156, %div3A_135 : i32
      %mul3A_158 = arith.constant 8 : i32
      %mul3A_159 = arith.muli %select_n3A_157, %mul3A_158 : i32
      %multiple_of3A_160 = tpu.assume_multiple %mul3A_159, 8 : i32
      %dma_start3A_161 = arith.constant 3 : i32
      %dma_start3A_162 = arith.constant 0 : i32
      %dma_start3A_163 = arith.constant 0 : i32
      %dma_start3A_164 = tpu.memref_slice %arg8[%dma_start3A_161, %dma_start3A_162, %dma_start3A_163] : memref<16x8x64xf32, #tpu.memory_space<vmem>> -> memref<1x8x64xf32, #tpu.memory_space<vmem>>
      %dma_start3A_165 = tpu.memref_squeeze %dma_start3A_164 : memref<1x8x64xf32, #tpu.memory_space<vmem>> -> memref<8x64xf32, #tpu.memory_space<vmem>>
      %dma_start3A_166 = arith.constant 0 : i32
      %dma_start3A_167 = tpu.memref_slice %arg2[%multiple_of3A_160, %dma_start3A_166] : memref<1000000x64xf32, #tpu.memory_space<hbm>> -> memref<8x64xf32, #tpu.memory_space<hbm>>
      %dma_start3A_168 = arith.constant 0 : i32
      %dma_start3A_169 = arith.constant 0 : i32
      %dma_start3A_170 = tpu.memref_slice %arg8[%dma_start3A_161, %dma_start3A_168, %dma_start3A_169] : memref<16x8x64xf32, #tpu.memory_space<vmem>> -> memref<1x8x64xf32, #tpu.memory_space<vmem>>
      %dma_start3A_171 = tpu.memref_squeeze %dma_start3A_170 : memref<1x8x64xf32, #tpu.memory_space<vmem>> -> memref<8x64xf32, #tpu.memory_space<vmem>>
      %dma_start3A_172 = arith.constant 0 : i32
      %dma_start3A_173 = tpu.memref_slice %arg2[%multiple_of3A_160, %dma_start3A_172] : memref<1000000x64xf32, #tpu.memory_space<hbm>> -> memref<8x64xf32, #tpu.memory_space<hbm>>
      tpu.enqueue_dma source(%dma_start3A_173 : memref<8x64xf32, #tpu.memory_space<hbm>>) target(%dma_start3A_171 : memref<8x64xf32, #tpu.memory_space<vmem>>) target_semaphore(%arg10 : memref<!tpu.dma_semaphore, #tpu.memory_space<semaphore_mem>>)
      %slice3A_174 = vector.extract_strided_slice %get3A_15 {offsets = [4], sizes = [1], strides = [1]} : vector<16xi32> to vector<1xi32>
      %squeeze3A_175 = vector.extract %slice3A_174[0] : i32 from vector<1xi32>
      %jit3A_176 = arith.constant 8 : i32
      %div3A_177 = arith.divsi %squeeze3A_175, %jit3A_176 : i32
      %sign3A_178 = arith.constant 0 : i32
      %sign3A_179 = arith.cmpi sgt, %squeeze3A_175, %sign3A_178 : i32
      %sign3A_180 = arith.extui %sign3A_179 : i1 to i32
      %sign3A_181 = arith.constant 0 : i32
      %sign3A_182 = arith.cmpi slt, %squeeze3A_175, %sign3A_181 : i32
      %sign3A_183 = arith.extui %sign3A_182 : i1 to i32
      %sign3A_184 = arith.subi %sign3A_180, %sign3A_183 : i32
      %sign3A_185 = arith.constant 0 : i32
      %sign3A_186 = arith.cmpi sgt, %jit3A_176, %sign3A_185 : i32
      %sign3A_187 = arith.extui %sign3A_186 : i1 to i32
      %sign3A_188 = arith.constant 0 : i32
      %sign3A_189 = arith.cmpi slt, %jit3A_176, %sign3A_188 : i32
      %sign3A_190 = arith.extui %sign3A_189 : i1 to i32
      %sign3A_191 = arith.subi %sign3A_187, %sign3A_190 : i32
      %ne3A_192 = arith.cmpi ne, %sign3A_184, %sign3A_191 : i32
      %rem3A_193 = arith.remsi %squeeze3A_175, %jit3A_176 : i32
      %ne3A_194 = arith.constant 0 : i32
      %ne3A_195 = arith.cmpi ne, %rem3A_193, %ne3A_194 : i32
      %and3A_196 = arith.andi %ne3A_192, %ne3A_195 : i1
      %sub3A_197 = arith.constant 1 : i32
      %sub3A_198 = arith.subi %div3A_177, %sub3A_197 : i32
      %select_n3A_199 = arith.select %and3A_196, %sub3A_198, %div3A_177 : i32
      %mul3A_200 = arith.constant 8 : i32
      %mul3A_201 = arith.muli %select_n3A_199, %mul3A_200 : i32
      %multiple_of3A_202 = tpu.assume_multiple %mul3A_201, 8 : i32
      %dma_start3A_203 = arith.constant 4 : i32
      %dma_start3A_204 = arith.constant 0 : i32
      %dma_start3A_205 = arith.constant 0 : i32
      %dma_start3A_206 = tpu.memref_slice %arg8[%dma_start3A_203, %dma_start3A_204, %dma_start3A_205] : memref<16x8x64xf32, #tpu.memory_space<vmem>> -> memref<1x8x64xf32, #tpu.memory_space<vmem>>
      %dma_start3A_207 = tpu.memref_squeeze %dma_start3A_206 : memref<1x8x64xf32, #tpu.memory_space<vmem>> -> memref<8x64xf32, #tpu.memory_space<vmem>>
      %dma_start3A_208 = arith.constant 0 : i32
      %dma_start3A_209 = tpu.memref_slice %arg2[%multiple_of3A_202, %dma_start3A_208] : memref<1000000x64xf32, #tpu.memory_space<hbm>> -> memref<8x64xf32, #tpu.memory_space<hbm>>
      %dma_start3A_210 = arith.constant 0 : i32
      %dma_start3A_211 = arith.constant 0 : i32
      %dma_start3A_212 = tpu.memref_slice %arg8[%dma_start3A_203, %dma_start3A_210, %dma_start3A_211] : memref<16x8x64xf32, #tpu.memory_space<vmem>> -> memref<1x8x64xf32, #tpu.memory_space<vmem>>
      %dma_start3A_213 = tpu.memref_squeeze %dma_start3A_212 : memref<1x8x64xf32, #tpu.memory_space<vmem>> -> memref<8x64xf32, #tpu.memory_space<vmem>>
      %dma_start3A_214 = arith.constant 0 : i32
      %dma_start3A_215 = tpu.memref_slice %arg2[%multiple_of3A_202, %dma_start3A_214] : memref<1000000x64xf32, #tpu.memory_space<hbm>> -> memref<8x64xf32, #tpu.memory_space<hbm>>
      tpu.enqueue_dma source(%dma_start3A_215 : memref<8x64xf32, #tpu.memory_space<hbm>>) target(%dma_start3A_213 : memref<8x64xf32, #tpu.memory_space<vmem>>) target_semaphore(%arg10 : memref<!tpu.dma_semaphore, #tpu.memory_space<semaphore_mem>>)
      %slice3A_216 = vector.extract_strided_slice %get3A_15 {offsets = [5], sizes = [1], strides = [1]} : vector<16xi32> to vector<1xi32>
      %squeeze3A_217 = vector.extract %slice3A_216[0] : i32 from vector<1xi32>
      %jit3A_218 = arith.constant 8 : i32
      %div3A_219 = arith.divsi %squeeze3A_217, %jit3A_218 : i32
      %sign3A_220 = arith.constant 0 : i32
      %sign3A_221 = arith.cmpi sgt, %squeeze3A_217, %sign3A_220 : i32
      %sign3A_222 = arith.extui %sign3A_221 : i1 to i32
      %sign3A_223 = arith.constant 0 : i32
      %sign3A_224 = arith.cmpi slt, %squeeze3A_217, %sign3A_223 : i32
      %sign3A_225 = arith.extui %sign3A_224 : i1 to i32
      %sign3A_226 = arith.subi %sign3A_222, %sign3A_225 : i32
      %sign3A_227 = arith.constant 0 : i32
      %sign3A_228 = arith.cmpi sgt, %jit3A_218, %sign3A_227 : i32
      %sign3A_229 = arith.extui %sign3A_228 : i1 to i32
      %sign3A_230 = arith.constant 0 : i32
      %sign3A_231 = arith.cmpi slt, %jit3A_218, %sign3A_230 : i32
      %sign3A_232 = arith.extui %sign3A_231 : i1 to i32
      %sign3A_233 = arith.subi %sign3A_229, %sign3A_232 : i32
      %ne3A_234 = arith.cmpi ne, %sign3A_226, %sign3A_233 : i32
      %rem3A_235 = arith.remsi %squeeze3A_217, %jit3A_218 : i32
      %ne3A_236 = arith.constant 0 : i32
      %ne3A_237 = arith.cmpi ne, %rem3A_235, %ne3A_236 : i32
      %and3A_238 = arith.andi %ne3A_234, %ne3A_237 : i1
      %sub3A_239 = arith.constant 1 : i32
      %sub3A_240 = arith.subi %div3A_219, %sub3A_239 : i32
      %select_n3A_241 = arith.select %and3A_238, %sub3A_240, %div3A_219 : i32
      %mul3A_242 = arith.constant 8 : i32
      %mul3A_243 = arith.muli %select_n3A_241, %mul3A_242 : i32
      %multiple_of3A_244 = tpu.assume_multiple %mul3A_243, 8 : i32
      %dma_start3A_245 = arith.constant 5 : i32
      %dma_start3A_246 = arith.constant 0 : i32
      %dma_start3A_247 = arith.constant 0 : i32
      %dma_start3A_248 = tpu.memref_slice %arg8[%dma_start3A_245, %dma_start3A_246, %dma_start3A_247] : memref<16x8x64xf32, #tpu.memory_space<vmem>> -> memref<1x8x64xf32, #tpu.memory_space<vmem>>
      %dma_start3A_249 = tpu.memref_squeeze %dma_start3A_248 : memref<1x8x64xf32, #tpu.memory_space<vmem>> -> memref<8x64xf32, #tpu.memory_space<vmem>>
      %dma_start3A_250 = arith.constant 0 : i32
      %dma_start3A_251 = tpu.memref_slice %arg2[%multiple_of3A_244, %dma_start3A_250] : memref<1000000x64xf32, #tpu.memory_space<hbm>> -> memref<8x64xf32, #tpu.memory_space<hbm>>
      %dma_start3A_252 = arith.constant 0 : i32
      %dma_start3A_253 = arith.constant 0 : i32
      %dma_start3A_254 = tpu.memref_slice %arg8[%dma_start3A_245, %dma_start3A_252, %dma_start3A_253] : memref<16x8x64xf32, #tpu.memory_space<vmem>> -> memref<1x8x64xf32, #tpu.memory_space<vmem>>
      %dma_start3A_255 = tpu.memref_squeeze %dma_start3A_254 : memref<1x8x64xf32, #tpu.memory_space<vmem>> -> memref<8x64xf32, #tpu.memory_space<vmem>>
      %dma_start3A_256 = arith.constant 0 : i32
      %dma_start3A_257 = tpu.memref_slice %arg2[%multiple_of3A_244, %dma_start3A_256] : memref<1000000x64xf32, #tpu.memory_space<hbm>> -> memref<8x64xf32, #tpu.memory_space<hbm>>
      tpu.enqueue_dma source(%dma_start3A_257 : memref<8x64xf32, #tpu.memory_space<hbm>>) target(%dma_start3A_255 : memref<8x64xf32, #tpu.memory_space<vmem>>) target_semaphore(%arg10 : memref<!tpu.dma_semaphore, #tpu.memory_space<semaphore_mem>>)
      %slice3A_258 = vector.extract_strided_slice %get3A_15 {offsets = [6], sizes = [1], strides = [1]} : vector<16xi32> to vector<1xi32>
      %squeeze3A_259 = vector.extract %slice3A_258[0] : i32 from vector<1xi32>
      %jit3A_260 = arith.constant 8 : i32
      %div3A_261 = arith.divsi %squeeze3A_259, %jit3A_260 : i32
      %sign3A_262 = arith.constant 0 : i32
      %sign3A_263 = arith.cmpi sgt, %squeeze3A_259, %sign3A_262 : i32
      %sign3A_264 = arith.extui %sign3A_263 : i1 to i32
      %sign3A_265 = arith.constant 0 : i32
      %sign3A_266 = arith.cmpi slt, %squeeze3A_259, %sign3A_265 : i32
      %sign3A_267 = arith.extui %sign3A_266 : i1 to i32
      %sign3A_268 = arith.subi %sign3A_264, %sign3A_267 : i32
      %sign3A_269 = arith.constant 0 : i32
      %sign3A_270 = arith.cmpi sgt, %jit3A_260, %sign3A_269 : i32
      %sign3A_271 = arith.extui %sign3A_270 : i1 to i32
      %sign3A_272 = arith.constant 0 : i32
      %sign3A_273 = arith.cmpi slt, %jit3A_260, %sign3A_272 : i32
      %sign3A_274 = arith.extui %sign3A_273 : i1 to i32
      %sign3A_275 = arith.subi %sign3A_271, %sign3A_274 : i32
      %ne3A_276 = arith.cmpi ne, %sign3A_268, %sign3A_275 : i32
      %rem3A_277 = arith.remsi %squeeze3A_259, %jit3A_260 : i32
      %ne3A_278 = arith.constant 0 : i32
      %ne3A_279 = arith.cmpi ne, %rem3A_277, %ne3A_278 : i32
      %and3A_280 = arith.andi %ne3A_276, %ne3A_279 : i1
      %sub3A_281 = arith.constant 1 : i32
      %sub3A_282 = arith.subi %div3A_261, %sub3A_281 : i32
      %select_n3A_283 = arith.select %and3A_280, %sub3A_282, %div3A_261 : i32
      %mul3A_284 = arith.constant 8 : i32
      %mul3A_285 = arith.muli %select_n3A_283, %mul3A_284 : i32
      %multiple_of3A_286 = tpu.assume_multiple %mul3A_285, 8 : i32
      %dma_start3A_287 = arith.constant 6 : i32
      %dma_start3A_288 = arith.constant 0 : i32
      %dma_start3A_289 = arith.constant 0 : i32
      %dma_start3A_290 = tpu.memref_slice %arg8[%dma_start3A_287, %dma_start3A_288, %dma_start3A_289] : memref<16x8x64xf32, #tpu.memory_space<vmem>> -> memref<1x8x64xf32, #tpu.memory_space<vmem>>
      %dma_start3A_291 = tpu.memref_squeeze %dma_start3A_290 : memref<1x8x64xf32, #tpu.memory_space<vmem>> -> memref<8x64xf32, #tpu.memory_space<vmem>>
      %dma_start3A_292 = arith.constant 0 : i32
      %dma_start3A_293 = tpu.memref_slice %arg2[%multiple_of3A_286, %dma_start3A_292] : memref<1000000x64xf32, #tpu.memory_space<hbm>> -> memref<8x64xf32, #tpu.memory_space<hbm>>
      %dma_start3A_294 = arith.constant 0 : i32
      %dma_start3A_295 = arith.constant 0 : i32
      %dma_start3A_296 = tpu.memref_slice %arg8[%dma_start3A_287, %dma_start3A_294, %dma_start3A_295] : memref<16x8x64xf32, #tpu.memory_space<vmem>> -> memref<1x8x64xf32, #tpu.memory_space<vmem>>
      %dma_start3A_297 = tpu.memref_squeeze %dma_start3A_296 : memref<1x8x64xf32, #tpu.memory_space<vmem>> -> memref<8x64xf32, #tpu.memory_space<vmem>>
      %dma_start3A_298 = arith.constant 0 : i32
      %dma_start3A_299 = tpu.memref_slice %arg2[%multiple_of3A_286, %dma_start3A_298] : memref<1000000x64xf32, #tpu.memory_space<hbm>> -> memref<8x64xf32, #tpu.memory_space<hbm>>
      tpu.enqueue_dma source(%dma_start3A_299 : memref<8x64xf32, #tpu.memory_space<hbm>>) target(%dma_start3A_297 : memref<8x64xf32, #tpu.memory_space<vmem>>) target_semaphore(%arg10 : memref<!tpu.dma_semaphore, #tpu.memory_space<semaphore_mem>>)
      %slice3A_300 = vector.extract_strided_slice %get3A_15 {offsets = [7], sizes = [1], strides = [1]} : vector<16xi32> to vector<1xi32>
      %squeeze3A_301 = vector.extract %slice3A_300[0] : i32 from vector<1xi32>
      %jit3A_302 = arith.constant 8 : i32
      %div3A_303 = arith.divsi %squeeze3A_301, %jit3A_302 : i32
      %sign3A_304 = arith.constant 0 : i32
      %sign3A_305 = arith.cmpi sgt, %squeeze3A_301, %sign3A_304 : i32
      %sign3A_306 = arith.extui %sign3A_305 : i1 to i32
      %sign3A_307 = arith.constant 0 : i32
      %sign3A_308 = arith.cmpi slt, %squeeze3A_301, %sign3A_307 : i32
      %sign3A_309 = arith.extui %sign3A_308 : i1 to i32
      %sign3A_310 = arith.subi %sign3A_306, %sign3A_309 : i32
      %sign3A_311 = arith.constant 0 : i32
      %sign3A_312 = arith.cmpi sgt, %jit3A_302, %sign3A_311 : i32
      %sign3A_313 = arith.extui %sign3A_312 : i1 to i32
      %sign3A_314 = arith.constant 0 : i32
      %sign3A_315 = arith.cmpi slt, %jit3A_302, %sign3A_314 : i32
      %sign3A_316 = arith.extui %sign3A_315 : i1 to i32
      %sign3A_317 = arith.subi %sign3A_313, %sign3A_316 : i32
      %ne3A_318 = arith.cmpi ne, %sign3A_310, %sign3A_317 : i32
      %rem3A_319 = arith.remsi %squeeze3A_301, %jit3A_302 : i32
      %ne3A_320 = arith.constant 0 : i32
      %ne3A_321 = arith.cmpi ne, %rem3A_319, %ne3A_320 : i32
      %and3A_322 = arith.andi %ne3A_318, %ne3A_321 : i1
      %sub3A_323 = arith.constant 1 : i32
      %sub3A_324 = arith.subi %div3A_303, %sub3A_323 : i32
      %select_n3A_325 = arith.select %and3A_322, %sub3A_324, %div3A_303 : i32
      %mul3A_326 = arith.constant 8 : i32
      %mul3A_327 = arith.muli %select_n3A_325, %mul3A_326 : i32
      %multiple_of3A_328 = tpu.assume_multiple %mul3A_327, 8 : i32
      %dma_start3A_329 = arith.constant 7 : i32
      %dma_start3A_330 = arith.constant 0 : i32
      %dma_start3A_331 = arith.constant 0 : i32
      %dma_start3A_332 = tpu.memref_slice %arg8[%dma_start3A_329, %dma_start3A_330, %dma_start3A_331] : memref<16x8x64xf32, #tpu.memory_space<vmem>> -> memref<1x8x64xf32, #tpu.memory_space<vmem>>
      %dma_start3A_333 = tpu.memref_squeeze %dma_start3A_332 : memref<1x8x64xf32, #tpu.memory_space<vmem>> -> memref<8x64xf32, #tpu.memory_space<vmem>>
      %dma_start3A_334 = arith.constant 0 : i32
      %dma_start3A_335 = tpu.memref_slice %arg2[%multiple_of3A_328, %dma_start3A_334] : memref<1000000x64xf32, #tpu.memory_space<hbm>> -> memref<8x64xf32, #tpu.memory_space<hbm>>
      %dma_start3A_336 = arith.constant 0 : i32
      %dma_start3A_337 = arith.constant 0 : i32
      %dma_start3A_338 = tpu.memref_slice %arg8[%dma_start3A_329, %dma_start3A_336, %dma_start3A_337] : memref<16x8x64xf32, #tpu.memory_space<vmem>> -> memref<1x8x64xf32, #tpu.memory_space<vmem>>
      %dma_start3A_339 = tpu.memref_squeeze %dma_start3A_338 : memref<1x8x64xf32, #tpu.memory_space<vmem>> -> memref<8x64xf32, #tpu.memory_space<vmem>>
      %dma_start3A_340 = arith.constant 0 : i32
      %dma_start3A_341 = tpu.memref_slice %arg2[%multiple_of3A_328, %dma_start3A_340] : memref<1000000x64xf32, #tpu.memory_space<hbm>> -> memref<8x64xf32, #tpu.memory_space<hbm>>
      tpu.enqueue_dma source(%dma_start3A_341 : memref<8x64xf32, #tpu.memory_space<hbm>>) target(%dma_start3A_339 : memref<8x64xf32, #tpu.memory_space<vmem>>) target_semaphore(%arg10 : memref<!tpu.dma_semaphore, #tpu.memory_space<semaphore_mem>>)
      %slice3A_342 = vector.extract_strided_slice %get3A_15 {offsets = [8], sizes = [1], strides = [1]} : vector<16xi32> to vector<1xi32>
      %squeeze3A_343 = vector.extract %slice3A_342[0] : i32 from vector<1xi32>
      %jit3A_344 = arith.constant 8 : i32
      %div3A_345 = arith.divsi %squeeze3A_343, %jit3A_344 : i32
      %sign3A_346 = arith.constant 0 : i32
      %sign3A_347 = arith.cmpi sgt, %squeeze3A_343, %sign3A_346 : i32
      %sign3A_348 = arith.extui %sign3A_347 : i1 to i32
      %sign3A_349 = arith.constant 0 : i32
      %sign3A_350 = arith.cmpi slt, %squeeze3A_343, %sign3A_349 : i32
      %sign3A_351 = arith.extui %sign3A_350 : i1 to i32
      %sign3A_352 = arith.subi %sign3A_348, %sign3A_351 : i32
      %sign3A_353 = arith.constant 0 : i32
      %sign3A_354 = arith.cmpi sgt, %jit3A_344, %sign3A_353 : i32
      %sign3A_355 = arith.extui %sign3A_354 : i1 to i32
      %sign3A_356 = arith.constant 0 : i32
      %sign3A_357 = arith.cmpi slt, %jit3A_344, %sign3A_356 : i32
      %sign3A_358 = arith.extui %sign3A_357 : i1 to i32
      %sign3A_359 = arith.subi %sign3A_355, %sign3A_358 : i32
      %ne3A_360 = arith.cmpi ne, %sign3A_352, %sign3A_359 : i32
      %rem3A_361 = arith.remsi %squeeze3A_343, %jit3A_344 : i32
      %ne3A_362 = arith.constant 0 : i32
      %ne3A_363 = arith.cmpi ne, %rem3A_361, %ne3A_362 : i32
      %and3A_364 = arith.andi %ne3A_360, %ne3A_363 : i1
      %sub3A_365 = arith.constant 1 : i32
      %sub3A_366 = arith.subi %div3A_345, %sub3A_365 : i32
      %select_n3A_367 = arith.select %and3A_364, %sub3A_366, %div3A_345 : i32
      %mul3A_368 = arith.constant 8 : i32
      %mul3A_369 = arith.muli %select_n3A_367, %mul3A_368 : i32
      %multiple_of3A_370 = tpu.assume_multiple %mul3A_369, 8 : i32
      %dma_start3A_371 = arith.constant 8 : i32
      %dma_start3A_372 = arith.constant 0 : i32
      %dma_start3A_373 = arith.constant 0 : i32
      %dma_start3A_374 = tpu.memref_slice %arg8[%dma_start3A_371, %dma_start3A_372, %dma_start3A_373] : memref<16x8x64xf32, #tpu.memory_space<vmem>> -> memref<1x8x64xf32, #tpu.memory_space<vmem>>
      %dma_start3A_375 = tpu.memref_squeeze %dma_start3A_374 : memref<1x8x64xf32, #tpu.memory_space<vmem>> -> memref<8x64xf32, #tpu.memory_space<vmem>>
      %dma_start3A_376 = arith.constant 0 : i32
      %dma_start3A_377 = tpu.memref_slice %arg2[%multiple_of3A_370, %dma_start3A_376] : memref<1000000x64xf32, #tpu.memory_space<hbm>> -> memref<8x64xf32, #tpu.memory_space<hbm>>
      %dma_start3A_378 = arith.constant 0 : i32
      %dma_start3A_379 = arith.constant 0 : i32
      %dma_start3A_380 = tpu.memref_slice %arg8[%dma_start3A_371, %dma_start3A_378, %dma_start3A_379] : memref<16x8x64xf32, #tpu.memory_space<vmem>> -> memref<1x8x64xf32, #tpu.memory_space<vmem>>
      %dma_start3A_381 = tpu.memref_squeeze %dma_start3A_380 : memref<1x8x64xf32, #tpu.memory_space<vmem>> -> memref<8x64xf32, #tpu.memory_space<vmem>>
      %dma_start3A_382 = arith.constant 0 : i32
      %dma_start3A_383 = tpu.memref_slice %arg2[%multiple_of3A_370, %dma_start3A_382] : memref<1000000x64xf32, #tpu.memory_space<hbm>> -> memref<8x64xf32, #tpu.memory_space<hbm>>
      tpu.enqueue_dma source(%dma_start3A_383 : memref<8x64xf32, #tpu.memory_space<hbm>>) target(%dma_start3A_381 : memref<8x64xf32, #tpu.memory_space<vmem>>) target_semaphore(%arg10 : memref<!tpu.dma_semaphore, #tpu.memory_space<semaphore_mem>>)
      %slice3A_384 = vector.extract_strided_slice %get3A_15 {offsets = [9], sizes = [1], strides = [1]} : vector<16xi32> to vector<1xi32>
      %squeeze3A_385 = vector.extract %slice3A_384[0] : i32 from vector<1xi32>
      %jit3A_386 = arith.constant 8 : i32
      %div3A_387 = arith.divsi %squeeze3A_385, %jit3A_386 : i32
      %sign3A_388 = arith.constant 0 : i32
      %sign3A_389 = arith.cmpi sgt, %squeeze3A_385, %sign3A_388 : i32
      %sign3A_390 = arith.extui %sign3A_389 : i1 to i32
      %sign3A_391 = arith.constant 0 : i32
      %sign3A_392 = arith.cmpi slt, %squeeze3A_385, %sign3A_391 : i32
      %sign3A_393 = arith.extui %sign3A_392 : i1 to i32
      %sign3A_394 = arith.subi %sign3A_390, %sign3A_393 : i32
      %sign3A_395 = arith.constant 0 : i32
      %sign3A_396 = arith.cmpi sgt, %jit3A_386, %sign3A_395 : i32
      %sign3A_397 = arith.extui %sign3A_396 : i1 to i32
      %sign3A_398 = arith.constant 0 : i32
      %sign3A_399 = arith.cmpi slt, %jit3A_386, %sign3A_398 : i32
      %sign3A_400 = arith.extui %sign3A_399 : i1 to i32
      %sign3A_401 = arith.subi %sign3A_397, %sign3A_400 : i32
      %ne3A_402 = arith.cmpi ne, %sign3A_394, %sign3A_401 : i32
      %rem3A_403 = arith.remsi %squeeze3A_385, %jit3A_386 : i32
      %ne3A_404 = arith.constant 0 : i32
      %ne3A_405 = arith.cmpi ne, %rem3A_403, %ne3A_404 : i32
      %and3A_406 = arith.andi %ne3A_402, %ne3A_405 : i1
      %sub3A_407 = arith.constant 1 : i32
      %sub3A_408 = arith.subi %div3A_387, %sub3A_407 : i32
      %select_n3A_409 = arith.select %and3A_406, %sub3A_408, %div3A_387 : i32
      %mul3A_410 = arith.constant 8 : i32
      %mul3A_411 = arith.muli %select_n3A_409, %mul3A_410 : i32
      %multiple_of3A_412 = tpu.assume_multiple %mul3A_411, 8 : i32
      %dma_start3A_413 = arith.constant 9 : i32
      %dma_start3A_414 = arith.constant 0 : i32
      %dma_start3A_415 = arith.constant 0 : i32
      %dma_start3A_416 = tpu.memref_slice %arg8[%dma_start3A_413, %dma_start3A_414, %dma_start3A_415] : memref<16x8x64xf32, #tpu.memory_space<vmem>> -> memref<1x8x64xf32, #tpu.memory_space<vmem>>
      %dma_start3A_417 = tpu.memref_squeeze %dma_start3A_416 : memref<1x8x64xf32, #tpu.memory_space<vmem>> -> memref<8x64xf32, #tpu.memory_space<vmem>>
      %dma_start3A_418 = arith.constant 0 : i32
      %dma_start3A_419 = tpu.memref_slice %arg2[%multiple_of3A_412, %dma_start3A_418] : memref<1000000x64xf32, #tpu.memory_space<hbm>> -> memref<8x64xf32, #tpu.memory_space<hbm>>
      %dma_start3A_420 = arith.constant 0 : i32
      %dma_start3A_421 = arith.constant 0 : i32
      %dma_start3A_422 = tpu.memref_slice %arg8[%dma_start3A_413, %dma_start3A_420, %dma_start3A_421] : memref<16x8x64xf32, #tpu.memory_space<vmem>> -> memref<1x8x64xf32, #tpu.memory_space<vmem>>
      %dma_start3A_423 = tpu.memref_squeeze %dma_start3A_422 : memref<1x8x64xf32, #tpu.memory_space<vmem>> -> memref<8x64xf32, #tpu.memory_space<vmem>>
      %dma_start3A_424 = arith.constant 0 : i32
      %dma_start3A_425 = tpu.memref_slice %arg2[%multiple_of3A_412, %dma_start3A_424] : memref<1000000x64xf32, #tpu.memory_space<hbm>> -> memref<8x64xf32, #tpu.memory_space<hbm>>
      tpu.enqueue_dma source(%dma_start3A_425 : memref<8x64xf32, #tpu.memory_space<hbm>>) target(%dma_start3A_423 : memref<8x64xf32, #tpu.memory_space<vmem>>) target_semaphore(%arg10 : memref<!tpu.dma_semaphore, #tpu.memory_space<semaphore_mem>>)
      %slice3A_426 = vector.extract_strided_slice %get3A_15 {offsets = [10], sizes = [1], strides = [1]} : vector<16xi32> to vector<1xi32>
      %squeeze3A_427 = vector.extract %slice3A_426[0] : i32 from vector<1xi32>
      %jit3A_428 = arith.constant 8 : i32
      %div3A_429 = arith.divsi %squeeze3A_427, %jit3A_428 : i32
      %sign3A_430 = arith.constant 0 : i32
      %sign3A_431 = arith.cmpi sgt, %squeeze3A_427, %sign3A_430 : i32
      %sign3A_432 = arith.extui %sign3A_431 : i1 to i32
      %sign3A_433 = arith.constant 0 : i32
      %sign3A_434 = arith.cmpi slt, %squeeze3A_427, %sign3A_433 : i32
      %sign3A_435 = arith.extui %sign3A_434 : i1 to i32
      %sign3A_436 = arith.subi %sign3A_432, %sign3A_435 : i32
      %sign3A_437 = arith.constant 0 : i32
      %sign3A_438 = arith.cmpi sgt, %jit3A_428, %sign3A_437 : i32
      %sign3A_439 = arith.extui %sign3A_438 : i1 to i32
      %sign3A_440 = arith.constant 0 : i32
      %sign3A_441 = arith.cmpi slt, %jit3A_428, %sign3A_440 : i32
      %sign3A_442 = arith.extui %sign3A_441 : i1 to i32
      %sign3A_443 = arith.subi %sign3A_439, %sign3A_442 : i32
      %ne3A_444 = arith.cmpi ne, %sign3A_436, %sign3A_443 : i32
      %rem3A_445 = arith.remsi %squeeze3A_427, %jit3A_428 : i32
      %ne3A_446 = arith.constant 0 : i32
      %ne3A_447 = arith.cmpi ne, %rem3A_445, %ne3A_446 : i32
      %and3A_448 = arith.andi %ne3A_444, %ne3A_447 : i1
      %sub3A_449 = arith.constant 1 : i32
      %sub3A_450 = arith.subi %div3A_429, %sub3A_449 : i32
      %select_n3A_451 = arith.select %and3A_448, %sub3A_450, %div3A_429 : i32
      %mul3A_452 = arith.constant 8 : i32
      %mul3A_453 = arith.muli %select_n3A_451, %mul3A_452 : i32
      %multiple_of3A_454 = tpu.assume_multiple %mul3A_453, 8 : i32
      %dma_start3A_455 = arith.constant 10 : i32
      %dma_start3A_456 = arith.constant 0 : i32
      %dma_start3A_457 = arith.constant 0 : i32
      %dma_start3A_458 = tpu.memref_slice %arg8[%dma_start3A_455, %dma_start3A_456, %dma_start3A_457] : memref<16x8x64xf32, #tpu.memory_space<vmem>> -> memref<1x8x64xf32, #tpu.memory_space<vmem>>
      %dma_start3A_459 = tpu.memref_squeeze %dma_start3A_458 : memref<1x8x64xf32, #tpu.memory_space<vmem>> -> memref<8x64xf32, #tpu.memory_space<vmem>>
      %dma_start3A_460 = arith.constant 0 : i32
      %dma_start3A_461 = tpu.memref_slice %arg2[%multiple_of3A_454, %dma_start3A_460] : memref<1000000x64xf32, #tpu.memory_space<hbm>> -> memref<8x64xf32, #tpu.memory_space<hbm>>
      %dma_start3A_462 = arith.constant 0 : i32
      %dma_start3A_463 = arith.constant 0 : i32
      %dma_start3A_464 = tpu.memref_slice %arg8[%dma_start3A_455, %dma_start3A_462, %dma_start3A_463] : memref<16x8x64xf32, #tpu.memory_space<vmem>> -> memref<1x8x64xf32, #tpu.memory_space<vmem>>
      %dma_start3A_465 = tpu.memref_squeeze %dma_start3A_464 : memref<1x8x64xf32, #tpu.memory_space<vmem>> -> memref<8x64xf32, #tpu.memory_space<vmem>>
      %dma_start3A_466 = arith.constant 0 : i32
      %dma_start3A_467 = tpu.memref_slice %arg2[%multiple_of3A_454, %dma_start3A_466] : memref<1000000x64xf32, #tpu.memory_space<hbm>> -> memref<8x64xf32, #tpu.memory_space<hbm>>
      tpu.enqueue_dma source(%dma_start3A_467 : memref<8x64xf32, #tpu.memory_space<hbm>>) target(%dma_start3A_465 : memref<8x64xf32, #tpu.memory_space<vmem>>) target_semaphore(%arg10 : memref<!tpu.dma_semaphore, #tpu.memory_space<semaphore_mem>>)
      %slice3A_468 = vector.extract_strided_slice %get3A_15 {offsets = [11], sizes = [1], strides = [1]} : vector<16xi32> to vector<1xi32>
      %squeeze3A_469 = vector.extract %slice3A_468[0] : i32 from vector<1xi32>
      %jit3A_470 = arith.constant 8 : i32
      %div3A_471 = arith.divsi %squeeze3A_469, %jit3A_470 : i32
      %sign3A_472 = arith.constant 0 : i32
      %sign3A_473 = arith.cmpi sgt, %squeeze3A_469, %sign3A_472 : i32
      %sign3A_474 = arith.extui %sign3A_473 : i1 to i32
      %sign3A_475 = arith.constant 0 : i32
      %sign3A_476 = arith.cmpi slt, %squeeze3A_469, %sign3A_475 : i32
      %sign3A_477 = arith.extui %sign3A_476 : i1 to i32
      %sign3A_478 = arith.subi %sign3A_474, %sign3A_477 : i32
      %sign3A_479 = arith.constant 0 : i32
      %sign3A_480 = arith.cmpi sgt, %jit3A_470, %sign3A_479 : i32
      %sign3A_481 = arith.extui %sign3A_480 : i1 to i32
      %sign3A_482 = arith.constant 0 : i32
      %sign3A_483 = arith.cmpi slt, %jit3A_470, %sign3A_482 : i32
      %sign3A_484 = arith.extui %sign3A_483 : i1 to i32
      %sign3A_485 = arith.subi %sign3A_481, %sign3A_484 : i32
      %ne3A_486 = arith.cmpi ne, %sign3A_478, %sign3A_485 : i32
      %rem3A_487 = arith.remsi %squeeze3A_469, %jit3A_470 : i32
      %ne3A_488 = arith.constant 0 : i32
      %ne3A_489 = arith.cmpi ne, %rem3A_487, %ne3A_488 : i32
      %and3A_490 = arith.andi %ne3A_486, %ne3A_489 : i1
      %sub3A_491 = arith.constant 1 : i32
      %sub3A_492 = arith.subi %div3A_471, %sub3A_491 : i32
      %select_n3A_493 = arith.select %and3A_490, %sub3A_492, %div3A_471 : i32
      %mul3A_494 = arith.constant 8 : i32
      %mul3A_495 = arith.muli %select_n3A_493, %mul3A_494 : i32
      %multiple_of3A_496 = tpu.assume_multiple %mul3A_495, 8 : i32
      %dma_start3A_497 = arith.constant 11 : i32
      %dma_start3A_498 = arith.constant 0 : i32
      %dma_start3A_499 = arith.constant 0 : i32
      %dma_start3A_500 = tpu.memref_slice %arg8[%dma_start3A_497, %dma_start3A_498, %dma_start3A_499] : memref<16x8x64xf32, #tpu.memory_space<vmem>> -> memref<1x8x64xf32, #tpu.memory_space<vmem>>
      %dma_start3A_501 = tpu.memref_squeeze %dma_start3A_500 : memref<1x8x64xf32, #tpu.memory_space<vmem>> -> memref<8x64xf32, #tpu.memory_space<vmem>>
      %dma_start3A_502 = arith.constant 0 : i32
      %dma_start3A_503 = tpu.memref_slice %arg2[%multiple_of3A_496, %dma_start3A_502] : memref<1000000x64xf32, #tpu.memory_space<hbm>> -> memref<8x64xf32, #tpu.memory_space<hbm>>
      %dma_start3A_504 = arith.constant 0 : i32
      %dma_start3A_505 = arith.constant 0 : i32
      %dma_start3A_506 = tpu.memref_slice %arg8[%dma_start3A_497, %dma_start3A_504, %dma_start3A_505] : memref<16x8x64xf32, #tpu.memory_space<vmem>> -> memref<1x8x64xf32, #tpu.memory_space<vmem>>
      %dma_start3A_507 = tpu.memref_squeeze %dma_start3A_506 : memref<1x8x64xf32, #tpu.memory_space<vmem>> -> memref<8x64xf32, #tpu.memory_space<vmem>>
      %dma_start3A_508 = arith.constant 0 : i32
      %dma_start3A_509 = tpu.memref_slice %arg2[%multiple_of3A_496, %dma_start3A_508] : memref<1000000x64xf32, #tpu.memory_space<hbm>> -> memref<8x64xf32, #tpu.memory_space<hbm>>
      tpu.enqueue_dma source(%dma_start3A_509 : memref<8x64xf32, #tpu.memory_space<hbm>>) target(%dma_start3A_507 : memref<8x64xf32, #tpu.memory_space<vmem>>) target_semaphore(%arg10 : memref<!tpu.dma_semaphore, #tpu.memory_space<semaphore_mem>>)
      %slice3A_510 = vector.extract_strided_slice %get3A_15 {offsets = [12], sizes = [1], strides = [1]} : vector<16xi32> to vector<1xi32>
      %squeeze3A_511 = vector.extract %slice3A_510[0] : i32 from vector<1xi32>
      %jit3A_512 = arith.constant 8 : i32
      %div3A_513 = arith.divsi %squeeze3A_511, %jit3A_512 : i32
      %sign3A_514 = arith.constant 0 : i32
      %sign3A_515 = arith.cmpi sgt, %squeeze3A_511, %sign3A_514 : i32
      %sign3A_516 = arith.extui %sign3A_515 : i1 to i32
      %sign3A_517 = arith.constant 0 : i32
      %sign3A_518 = arith.cmpi slt, %squeeze3A_511, %sign3A_517 : i32
      %sign3A_519 = arith.extui %sign3A_518 : i1 to i32
      %sign3A_520 = arith.subi %sign3A_516, %sign3A_519 : i32
      %sign3A_521 = arith.constant 0 : i32
      %sign3A_522 = arith.cmpi sgt, %jit3A_512, %sign3A_521 : i32
      %sign3A_523 = arith.extui %sign3A_522 : i1 to i32
      %sign3A_524 = arith.constant 0 : i32
      %sign3A_525 = arith.cmpi slt, %jit3A_512, %sign3A_524 : i32
      %sign3A_526 = arith.extui %sign3A_525 : i1 to i32
      %sign3A_527 = arith.subi %sign3A_523, %sign3A_526 : i32
      %ne3A_528 = arith.cmpi ne, %sign3A_520, %sign3A_527 : i32
      %rem3A_529 = arith.remsi %squeeze3A_511, %jit3A_512 : i32
      %ne3A_530 = arith.constant 0 : i32
      %ne3A_531 = arith.cmpi ne, %rem3A_529, %ne3A_530 : i32
      %and3A_532 = arith.andi %ne3A_528, %ne3A_531 : i1
      %sub3A_533 = arith.constant 1 : i32
      %sub3A_534 = arith.subi %div3A_513, %sub3A_533 : i32
      %select_n3A_535 = arith.select %and3A_532, %sub3A_534, %div3A_513 : i32
      %mul3A_536 = arith.constant 8 : i32
      %mul3A_537 = arith.muli %select_n3A_535, %mul3A_536 : i32
      %multiple_of3A_538 = tpu.assume_multiple %mul3A_537, 8 : i32
      %dma_start3A_539 = arith.constant 12 : i32
      %dma_start3A_540 = arith.constant 0 : i32
      %dma_start3A_541 = arith.constant 0 : i32
      %dma_start3A_542 = tpu.memref_slice %arg8[%dma_start3A_539, %dma_start3A_540, %dma_start3A_541] : memref<16x8x64xf32, #tpu.memory_space<vmem>> -> memref<1x8x64xf32, #tpu.memory_space<vmem>>
      %dma_start3A_543 = tpu.memref_squeeze %dma_start3A_542 : memref<1x8x64xf32, #tpu.memory_space<vmem>> -> memref<8x64xf32, #tpu.memory_space<vmem>>
      %dma_start3A_544 = arith.constant 0 : i32
      %dma_start3A_545 = tpu.memref_slice %arg2[%multiple_of3A_538, %dma_start3A_544] : memref<1000000x64xf32, #tpu.memory_space<hbm>> -> memref<8x64xf32, #tpu.memory_space<hbm>>
      %dma_start3A_546 = arith.constant 0 : i32
      %dma_start3A_547 = arith.constant 0 : i32
      %dma_start3A_548 = tpu.memref_slice %arg8[%dma_start3A_539, %dma_start3A_546, %dma_start3A_547] : memref<16x8x64xf32, #tpu.memory_space<vmem>> -> memref<1x8x64xf32, #tpu.memory_space<vmem>>
      %dma_start3A_549 = tpu.memref_squeeze %dma_start3A_548 : memref<1x8x64xf32, #tpu.memory_space<vmem>> -> memref<8x64xf32, #tpu.memory_space<vmem>>
      %dma_start3A_550 = arith.constant 0 : i32
      %dma_start3A_551 = tpu.memref_slice %arg2[%multiple_of3A_538, %dma_start3A_550] : memref<1000000x64xf32, #tpu.memory_space<hbm>> -> memref<8x64xf32, #tpu.memory_space<hbm>>
      tpu.enqueue_dma source(%dma_start3A_551 : memref<8x64xf32, #tpu.memory_space<hbm>>) target(%dma_start3A_549 : memref<8x64xf32, #tpu.memory_space<vmem>>) target_semaphore(%arg10 : memref<!tpu.dma_semaphore, #tpu.memory_space<semaphore_mem>>)
      %slice3A_552 = vector.extract_strided_slice %get3A_15 {offsets = [13], sizes = [1], strides = [1]} : vector<16xi32> to vector<1xi32>
      %squeeze3A_553 = vector.extract %slice3A_552[0] : i32 from vector<1xi32>
      %jit3A_554 = arith.constant 8 : i32
      %div3A_555 = arith.divsi %squeeze3A_553, %jit3A_554 : i32
      %sign3A_556 = arith.constant 0 : i32
      %sign3A_557 = arith.cmpi sgt, %squeeze3A_553, %sign3A_556 : i32
      %sign3A_558 = arith.extui %sign3A_557 : i1 to i32
      %sign3A_559 = arith.constant 0 : i32
      %sign3A_560 = arith.cmpi slt, %squeeze3A_553, %sign3A_559 : i32
      %sign3A_561 = arith.extui %sign3A_560 : i1 to i32
      %sign3A_562 = arith.subi %sign3A_558, %sign3A_561 : i32
      %sign3A_563 = arith.constant 0 : i32
      %sign3A_564 = arith.cmpi sgt, %jit3A_554, %sign3A_563 : i32
      %sign3A_565 = arith.extui %sign3A_564 : i1 to i32
      %sign3A_566 = arith.constant 0 : i32
      %sign3A_567 = arith.cmpi slt, %jit3A_554, %sign3A_566 : i32
      %sign3A_568 = arith.extui %sign3A_567 : i1 to i32
      %sign3A_569 = arith.subi %sign3A_565, %sign3A_568 : i32
      %ne3A_570 = arith.cmpi ne, %sign3A_562, %sign3A_569 : i32
      %rem3A_571 = arith.remsi %squeeze3A_553, %jit3A_554 : i32
      %ne3A_572 = arith.constant 0 : i32
      %ne3A_573 = arith.cmpi ne, %rem3A_571, %ne3A_572 : i32
      %and3A_574 = arith.andi %ne3A_570, %ne3A_573 : i1
      %sub3A_575 = arith.constant 1 : i32
      %sub3A_576 = arith.subi %div3A_555, %sub3A_575 : i32
      %select_n3A_577 = arith.select %and3A_574, %sub3A_576, %div3A_555 : i32
      %mul3A_578 = arith.constant 8 : i32
      %mul3A_579 = arith.muli %select_n3A_577, %mul3A_578 : i32
      %multiple_of3A_580 = tpu.assume_multiple %mul3A_579, 8 : i32
      %dma_start3A_581 = arith.constant 13 : i32
      %dma_start3A_582 = arith.constant 0 : i32
      %dma_start3A_583 = arith.constant 0 : i32
      %dma_start3A_584 = tpu.memref_slice %arg8[%dma_start3A_581, %dma_start3A_582, %dma_start3A_583] : memref<16x8x64xf32, #tpu.memory_space<vmem>> -> memref<1x8x64xf32, #tpu.memory_space<vmem>>
      %dma_start3A_585 = tpu.memref_squeeze %dma_start3A_584 : memref<1x8x64xf32, #tpu.memory_space<vmem>> -> memref<8x64xf32, #tpu.memory_space<vmem>>
      %dma_start3A_586 = arith.constant 0 : i32
      %dma_start3A_587 = tpu.memref_slice %arg2[%multiple_of3A_580, %dma_start3A_586] : memref<1000000x64xf32, #tpu.memory_space<hbm>> -> memref<8x64xf32, #tpu.memory_space<hbm>>
      %dma_start3A_588 = arith.constant 0 : i32
      %dma_start3A_589 = arith.constant 0 : i32
      %dma_start3A_590 = tpu.memref_slice %arg8[%dma_start3A_581, %dma_start3A_588, %dma_start3A_589] : memref<16x8x64xf32, #tpu.memory_space<vmem>> -> memref<1x8x64xf32, #tpu.memory_space<vmem>>
      %dma_start3A_591 = tpu.memref_squeeze %dma_start3A_590 : memref<1x8x64xf32, #tpu.memory_space<vmem>> -> memref<8x64xf32, #tpu.memory_space<vmem>>
      %dma_start3A_592 = arith.constant 0 : i32
      %dma_start3A_593 = tpu.memref_slice %arg2[%multiple_of3A_580, %dma_start3A_592] : memref<1000000x64xf32, #tpu.memory_space<hbm>> -> memref<8x64xf32, #tpu.memory_space<hbm>>
      tpu.enqueue_dma source(%dma_start3A_593 : memref<8x64xf32, #tpu.memory_space<hbm>>) target(%dma_start3A_591 : memref<8x64xf32, #tpu.memory_space<vmem>>) target_semaphore(%arg10 : memref<!tpu.dma_semaphore, #tpu.memory_space<semaphore_mem>>)
      %slice3A_594 = vector.extract_strided_slice %get3A_15 {offsets = [14], sizes = [1], strides = [1]} : vector<16xi32> to vector<1xi32>
      %squeeze3A_595 = vector.extract %slice3A_594[0] : i32 from vector<1xi32>
      %jit3A_596 = arith.constant 8 : i32
      %div3A_597 = arith.divsi %squeeze3A_595, %jit3A_596 : i32
      %sign3A_598 = arith.constant 0 : i32
      %sign3A_599 = arith.cmpi sgt, %squeeze3A_595, %sign3A_598 : i32
      %sign3A_600 = arith.extui %sign3A_599 : i1 to i32
      %sign3A_601 = arith.constant 0 : i32
      %sign3A_602 = arith.cmpi slt, %squeeze3A_595, %sign3A_601 : i32
      %sign3A_603 = arith.extui %sign3A_602 : i1 to i32
      %sign3A_604 = arith.subi %sign3A_600, %sign3A_603 : i32
      %sign3A_605 = arith.constant 0 : i32
      %sign3A_606 = arith.cmpi sgt, %jit3A_596, %sign3A_605 : i32
      %sign3A_607 = arith.extui %sign3A_606 : i1 to i32
      %sign3A_608 = arith.constant 0 : i32
      %sign3A_609 = arith.cmpi slt, %jit3A_596, %sign3A_608 : i32
      %sign3A_610 = arith.extui %sign3A_609 : i1 to i32
      %sign3A_611 = arith.subi %sign3A_607, %sign3A_610 : i32
      %ne3A_612 = arith.cmpi ne, %sign3A_604, %sign3A_611 : i32
      %rem3A_613 = arith.remsi %squeeze3A_595, %jit3A_596 : i32
      %ne3A_614 = arith.constant 0 : i32
      %ne3A_615 = arith.cmpi ne, %rem3A_613, %ne3A_614 : i32
      %and3A_616 = arith.andi %ne3A_612, %ne3A_615 : i1
      %sub3A_617 = arith.constant 1 : i32
      %sub3A_618 = arith.subi %div3A_597, %sub3A_617 : i32
      %select_n3A_619 = arith.select %and3A_616, %sub3A_618, %div3A_597 : i32
      %mul3A_620 = arith.constant 8 : i32
      %mul3A_621 = arith.muli %select_n3A_619, %mul3A_620 : i32
      %multiple_of3A_622 = tpu.assume_multiple %mul3A_621, 8 : i32
      %dma_start3A_623 = arith.constant 14 : i32
      %dma_start3A_624 = arith.constant 0 : i32
      %dma_start3A_625 = arith.constant 0 : i32
      %dma_start3A_626 = tpu.memref_slice %arg8[%dma_start3A_623, %dma_start3A_624, %dma_start3A_625] : memref<16x8x64xf32, #tpu.memory_space<vmem>> -> memref<1x8x64xf32, #tpu.memory_space<vmem>>
      %dma_start3A_627 = tpu.memref_squeeze %dma_start3A_626 : memref<1x8x64xf32, #tpu.memory_space<vmem>> -> memref<8x64xf32, #tpu.memory_space<vmem>>
      %dma_start3A_628 = arith.constant 0 : i32
      %dma_start3A_629 = tpu.memref_slice %arg2[%multiple_of3A_622, %dma_start3A_628] : memref<1000000x64xf32, #tpu.memory_space<hbm>> -> memref<8x64xf32, #tpu.memory_space<hbm>>
      %dma_start3A_630 = arith.constant 0 : i32
      %dma_start3A_631 = arith.constant 0 : i32
      %dma_start3A_632 = tpu.memref_slice %arg8[%dma_start3A_623, %dma_start3A_630, %dma_start3A_631] : memref<16x8x64xf32, #tpu.memory_space<vmem>> -> memref<1x8x64xf32, #tpu.memory_space<vmem>>
      %dma_start3A_633 = tpu.memref_squeeze %dma_start3A_632 : memref<1x8x64xf32, #tpu.memory_space<vmem>> -> memref<8x64xf32, #tpu.memory_space<vmem>>
      %dma_start3A_634 = arith.constant 0 : i32
      %dma_start3A_635 = tpu.memref_slice %arg2[%multiple_of3A_622, %dma_start3A_634] : memref<1000000x64xf32, #tpu.memory_space<hbm>> -> memref<8x64xf32, #tpu.memory_space<hbm>>
      tpu.enqueue_dma source(%dma_start3A_635 : memref<8x64xf32, #tpu.memory_space<hbm>>) target(%dma_start3A_633 : memref<8x64xf32, #tpu.memory_space<vmem>>) target_semaphore(%arg10 : memref<!tpu.dma_semaphore, #tpu.memory_space<semaphore_mem>>)
      %slice3A_636 = vector.extract_strided_slice %get3A_15 {offsets = [15], sizes = [1], strides = [1]} : vector<16xi32> to vector<1xi32>
      %squeeze3A_637 = vector.extract %slice3A_636[0] : i32 from vector<1xi32>
      %jit3A_638 = arith.constant 8 : i32
      %div3A_639 = arith.divsi %squeeze3A_637, %jit3A_638 : i32
      %sign3A_640 = arith.constant 0 : i32
      %sign3A_641 = arith.cmpi sgt, %squeeze3A_637, %sign3A_640 : i32
      %sign3A_642 = arith.extui %sign3A_641 : i1 to i32
      %sign3A_643 = arith.constant 0 : i32
      %sign3A_644 = arith.cmpi slt, %squeeze3A_637, %sign3A_643 : i32
      %sign3A_645 = arith.extui %sign3A_644 : i1 to i32
      %sign3A_646 = arith.subi %sign3A_642, %sign3A_645 : i32
      %sign3A_647 = arith.constant 0 : i32
      %sign3A_648 = arith.cmpi sgt, %jit3A_638, %sign3A_647 : i32
      %sign3A_649 = arith.extui %sign3A_648 : i1 to i32
      %sign3A_650 = arith.constant 0 : i32
      %sign3A_651 = arith.cmpi slt, %jit3A_638, %sign3A_650 : i32
      %sign3A_652 = arith.extui %sign3A_651 : i1 to i32
      %sign3A_653 = arith.subi %sign3A_649, %sign3A_652 : i32
      %ne3A_654 = arith.cmpi ne, %sign3A_646, %sign3A_653 : i32
      %rem3A_655 = arith.remsi %squeeze3A_637, %jit3A_638 : i32
      %ne3A_656 = arith.constant 0 : i32
      %ne3A_657 = arith.cmpi ne, %rem3A_655, %ne3A_656 : i32
      %and3A_658 = arith.andi %ne3A_654, %ne3A_657 : i1
      %sub3A_659 = arith.constant 1 : i32
      %sub3A_660 = arith.subi %div3A_639, %sub3A_659 : i32
      %select_n3A_661 = arith.select %and3A_658, %sub3A_660, %div3A_639 : i32
      %mul3A_662 = arith.constant 8 : i32
      %mul3A_663 = arith.muli %select_n3A_661, %mul3A_662 : i32
      %multiple_of3A_664 = tpu.assume_multiple %mul3A_663, 8 : i32
      %dma_start3A_665 = arith.constant 15 : i32
      %dma_start3A_666 = arith.constant 0 : i32
      %dma_start3A_667 = arith.constant 0 : i32
      %dma_start3A_668 = tpu.memref_slice %arg8[%dma_start3A_665, %dma_start3A_666, %dma_start3A_667] : memref<16x8x64xf32, #tpu.memory_space<vmem>> -> memref<1x8x64xf32, #tpu.memory_space<vmem>>
      %dma_start3A_669 = tpu.memref_squeeze %dma_start3A_668 : memref<1x8x64xf32, #tpu.memory_space<vmem>> -> memref<8x64xf32, #tpu.memory_space<vmem>>
      %dma_start3A_670 = arith.constant 0 : i32
      %dma_start3A_671 = tpu.memref_slice %arg2[%multiple_of3A_664, %dma_start3A_670] : memref<1000000x64xf32, #tpu.memory_space<hbm>> -> memref<8x64xf32, #tpu.memory_space<hbm>>
      %dma_start3A_672 = arith.constant 0 : i32
      %dma_start3A_673 = arith.constant 0 : i32
      %dma_start3A_674 = tpu.memref_slice %arg8[%dma_start3A_665, %dma_start3A_672, %dma_start3A_673] : memref<16x8x64xf32, #tpu.memory_space<vmem>> -> memref<1x8x64xf32, #tpu.memory_space<vmem>>
      %dma_start3A_675 = tpu.memref_squeeze %dma_start3A_674 : memref<1x8x64xf32, #tpu.memory_space<vmem>> -> memref<8x64xf32, #tpu.memory_space<vmem>>
      %dma_start3A_676 = arith.constant 0 : i32
      %dma_start3A_677 = tpu.memref_slice %arg2[%multiple_of3A_664, %dma_start3A_676] : memref<1000000x64xf32, #tpu.memory_space<hbm>> -> memref<8x64xf32, #tpu.memory_space<hbm>>
      tpu.enqueue_dma source(%dma_start3A_677 : memref<8x64xf32, #tpu.memory_space<hbm>>) target(%dma_start3A_675 : memref<8x64xf32, #tpu.memory_space<vmem>>) target_semaphore(%arg10 : memref<!tpu.dma_semaphore, #tpu.memory_space<semaphore_mem>>)
      %dma_wait3A_678 = arith.constant 0 : i32
      %dma_wait3A_679 = arith.constant 0 : i32
      %dma_wait3A_680 = tpu.memref_slice %arg2[%dma_wait3A_678, %dma_wait3A_679] : memref<1000000x64xf32, #tpu.memory_space<hbm>> -> memref<128x64xf32, #tpu.memory_space<hbm>>
      %dma_wait3A_681 = tpu.memref_reshape %dma_wait3A_680 : memref<128x64xf32, #tpu.memory_space<hbm>> -> memref<16x8x64xf32, #tpu.memory_space<hbm>>
      %dma_wait3A_682 = arith.constant 0 : i32
      %dma_wait3A_683 = arith.constant 0 : i32
      %dma_wait3A_684 = tpu.memref_slice %arg2[%dma_wait3A_682, %dma_wait3A_683] : memref<1000000x64xf32, #tpu.memory_space<hbm>> -> memref<128x64xf32, #tpu.memory_space<hbm>>
      %dma_wait3A_685 = tpu.memref_reshape %dma_wait3A_684 : memref<128x64xf32, #tpu.memory_space<hbm>> -> memref<16x8x64xf32, #tpu.memory_space<hbm>>
      tpu.wait_dma2 semaphore(%arg10 : memref<!tpu.dma_semaphore, #tpu.memory_space<semaphore_mem>>) src(%dma_wait3A_685 : memref<16x8x64xf32, #tpu.memory_space<hbm>>) dst(%arg8 : memref<16x8x64xf32, #tpu.memory_space<vmem>>)
      %slice3A_686 = vector.extract_strided_slice %get3A_15 {offsets = [0], sizes = [1], strides = [1]} : vector<16xi32> to vector<1xi32>
      %squeeze3A_687 = vector.extract %slice3A_686[0] : i32 from vector<1xi32>
      %jit3A_688 = arith.constant 8 : i32
      %eq3A = arith.constant 0 : i32
      %eq3A_689 = arith.cmpi eq, %jit3A_688, %eq3A : i32
      %jit3A_690 = arith.constant 1 : i32
      %select_n3A_691 = arith.select %eq3A_689, %jit3A_690, %jit3A_688 : i32
      %rem3A_692 = arith.remsi %squeeze3A_687, %select_n3A_691 : i32
      %ne3A_693 = arith.constant 0 : i32
      %ne3A_694 = arith.cmpi ne, %rem3A_692, %ne3A_693 : i32
      %lt3A = arith.constant 0 : i32
      %lt3A_695 = arith.cmpi slt, %rem3A_692, %lt3A : i32
      %lt3A_696 = arith.constant 0 : i32
      %lt3A_697 = arith.cmpi slt, %select_n3A_691, %lt3A_696 : i32
      %ne3A_698 = arith.xori %lt3A_695, %lt3A_697 : i1
      %and3A_699 = arith.andi %ne3A_698, %ne3A_694 : i1
      %add3A_700 = arith.addi %rem3A_692, %select_n3A_691 : i32
      %select_n3A_701 = arith.select %and3A_699, %add3A_700, %rem3A_692 : i32
      %get3A_702 = arith.constant 0 : i32
      %get3A_703 = arith.index_cast %get3A_702 : i32 to index
      %get3A_704 = arith.index_cast %select_n3A_701 : i32 to index
      %get3A_705 = arith.constant 0 : index
      %get3A_706 = tpu.vector_load %arg8[%get3A_703, %get3A_704, %get3A_705] {strides = array<i32>} : memref<16x8x64xf32, #tpu.memory_space<vmem>>, vector<16xf32>,
      %add3A_707 = arith.constant 0 : i32
      %add3A_708 = arith.addi %multiple_of3A, %add3A_707 : i32
      %swap3A = arith.index_cast %add3A_708 : i32 to index
      %swap3A_709 = arith.constant 0 : index
      %swap3A_710 = tpu.vector_load %arg9[%swap3A, %swap3A_709] {strides = array<i32>} : memref<512x64xf32, #tpu.memory_space<vmem>>, vector<16xf32>,
      tpu.vector_store %arg9[%swap3A, %swap3A_709], %get3A_706 {strides = array<i32>} : memref<512x64xf32, #tpu.memory_space<vmem>>, vector<16xf32>,
      %get3A_711 = arith.constant 0 : i32
      %get3A_712 = arith.index_cast %get3A_711 : i32 to index
      %get3A_713 = arith.index_cast %select_n3A_701 : i32 to index
      %get3A_714 = arith.constant 16 : index
      %get3A_715 = tpu.vector_load %arg8[%get3A_712, %get3A_713, %get3A_714] {strides = array<i32>} : memref<16x8x64xf32, #tpu.memory_space<vmem>>, vector<16xf32>,
      %add3A_716 = arith.constant 0 : i32
      %add3A_717 = arith.addi %multiple_of3A, %add3A_716 : i32
      %swap3A_718 = arith.index_cast %add3A_717 : i32 to index
      %swap3A_719 = arith.constant 16 : index
      %swap3A_720 = tpu.vector_load %arg9[%swap3A_718, %swap3A_719] {strides = array<i32>} : memref<512x64xf32, #tpu.memory_space<vmem>>, vector<16xf32>,
      tpu.vector_store %arg9[%swap3A_718, %swap3A_719], %get3A_715 {strides = array<i32>} : memref<512x64xf32, #tpu.memory_space<vmem>>, vector<16xf32>,
      %get3A_721 = arith.constant 0 : i32
      %get3A_722 = arith.index_cast %get3A_721 : i32 to index
      %get3A_723 = arith.index_cast %select_n3A_701 : i32 to index
      %get3A_724 = arith.constant 32 : index
      %get3A_725 = tpu.vector_load %arg8[%get3A_722, %get3A_723, %get3A_724] {strides = array<i32>} : memref<16x8x64xf32, #tpu.memory_space<vmem>>, vector<16xf32>,
      %add3A_726 = arith.constant 0 : i32
      %add3A_727 = arith.addi %multiple_of3A, %add3A_726 : i32
      %swap3A_728 = arith.index_cast %add3A_727 : i32 to index
      %swap3A_729 = arith.constant 32 : index
      %swap3A_730 = tpu.vector_load %arg9[%swap3A_728, %swap3A_729] {strides = array<i32>} : memref<512x64xf32, #tpu.memory_space<vmem>>, vector<16xf32>,
      tpu.vector_store %arg9[%swap3A_728, %swap3A_729], %get3A_725 {strides = array<i32>} : memref<512x64xf32, #tpu.memory_space<vmem>>, vector<16xf32>,
      %get3A_731 = arith.constant 0 : i32
      %get3A_732 = arith.index_cast %get3A_731 : i32 to index
      %get3A_733 = arith.index_cast %select_n3A_701 : i32 to index
      %get3A_734 = arith.constant 48 : index
      %get3A_735 = tpu.vector_load %arg8[%get3A_732, %get3A_733, %get3A_734] {strides = array<i32>} : memref<16x8x64xf32, #tpu.memory_space<vmem>>, vector<16xf32>,
      %add3A_736 = arith.constant 0 : i32
      %add3A_737 = arith.addi %multiple_of3A, %add3A_736 : i32
      %swap3A_738 = arith.index_cast %add3A_737 : i32 to index
      %swap3A_739 = arith.constant 48 : index
      %swap3A_740 = tpu.vector_load %arg9[%swap3A_738, %swap3A_739] {strides = array<i32>} : memref<512x64xf32, #tpu.memory_space<vmem>>, vector<16xf32>,
      tpu.vector_store %arg9[%swap3A_738, %swap3A_739], %get3A_735 {strides = array<i32>} : memref<512x64xf32, #tpu.memory_space<vmem>>, vector<16xf32>,
      %slice3A_741 = vector.extract_strided_slice %get3A_15 {offsets = [1], sizes = [1], strides = [1]} : vector<16xi32> to vector<1xi32>
      %squeeze3A_742 = vector.extract %slice3A_741[0] : i32 from vector<1xi32>
      %jit3A_743 = arith.constant 8 : i32
      %eq3A_744 = arith.constant 0 : i32
      %eq3A_745 = arith.cmpi eq, %jit3A_743, %eq3A_744 : i32
      %jit3A_746 = arith.constant 1 : i32
      %select_n3A_747 = arith.select %eq3A_745, %jit3A_746, %jit3A_743 : i32
      %rem3A_748 = arith.remsi %squeeze3A_742, %select_n3A_747 : i32
      %ne3A_749 = arith.constant 0 : i32
      %ne3A_750 = arith.cmpi ne, %rem3A_748, %ne3A_749 : i32
      %lt3A_751 = arith.constant 0 : i32
      %lt3A_752 = arith.cmpi slt, %rem3A_748, %lt3A_751 : i32
      %lt3A_753 = arith.constant 0 : i32
      %lt3A_754 = arith.cmpi slt, %select_n3A_747, %lt3A_753 : i32
      %ne3A_755 = arith.xori %lt3A_752, %lt3A_754 : i1
      %and3A_756 = arith.andi %ne3A_755, %ne3A_750 : i1
      %add3A_757 = arith.addi %rem3A_748, %select_n3A_747 : i32
      %select_n3A_758 = arith.select %and3A_756, %add3A_757, %rem3A_748 : i32
      %get3A_759 = arith.constant 1 : i32
      %get3A_760 = arith.index_cast %get3A_759 : i32 to index
      %get3A_761 = arith.index_cast %select_n3A_758 : i32 to index
      %get3A_762 = arith.constant 0 : index
      %get3A_763 = tpu.vector_load %arg8[%get3A_760, %get3A_761, %get3A_762] {strides = array<i32>} : memref<16x8x64xf32, #tpu.memory_space<vmem>>, vector<16xf32>,
      %add3A_764 = arith.constant 1 : i32
      %add3A_765 = arith.addi %multiple_of3A, %add3A_764 : i32
      %swap3A_766 = arith.index_cast %add3A_765 : i32 to index
      %swap3A_767 = arith.constant 0 : index
      %swap3A_768 = tpu.vector_load %arg9[%swap3A_766, %swap3A_767] {strides = array<i32>} : memref<512x64xf32, #tpu.memory_space<vmem>>, vector<16xf32>,
      tpu.vector_store %arg9[%swap3A_766, %swap3A_767], %get3A_763 {strides = array<i32>} : memref<512x64xf32, #tpu.memory_space<vmem>>, vector<16xf32>,
      %get3A_769 = arith.constant 1 : i32
      %get3A_770 = arith.index_cast %get3A_769 : i32 to index
      %get3A_771 = arith.index_cast %select_n3A_758 : i32 to index
      %get3A_772 = arith.constant 16 : index
      %get3A_773 = tpu.vector_load %arg8[%get3A_770, %get3A_771, %get3A_772] {strides = array<i32>} : memref<16x8x64xf32, #tpu.memory_space<vmem>>, vector<16xf32>,
      %add3A_774 = arith.constant 1 : i32
      %add3A_775 = arith.addi %multiple_of3A, %add3A_774 : i32
      %swap3A_776 = arith.index_cast %add3A_775 : i32 to index
      %swap3A_777 = arith.constant 16 : index
      %swap3A_778 = tpu.vector_load %arg9[%swap3A_776, %swap3A_777] {strides = array<i32>} : memref<512x64xf32, #tpu.memory_space<vmem>>, vector<16xf32>,
      tpu.vector_store %arg9[%swap3A_776, %swap3A_777], %get3A_773 {strides = array<i32>} : memref<512x64xf32, #tpu.memory_space<vmem>>, vector<16xf32>,
      %get3A_779 = arith.constant 1 : i32
      %get3A_780 = arith.index_cast %get3A_779 : i32 to index
      %get3A_781 = arith.index_cast %select_n3A_758 : i32 to index
      %get3A_782 = arith.constant 32 : index
      %get3A_783 = tpu.vector_load %arg8[%get3A_780, %get3A_781, %get3A_782] {strides = array<i32>} : memref<16x8x64xf32, #tpu.memory_space<vmem>>, vector<16xf32>,
      %add3A_784 = arith.constant 1 : i32
      %add3A_785 = arith.addi %multiple_of3A, %add3A_784 : i32
      %swap3A_786 = arith.index_cast %add3A_785 : i32 to index
      %swap3A_787 = arith.constant 32 : index
      %swap3A_788 = tpu.vector_load %arg9[%swap3A_786, %swap3A_787] {strides = array<i32>} : memref<512x64xf32, #tpu.memory_space<vmem>>, vector<16xf32>,
      tpu.vector_store %arg9[%swap3A_786, %swap3A_787], %get3A_783 {strides = array<i32>} : memref<512x64xf32, #tpu.memory_space<vmem>>, vector<16xf32>,
      %get3A_789 = arith.constant 1 : i32
      %get3A_790 = arith.index_cast %get3A_789 : i32 to index
      %get3A_791 = arith.index_cast %select_n3A_758 : i32 to index
      %get3A_792 = arith.constant 48 : index
      %get3A_793 = tpu.vector_load %arg8[%get3A_790, %get3A_791, %get3A_792] {strides = array<i32>} : memref<16x8x64xf32, #tpu.memory_space<vmem>>, vector<16xf32>,
      %add3A_794 = arith.constant 1 : i32
      %add3A_795 = arith.addi %multiple_of3A, %add3A_794 : i32
      %swap3A_796 = arith.index_cast %add3A_795 : i32 to index
      %swap3A_797 = arith.constant 48 : index
      %swap3A_798 = tpu.vector_load %arg9[%swap3A_796, %swap3A_797] {strides = array<i32>} : memref<512x64xf32, #tpu.memory_space<vmem>>, vector<16xf32>,
      tpu.vector_store %arg9[%swap3A_796, %swap3A_797], %get3A_793 {strides = array<i32>} : memref<512x64xf32, #tpu.memory_space<vmem>>, vector<16xf32>,
      %slice3A_799 = vector.extract_strided_slice %get3A_15 {offsets = [2], sizes = [1], strides = [1]} : vector<16xi32> to vector<1xi32>
      %squeeze3A_800 = vector.extract %slice3A_799[0] : i32 from vector<1xi32>
      %jit3A_801 = arith.constant 8 : i32
      %eq3A_802 = arith.constant 0 : i32
      %eq3A_803 = arith.cmpi eq, %jit3A_801, %eq3A_802 : i32
      %jit3A_804 = arith.constant 1 : i32
      %select_n3A_805 = arith.select %eq3A_803, %jit3A_804, %jit3A_801 : i32
      %rem3A_806 = arith.remsi %squeeze3A_800, %select_n3A_805 : i32
      %ne3A_807 = arith.constant 0 : i32
      %ne3A_808 = arith.cmpi ne, %rem3A_806, %ne3A_807 : i32
      %lt3A_809 = arith.constant 0 : i32
      %lt3A_810 = arith.cmpi slt, %rem3A_806, %lt3A_809 : i32
      %lt3A_811 = arith.constant 0 : i32
      %lt3A_812 = arith.cmpi slt, %select_n3A_805, %lt3A_811 : i32
      %ne3A_813 = arith.xori %lt3A_810, %lt3A_812 : i1
      %and3A_814 = arith.andi %ne3A_813, %ne3A_808 : i1
      %add3A_815 = arith.addi %rem3A_806, %select_n3A_805 : i32
      %select_n3A_816 = arith.select %and3A_814, %add3A_815, %rem3A_806 : i32
      %get3A_817 = arith.constant 2 : i32
      %get3A_818 = arith.index_cast %get3A_817 : i32 to index
      %get3A_819 = arith.index_cast %select_n3A_816 : i32 to index
      %get3A_820 = arith.constant 0 : index
      %get3A_821 = tpu.vector_load %arg8[%get3A_818, %get3A_819, %get3A_820] {strides = array<i32>} : memref<16x8x64xf32, #tpu.memory_space<vmem>>, vector<16xf32>,
      %add3A_822 = arith.constant 2 : i32
      %add3A_823 = arith.addi %multiple_of3A, %add3A_822 : i32
      %swap3A_824 = arith.index_cast %add3A_823 : i32 to index
      %swap3A_825 = arith.constant 0 : index
      %swap3A_826 = tpu.vector_load %arg9[%swap3A_824, %swap3A_825] {strides = array<i32>} : memref<512x64xf32, #tpu.memory_space<vmem>>, vector<16xf32>,
      tpu.vector_store %arg9[%swap3A_824, %swap3A_825], %get3A_821 {strides = array<i32>} : memref<512x64xf32, #tpu.memory_space<vmem>>, vector<16xf32>,
      %get3A_827 = arith.constant 2 : i32
      %get3A_828 = arith.index_cast %get3A_827 : i32 to index
      %get3A_829 = arith.index_cast %select_n3A_816 : i32 to index
      %get3A_830 = arith.constant 16 : index
      %get3A_831 = tpu.vector_load %arg8[%get3A_828, %get3A_829, %get3A_830] {strides = array<i32>} : memref<16x8x64xf32, #tpu.memory_space<vmem>>, vector<16xf32>,
      %add3A_832 = arith.constant 2 : i32
      %add3A_833 = arith.addi %multiple_of3A, %add3A_832 : i32
      %swap3A_834 = arith.index_cast %add3A_833 : i32 to index
      %swap3A_835 = arith.constant 16 : index
      %swap3A_836 = tpu.vector_load %arg9[%swap3A_834, %swap3A_835] {strides = array<i32>} : memref<512x64xf32, #tpu.memory_space<vmem>>, vector<16xf32>,
      tpu.vector_store %arg9[%swap3A_834, %swap3A_835], %get3A_831 {strides = array<i32>} : memref<512x64xf32, #tpu.memory_space<vmem>>, vector<16xf32>,
      %get3A_837 = arith.constant 2 : i32
      %get3A_838 = arith.index_cast %get3A_837 : i32 to index
      %get3A_839 = arith.index_cast %select_n3A_816 : i32 to index
      %get3A_840 = arith.constant 32 : index
      %get3A_841 = tpu.vector_load %arg8[%get3A_838, %get3A_839, %get3A_840] {strides = array<i32>} : memref<16x8x64xf32, #tpu.memory_space<vmem>>, vector<16xf32>,
      %add3A_842 = arith.constant 2 : i32
      %add3A_843 = arith.addi %multiple_of3A, %add3A_842 : i32
      %swap3A_844 = arith.index_cast %add3A_843 : i32 to index
      %swap3A_845 = arith.constant 32 : index
      %swap3A_846 = tpu.vector_load %arg9[%swap3A_844, %swap3A_845] {strides = array<i32>} : memref<512x64xf32, #tpu.memory_space<vmem>>, vector<16xf32>,
      tpu.vector_store %arg9[%swap3A_844, %swap3A_845], %get3A_841 {strides = array<i32>} : memref<512x64xf32, #tpu.memory_space<vmem>>, vector<16xf32>,
      %get3A_847 = arith.constant 2 : i32
      %get3A_848 = arith.index_cast %get3A_847 : i32 to index
      %get3A_849 = arith.index_cast %select_n3A_816 : i32 to index
      %get3A_850 = arith.constant 48 : index
      %get3A_851 = tpu.vector_load %arg8[%get3A_848, %get3A_849, %get3A_850] {strides = array<i32>} : memref<16x8x64xf32, #tpu.memory_space<vmem>>, vector<16xf32>,
      %add3A_852 = arith.constant 2 : i32
      %add3A_853 = arith.addi %multiple_of3A, %add3A_852 : i32
      %swap3A_854 = arith.index_cast %add3A_853 : i32 to index
      %swap3A_855 = arith.constant 48 : index
      %swap3A_856 = tpu.vector_load %arg9[%swap3A_854, %swap3A_855] {strides = array<i32>} : memref<512x64xf32, #tpu.memory_space<vmem>>, vector<16xf32>,
      tpu.vector_store %arg9[%swap3A_854, %swap3A_855], %get3A_851 {strides = array<i32>} : memref<512x64xf32, #tpu.memory_space<vmem>>, vector<16xf32>,
      %slice3A_857 = vector.extract_strided_slice %get3A_15 {offsets = [3], sizes = [1], strides = [1]} : vector<16xi32> to vector<1xi32>
      %squeeze3A_858 = vector.extract %slice3A_857[0] : i32 from vector<1xi32>
      %jit3A_859 = arith.constant 8 : i32
      %eq3A_860 = arith.constant 0 : i32
      %eq3A_861 = arith.cmpi eq, %jit3A_859, %eq3A_860 : i32
      %jit3A_862 = arith.constant 1 : i32
      %select_n3A_863 = arith.select %eq3A_861, %jit3A_862, %jit3A_859 : i32
      %rem3A_864 = arith.remsi %squeeze3A_858, %select_n3A_863 : i32
      %ne3A_865 = arith.constant 0 : i32
      %ne3A_866 = arith.cmpi ne, %rem3A_864, %ne3A_865 : i32
      %lt3A_867 = arith.constant 0 : i32
      %lt3A_868 = arith.cmpi slt, %rem3A_864, %lt3A_867 : i32
      %lt3A_869 = arith.constant 0 : i32
      %lt3A_870 = arith.cmpi slt, %select_n3A_863, %lt3A_869 : i32
      %ne3A_871 = arith.xori %lt3A_868, %lt3A_870 : i1
      %and3A_872 = arith.andi %ne3A_871, %ne3A_866 : i1
      %add3A_873 = arith.addi %rem3A_864, %select_n3A_863 : i32
      %select_n3A_874 = arith.select %and3A_872, %add3A_873, %rem3A_864 : i32
      %get3A_875 = arith.constant 3 : i32
      %get3A_876 = arith.index_cast %get3A_875 : i32 to index
      %get3A_877 = arith.index_cast %select_n3A_874 : i32 to index
      %get3A_878 = arith.constant 0 : index
      %get3A_879 = tpu.vector_load %arg8[%get3A_876, %get3A_877, %get3A_878] {strides = array<i32>} : memref<16x8x64xf32, #tpu.memory_space<vmem>>, vector<16xf32>,
      %add3A_880 = arith.constant 3 : i32
      %add3A_881 = arith.addi %multiple_of3A, %add3A_880 : i32
      %swap3A_882 = arith.index_cast %add3A_881 : i32 to index
      %swap3A_883 = arith.constant 0 : index
      %swap3A_884 = tpu.vector_load %arg9[%swap3A_882, %swap3A_883] {strides = array<i32>} : memref<512x64xf32, #tpu.memory_space<vmem>>, vector<16xf32>,
      tpu.vector_store %arg9[%swap3A_882, %swap3A_883], %get3A_879 {strides = array<i32>} : memref<512x64xf32, #tpu.memory_space<vmem>>, vector<16xf32>,
      %get3A_885 = arith.constant 3 : i32
      %get3A_886 = arith.index_cast %get3A_885 : i32 to index
      %get3A_887 = arith.index_cast %select_n3A_874 : i32 to index
      %get3A_888 = arith.constant 16 : index
      %get3A_889 = tpu.vector_load %arg8[%get3A_886, %get3A_887, %get3A_888] {strides = array<i32>} : memref<16x8x64xf32, #tpu.memory_space<vmem>>, vector<16xf32>,
      %add3A_890 = arith.constant 3 : i32
      %add3A_891 = arith.addi %multiple_of3A, %add3A_890 : i32
      %swap3A_892 = arith.index_cast %add3A_891 : i32 to index
      %swap3A_893 = arith.constant 16 : index
      %swap3A_894 = tpu.vector_load %arg9[%swap3A_892, %swap3A_893] {strides = array<i32>} : memref<512x64xf32, #tpu.memory_space<vmem>>, vector<16xf32>,
      tpu.vector_store %arg9[%swap3A_892, %swap3A_893], %get3A_889 {strides = array<i32>} : memref<512x64xf32, #tpu.memory_space<vmem>>, vector<16xf32>,
      %get3A_895 = arith.constant 3 : i32
      %get3A_896 = arith.index_cast %get3A_895 : i32 to index
      %get3A_897 = arith.index_cast %select_n3A_874 : i32 to index
      %get3A_898 = arith.constant 32 : index
      %get3A_899 = tpu.vector_load %arg8[%get3A_896, %get3A_897, %get3A_898] {strides = array<i32>} : memref<16x8x64xf32, #tpu.memory_space<vmem>>, vector<16xf32>,
      %add3A_900 = arith.constant 3 : i32
      %add3A_901 = arith.addi %multiple_of3A, %add3A_900 : i32
      %swap3A_902 = arith.index_cast %add3A_901 : i32 to index
      %swap3A_903 = arith.constant 32 : index
      %swap3A_904 = tpu.vector_load %arg9[%swap3A_902, %swap3A_903] {strides = array<i32>} : memref<512x64xf32, #tpu.memory_space<vmem>>, vector<16xf32>,
      tpu.vector_store %arg9[%swap3A_902, %swap3A_903], %get3A_899 {strides = array<i32>} : memref<512x64xf32, #tpu.memory_space<vmem>>, vector<16xf32>,
      %get3A_905 = arith.constant 3 : i32
      %get3A_906 = arith.index_cast %get3A_905 : i32 to index
      %get3A_907 = arith.index_cast %select_n3A_874 : i32 to index
      %get3A_908 = arith.constant 48 : index
      %get3A_909 = tpu.vector_load %arg8[%get3A_906, %get3A_907, %get3A_908] {strides = array<i32>} : memref<16x8x64xf32, #tpu.memory_space<vmem>>, vector<16xf32>,
      %add3A_910 = arith.constant 3 : i32
      %add3A_911 = arith.addi %multiple_of3A, %add3A_910 : i32
      %swap3A_912 = arith.index_cast %add3A_911 : i32 to index
      %swap3A_913 = arith.constant 48 : index
      %swap3A_914 = tpu.vector_load %arg9[%swap3A_912, %swap3A_913] {strides = array<i32>} : memref<512x64xf32, #tpu.memory_space<vmem>>, vector<16xf32>,
      tpu.vector_store %arg9[%swap3A_912, %swap3A_913], %get3A_909 {strides = array<i32>} : memref<512x64xf32, #tpu.memory_space<vmem>>, vector<16xf32>,
      %slice3A_915 = vector.extract_strided_slice %get3A_15 {offsets = [4], sizes = [1], strides = [1]} : vector<16xi32> to vector<1xi32>
      %squeeze3A_916 = vector.extract %slice3A_915[0] : i32 from vector<1xi32>
      %jit3A_917 = arith.constant 8 : i32
      %eq3A_918 = arith.constant 0 : i32
      %eq3A_919 = arith.cmpi eq, %jit3A_917, %eq3A_918 : i32
      %jit3A_920 = arith.constant 1 : i32
      %select_n3A_921 = arith.select %eq3A_919, %jit3A_920, %jit3A_917 : i32
      %rem3A_922 = arith.remsi %squeeze3A_916, %select_n3A_921 : i32
      %ne3A_923 = arith.constant 0 : i32
      %ne3A_924 = arith.cmpi ne, %rem3A_922, %ne3A_923 : i32
      %lt3A_925 = arith.constant 0 : i32
      %lt3A_926 = arith.cmpi slt, %rem3A_922, %lt3A_925 : i32
      %lt3A_927 = arith.constant 0 : i32
      %lt3A_928 = arith.cmpi slt, %select_n3A_921, %lt3A_927 : i32
      %ne3A_929 = arith.xori %lt3A_926, %lt3A_928 : i1
      %and3A_930 = arith.andi %ne3A_929, %ne3A_924 : i1
      %add3A_931 = arith.addi %rem3A_922, %select_n3A_921 : i32
      %select_n3A_932 = arith.select %and3A_930, %add3A_931, %rem3A_922 : i32
      %get3A_933 = arith.constant 4 : i32
      %get3A_934 = arith.index_cast %get3A_933 : i32 to index
      %get3A_935 = arith.index_cast %select_n3A_932 : i32 to index
      %get3A_936 = arith.constant 0 : index
      %get3A_937 = tpu.vector_load %arg8[%get3A_934, %get3A_935, %get3A_936] {strides = array<i32>} : memref<16x8x64xf32, #tpu.memory_space<vmem>>, vector<16xf32>,
      %add3A_938 = arith.constant 4 : i32
      %add3A_939 = arith.addi %multiple_of3A, %add3A_938 : i32
      %swap3A_940 = arith.index_cast %add3A_939 : i32 to index
      %swap3A_941 = arith.constant 0 : index
      %swap3A_942 = tpu.vector_load %arg9[%swap3A_940, %swap3A_941] {strides = array<i32>} : memref<512x64xf32, #tpu.memory_space<vmem>>, vector<16xf32>,
      tpu.vector_store %arg9[%swap3A_940, %swap3A_941], %get3A_937 {strides = array<i32>} : memref<512x64xf32, #tpu.memory_space<vmem>>, vector<16xf32>,
      %get3A_943 = arith.constant 4 : i32
      %get3A_944 = arith.index_cast %get3A_943 : i32 to index
      %get3A_945 = arith.index_cast %select_n3A_932 : i32 to index
      %get3A_946 = arith.constant 16 : index
      %get3A_947 = tpu.vector_load %arg8[%get3A_944, %get3A_945, %get3A_946] {strides = array<i32>} : memref<16x8x64xf32, #tpu.memory_space<vmem>>, vector<16xf32>,
      %add3A_948 = arith.constant 4 : i32
      %add3A_949 = arith.addi %multiple_of3A, %add3A_948 : i32
      %swap3A_950 = arith.index_cast %add3A_949 : i32 to index
      %swap3A_951 = arith.constant 16 : index
      %swap3A_952 = tpu.vector_load %arg9[%swap3A_950, %swap3A_951] {strides = array<i32>} : memref<512x64xf32, #tpu.memory_space<vmem>>, vector<16xf32>,
      tpu.vector_store %arg9[%swap3A_950, %swap3A_951], %get3A_947 {strides = array<i32>} : memref<512x64xf32, #tpu.memory_space<vmem>>, vector<16xf32>,
      %get3A_953 = arith.constant 4 : i32
      %get3A_954 = arith.index_cast %get3A_953 : i32 to index
      %get3A_955 = arith.index_cast %select_n3A_932 : i32 to index
      %get3A_956 = arith.constant 32 : index
      %get3A_957 = tpu.vector_load %arg8[%get3A_954, %get3A_955, %get3A_956] {strides = array<i32>} : memref<16x8x64xf32, #tpu.memory_space<vmem>>, vector<16xf32>,
      %add3A_958 = arith.constant 4 : i32
      %add3A_959 = arith.addi %multiple_of3A, %add3A_958 : i32
      %swap3A_960 = arith.index_cast %add3A_959 : i32 to index
      %swap3A_961 = arith.constant 32 : index
      %swap3A_962 = tpu.vector_load %arg9[%swap3A_960, %swap3A_961] {strides = array<i32>} : memref<512x64xf32, #tpu.memory_space<vmem>>, vector<16xf32>,
      tpu.vector_store %arg9[%swap3A_960, %swap3A_961], %get3A_957 {strides = array<i32>} : memref<512x64xf32, #tpu.memory_space<vmem>>, vector<16xf32>,
      %get3A_963 = arith.constant 4 : i32
      %get3A_964 = arith.index_cast %get3A_963 : i32 to index
      %get3A_965 = arith.index_cast %select_n3A_932 : i32 to index
      %get3A_966 = arith.constant 48 : index
      %get3A_967 = tpu.vector_load %arg8[%get3A_964, %get3A_965, %get3A_966] {strides = array<i32>} : memref<16x8x64xf32, #tpu.memory_space<vmem>>, vector<16xf32>,
      %add3A_968 = arith.constant 4 : i32
      %add3A_969 = arith.addi %multiple_of3A, %add3A_968 : i32
      %swap3A_970 = arith.index_cast %add3A_969 : i32 to index
      %swap3A_971 = arith.constant 48 : index
      %swap3A_972 = tpu.vector_load %arg9[%swap3A_970, %swap3A_971] {strides = array<i32>} : memref<512x64xf32, #tpu.memory_space<vmem>>, vector<16xf32>,
      tpu.vector_store %arg9[%swap3A_970, %swap3A_971], %get3A_967 {strides = array<i32>} : memref<512x64xf32, #tpu.memory_space<vmem>>, vector<16xf32>,
      %slice3A_973 = vector.extract_strided_slice %get3A_15 {offsets = [5], sizes = [1], strides = [1]} : vector<16xi32> to vector<1xi32>
      %squeeze3A_974 = vector.extract %slice3A_973[0] : i32 from vector<1xi32>
      %jit3A_975 = arith.constant 8 : i32
      %eq3A_976 = arith.constant 0 : i32
      %eq3A_977 = arith.cmpi eq, %jit3A_975, %eq3A_976 : i32
      %jit3A_978 = arith.constant 1 : i32
      %select_n3A_979 = arith.select %eq3A_977, %jit3A_978, %jit3A_975 : i32
      %rem3A_980 = arith.remsi %squeeze3A_974, %select_n3A_979 : i32
      %ne3A_981 = arith.constant 0 : i32
      %ne3A_982 = arith.cmpi ne, %rem3A_980, %ne3A_981 : i32
      %lt3A_983 = arith.constant 0 : i32
      %lt3A_984 = arith.cmpi slt, %rem3A_980, %lt3A_983 : i32
      %lt3A_985 = arith.constant 0 : i32
      %lt3A_986 = arith.cmpi slt, %select_n3A_979, %lt3A_985 : i32
      %ne3A_987 = arith.xori %lt3A_984, %lt3A_986 : i1
      %and3A_988 = arith.andi %ne3A_987, %ne3A_982 : i1
      %add3A_989 = arith.addi %rem3A_980, %select_n3A_979 : i32
      %select_n3A_990 = arith.select %and3A_988, %add3A_989, %rem3A_980 : i32
      %get3A_991 = arith.constant 5 : i32
      %get3A_992 = arith.index_cast %get3A_991 : i32 to index
      %get3A_993 = arith.index_cast %select_n3A_990 : i32 to index
      %get3A_994 = arith.constant 0 : index
      %get3A_995 = tpu.vector_load %arg8[%get3A_992, %get3A_993, %get3A_994] {strides = array<i32>} : memref<16x8x64xf32, #tpu.memory_space<vmem>>, vector<16xf32>,
      %add3A_996 = arith.constant 5 : i32
      %add3A_997 = arith.addi %multiple_of3A, %add3A_996 : i32
      %swap3A_998 = arith.index_cast %add3A_997 : i32 to index
      %swap3A_999 = arith.constant 0 : index
      %swap3A_1000 = tpu.vector_load %arg9[%swap3A_998, %swap3A_999] {strides = array<i32>} : memref<512x64xf32, #tpu.memory_space<vmem>>, vector<16xf32>,
      tpu.vector_store %arg9[%swap3A_998, %swap3A_999], %get3A_995 {strides = array<i32>} : memref<512x64xf32, #tpu.memory_space<vmem>>, vector<16xf32>,
      %get3A_1001 = arith.constant 5 : i32
      %get3A_1002 = arith.index_cast %get3A_1001 : i32 to index
      %get3A_1003 = arith.index_cast %select_n3A_990 : i32 to index
      %get3A_1004 = arith.constant 16 : index
      %get3A_1005 = tpu.vector_load %arg8[%get3A_1002, %get3A_1003, %get3A_1004] {strides = array<i32>} : memref<16x8x64xf32, #tpu.memory_space<vmem>>, vector<16xf32>,
      %add3A_1006 = arith.constant 5 : i32
      %add3A_1007 = arith.addi %multiple_of3A, %add3A_1006 : i32
      %swap3A_1008 = arith.index_cast %add3A_1007 : i32 to index
      %swap3A_1009 = arith.constant 16 : index
      %swap3A_1010 = tpu.vector_load %arg9[%swap3A_1008, %swap3A_1009] {strides = array<i32>} : memref<512x64xf32, #tpu.memory_space<vmem>>, vector<16xf32>,
      tpu.vector_store %arg9[%swap3A_1008, %swap3A_1009], %get3A_1005 {strides = array<i32>} : memref<512x64xf32, #tpu.memory_space<vmem>>, vector<16xf32>,
      %get3A_1011 = arith.constant 5 : i32
      %get3A_1012 = arith.index_cast %get3A_1011 : i32 to index
      %get3A_1013 = arith.index_cast %select_n3A_990 : i32 to index
      %get3A_1014 = arith.constant 32 : index
      %get3A_1015 = tpu.vector_load %arg8[%get3A_1012, %get3A_1013, %get3A_1014] {strides = array<i32>} : memref<16x8x64xf32, #tpu.memory_space<vmem>>, vector<16xf32>,
      %add3A_1016 = arith.constant 5 : i32
      %add3A_1017 = arith.addi %multiple_of3A, %add3A_1016 : i32
      %swap3A_1018 = arith.index_cast %add3A_1017 : i32 to index
      %swap3A_1019 = arith.constant 32 : index
      %swap3A_1020 = tpu.vector_load %arg9[%swap3A_1018, %swap3A_1019] {strides = array<i32>} : memref<512x64xf32, #tpu.memory_space<vmem>>, vector<16xf32>,
      tpu.vector_store %arg9[%swap3A_1018, %swap3A_1019], %get3A_1015 {strides = array<i32>} : memref<512x64xf32, #tpu.memory_space<vmem>>, vector<16xf32>,
      %get3A_1021 = arith.constant 5 : i32
      %get3A_1022 = arith.index_cast %get3A_1021 : i32 to index
      %get3A_1023 = arith.index_cast %select_n3A_990 : i32 to index
      %get3A_1024 = arith.constant 48 : index
      %get3A_1025 = tpu.vector_load %arg8[%get3A_1022, %get3A_1023, %get3A_1024] {strides = array<i32>} : memref<16x8x64xf32, #tpu.memory_space<vmem>>, vector<16xf32>,
      %add3A_1026 = arith.constant 5 : i32
      %add3A_1027 = arith.addi %multiple_of3A, %add3A_1026 : i32
      %swap3A_1028 = arith.index_cast %add3A_1027 : i32 to index
      %swap3A_1029 = arith.constant 48 : index
      %swap3A_1030 = tpu.vector_load %arg9[%swap3A_1028, %swap3A_1029] {strides = array<i32>} : memref<512x64xf32, #tpu.memory_space<vmem>>, vector<16xf32>,
      tpu.vector_store %arg9[%swap3A_1028, %swap3A_1029], %get3A_1025 {strides = array<i32>} : memref<512x64xf32, #tpu.memory_space<vmem>>, vector<16xf32>,
      %slice3A_1031 = vector.extract_strided_slice %get3A_15 {offsets = [6], sizes = [1], strides = [1]} : vector<16xi32> to vector<1xi32>
      %squeeze3A_1032 = vector.extract %slice3A_1031[0] : i32 from vector<1xi32>
      %jit3A_1033 = arith.constant 8 : i32
      %eq3A_1034 = arith.constant 0 : i32
      %eq3A_1035 = arith.cmpi eq, %jit3A_1033, %eq3A_1034 : i32
      %jit3A_1036 = arith.constant 1 : i32
      %select_n3A_1037 = arith.select %eq3A_1035, %jit3A_1036, %jit3A_1033 : i32
      %rem3A_1038 = arith.remsi %squeeze3A_1032, %select_n3A_1037 : i32
      %ne3A_1039 = arith.constant 0 : i32
      %ne3A_1040 = arith.cmpi ne, %rem3A_1038, %ne3A_1039 : i32
      %lt3A_1041 = arith.constant 0 : i32
      %lt3A_1042 = arith.cmpi slt, %rem3A_1038, %lt3A_1041 : i32
      %lt3A_1043 = arith.constant 0 : i32
      %lt3A_1044 = arith.cmpi slt, %select_n3A_1037, %lt3A_1043 : i32
      %ne3A_1045 = arith.xori %lt3A_1042, %lt3A_1044 : i1
      %and3A_1046 = arith.andi %ne3A_1045, %ne3A_1040 : i1
      %add3A_1047 = arith.addi %rem3A_1038, %select_n3A_1037 : i32
      %select_n3A_1048 = arith.select %and3A_1046, %add3A_1047, %rem3A_1038 : i32
      %get3A_1049 = arith.constant 6 : i32
      %get3A_1050 = arith.index_cast %get3A_1049 : i32 to index
      %get3A_1051 = arith.index_cast %select_n3A_1048 : i32 to index
      %get3A_1052 = arith.constant 0 : index
      %get3A_1053 = tpu.vector_load %arg8[%get3A_1050, %get3A_1051, %get3A_1052] {strides = array<i32>} : memref<16x8x64xf32, #tpu.memory_space<vmem>>, vector<16xf32>,
      %add3A_1054 = arith.constant 6 : i32
      %add3A_1055 = arith.addi %multiple_of3A, %add3A_1054 : i32
      %swap3A_1056 = arith.index_cast %add3A_1055 : i32 to index
      %swap3A_1057 = arith.constant 0 : index
      %swap3A_1058 = tpu.vector_load %arg9[%swap3A_1056, %swap3A_1057] {strides = array<i32>} : memref<512x64xf32, #tpu.memory_space<vmem>>, vector<16xf32>,
      tpu.vector_store %arg9[%swap3A_1056, %swap3A_1057], %get3A_1053 {strides = array<i32>} : memref<512x64xf32, #tpu.memory_space<vmem>>, vector<16xf32>,
      %get3A_1059 = arith.constant 6 : i32
      %get3A_1060 = arith.index_cast %get3A_1059 : i32 to index
      %get3A_1061 = arith.index_cast %select_n3A_1048 : i32 to index
      %get3A_1062 = arith.constant 16 : index
      %get3A_1063 = tpu.vector_load %arg8[%get3A_1060, %get3A_1061, %get3A_1062] {strides = array<i32>} : memref<16x8x64xf32, #tpu.memory_space<vmem>>, vector<16xf32>,
      %add3A_1064 = arith.constant 6 : i32
      %add3A_1065 = arith.addi %multiple_of3A, %add3A_1064 : i32
      %swap3A_1066 = arith.index_cast %add3A_1065 : i32 to index
      %swap3A_1067 = arith.constant 16 : index
      %swap3A_1068 = tpu.vector_load %arg9[%swap3A_1066, %swap3A_1067] {strides = array<i32>} : memref<512x64xf32, #tpu.memory_space<vmem>>, vector<16xf32>,
      tpu.vector_store %arg9[%swap3A_1066, %swap3A_1067], %get3A_1063 {strides = array<i32>} : memref<512x64xf32, #tpu.memory_space<vmem>>, vector<16xf32>,
      %get3A_1069 = arith.constant 6 : i32
      %get3A_1070 = arith.index_cast %get3A_1069 : i32 to index
      %get3A_1071 = arith.index_cast %select_n3A_1048 : i32 to index
      %get3A_1072 = arith.constant 32 : index
      %get3A_1073 = tpu.vector_load %arg8[%get3A_1070, %get3A_1071, %get3A_1072] {strides = array<i32>} : memref<16x8x64xf32, #tpu.memory_space<vmem>>, vector<16xf32>,
      %add3A_1074 = arith.constant 6 : i32
      %add3A_1075 = arith.addi %multiple_of3A, %add3A_1074 : i32
      %swap3A_1076 = arith.index_cast %add3A_1075 : i32 to index
      %swap3A_1077 = arith.constant 32 : index
      %swap3A_1078 = tpu.vector_load %arg9[%swap3A_1076, %swap3A_1077] {strides = array<i32>} : memref<512x64xf32, #tpu.memory_space<vmem>>, vector<16xf32>,
      tpu.vector_store %arg9[%swap3A_1076, %swap3A_1077], %get3A_1073 {strides = array<i32>} : memref<512x64xf32, #tpu.memory_space<vmem>>, vector<16xf32>,
      %get3A_1079 = arith.constant 6 : i32
      %get3A_1080 = arith.index_cast %get3A_1079 : i32 to index
      %get3A_1081 = arith.index_cast %select_n3A_1048 : i32 to index
      %get3A_1082 = arith.constant 48 : index
      %get3A_1083 = tpu.vector_load %arg8[%get3A_1080, %get3A_1081, %get3A_1082] {strides = array<i32>} : memref<16x8x64xf32, #tpu.memory_space<vmem>>, vector<16xf32>,
      %add3A_1084 = arith.constant 6 : i32
      %add3A_1085 = arith.addi %multiple_of3A, %add3A_1084 : i32
      %swap3A_1086 = arith.index_cast %add3A_1085 : i32 to index
      %swap3A_1087 = arith.constant 48 : index
      %swap3A_1088 = tpu.vector_load %arg9[%swap3A_1086, %swap3A_1087] {strides = array<i32>} : memref<512x64xf32, #tpu.memory_space<vmem>>, vector<16xf32>,
      tpu.vector_store %arg9[%swap3A_1086, %swap3A_1087], %get3A_1083 {strides = array<i32>} : memref<512x64xf32, #tpu.memory_space<vmem>>, vector<16xf32>,
      %slice3A_1089 = vector.extract_strided_slice %get3A_15 {offsets = [7], sizes = [1], strides = [1]} : vector<16xi32> to vector<1xi32>
      %squeeze3A_1090 = vector.extract %slice3A_1089[0] : i32 from vector<1xi32>
      %jit3A_1091 = arith.constant 8 : i32
      %eq3A_1092 = arith.constant 0 : i32
      %eq3A_1093 = arith.cmpi eq, %jit3A_1091, %eq3A_1092 : i32
      %jit3A_1094 = arith.constant 1 : i32
      %select_n3A_1095 = arith.select %eq3A_1093, %jit3A_1094, %jit3A_1091 : i32
      %rem3A_1096 = arith.remsi %squeeze3A_1090, %select_n3A_1095 : i32
      %ne3A_1097 = arith.constant 0 : i32
      %ne3A_1098 = arith.cmpi ne, %rem3A_1096, %ne3A_1097 : i32
      %lt3A_1099 = arith.constant 0 : i32
      %lt3A_1100 = arith.cmpi slt, %rem3A_1096, %lt3A_1099 : i32
      %lt3A_1101 = arith.constant 0 : i32
      %lt3A_1102 = arith.cmpi slt, %select_n3A_1095, %lt3A_1101 : i32
      %ne3A_1103 = arith.xori %lt3A_1100, %lt3A_1102 : i1
      %and3A_1104 = arith.andi %ne3A_1103, %ne3A_1098 : i1
      %add3A_1105 = arith.addi %rem3A_1096, %select_n3A_1095 : i32
      %select_n3A_1106 = arith.select %and3A_1104, %add3A_1105, %rem3A_1096 : i32
      %get3A_1107 = arith.constant 7 : i32
      %get3A_1108 = arith.index_cast %get3A_1107 : i32 to index
      %get3A_1109 = arith.index_cast %select_n3A_1106 : i32 to index
      %get3A_1110 = arith.constant 0 : index
      %get3A_1111 = tpu.vector_load %arg8[%get3A_1108, %get3A_1109, %get3A_1110] {strides = array<i32>} : memref<16x8x64xf32, #tpu.memory_space<vmem>>, vector<16xf32>,
      %add3A_1112 = arith.constant 7 : i32
      %add3A_1113 = arith.addi %multiple_of3A, %add3A_1112 : i32
      %swap3A_1114 = arith.index_cast %add3A_1113 : i32 to index
      %swap3A_1115 = arith.constant 0 : index
      %swap3A_1116 = tpu.vector_load %arg9[%swap3A_1114, %swap3A_1115] {strides = array<i32>} : memref<512x64xf32, #tpu.memory_space<vmem>>, vector<16xf32>,
      tpu.vector_store %arg9[%swap3A_1114, %swap3A_1115], %get3A_1111 {strides = array<i32>} : memref<512x64xf32, #tpu.memory_space<vmem>>, vector<16xf32>,
      %get3A_1117 = arith.constant 7 : i32
      %get3A_1118 = arith.index_cast %get3A_1117 : i32 to index
      %get3A_1119 = arith.index_cast %select_n3A_1106 : i32 to index
      %get3A_1120 = arith.constant 16 : index
      %get3A_1121 = tpu.vector_load %arg8[%get3A_1118, %get3A_1119, %get3A_1120] {strides = array<i32>} : memref<16x8x64xf32, #tpu.memory_space<vmem>>, vector<16xf32>,
      %add3A_1122 = arith.constant 7 : i32
      %add3A_1123 = arith.addi %multiple_of3A, %add3A_1122 : i32
      %swap3A_1124 = arith.index_cast %add3A_1123 : i32 to index
      %swap3A_1125 = arith.constant 16 : index
      %swap3A_1126 = tpu.vector_load %arg9[%swap3A_1124, %swap3A_1125] {strides = array<i32>} : memref<512x64xf32, #tpu.memory_space<vmem>>, vector<16xf32>,
      tpu.vector_store %arg9[%swap3A_1124, %swap3A_1125], %get3A_1121 {strides = array<i32>} : memref<512x64xf32, #tpu.memory_space<vmem>>, vector<16xf32>,
      %get3A_1127 = arith.constant 7 : i32
      %get3A_1128 = arith.index_cast %get3A_1127 : i32 to index
      %get3A_1129 = arith.index_cast %select_n3A_1106 : i32 to index
      %get3A_1130 = arith.constant 32 : index
      %get3A_1131 = tpu.vector_load %arg8[%get3A_1128, %get3A_1129, %get3A_1130] {strides = array<i32>} : memref<16x8x64xf32, #tpu.memory_space<vmem>>, vector<16xf32>,
      %add3A_1132 = arith.constant 7 : i32
      %add3A_1133 = arith.addi %multiple_of3A, %add3A_1132 : i32
      %swap3A_1134 = arith.index_cast %add3A_1133 : i32 to index
      %swap3A_1135 = arith.constant 32 : index
      %swap3A_1136 = tpu.vector_load %arg9[%swap3A_1134, %swap3A_1135] {strides = array<i32>} : memref<512x64xf32, #tpu.memory_space<vmem>>, vector<16xf32>,
      tpu.vector_store %arg9[%swap3A_1134, %swap3A_1135], %get3A_1131 {strides = array<i32>} : memref<512x64xf32, #tpu.memory_space<vmem>>, vector<16xf32>,
      %get3A_1137 = arith.constant 7 : i32
      %get3A_1138 = arith.index_cast %get3A_1137 : i32 to index
      %get3A_1139 = arith.index_cast %select_n3A_1106 : i32 to index
      %get3A_1140 = arith.constant 48 : index
      %get3A_1141 = tpu.vector_load %arg8[%get3A_1138, %get3A_1139, %get3A_1140] {strides = array<i32>} : memref<16x8x64xf32, #tpu.memory_space<vmem>>, vector<16xf32>,
      %add3A_1142 = arith.constant 7 : i32
      %add3A_1143 = arith.addi %multiple_of3A, %add3A_1142 : i32
      %swap3A_1144 = arith.index_cast %add3A_1143 : i32 to index
      %swap3A_1145 = arith.constant 48 : index
      %swap3A_1146 = tpu.vector_load %arg9[%swap3A_1144, %swap3A_1145] {strides = array<i32>} : memref<512x64xf32, #tpu.memory_space<vmem>>, vector<16xf32>,
      tpu.vector_store %arg9[%swap3A_1144, %swap3A_1145], %get3A_1141 {strides = array<i32>} : memref<512x64xf32, #tpu.memory_space<vmem>>, vector<16xf32>,
      %slice3A_1147 = vector.extract_strided_slice %get3A_15 {offsets = [8], sizes = [1], strides = [1]} : vector<16xi32> to vector<1xi32>
      %squeeze3A_1148 = vector.extract %slice3A_1147[0] : i32 from vector<1xi32>
      %jit3A_1149 = arith.constant 8 : i32
      %eq3A_1150 = arith.constant 0 : i32
      %eq3A_1151 = arith.cmpi eq, %jit3A_1149, %eq3A_1150 : i32
      %jit3A_1152 = arith.constant 1 : i32
      %select_n3A_1153 = arith.select %eq3A_1151, %jit3A_1152, %jit3A_1149 : i32
      %rem3A_1154 = arith.remsi %squeeze3A_1148, %select_n3A_1153 : i32
      %ne3A_1155 = arith.constant 0 : i32
      %ne3A_1156 = arith.cmpi ne, %rem3A_1154, %ne3A_1155 : i32
      %lt3A_1157 = arith.constant 0 : i32
      %lt3A_1158 = arith.cmpi slt, %rem3A_1154, %lt3A_1157 : i32
      %lt3A_1159 = arith.constant 0 : i32
      %lt3A_1160 = arith.cmpi slt, %select_n3A_1153, %lt3A_1159 : i32
      %ne3A_1161 = arith.xori %lt3A_1158, %lt3A_1160 : i1
      %and3A_1162 = arith.andi %ne3A_1161, %ne3A_1156 : i1
      %add3A_1163 = arith.addi %rem3A_1154, %select_n3A_1153 : i32
      %select_n3A_1164 = arith.select %and3A_1162, %add3A_1163, %rem3A_1154 : i32
      %get3A_1165 = arith.constant 8 : i32
      %get3A_1166 = arith.index_cast %get3A_1165 : i32 to index
      %get3A_1167 = arith.index_cast %select_n3A_1164 : i32 to index
      %get3A_1168 = arith.constant 0 : index
      %get3A_1169 = tpu.vector_load %arg8[%get3A_1166, %get3A_1167, %get3A_1168] {strides = array<i32>} : memref<16x8x64xf32, #tpu.memory_space<vmem>>, vector<16xf32>,
      %add3A_1170 = arith.constant 8 : i32
      %add3A_1171 = arith.addi %multiple_of3A, %add3A_1170 : i32
      %swap3A_1172 = arith.index_cast %add3A_1171 : i32 to index
      %swap3A_1173 = arith.constant 0 : index
      %swap3A_1174 = tpu.vector_load %arg9[%swap3A_1172, %swap3A_1173] {strides = array<i32>} : memref<512x64xf32, #tpu.memory_space<vmem>>, vector<16xf32>,
      tpu.vector_store %arg9[%swap3A_1172, %swap3A_1173], %get3A_1169 {strides = array<i32>} : memref<512x64xf32, #tpu.memory_space<vmem>>, vector<16xf32>,
      %get3A_1175 = arith.constant 8 : i32
      %get3A_1176 = arith.index_cast %get3A_1175 : i32 to index
      %get3A_1177 = arith.index_cast %select_n3A_1164 : i32 to index
      %get3A_1178 = arith.constant 16 : index
      %get3A_1179 = tpu.vector_load %arg8[%get3A_1176, %get3A_1177, %get3A_1178] {strides = array<i32>} : memref<16x8x64xf32, #tpu.memory_space<vmem>>, vector<16xf32>,
      %add3A_1180 = arith.constant 8 : i32
      %add3A_1181 = arith.addi %multiple_of3A, %add3A_1180 : i32
      %swap3A_1182 = arith.index_cast %add3A_1181 : i32 to index
      %swap3A_1183 = arith.constant 16 : index
      %swap3A_1184 = tpu.vector_load %arg9[%swap3A_1182, %swap3A_1183] {strides = array<i32>} : memref<512x64xf32, #tpu.memory_space<vmem>>, vector<16xf32>,
      tpu.vector_store %arg9[%swap3A_1182, %swap3A_1183], %get3A_1179 {strides = array<i32>} : memref<512x64xf32, #tpu.memory_space<vmem>>, vector<16xf32>,
      %get3A_1185 = arith.constant 8 : i32
      %get3A_1186 = arith.index_cast %get3A_1185 : i32 to index
      %get3A_1187 = arith.index_cast %select_n3A_1164 : i32 to index
      %get3A_1188 = arith.constant 32 : index
      %get3A_1189 = tpu.vector_load %arg8[%get3A_1186, %get3A_1187, %get3A_1188] {strides = array<i32>} : memref<16x8x64xf32, #tpu.memory_space<vmem>>, vector<16xf32>,
      %add3A_1190 = arith.constant 8 : i32
      %add3A_1191 = arith.addi %multiple_of3A, %add3A_1190 : i32
      %swap3A_1192 = arith.index_cast %add3A_1191 : i32 to index
      %swap3A_1193 = arith.constant 32 : index
      %swap3A_1194 = tpu.vector_load %arg9[%swap3A_1192, %swap3A_1193] {strides = array<i32>} : memref<512x64xf32, #tpu.memory_space<vmem>>, vector<16xf32>,
      tpu.vector_store %arg9[%swap3A_1192, %swap3A_1193], %get3A_1189 {strides = array<i32>} : memref<512x64xf32, #tpu.memory_space<vmem>>, vector<16xf32>,
      %get3A_1195 = arith.constant 8 : i32
      %get3A_1196 = arith.index_cast %get3A_1195 : i32 to index
      %get3A_1197 = arith.index_cast %select_n3A_1164 : i32 to index
      %get3A_1198 = arith.constant 48 : index
      %get3A_1199 = tpu.vector_load %arg8[%get3A_1196, %get3A_1197, %get3A_1198] {strides = array<i32>} : memref<16x8x64xf32, #tpu.memory_space<vmem>>, vector<16xf32>,
      %add3A_1200 = arith.constant 8 : i32
      %add3A_1201 = arith.addi %multiple_of3A, %add3A_1200 : i32
      %swap3A_1202 = arith.index_cast %add3A_1201 : i32 to index
      %swap3A_1203 = arith.constant 48 : index
      %swap3A_1204 = tpu.vector_load %arg9[%swap3A_1202, %swap3A_1203] {strides = array<i32>} : memref<512x64xf32, #tpu.memory_space<vmem>>, vector<16xf32>,
      tpu.vector_store %arg9[%swap3A_1202, %swap3A_1203], %get3A_1199 {strides = array<i32>} : memref<512x64xf32, #tpu.memory_space<vmem>>, vector<16xf32>,
      %slice3A_1205 = vector.extract_strided_slice %get3A_15 {offsets = [9], sizes = [1], strides = [1]} : vector<16xi32> to vector<1xi32>
      %squeeze3A_1206 = vector.extract %slice3A_1205[0] : i32 from vector<1xi32>
      %jit3A_1207 = arith.constant 8 : i32
      %eq3A_1208 = arith.constant 0 : i32
      %eq3A_1209 = arith.cmpi eq, %jit3A_1207, %eq3A_1208 : i32
      %jit3A_1210 = arith.constant 1 : i32
      %select_n3A_1211 = arith.select %eq3A_1209, %jit3A_1210, %jit3A_1207 : i32
      %rem3A_1212 = arith.remsi %squeeze3A_1206, %select_n3A_1211 : i32
      %ne3A_1213 = arith.constant 0 : i32
      %ne3A_1214 = arith.cmpi ne, %rem3A_1212, %ne3A_1213 : i32
      %lt3A_1215 = arith.constant 0 : i32
      %lt3A_1216 = arith.cmpi slt, %rem3A_1212, %lt3A_1215 : i32
      %lt3A_1217 = arith.constant 0 : i32
      %lt3A_1218 = arith.cmpi slt, %select_n3A_1211, %lt3A_1217 : i32
      %ne3A_1219 = arith.xori %lt3A_1216, %lt3A_1218 : i1
      %and3A_1220 = arith.andi %ne3A_1219, %ne3A_1214 : i1
      %add3A_1221 = arith.addi %rem3A_1212, %select_n3A_1211 : i32
      %select_n3A_1222 = arith.select %and3A_1220, %add3A_1221, %rem3A_1212 : i32
      %get3A_1223 = arith.constant 9 : i32
      %get3A_1224 = arith.index_cast %get3A_1223 : i32 to index
      %get3A_1225 = arith.index_cast %select_n3A_1222 : i32 to index
      %get3A_1226 = arith.constant 0 : index
      %get3A_1227 = tpu.vector_load %arg8[%get3A_1224, %get3A_1225, %get3A_1226] {strides = array<i32>} : memref<16x8x64xf32, #tpu.memory_space<vmem>>, vector<16xf32>,
      %add3A_1228 = arith.constant 9 : i32
      %add3A_1229 = arith.addi %multiple_of3A, %add3A_1228 : i32
      %swap3A_1230 = arith.index_cast %add3A_1229 : i32 to index
      %swap3A_1231 = arith.constant 0 : index
      %swap3A_1232 = tpu.vector_load %arg9[%swap3A_1230, %swap3A_1231] {strides = array<i32>} : memref<512x64xf32, #tpu.memory_space<vmem>>, vector<16xf32>,
      tpu.vector_store %arg9[%swap3A_1230, %swap3A_1231], %get3A_1227 {strides = array<i32>} : memref<512x64xf32, #tpu.memory_space<vmem>>, vector<16xf32>,
      %get3A_1233 = arith.constant 9 : i32
      %get3A_1234 = arith.index_cast %get3A_1233 : i32 to index
      %get3A_1235 = arith.index_cast %select_n3A_1222 : i32 to index
      %get3A_1236 = arith.constant 16 : index
      %get3A_1237 = tpu.vector_load %arg8[%get3A_1234, %get3A_1235, %get3A_1236] {strides = array<i32>} : memref<16x8x64xf32, #tpu.memory_space<vmem>>, vector<16xf32>,
      %add3A_1238 = arith.constant 9 : i32
      %add3A_1239 = arith.addi %multiple_of3A, %add3A_1238 : i32
      %swap3A_1240 = arith.index_cast %add3A_1239 : i32 to index
      %swap3A_1241 = arith.constant 16 : index
      %swap3A_1242 = tpu.vector_load %arg9[%swap3A_1240, %swap3A_1241] {strides = array<i32>} : memref<512x64xf32, #tpu.memory_space<vmem>>, vector<16xf32>,
      tpu.vector_store %arg9[%swap3A_1240, %swap3A_1241], %get3A_1237 {strides = array<i32>} : memref<512x64xf32, #tpu.memory_space<vmem>>, vector<16xf32>,
      %get3A_1243 = arith.constant 9 : i32
      %get3A_1244 = arith.index_cast %get3A_1243 : i32 to index
      %get3A_1245 = arith.index_cast %select_n3A_1222 : i32 to index
      %get3A_1246 = arith.constant 32 : index
      %get3A_1247 = tpu.vector_load %arg8[%get3A_1244, %get3A_1245, %get3A_1246] {strides = array<i32>} : memref<16x8x64xf32, #tpu.memory_space<vmem>>, vector<16xf32>,
      %add3A_1248 = arith.constant 9 : i32
      %add3A_1249 = arith.addi %multiple_of3A, %add3A_1248 : i32
      %swap3A_1250 = arith.index_cast %add3A_1249 : i32 to index
      %swap3A_1251 = arith.constant 32 : index
      %swap3A_1252 = tpu.vector_load %arg9[%swap3A_1250, %swap3A_1251] {strides = array<i32>} : memref<512x64xf32, #tpu.memory_space<vmem>>, vector<16xf32>,
      tpu.vector_store %arg9[%swap3A_1250, %swap3A_1251], %get3A_1247 {strides = array<i32>} : memref<512x64xf32, #tpu.memory_space<vmem>>, vector<16xf32>,
      %get3A_1253 = arith.constant 9 : i32
      %get3A_1254 = arith.index_cast %get3A_1253 : i32 to index
      %get3A_1255 = arith.index_cast %select_n3A_1222 : i32 to index
      %get3A_1256 = arith.constant 48 : index
      %get3A_1257 = tpu.vector_load %arg8[%get3A_1254, %get3A_1255, %get3A_1256] {strides = array<i32>} : memref<16x8x64xf32, #tpu.memory_space<vmem>>, vector<16xf32>,
      %add3A_1258 = arith.constant 9 : i32
      %add3A_1259 = arith.addi %multiple_of3A, %add3A_1258 : i32
      %swap3A_1260 = arith.index_cast %add3A_1259 : i32 to index
      %swap3A_1261 = arith.constant 48 : index
      %swap3A_1262 = tpu.vector_load %arg9[%swap3A_1260, %swap3A_1261] {strides = array<i32>} : memref<512x64xf32, #tpu.memory_space<vmem>>, vector<16xf32>,
      tpu.vector_store %arg9[%swap3A_1260, %swap3A_1261], %get3A_1257 {strides = array<i32>} : memref<512x64xf32, #tpu.memory_space<vmem>>, vector<16xf32>,
      %slice3A_1263 = vector.extract_strided_slice %get3A_15 {offsets = [10], sizes = [1], strides = [1]} : vector<16xi32> to vector<1xi32>
      %squeeze3A_1264 = vector.extract %slice3A_1263[0] : i32 from vector<1xi32>
      %jit3A_1265 = arith.constant 8 : i32
      %eq3A_1266 = arith.constant 0 : i32
      %eq3A_1267 = arith.cmpi eq, %jit3A_1265, %eq3A_1266 : i32
      %jit3A_1268 = arith.constant 1 : i32
      %select_n3A_1269 = arith.select %eq3A_1267, %jit3A_1268, %jit3A_1265 : i32
      %rem3A_1270 = arith.remsi %squeeze3A_1264, %select_n3A_1269 : i32
      %ne3A_1271 = arith.constant 0 : i32
      %ne3A_1272 = arith.cmpi ne, %rem3A_1270, %ne3A_1271 : i32
      %lt3A_1273 = arith.constant 0 : i32
      %lt3A_1274 = arith.cmpi slt, %rem3A_1270, %lt3A_1273 : i32
      %lt3A_1275 = arith.constant 0 : i32
      %lt3A_1276 = arith.cmpi slt, %select_n3A_1269, %lt3A_1275 : i32
      %ne3A_1277 = arith.xori %lt3A_1274, %lt3A_1276 : i1
      %and3A_1278 = arith.andi %ne3A_1277, %ne3A_1272 : i1
      %add3A_1279 = arith.addi %rem3A_1270, %select_n3A_1269 : i32
      %select_n3A_1280 = arith.select %and3A_1278, %add3A_1279, %rem3A_1270 : i32
      %get3A_1281 = arith.constant 10 : i32
      %get3A_1282 = arith.index_cast %get3A_1281 : i32 to index
      %get3A_1283 = arith.index_cast %select_n3A_1280 : i32 to index
      %get3A_1284 = arith.constant 0 : index
      %get3A_1285 = tpu.vector_load %arg8[%get3A_1282, %get3A_1283, %get3A_1284] {strides = array<i32>} : memref<16x8x64xf32, #tpu.memory_space<vmem>>, vector<16xf32>,
      %add3A_1286 = arith.constant 10 : i32
      %add3A_1287 = arith.addi %multiple_of3A, %add3A_1286 : i32
      %swap3A_1288 = arith.index_cast %add3A_1287 : i32 to index
      %swap3A_1289 = arith.constant 0 : index
      %swap3A_1290 = tpu.vector_load %arg9[%swap3A_1288, %swap3A_1289] {strides = array<i32>} : memref<512x64xf32, #tpu.memory_space<vmem>>, vector<16xf32>,
      tpu.vector_store %arg9[%swap3A_1288, %swap3A_1289], %get3A_1285 {strides = array<i32>} : memref<512x64xf32, #tpu.memory_space<vmem>>, vector<16xf32>,
      %get3A_1291 = arith.constant 10 : i32
      %get3A_1292 = arith.index_cast %get3A_1291 : i32 to index
      %get3A_1293 = arith.index_cast %select_n3A_1280 : i32 to index
      %get3A_1294 = arith.constant 16 : index
      %get3A_1295 = tpu.vector_load %arg8[%get3A_1292, %get3A_1293, %get3A_1294] {strides = array<i32>} : memref<16x8x64xf32, #tpu.memory_space<vmem>>, vector<16xf32>,
      %add3A_1296 = arith.constant 10 : i32
      %add3A_1297 = arith.addi %multiple_of3A, %add3A_1296 : i32
      %swap3A_1298 = arith.index_cast %add3A_1297 : i32 to index
      %swap3A_1299 = arith.constant 16 : index
      %swap3A_1300 = tpu.vector_load %arg9[%swap3A_1298, %swap3A_1299] {strides = array<i32>} : memref<512x64xf32, #tpu.memory_space<vmem>>, vector<16xf32>,
      tpu.vector_store %arg9[%swap3A_1298, %swap3A_1299], %get3A_1295 {strides = array<i32>} : memref<512x64xf32, #tpu.memory_space<vmem>>, vector<16xf32>,
      %get3A_1301 = arith.constant 10 : i32
      %get3A_1302 = arith.index_cast %get3A_1301 : i32 to index
      %get3A_1303 = arith.index_cast %select_n3A_1280 : i32 to index
      %get3A_1304 = arith.constant 32 : index
      %get3A_1305 = tpu.vector_load %arg8[%get3A_1302, %get3A_1303, %get3A_1304] {strides = array<i32>} : memref<16x8x64xf32, #tpu.memory_space<vmem>>, vector<16xf32>,
      %add3A_1306 = arith.constant 10 : i32
      %add3A_1307 = arith.addi %multiple_of3A, %add3A_1306 : i32
      %swap3A_1308 = arith.index_cast %add3A_1307 : i32 to index
      %swap3A_1309 = arith.constant 32 : index
      %swap3A_1310 = tpu.vector_load %arg9[%swap3A_1308, %swap3A_1309] {strides = array<i32>} : memref<512x64xf32, #tpu.memory_space<vmem>>, vector<16xf32>,
      tpu.vector_store %arg9[%swap3A_1308, %swap3A_1309], %get3A_1305 {strides = array<i32>} : memref<512x64xf32, #tpu.memory_space<vmem>>, vector<16xf32>,
      %get3A_1311 = arith.constant 10 : i32
      %get3A_1312 = arith.index_cast %get3A_1311 : i32 to index
      %get3A_1313 = arith.index_cast %select_n3A_1280 : i32 to index
      %get3A_1314 = arith.constant 48 : index
      %get3A_1315 = tpu.vector_load %arg8[%get3A_1312, %get3A_1313, %get3A_1314] {strides = array<i32>} : memref<16x8x64xf32, #tpu.memory_space<vmem>>, vector<16xf32>,
      %add3A_1316 = arith.constant 10 : i32
      %add3A_1317 = arith.addi %multiple_of3A, %add3A_1316 : i32
      %swap3A_1318 = arith.index_cast %add3A_1317 : i32 to index
      %swap3A_1319 = arith.constant 48 : index
      %swap3A_1320 = tpu.vector_load %arg9[%swap3A_1318, %swap3A_1319] {strides = array<i32>} : memref<512x64xf32, #tpu.memory_space<vmem>>, vector<16xf32>,
      tpu.vector_store %arg9[%swap3A_1318, %swap3A_1319], %get3A_1315 {strides = array<i32>} : memref<512x64xf32, #tpu.memory_space<vmem>>, vector<16xf32>,
      %slice3A_1321 = vector.extract_strided_slice %get3A_15 {offsets = [11], sizes = [1], strides = [1]} : vector<16xi32> to vector<1xi32>
      %squeeze3A_1322 = vector.extract %slice3A_1321[0] : i32 from vector<1xi32>
      %jit3A_1323 = arith.constant 8 : i32
      %eq3A_1324 = arith.constant 0 : i32
      %eq3A_1325 = arith.cmpi eq, %jit3A_1323, %eq3A_1324 : i32
      %jit3A_1326 = arith.constant 1 : i32
      %select_n3A_1327 = arith.select %eq3A_1325, %jit3A_1326, %jit3A_1323 : i32
      %rem3A_1328 = arith.remsi %squeeze3A_1322, %select_n3A_1327 : i32
      %ne3A_1329 = arith.constant 0 : i32
      %ne3A_1330 = arith.cmpi ne, %rem3A_1328, %ne3A_1329 : i32
      %lt3A_1331 = arith.constant 0 : i32
      %lt3A_1332 = arith.cmpi slt, %rem3A_1328, %lt3A_1331 : i32
      %lt3A_1333 = arith.constant 0 : i32
      %lt3A_1334 = arith.cmpi slt, %select_n3A_1327, %lt3A_1333 : i32
      %ne3A_1335 = arith.xori %lt3A_1332, %lt3A_1334 : i1
      %and3A_1336 = arith.andi %ne3A_1335, %ne3A_1330 : i1
      %add3A_1337 = arith.addi %rem3A_1328, %select_n3A_1327 : i32
      %select_n3A_1338 = arith.select %and3A_1336, %add3A_1337, %rem3A_1328 : i32
      %get3A_1339 = arith.constant 11 : i32
      %get3A_1340 = arith.index_cast %get3A_1339 : i32 to index
      %get3A_1341 = arith.index_cast %select_n3A_1338 : i32 to index
      %get3A_1342 = arith.constant 0 : index
      %get3A_1343 = tpu.vector_load %arg8[%get3A_1340, %get3A_1341, %get3A_1342] {strides = array<i32>} : memref<16x8x64xf32, #tpu.memory_space<vmem>>, vector<16xf32>,
      %add3A_1344 = arith.constant 11 : i32
      %add3A_1345 = arith.addi %multiple_of3A, %add3A_1344 : i32
      %swap3A_1346 = arith.index_cast %add3A_1345 : i32 to index
      %swap3A_1347 = arith.constant 0 : index
      %swap3A_1348 = tpu.vector_load %arg9[%swap3A_1346, %swap3A_1347] {strides = array<i32>} : memref<512x64xf32, #tpu.memory_space<vmem>>, vector<16xf32>,
      tpu.vector_store %arg9[%swap3A_1346, %swap3A_1347], %get3A_1343 {strides = array<i32>} : memref<512x64xf32, #tpu.memory_space<vmem>>, vector<16xf32>,
      %get3A_1349 = arith.constant 11 : i32
      %get3A_1350 = arith.index_cast %get3A_1349 : i32 to index
      %get3A_1351 = arith.index_cast %select_n3A_1338 : i32 to index
      %get3A_1352 = arith.constant 16 : index
      %get3A_1353 = tpu.vector_load %arg8[%get3A_1350, %get3A_1351, %get3A_1352] {strides = array<i32>} : memref<16x8x64xf32, #tpu.memory_space<vmem>>, vector<16xf32>,
      %add3A_1354 = arith.constant 11 : i32
      %add3A_1355 = arith.addi %multiple_of3A, %add3A_1354 : i32
      %swap3A_1356 = arith.index_cast %add3A_1355 : i32 to index
      %swap3A_1357 = arith.constant 16 : index
      %swap3A_1358 = tpu.vector_load %arg9[%swap3A_1356, %swap3A_1357] {strides = array<i32>} : memref<512x64xf32, #tpu.memory_space<vmem>>, vector<16xf32>,
      tpu.vector_store %arg9[%swap3A_1356, %swap3A_1357], %get3A_1353 {strides = array<i32>} : memref<512x64xf32, #tpu.memory_space<vmem>>, vector<16xf32>,
      %get3A_1359 = arith.constant 11 : i32
      %get3A_1360 = arith.index_cast %get3A_1359 : i32 to index
      %get3A_1361 = arith.index_cast %select_n3A_1338 : i32 to index
      %get3A_1362 = arith.constant 32 : index
      %get3A_1363 = tpu.vector_load %arg8[%get3A_1360, %get3A_1361, %get3A_1362] {strides = array<i32>} : memref<16x8x64xf32, #tpu.memory_space<vmem>>, vector<16xf32>,
      %add3A_1364 = arith.constant 11 : i32
      %add3A_1365 = arith.addi %multiple_of3A, %add3A_1364 : i32
      %swap3A_1366 = arith.index_cast %add3A_1365 : i32 to index
      %swap3A_1367 = arith.constant 32 : index
      %swap3A_1368 = tpu.vector_load %arg9[%swap3A_1366, %swap3A_1367] {strides = array<i32>} : memref<512x64xf32, #tpu.memory_space<vmem>>, vector<16xf32>,
      tpu.vector_store %arg9[%swap3A_1366, %swap3A_1367], %get3A_1363 {strides = array<i32>} : memref<512x64xf32, #tpu.memory_space<vmem>>, vector<16xf32>,
      %get3A_1369 = arith.constant 11 : i32
      %get3A_1370 = arith.index_cast %get3A_1369 : i32 to index
      %get3A_1371 = arith.index_cast %select_n3A_1338 : i32 to index
      %get3A_1372 = arith.constant 48 : index
      %get3A_1373 = tpu.vector_load %arg8[%get3A_1370, %get3A_1371, %get3A_1372] {strides = array<i32>} : memref<16x8x64xf32, #tpu.memory_space<vmem>>, vector<16xf32>,
      %add3A_1374 = arith.constant 11 : i32
      %add3A_1375 = arith.addi %multiple_of3A, %add3A_1374 : i32
      %swap3A_1376 = arith.index_cast %add3A_1375 : i32 to index
      %swap3A_1377 = arith.constant 48 : index
      %swap3A_1378 = tpu.vector_load %arg9[%swap3A_1376, %swap3A_1377] {strides = array<i32>} : memref<512x64xf32, #tpu.memory_space<vmem>>, vector<16xf32>,
      tpu.vector_store %arg9[%swap3A_1376, %swap3A_1377], %get3A_1373 {strides = array<i32>} : memref<512x64xf32, #tpu.memory_space<vmem>>, vector<16xf32>,
      %slice3A_1379 = vector.extract_strided_slice %get3A_15 {offsets = [12], sizes = [1], strides = [1]} : vector<16xi32> to vector<1xi32>
      %squeeze3A_1380 = vector.extract %slice3A_1379[0] : i32 from vector<1xi32>
      %jit3A_1381 = arith.constant 8 : i32
      %eq3A_1382 = arith.constant 0 : i32
      %eq3A_1383 = arith.cmpi eq, %jit3A_1381, %eq3A_1382 : i32
      %jit3A_1384 = arith.constant 1 : i32
      %select_n3A_1385 = arith.select %eq3A_1383, %jit3A_1384, %jit3A_1381 : i32
      %rem3A_1386 = arith.remsi %squeeze3A_1380, %select_n3A_1385 : i32
      %ne3A_1387 = arith.constant 0 : i32
      %ne3A_1388 = arith.cmpi ne, %rem3A_1386, %ne3A_1387 : i32
      %lt3A_1389 = arith.constant 0 : i32
      %lt3A_1390 = arith.cmpi slt, %rem3A_1386, %lt3A_1389 : i32
      %lt3A_1391 = arith.constant 0 : i32
      %lt3A_1392 = arith.cmpi slt, %select_n3A_1385, %lt3A_1391 : i32
      %ne3A_1393 = arith.xori %lt3A_1390, %lt3A_1392 : i1
      %and3A_1394 = arith.andi %ne3A_1393, %ne3A_1388 : i1
      %add3A_1395 = arith.addi %rem3A_1386, %select_n3A_1385 : i32
      %select_n3A_1396 = arith.select %and3A_1394, %add3A_1395, %rem3A_1386 : i32
      %get3A_1397 = arith.constant 12 : i32
      %get3A_1398 = arith.index_cast %get3A_1397 : i32 to index
      %get3A_1399 = arith.index_cast %select_n3A_1396 : i32 to index
      %get3A_1400 = arith.constant 0 : index
      %get3A_1401 = tpu.vector_load %arg8[%get3A_1398, %get3A_1399, %get3A_1400] {strides = array<i32>} : memref<16x8x64xf32, #tpu.memory_space<vmem>>, vector<16xf32>,
      %add3A_1402 = arith.constant 12 : i32
      %add3A_1403 = arith.addi %multiple_of3A, %add3A_1402 : i32
      %swap3A_1404 = arith.index_cast %add3A_1403 : i32 to index
      %swap3A_1405 = arith.constant 0 : index
      %swap3A_1406 = tpu.vector_load %arg9[%swap3A_1404, %swap3A_1405] {strides = array<i32>} : memref<512x64xf32, #tpu.memory_space<vmem>>, vector<16xf32>,
      tpu.vector_store %arg9[%swap3A_1404, %swap3A_1405], %get3A_1401 {strides = array<i32>} : memref<512x64xf32, #tpu.memory_space<vmem>>, vector<16xf32>,
      %get3A_1407 = arith.constant 12 : i32
      %get3A_1408 = arith.index_cast %get3A_1407 : i32 to index
      %get3A_1409 = arith.index_cast %select_n3A_1396 : i32 to index
      %get3A_1410 = arith.constant 16 : index
      %get3A_1411 = tpu.vector_load %arg8[%get3A_1408, %get3A_1409, %get3A_1410] {strides = array<i32>} : memref<16x8x64xf32, #tpu.memory_space<vmem>>, vector<16xf32>,
      %add3A_1412 = arith.constant 12 : i32
      %add3A_1413 = arith.addi %multiple_of3A, %add3A_1412 : i32
      %swap3A_1414 = arith.index_cast %add3A_1413 : i32 to index
      %swap3A_1415 = arith.constant 16 : index
      %swap3A_1416 = tpu.vector_load %arg9[%swap3A_1414, %swap3A_1415] {strides = array<i32>} : memref<512x64xf32, #tpu.memory_space<vmem>>, vector<16xf32>,
      tpu.vector_store %arg9[%swap3A_1414, %swap3A_1415], %get3A_1411 {strides = array<i32>} : memref<512x64xf32, #tpu.memory_space<vmem>>, vector<16xf32>,
      %get3A_1417 = arith.constant 12 : i32
      %get3A_1418 = arith.index_cast %get3A_1417 : i32 to index
      %get3A_1419 = arith.index_cast %select_n3A_1396 : i32 to index
      %get3A_1420 = arith.constant 32 : index
      %get3A_1421 = tpu.vector_load %arg8[%get3A_1418, %get3A_1419, %get3A_1420] {strides = array<i32>} : memref<16x8x64xf32, #tpu.memory_space<vmem>>, vector<16xf32>,
      %add3A_1422 = arith.constant 12 : i32
      %add3A_1423 = arith.addi %multiple_of3A, %add3A_1422 : i32
      %swap3A_1424 = arith.index_cast %add3A_1423 : i32 to index
      %swap3A_1425 = arith.constant 32 : index
      %swap3A_1426 = tpu.vector_load %arg9[%swap3A_1424, %swap3A_1425] {strides = array<i32>} : memref<512x64xf32, #tpu.memory_space<vmem>>, vector<16xf32>,
      tpu.vector_store %arg9[%swap3A_1424, %swap3A_1425], %get3A_1421 {strides = array<i32>} : memref<512x64xf32, #tpu.memory_space<vmem>>, vector<16xf32>,
      %get3A_1427 = arith.constant 12 : i32
      %get3A_1428 = arith.index_cast %get3A_1427 : i32 to index
      %get3A_1429 = arith.index_cast %select_n3A_1396 : i32 to index
      %get3A_1430 = arith.constant 48 : index
      %get3A_1431 = tpu.vector_load %arg8[%get3A_1428, %get3A_1429, %get3A_1430] {strides = array<i32>} : memref<16x8x64xf32, #tpu.memory_space<vmem>>, vector<16xf32>,
      %add3A_1432 = arith.constant 12 : i32
      %add3A_1433 = arith.addi %multiple_of3A, %add3A_1432 : i32
      %swap3A_1434 = arith.index_cast %add3A_1433 : i32 to index
      %swap3A_1435 = arith.constant 48 : index
      %swap3A_1436 = tpu.vector_load %arg9[%swap3A_1434, %swap3A_1435] {strides = array<i32>} : memref<512x64xf32, #tpu.memory_space<vmem>>, vector<16xf32>,
      tpu.vector_store %arg9[%swap3A_1434, %swap3A_1435], %get3A_1431 {strides = array<i32>} : memref<512x64xf32, #tpu.memory_space<vmem>>, vector<16xf32>,
      %slice3A_1437 = vector.extract_strided_slice %get3A_15 {offsets = [13], sizes = [1], strides = [1]} : vector<16xi32> to vector<1xi32>
      %squeeze3A_1438 = vector.extract %slice3A_1437[0] : i32 from vector<1xi32>
      %jit3A_1439 = arith.constant 8 : i32
      %eq3A_1440 = arith.constant 0 : i32
      %eq3A_1441 = arith.cmpi eq, %jit3A_1439, %eq3A_1440 : i32
      %jit3A_1442 = arith.constant 1 : i32
      %select_n3A_1443 = arith.select %eq3A_1441, %jit3A_1442, %jit3A_1439 : i32
      %rem3A_1444 = arith.remsi %squeeze3A_1438, %select_n3A_1443 : i32
      %ne3A_1445 = arith.constant 0 : i32
      %ne3A_1446 = arith.cmpi ne, %rem3A_1444, %ne3A_1445 : i32
      %lt3A_1447 = arith.constant 0 : i32
      %lt3A_1448 = arith.cmpi slt, %rem3A_1444, %lt3A_1447 : i32
      %lt3A_1449 = arith.constant 0 : i32
      %lt3A_1450 = arith.cmpi slt, %select_n3A_1443, %lt3A_1449 : i32
      %ne3A_1451 = arith.xori %lt3A_1448, %lt3A_1450 : i1
      %and3A_1452 = arith.andi %ne3A_1451, %ne3A_1446 : i1
      %add3A_1453 = arith.addi %rem3A_1444, %select_n3A_1443 : i32
      %select_n3A_1454 = arith.select %and3A_1452, %add3A_1453, %rem3A_1444 : i32
      %get3A_1455 = arith.constant 13 : i32
      %get3A_1456 = arith.index_cast %get3A_1455 : i32 to index
      %get3A_1457 = arith.index_cast %select_n3A_1454 : i32 to index
      %get3A_1458 = arith.constant 0 : index
      %get3A_1459 = tpu.vector_load %arg8[%get3A_1456, %get3A_1457, %get3A_1458] {strides = array<i32>} : memref<16x8x64xf32, #tpu.memory_space<vmem>>, vector<16xf32>,
      %add3A_1460 = arith.constant 13 : i32
      %add3A_1461 = arith.addi %multiple_of3A, %add3A_1460 : i32
      %swap3A_1462 = arith.index_cast %add3A_1461 : i32 to index
      %swap3A_1463 = arith.constant 0 : index
      %swap3A_1464 = tpu.vector_load %arg9[%swap3A_1462, %swap3A_1463] {strides = array<i32>} : memref<512x64xf32, #tpu.memory_space<vmem>>, vector<16xf32>,
      tpu.vector_store %arg9[%swap3A_1462, %swap3A_1463], %get3A_1459 {strides = array<i32>} : memref<512x64xf32, #tpu.memory_space<vmem>>, vector<16xf32>,
      %get3A_1465 = arith.constant 13 : i32
      %get3A_1466 = arith.index_cast %get3A_1465 : i32 to index
      %get3A_1467 = arith.index_cast %select_n3A_1454 : i32 to index
      %get3A_1468 = arith.constant 16 : index
      %get3A_1469 = tpu.vector_load %arg8[%get3A_1466, %get3A_1467, %get3A_1468] {strides = array<i32>} : memref<16x8x64xf32, #tpu.memory_space<vmem>>, vector<16xf32>,
      %add3A_1470 = arith.constant 13 : i32
      %add3A_1471 = arith.addi %multiple_of3A, %add3A_1470 : i32
      %swap3A_1472 = arith.index_cast %add3A_1471 : i32 to index
      %swap3A_1473 = arith.constant 16 : index
      %swap3A_1474 = tpu.vector_load %arg9[%swap3A_1472, %swap3A_1473] {strides = array<i32>} : memref<512x64xf32, #tpu.memory_space<vmem>>, vector<16xf32>,
      tpu.vector_store %arg9[%swap3A_1472, %swap3A_1473], %get3A_1469 {strides = array<i32>} : memref<512x64xf32, #tpu.memory_space<vmem>>, vector<16xf32>,
      %get3A_1475 = arith.constant 13 : i32
      %get3A_1476 = arith.index_cast %get3A_1475 : i32 to index
      %get3A_1477 = arith.index_cast %select_n3A_1454 : i32 to index
      %get3A_1478 = arith.constant 32 : index
      %get3A_1479 = tpu.vector_load %arg8[%get3A_1476, %get3A_1477, %get3A_1478] {strides = array<i32>} : memref<16x8x64xf32, #tpu.memory_space<vmem>>, vector<16xf32>,
      %add3A_1480 = arith.constant 13 : i32
      %add3A_1481 = arith.addi %multiple_of3A, %add3A_1480 : i32
      %swap3A_1482 = arith.index_cast %add3A_1481 : i32 to index
      %swap3A_1483 = arith.constant 32 : index
      %swap3A_1484 = tpu.vector_load %arg9[%swap3A_1482, %swap3A_1483] {strides = array<i32>} : memref<512x64xf32, #tpu.memory_space<vmem>>, vector<16xf32>,
      tpu.vector_store %arg9[%swap3A_1482, %swap3A_1483], %get3A_1479 {strides = array<i32>} : memref<512x64xf32, #tpu.memory_space<vmem>>, vector<16xf32>,
      %get3A_1485 = arith.constant 13 : i32
      %get3A_1486 = arith.index_cast %get3A_1485 : i32 to index
      %get3A_1487 = arith.index_cast %select_n3A_1454 : i32 to index
      %get3A_1488 = arith.constant 48 : index
      %get3A_1489 = tpu.vector_load %arg8[%get3A_1486, %get3A_1487, %get3A_1488] {strides = array<i32>} : memref<16x8x64xf32, #tpu.memory_space<vmem>>, vector<16xf32>,
      %add3A_1490 = arith.constant 13 : i32
      %add3A_1491 = arith.addi %multiple_of3A, %add3A_1490 : i32
      %swap3A_1492 = arith.index_cast %add3A_1491 : i32 to index
      %swap3A_1493 = arith.constant 48 : index
      %swap3A_1494 = tpu.vector_load %arg9[%swap3A_1492, %swap3A_1493] {strides = array<i32>} : memref<512x64xf32, #tpu.memory_space<vmem>>, vector<16xf32>,
      tpu.vector_store %arg9[%swap3A_1492, %swap3A_1493], %get3A_1489 {strides = array<i32>} : memref<512x64xf32, #tpu.memory_space<vmem>>, vector<16xf32>,
      %slice3A_1495 = vector.extract_strided_slice %get3A_15 {offsets = [14], sizes = [1], strides = [1]} : vector<16xi32> to vector<1xi32>
      %squeeze3A_1496 = vector.extract %slice3A_1495[0] : i32 from vector<1xi32>
      %jit3A_1497 = arith.constant 8 : i32
      %eq3A_1498 = arith.constant 0 : i32
      %eq3A_1499 = arith.cmpi eq, %jit3A_1497, %eq3A_1498 : i32
      %jit3A_1500 = arith.constant 1 : i32
      %select_n3A_1501 = arith.select %eq3A_1499, %jit3A_1500, %jit3A_1497 : i32
      %rem3A_1502 = arith.remsi %squeeze3A_1496, %select_n3A_1501 : i32
      %ne3A_1503 = arith.constant 0 : i32
      %ne3A_1504 = arith.cmpi ne, %rem3A_1502, %ne3A_1503 : i32
      %lt3A_1505 = arith.constant 0 : i32
      %lt3A_1506 = arith.cmpi slt, %rem3A_1502, %lt3A_1505 : i32
      %lt3A_1507 = arith.constant 0 : i32
      %lt3A_1508 = arith.cmpi slt, %select_n3A_1501, %lt3A_1507 : i32
      %ne3A_1509 = arith.xori %lt3A_1506, %lt3A_1508 : i1
      %and3A_1510 = arith.andi %ne3A_1509, %ne3A_1504 : i1
      %add3A_1511 = arith.addi %rem3A_1502, %select_n3A_1501 : i32
      %select_n3A_1512 = arith.select %and3A_1510, %add3A_1511, %rem3A_1502 : i32
      %get3A_1513 = arith.constant 14 : i32
      %get3A_1514 = arith.index_cast %get3A_1513 : i32 to index
      %get3A_1515 = arith.index_cast %select_n3A_1512 : i32 to index
      %get3A_1516 = arith.constant 0 : index
      %get3A_1517 = tpu.vector_load %arg8[%get3A_1514, %get3A_1515, %get3A_1516] {strides = array<i32>} : memref<16x8x64xf32, #tpu.memory_space<vmem>>, vector<16xf32>,
      %add3A_1518 = arith.constant 14 : i32
      %add3A_1519 = arith.addi %multiple_of3A, %add3A_1518 : i32
      %swap3A_1520 = arith.index_cast %add3A_1519 : i32 to index
      %swap3A_1521 = arith.constant 0 : index
      %swap3A_1522 = tpu.vector_load %arg9[%swap3A_1520, %swap3A_1521] {strides = array<i32>} : memref<512x64xf32, #tpu.memory_space<vmem>>, vector<16xf32>,
      tpu.vector_store %arg9[%swap3A_1520, %swap3A_1521], %get3A_1517 {strides = array<i32>} : memref<512x64xf32, #tpu.memory_space<vmem>>, vector<16xf32>,
      %get3A_1523 = arith.constant 14 : i32
      %get3A_1524 = arith.index_cast %get3A_1523 : i32 to index
      %get3A_1525 = arith.index_cast %select_n3A_1512 : i32 to index
      %get3A_1526 = arith.constant 16 : index
      %get3A_1527 = tpu.vector_load %arg8[%get3A_1524, %get3A_1525, %get3A_1526] {strides = array<i32>} : memref<16x8x64xf32, #tpu.memory_space<vmem>>, vector<16xf32>,
      %add3A_1528 = arith.constant 14 : i32
      %add3A_1529 = arith.addi %multiple_of3A, %add3A_1528 : i32
      %swap3A_1530 = arith.index_cast %add3A_1529 : i32 to index
      %swap3A_1531 = arith.constant 16 : index
      %swap3A_1532 = tpu.vector_load %arg9[%swap3A_1530, %swap3A_1531] {strides = array<i32>} : memref<512x64xf32, #tpu.memory_space<vmem>>, vector<16xf32>,
      tpu.vector_store %arg9[%swap3A_1530, %swap3A_1531], %get3A_1527 {strides = array<i32>} : memref<512x64xf32, #tpu.memory_space<vmem>>, vector<16xf32>,
      %get3A_1533 = arith.constant 14 : i32
      %get3A_1534 = arith.index_cast %get3A_1533 : i32 to index
      %get3A_1535 = arith.index_cast %select_n3A_1512 : i32 to index
      %get3A_1536 = arith.constant 32 : index
      %get3A_1537 = tpu.vector_load %arg8[%get3A_1534, %get3A_1535, %get3A_1536] {strides = array<i32>} : memref<16x8x64xf32, #tpu.memory_space<vmem>>, vector<16xf32>,
      %add3A_1538 = arith.constant 14 : i32
      %add3A_1539 = arith.addi %multiple_of3A, %add3A_1538 : i32
      %swap3A_1540 = arith.index_cast %add3A_1539 : i32 to index
      %swap3A_1541 = arith.constant 32 : index
      %swap3A_1542 = tpu.vector_load %arg9[%swap3A_1540, %swap3A_1541] {strides = array<i32>} : memref<512x64xf32, #tpu.memory_space<vmem>>, vector<16xf32>,
      tpu.vector_store %arg9[%swap3A_1540, %swap3A_1541], %get3A_1537 {strides = array<i32>} : memref<512x64xf32, #tpu.memory_space<vmem>>, vector<16xf32>,
      %get3A_1543 = arith.constant 14 : i32
      %get3A_1544 = arith.index_cast %get3A_1543 : i32 to index
      %get3A_1545 = arith.index_cast %select_n3A_1512 : i32 to index
      %get3A_1546 = arith.constant 48 : index
      %get3A_1547 = tpu.vector_load %arg8[%get3A_1544, %get3A_1545, %get3A_1546] {strides = array<i32>} : memref<16x8x64xf32, #tpu.memory_space<vmem>>, vector<16xf32>,
      %add3A_1548 = arith.constant 14 : i32
      %add3A_1549 = arith.addi %multiple_of3A, %add3A_1548 : i32
      %swap3A_1550 = arith.index_cast %add3A_1549 : i32 to index
      %swap3A_1551 = arith.constant 48 : index
      %swap3A_1552 = tpu.vector_load %arg9[%swap3A_1550, %swap3A_1551] {strides = array<i32>} : memref<512x64xf32, #tpu.memory_space<vmem>>, vector<16xf32>,
      tpu.vector_store %arg9[%swap3A_1550, %swap3A_1551], %get3A_1547 {strides = array<i32>} : memref<512x64xf32, #tpu.memory_space<vmem>>, vector<16xf32>,
      %slice3A_1553 = vector.extract_strided_slice %get3A_15 {offsets = [15], sizes = [1], strides = [1]} : vector<16xi32> to vector<1xi32>
      %squeeze3A_1554 = vector.extract %slice3A_1553[0] : i32 from vector<1xi32>
      %jit3A_1555 = arith.constant 8 : i32
      %eq3A_1556 = arith.constant 0 : i32
      %eq3A_1557 = arith.cmpi eq, %jit3A_1555, %eq3A_1556 : i32
      %jit3A_1558 = arith.constant 1 : i32
      %select_n3A_1559 = arith.select %eq3A_1557, %jit3A_1558, %jit3A_1555 : i32
      %rem3A_1560 = arith.remsi %squeeze3A_1554, %select_n3A_1559 : i32
      %ne3A_1561 = arith.constant 0 : i32
      %ne3A_1562 = arith.cmpi ne, %rem3A_1560, %ne3A_1561 : i32
      %lt3A_1563 = arith.constant 0 : i32
      %lt3A_1564 = arith.cmpi slt, %rem3A_1560, %lt3A_1563 : i32
      %lt3A_1565 = arith.constant 0 : i32
      %lt3A_1566 = arith.cmpi slt, %select_n3A_1559, %lt3A_1565 : i32
      %ne3A_1567 = arith.xori %lt3A_1564, %lt3A_1566 : i1
      %and3A_1568 = arith.andi %ne3A_1567, %ne3A_1562 : i1
      %add3A_1569 = arith.addi %rem3A_1560, %select_n3A_1559 : i32
      %select_n3A_1570 = arith.select %and3A_1568, %add3A_1569, %rem3A_1560 : i32
      %get3A_1571 = arith.constant 15 : i32
      %get3A_1572 = arith.index_cast %get3A_1571 : i32 to index
      %get3A_1573 = arith.index_cast %select_n3A_1570 : i32 to index
      %get3A_1574 = arith.constant 0 : index
      %get3A_1575 = tpu.vector_load %arg8[%get3A_1572, %get3A_1573, %get3A_1574] {strides = array<i32>} : memref<16x8x64xf32, #tpu.memory_space<vmem>>, vector<16xf32>,
      %add3A_1576 = arith.constant 15 : i32
      %add3A_1577 = arith.addi %multiple_of3A, %add3A_1576 : i32
      %swap3A_1578 = arith.index_cast %add3A_1577 : i32 to index
      %swap3A_1579 = arith.constant 0 : index
      %swap3A_1580 = tpu.vector_load %arg9[%swap3A_1578, %swap3A_1579] {strides = array<i32>} : memref<512x64xf32, #tpu.memory_space<vmem>>, vector<16xf32>,
      tpu.vector_store %arg9[%swap3A_1578, %swap3A_1579], %get3A_1575 {strides = array<i32>} : memref<512x64xf32, #tpu.memory_space<vmem>>, vector<16xf32>,
      %get3A_1581 = arith.constant 15 : i32
      %get3A_1582 = arith.index_cast %get3A_1581 : i32 to index
      %get3A_1583 = arith.index_cast %select_n3A_1570 : i32 to index
      %get3A_1584 = arith.constant 16 : index
      %get3A_1585 = tpu.vector_load %arg8[%get3A_1582, %get3A_1583, %get3A_1584] {strides = array<i32>} : memref<16x8x64xf32, #tpu.memory_space<vmem>>, vector<16xf32>,
      %add3A_1586 = arith.constant 15 : i32
      %add3A_1587 = arith.addi %multiple_of3A, %add3A_1586 : i32
      %swap3A_1588 = arith.index_cast %add3A_1587 : i32 to index
      %swap3A_1589 = arith.constant 16 : index
      %swap3A_1590 = tpu.vector_load %arg9[%swap3A_1588, %swap3A_1589] {strides = array<i32>} : memref<512x64xf32, #tpu.memory_space<vmem>>, vector<16xf32>,
      tpu.vector_store %arg9[%swap3A_1588, %swap3A_1589], %get3A_1585 {strides = array<i32>} : memref<512x64xf32, #tpu.memory_space<vmem>>, vector<16xf32>,
      %get3A_1591 = arith.constant 15 : i32
      %get3A_1592 = arith.index_cast %get3A_1591 : i32 to index
      %get3A_1593 = arith.index_cast %select_n3A_1570 : i32 to index
      %get3A_1594 = arith.constant 32 : index
      %get3A_1595 = tpu.vector_load %arg8[%get3A_1592, %get3A_1593, %get3A_1594] {strides = array<i32>} : memref<16x8x64xf32, #tpu.memory_space<vmem>>, vector<16xf32>,
      %add3A_1596 = arith.constant 15 : i32
      %add3A_1597 = arith.addi %multiple_of3A, %add3A_1596 : i32
      %swap3A_1598 = arith.index_cast %add3A_1597 : i32 to index
      %swap3A_1599 = arith.constant 32 : index
      %swap3A_1600 = tpu.vector_load %arg9[%swap3A_1598, %swap3A_1599] {strides = array<i32>} : memref<512x64xf32, #tpu.memory_space<vmem>>, vector<16xf32>,
      tpu.vector_store %arg9[%swap3A_1598, %swap3A_1599], %get3A_1595 {strides = array<i32>} : memref<512x64xf32, #tpu.memory_space<vmem>>, vector<16xf32>,
      %get3A_1601 = arith.constant 15 : i32
      %get3A_1602 = arith.index_cast %get3A_1601 : i32 to index
      %get3A_1603 = arith.index_cast %select_n3A_1570 : i32 to index
      %get3A_1604 = arith.constant 48 : index
      %get3A_1605 = tpu.vector_load %arg8[%get3A_1602, %get3A_1603, %get3A_1604] {strides = array<i32>} : memref<16x8x64xf32, #tpu.memory_space<vmem>>, vector<16xf32>,
      %add3A_1606 = arith.constant 15 : i32
      %add3A_1607 = arith.addi %multiple_of3A, %add3A_1606 : i32
      %swap3A_1608 = arith.index_cast %add3A_1607 : i32 to index
      %swap3A_1609 = arith.constant 48 : index
      %swap3A_1610 = tpu.vector_load %arg9[%swap3A_1608, %swap3A_1609] {strides = array<i32>} : memref<512x64xf32, #tpu.memory_space<vmem>>, vector<16xf32>,
      tpu.vector_store %arg9[%swap3A_1608, %swap3A_1609], %get3A_1605 {strides = array<i32>} : memref<512x64xf32, #tpu.memory_space<vmem>>, vector<16xf32>,
      %scan3A_1611 = arith.constant 0 : i32
      scf.yield %scan3A_1611 : i32
    }
    %scan3A_9 = arith.constant 32 : i32
    "tpu.region"() ({
      %run_scoped3A = tpu.sem_alloc : memref<!tpu.dma_semaphore, #tpu.memory_space<semaphore_mem>>
      %dma_start3A_11 = arith.constant 0 : i32
      %dma_start3A_12 = tpu.memref_slice %arg5[%mul3A_2, %dma_start3A_11] : memref<16384x64xf32, #tpu.memory_space<hbm>> -> memref<512x64xf32, #tpu.memory_space<hbm>>
      %dma_start3A_13 = arith.constant 0 : i32
      %dma_start3A_14 = tpu.memref_slice %arg5[%mul3A_2, %dma_start3A_13] : memref<16384x64xf32, #tpu.memory_space<hbm>> -> memref<512x64xf32, #tpu.memory_space<hbm>>
      tpu.enqueue_dma source(%arg9 : memref<512x64xf32, #tpu.memory_space<vmem>>) target(%dma_start3A_14 : memref<512x64xf32, #tpu.memory_space<hbm>>) target_semaphore(%run_scoped3A : memref<!tpu.dma_semaphore, #tpu.memory_space<semaphore_mem>>)
      %dma_wait3A_15 = arith.constant 0 : i32
      %dma_wait3A_16 = tpu.memref_slice %arg5[%mul3A_2, %dma_wait3A_15] : memref<16384x64xf32, #tpu.memory_space<hbm>> -> memref<512x64xf32, #tpu.memory_space<hbm>>
      %dma_wait3A_17 = arith.constant 0 : i32
      %dma_wait3A_18 = tpu.memref_slice %arg5[%mul3A_2, %dma_wait3A_17] : memref<16384x64xf32, #tpu.memory_space<hbm>> -> memref<512x64xf32, #tpu.memory_space<hbm>>
      tpu.wait_dma2 semaphore(%run_scoped3A : memref<!tpu.dma_semaphore, #tpu.memory_space<semaphore_mem>>) src(%arg9 : memref<512x64xf32, #tpu.memory_space<vmem>>) dst(%dma_wait3A_18 : memref<512x64xf32, #tpu.memory_space<hbm>>)
      tpu.yield
    }) : () -> ()
    %dma_wait3A = arith.constant 0 : i32
    %dma_wait3A_10 = tpu.memref_slice %arg3[%dma_wait3A] : memref<1000000xi32, #tpu.memory_space<hbm>> -> memref<1000000xi32, #tpu.memory_space<hbm>>
    tpu.wait_indirect_dma semaphore(%arg12 : memref<!tpu.dma_semaphore, #tpu.memory_space<semaphore_mem>>) src(%dma_wait3A_10 : memref<1000000xi32, #tpu.memory_space<hbm>>) dst(%arg11 : memref<512xi32, #tpu.memory_space<vmem>>)
    "tpu.region"() ({
      %run_scoped3A = tpu.sem_alloc : memref<!tpu.dma_semaphore, #tpu.memory_space<semaphore_mem>>
      %dma_start3A_11 = tpu.memref_slice %arg6[%mul3A_2] : memref<16384xi32, #tpu.memory_space<hbm>> -> memref<512xi32, #tpu.memory_space<hbm>>
      %dma_start3A_12 = tpu.memref_slice %arg6[%mul3A_2] : memref<16384xi32, #tpu.memory_space<hbm>> -> memref<512xi32, #tpu.memory_space<hbm>>
      tpu.enqueue_dma source(%arg11 : memref<512xi32, #tpu.memory_space<vmem>>) target(%dma_start3A_12 : memref<512xi32, #tpu.memory_space<hbm>>) target_semaphore(%run_scoped3A : memref<!tpu.dma_semaphore, #tpu.memory_space<semaphore_mem>>)
      %dma_wait3A_13 = tpu.memref_slice %arg6[%mul3A_2] : memref<16384xi32, #tpu.memory_space<hbm>> -> memref<512xi32, #tpu.memory_space<hbm>>
      %dma_wait3A_14 = tpu.memref_slice %arg6[%mul3A_2] : memref<16384xi32, #tpu.memory_space<hbm>> -> memref<512xi32, #tpu.memory_space<hbm>>
      tpu.wait_dma2 semaphore(%run_scoped3A : memref<!tpu.dma_semaphore, #tpu.memory_space<semaphore_mem>>) src(%arg11 : memref<512xi32, #tpu.memory_space<vmem>>) dst(%dma_wait3A_14 : memref<512xi32, #tpu.memory_space<hbm>>)
      tpu.yield
    }) : () -> ()
    return
  }
}

</mosaic_0001>

<sc_bundles>
// kernel: kernel.4.cloned.1.call-start
scs
__scs_entry_jumppad:
0x0: {  	(pc) =	sbr.rel $0x88, $3  }
0x1: {  	(tag) =	ssettag $0x0;
	lr =	simm.s32 $0x1  }
0x2: {  	[smem:$0x3F9D] =	sst lr;
	_ =	strace $0xD0000000  }
0x3: {  	_ = 	snop  }
0x4: {  	_ = 	snop  }
0x5: {  	_ = 	snop  }
0x6: {  	_ = 	snop  }
0x7: {  	_ = 	snop  }
__scs_overlays_trampoline_lowered:
0x8: {  	[smem:$0x3FAC] =	sst s0  }
0x9: {  	[smem:$0x3FAD] =	sst s1  }
0xa: {  	[smem:$0x3FAE] =	sst s2  }
0xb: {  	[smem:$0x3FAF] =	sst s3  }
0xc: {  	[smem:$0x3FB0] =	sst s4  }
0xd: {  	[smem:$0x3FB1] =	sst s5  }
0xe: {  	[smem:$0x3FB2] =	sst s6  }
0xf: {  	[smem:$0x3FB3] =	sst s7  }
0x10: {  	[smem:$0x3FB4] =	sst s8  }
0x11: {  	[smem:$0x3FB5] =	sst s9;
	s0 =	simm.s32 @!p0 $0x0  }
0x12: {  	s1 =	sld [smem:$0x3F9B];
	s0 =	simm.s32 @p0 $0x1  }
0x13: {  	[smem:$0x3FB6] =	sst s0;
	s0 =	simm.s32 @!p1 $0x0  }
0x14: {  	s2 =	sld [smem:$0x3F9A];
	s0 =	simm.s32 @p1 $0x1  }
0x15: {  	[smem:$0x3FB7] =	sst s0;
	s0 =	simm.s32 @!p2 $0x0  }
0x16: {  	s3 =	sld [smem:$0x3FDB];
	s0 =	simm.s32 @p2 $0x1  }
0x17: {  	s4 =	simm.s32 $0x1BF5;
	[smem:$0x3FB9] =	sst s0  }
0x18: {  	s0 =	sld [smem:$0x3F9C];
	_ =	swait.ge [sflag:s4], $0x0  }
0x19: {  	s7 =	sld [smem:$0x3F9D]  }
0x1a: {  	s8 =	sadd.s32 $0xFFFFE003, lr  }
0x1b: {  	s9 =	sadd.s32 $0xFFFFFEF7, lr;
	s5 =	simm.s32 $0xFFFFFFFF;
	p2 =	slt.u32 s8, $0xFFFFF086  }
0x1c: {  	p1 =	slt.u32 s9, $0xF7A;
	s5 =	simm.s32 @!p2 $0x0  }
0x1d: {  	s5 =	simm.s32 @p1 $0x1;
	p0 =	seq.s32 s7, s2  }
0x1e: {  	s7 =	smul.u32 @!p0 $0xF7A, s2;
	p2 =	seq.s32 @!p0 s5, $0x0  }
0x1f: {  	s9 =	smul.u32 $0xF7A, s1;
	s8 =	simm.s32 @!p0 $0x1BF5;
	p2 =	por !p2, p0  }
0x20: {  	[sflag:s8] =	ssyncset.s32 @!p0 $0xFFFFF086;
	s6 =	sadd.s32 @!p0 s3, s7;
	s7 =	simm.s32 @!p0 $0x108  }
0x21: {  	s3 =	sadd.s32 s3, s9;
	s6 =	sadd.s32 @!p0 $0x88, s6;
	s7 =	simm.s32 @p2 $0x1082  }
0x22: {  	[simem:s7], [sflag:s8] =	dma.local @!p0 [hbm:s6], $0xF7A  }
0x23: {  	s9 =	sor.u32 $0xD0000000, s2;
	s6 =	simm.s32 $0x108;
	_ =	swait.ge @!p0 [sflag:s8], $0x0  }
0x24: {  	s3 =	sadd.s32 $0x88, s3;
	s6 =	simm.s32 @!p1 $0x1082;
	[sflag:s4] =	ssyncset.s32 $0xFFFFF086  }
0x25: {  	[simem:s6], [sflag:s4] =	dma.local [hbm:s3], $0xF7A  }
0x26: {  	[smem:$0x3F9D] =	sst s1;
	(tag) =	ssettag s2;
	_ =	strace s9  }
0x27: {  	s1 =	sld [smem:$0x3FAD]  }
0x28: {  	s2 =	sld [smem:$0x3FAE]  }
0x29: {  	s4 =	sld [smem:$0x3FB0]  }
0x2a: {  	p0 =	seq.s32 s5, $0x0;
	s5 =	sld [smem:$0x3FB1]  }
0x2b: {  	s6 =	sld [smem:$0x3FB2]  }
0x2c: {  	s7 =	sld [smem:$0x3FB3]  }
0x2d: {  	s3 =	simm.s32 $0x108;
	s8 =	sld [smem:$0x3FB4]  }
0x2e: {  	s3 =	simm.s32 @!p0 $0x1082;
	s9 =	sld [smem:$0x3FB5]  }
0x2f: {  	lr =	sadd.s32 s0, s3;
	s0 =	sld [smem:$0x3FAC]  }
0x30: {  	s3 =	sld [smem:$0x3FAF]  }
0x31: {  	[smem:$0x3FB8] =	sst s10  }
0x32: {  	s10 =	sld [smem:$0x3FB6];
	_ =	sdelay $0x3  }
0x33: {  	p0 =	seq.s32 s10, $0x1;
	s10 =	sld [smem:$0x3FB8];
	_ =	sdelay $0x3  }
0x34: {  	[smem:$0x3FB8] =	sst s10  }
0x35: {  	s10 =	sld [smem:$0x3FB7];
	_ =	sdelay $0x3  }
0x36: {  	p1 =	seq.s32 s10, $0x1;
	s10 =	sld [smem:$0x3FB8];
	_ =	sdelay $0x3  }
0x37: {  	[smem:$0x3FB8] =	sst s10  }
0x38: {  	s10 =	sld [smem:$0x3FB9]  }
0x39: {  	_ = 	snop;
	(pc) =	sbr.ind lr, $3  }
0x3a: {  	_ = 	snop  }
0x3b: {  	_ = 	snop  }
0x3c: {  	p2 =	seq.s32 s10, $0x1;
	s10 =	sld [smem:$0x3FB8]  }
0x3d: {  	_ =	shalt  }
0x3e: {  	_ =	shalt  }
0x3f: {  	_ =	shalt  }
0x40: {  	_ =	shalt  }
0x41: {  	_ =	shalt  }
0x42: {  	_ =	shalt  }
0x43: {  	_ =	shalt  }
0x44: {  	_ =	shalt  }
0x45: {  	_ =	shalt  }
0x46: {  	_ =	shalt  }
0x47: {  	_ =	shalt  }
0x48: {  	_ =	shalt  }
0x49: {  	_ =	shalt  }
0x4a: {  	_ =	shalt  }
0x4b: {  	_ =	shalt  }
0x4c: {  	_ =	shalt  }
0x4d: {  	_ =	shalt  }
0x4e: {  	_ =	shalt  }
0x4f: {  	_ =	shalt  }
0x50: {  	_ =	shalt  }
0x51: {  	_ =	shalt  }
0x52: {  	_ =	shalt  }
0x53: {  	_ =	shalt  }
0x54: {  	_ =	shalt  }
0x55: {  	_ =	shalt  }
0x56: {  	_ =	shalt  }
0x57: {  	_ =	shalt  }
0x58: {  	_ =	shalt  }
0x59: {  	_ =	shalt  }
0x5a: {  	_ =	shalt  }
0x5b: {  	_ =	shalt  }
0x5c: {  	_ =	shalt  }
0x5d: {  	_ =	shalt  }
0x5e: {  	_ =	shalt  }
0x5f: {  	_ =	shalt  }
0x60: {  	_ =	shalt  }
0x61: {  	_ =	shalt  }
0x62: {  	_ =	shalt  }
0x63: {  	_ =	shalt  }
0x64: {  	_ =	shalt  }
0x65: {  	_ =	shalt  }
0x66: {  	_ =	shalt  }
0x67: {  	_ =	shalt  }
0x68: {  	_ =	shalt  }
0x69: {  	_ =	shalt  }
0x6a: {  	_ =	shalt  }
0x6b: {  	_ =	shalt  }
0x6c: {  	_ =	shalt  }
0x6d: {  	_ =	shalt  }
0x6e: {  	_ =	shalt  }
0x6f: {  	_ =	shalt  }
0x70: {  	_ =	shalt  }
0x71: {  	_ =	shalt  }
0x72: {  	_ =	shalt  }
0x73: {  	_ =	shalt  }
0x74: {  	_ =	shalt  }
0x75: {  	_ =	shalt  }
0x76: {  	_ =	shalt  }
0x77: {  	_ =	shalt  }
0x78: {  	_ =	shalt  }
0x79: {  	_ =	shalt  }
0x7a: {  	_ =	shalt  }
0x7b: {  	_ =	shalt  }
0x7c: {  	_ =	shalt  }
0x7d: {  	_ =	shalt  }
0x7e: {  	_ =	shalt  }
0x7f: {  	_ =	shalt  }
0x80: {  	_ =	shalt  }
0x81: {  	_ =	shalt  }
0x82: {  	_ =	shalt  }
0x83: {  	_ =	shalt  }
0x84: {  	_ =	shalt  }
0x85: {  	_ =	shalt  }
0x86: {  	_ =	shalt  }
0x87: {  	_ =	shalt  }
.Lfunc_end0:
.L_simem_size_0:
called_computation_lowered:
.L_overlay_start_0:
0x88: {  	s2 =	sld [smem:$0x3FD9]  }
0x89: {  	s3 =	sld [smem:$0x3FFE];
	_ =	sdelay $0x1  }
0x8a: {  	s1 =	srdreg.scid  }
0x8b: {  	s0 =	sand.u32 $0x1, s1  }
0x8c: {  	s14 =	sshll.u32 s0, $0xA;
	s2 =	sadd.s32 s3, s2  }
0x8d: {  	s2 =	sadd.s32 s2, s14  }
0x8e: {  	[smem:$0x3FC4] =	sst s2  }
0x8f: {  	_ = 	snop  }
0x90: {  	s2 =	sld [smem:$0x3FD0];
	_ =	sdelay $0x1  }
0x91: {  	s15 =	sld [smem:$0x3FC7]  }
0x92: {  	s5 =	simm.s32 $0xB;
	s6 =	simm.s32 $0x10;
	s4 =	sld [smem:$0x3FC6]  }
0x93: {  	[smem:s6], [sflag:s5] =	dma.local [hbm:s2], $0x1  }
0x94: {  	_ =	swait.eq [sflag:s5], $0x1  }
0x95: {  	[sflag:s5] =	ssyncset.done $0x0  }
0x96: {  	[sflag:s5] =	ssyncadd.s32 $0xFFFFFFFF  }
0x97: {  	s16 =	sld [smem:$0x12];
	(tm) =	ssettm $0x1  }
0x98: {  	s17 =	sld [smem:$0x3FFB];
	_ =	sdelay $0x3  }
0x99: {  	_ =	strace s17  }
0x9a: {  	s5 =	sld [smem:$0x3FFC];
	_ =	sdelay $0x3  }
0x9b: {  	_ =	strace s5  }
0x9c: {  	s5 =	sld [smem:$0x3FFD];
	_ =	sdelay $0x3  }
0x9d: {  	_ =	strace s5  }
0x9e: {  	_ =	strace $0x8FFFFFFF  }
0x9f: {  	s18 =	sld [smem:$0x3FDB];
	_ =	sdelay $0x1  }
0xa0: {  	s19 =	simm.s32 $_scs_section_size  }
0xa1: {  	s7 =	simm.s32 $_size__tile_overlayer_lowered;
	s8 =	simm.s32 $_tile_overlayer_lowered  }
0xa2: {  	s22 =	simm.s32 $0x1BFF;
	s21 =	sshll.u32 s8, $0x1;
	s5 =	sadd.s32 s19, s18  }
0xa3: {  	s9 =	simm.s32 $0x0;
	s20 =	sshll.u32 s7, $0x1;
	s7 =	sadd.s32 s21, s5  }
0xa4: {  	[timem:s9], [sflag:s22] =	dma.local [hbm:s7], s20  }
0xa5: {  	_ =	swait.ge [sflag:s22], s20  }
0xa6: {  	s6 =	ssub.s32 $0x0, s20;
	[sflag:s22] =	ssyncset.done $0x0  }
0xa7: {  	[sflag:s22] =	ssyncadd.s32 s6;
	_ =	sdelay $0x1  }
0xa8: {  	s23 =	simm.s32 $0x1B8B  }
0xa9: {  	_ =	swait.ge [sflag:s23], $0x1  }
0xaa: {  	[sflag:s23] =	ssyncset.done $0x0  }
0xab: {  	s25 =	simm.s32 $0x1B8E;
	s24 =	sld [smem:$0x3FFE];
	[sflag:s23] =	ssyncadd.s32 $0xFFFFFFFF  }
0xac: {  	s26 =	simm.s32 $execute0_lowered;
	[smem:$0x3FD2] =	sst s25  }
0xad: {  	s7 =	sshll.u32 s26, $0x1;
	_ =	strace $0x80000046;
	[dreg:$0x1] =	wrdreg $0xFFFFFFFF  }
0xae: {  	s28 =	simm.s32 $_size_execute0_lowered;
	s5 =	sadd.s32 s5, s7;
	[dreg:$0x0] =	wrdreg $0x0  }
0xaf: {  	s7 =	sshll.u32 s28, $0x1;
	[dreg:$0x2] =	wrdreg s5  }
0xb0: {  	[dreg:$0x3] =	wrdreg s7  }
0xb1: {  	[dreg:$0x4] =	wrdreg $0xC0  }
0xb2: {  	_ =	task [dreg:s9], $0x5FFFF  }
0xb3: {  	[dreg:$0x1] =	wrdreg $0xFFFFFFFF  }
0xb4: {  	[dreg:$0x0] =	wrdreg $0x60  }
0xb5: {  	[dreg:$0x2] =	wrdreg s24  }
0xb6: {  	[dreg:$0x3] =	wrdreg s15  }
0xb7: {  	[dreg:$0x4] =	wrdreg s4  }
0xb8: {  	[dreg:$0x5] =	wrdreg s16  }
0xb9: {  	[dreg:$0x6] =	wrdreg $0x9  }
0xba: {  	_ =	task.clear_ibuf [dreg:s9], $0x7FFFF;
	_ =	strace $0x90000046  }
0xbb: {  	s29 =	simm.s32 $0x9;
	_ =	strace $0x80000048  }
0xbc: {  	_ =	swait.ge [sflag:s29], $0x1  }
0xbd: {  	[sflag:s29] =	ssyncadd.s32 $0xFFFFFFFF  }
0xbe: {  	_ =	strace $0x90000048  }
0xbf: {  	_ =	sfence  }
0xc0: {  	s30 =	sld [smem:$0x0];
	_ =	sdelay $0x2  }
0xc1: {  	s31 =	sshll.u32 s1, $0xD;
	s1 =	sshrl.u32 s1, $0x2  }
0xc2: {  	s3 =	sand.u32 $0x4000, s31;
	s1 =	sadd.s32 s1, s30  }
0xc3: {  	s0 =	sor.u32 s3, s0;
	s1 =	sshll.u32 s1, $0x11  }
0xc4: {  	s0 =	sor.u32 s1, s0  }
0xc5: {  	s0 =	sadd.s32 $0x8F2B, s0  }
0xc6: {  	[sflag:s0] =	ssyncadd.remote.s32 $0x1  }
0xc7: {  	_ =	sfence.sel $0xFFFF  }
0xc8: {  	[dreg:$0x0] =	wrdreg $0xFFFFFFFF;
	(pc) =	sbr.abs _section_cstart, $3  }
0xc9: {  	[dreg:$0x1] =	wrdreg $0xFFFFFFFF  }
0xca: {  	_ =	task.clear_ibuf [dreg:s9], $0x2FFFF;
	_ =	strace $0x9FFFFFFF  }
0xcb: {  	(tm) =	ssettm $0x7FFFFFFF  }
tec
execute0_lowered:
.L_overlay_start_1:
0x0: {  	(tag) =	ssettag $0x1  }
0x1: {  	s0 =	rddreg [dreg:$0x0]  }
0x2: {  	s1 =	rddreg [dreg:$0x2]  }
0x3: {  	s3 =	rddreg [dreg:$0x3];
	s2 =	simm.s32 $0x0  }
0x4: {  	s7 =	simm.s32 $0x600;
	[smem:$0x7FF] =	sst s2  }
0x5: {  	s15 =	simm.s32 $0xA00;
	_ =	strace $0x80000047;
	[dreg:$0x5] =	wrdreg s7  }
0x6: {  	s5 =	srdreg.scid;
	s16 =	simm.s32 $0xE00;
	[dreg:$0x6] =	wrdreg s15  }
0x7: {  	s6 =	stileid.u32;
	s17 =	simm.s32 $0x1200;
	[dreg:$0x7] =	wrdreg s16  }
0x8: {  	s18 =	simm.s32 $0x1600;
	s19 =	simm.s32 $0x1A00;
	[dreg:$0x8] =	wrdreg s17  }
0x9: {  	s21 =	simm.s32 $0x1E00;
	s22 =	simm.s32 $0x2200;
	[dreg:$0x9] =	wrdreg s18  }
0xa: {  	s24 =	simm.s32 $0x2600;
	s25 =	simm.s32 $0x2A00;
	[dreg:$0xa] =	wrdreg s19  }
0xb: {  	s26 =	simm.s32 $0x2E00;
	s28 =	simm.s32 $0x3200;
	[dreg:$0xb] =	wrdreg s21  }
0xc: {  	s29 =	simm.s32 $0x3600;
	s9 =	simm.s32 $0x3;
	[dreg:$0xc] =	wrdreg s22  }
0xd: {  	s30 =	simm.s32 $0x3A00;
	s10 =	simm.s32 $0x200;
	[dreg:$0xd] =	wrdreg s24  }
0xe: {  	s31 =	simm.s32 $0x3E00;
	s11 =	simm.s32 $0x14200;
	[dreg:$0xe] =	wrdreg s25  }
0xf: {  	s12 =	simm.s32 $0x1;
	s14 =	simm.s32 $0x2;
	[dreg:$0xf] =	wrdreg s26  }
0x10: {  	s4 =	sadd.s32 $0x1000, s0;
	s5 =	sand.u32 $0x1, s5;
	[dreg:$0x10] =	wrdreg s28  }
0x11: {  	s6 =	sshll.u32 s6, $0xA;
	s8 =	sshll.u32 s5, $0x9;
	[dreg:$0x11] =	wrdreg s29  }
0x12: {  	s5 =	ssub.s32 $0x2, s5;
	[dreg:$0x12] =	wrdreg s30;
	s6 =	sor.u32 s8, s6  }
0x13: {  	[dreg:$0x13] =	wrdreg s31;
	s15 =	simm.s32 $0x0;
	s8 =	sshll.u32 s6, $0x4  }
0x14: {  	s20 =	sshrl.u32 s5, $0x1;
	s23 =	sshrl.u32 s6, $0x3;
	s0 =	sadd.s32 s8, s0  }
0x15: {  	s8 =	ssub.s32 s5, s20;
	s1 =	sadd.s32 s1, s23;
	s7 =	sadd.s32 s3, s23  }
0x16: {  	[dreg:$0x14] =	wrdreg s1;
	s6 =	sadd.s32 $0xF43400, s0;
	s8 =	smax.u32 s8, $0x1  }
.LBB2_1:
0x17: {  	s0 =	rddreg [dreg:$0x14]  }
0x18: {  	[tilespmem:s2], [sflag:$0x3] =	stream.linear.gather [hbm4b:s0+s2], $0x200, $0x38;
	[tilespmem:$0x14400] =	vst v63  }
0x19: {  	_ =	swait.ge [sflag:s9], $0x200  }
0x1a: {  	[sflag:s9] =	ssyncset.done $0x0  }
0x1b: {  	[sflag:s9] =	ssyncadd.s32 $0xFFFFFE00  }
0x1c: {  	s16 =	simm.s32 $0x4600;
	s17 =	simm.s32 $0x0;
	s31 =	rddreg [dreg:$0x1]  }
0x1d: {  	[tilespmem:s11], [sflag:$0x2] =	stream.indirect.gather [hbm4b:s31+s10], $0x1, s2, s10, $0xb8;
	[tilespmem:$0x14400] =	vst v63  }
.LBB2_2:
0x1e: {  	s0 =	sshra.s32 s17, $0x2  }
0x1f: {  	v0 =	vld [tilespmem:s0+$0x0];
	_ =	sdelay $0x4  }
0x20: {  	(v2sf) =	vpush v0, $0x0;
	_ =	sdelay $0xa  }
0x21: {  	(v2sf) =	vpush v0, $0x1;
	_ =	sdelay $0x3  }
0x22: {  	s18 =	spop (v2sf)  }
0x23: {  	s31 =	sshra.s32 s18, $0x1F  }
0x24: {  	s0 =	sshrl.u32 s31, $0x1D  }
0x25: {  	s0 =	sadd.s32 s0, s18  }
0x26: {  	s1 =	sand.u32 $0xFFFFFFF8, s0  }
0x27: {  	p0 =	slt.s32 s18, $0x1;
	p1 =	sne.s32 s18, s1  }
0x28: {  	p0 =	por !p0, !p1  }
0x29: {  	s1 =	simm.s32 $0x1;
	p0 =	por !p0, !p0  }
0x2a: {  	(v2sf) =	vpush v0, $0x2;
	s0 =	sshrl.u32 s0, $0x3;
	s1 =	simm.s32 @!p0 $0x0  }
0x2b: {  	s0 =	ssub.s32 s0, s1  }
0x2c: {  	s0 =	sshll.u32 s0, $0x7  }
0x2d: {  	s19 =	spop (v2sf);
	s0 =	sand.u32 $0x1FFFFF80, s0  }
0x2e: {  	s1 =	sshra.s32 s19, $0x1F;
	s0 =	sadd.s32 s4, s0  }
0x2f: {  	[tilespmem:s10], [sflag:$0x1] =	stream.linear.gather [hbm4b:s0+s2], $0x400, $0x38;
	[tilespmem:$0x14400] =	vst v63  }
0x30: {  	s0 =	sshrl.u32 s1, $0x1D  }
0x31: {  	s0 =	sadd.s32 s0, s19  }
0x32: {  	s3 =	sand.u32 $0xFFFFFFF8, s0  }
0x33: {  	p1 =	slt.s32 s19, $0x1;
	p2 =	sne.s32 s19, s3  }
0x34: {  	p0 =	por !p1, !p2  }
0x35: {  	s1 =	simm.s32 $0x1;
	p0 =	por !p0, !p0  }
0x36: {  	(v2sf) =	vpush v0, $0x3;
	s0 =	sshrl.u32 s0, $0x3;
	s1 =	simm.s32 @!p0 $0x0  }
0x37: {  	s0 =	ssub.s32 s0, s1  }
0x38: {  	s0 =	sshll.u32 s0, $0x7  }
0x39: {  	s20 =	spop (v2sf);
	s0 =	sand.u32 $0x1FFFFF80, s0  }
0x3a: {  	s5 =	rddreg [dreg:$0x5];
	s13 =	sshra.s32 s20, $0x1F;
	s0 =	sadd.s32 s4, s0  }
0x3b: {  	[tilespmem:s5], [sflag:$0x1] =	stream.linear.gather [hbm4b:s0+s2], $0x400, $0x38;
	[tilespmem:$0x14400] =	vst v63  }
0x3c: {  	s0 =	sshrl.u32 s13, $0x1D  }
0x3d: {  	s0 =	sadd.s32 s0, s20  }
0x3e: {  	s21 =	sand.u32 $0xFFFFFFF8, s0  }
0x3f: {  	p3 =	slt.s32 s20, $0x1;
	p4 =	sne.s32 s20, s21  }
0x40: {  	p0 =	por !p3, !p4  }
0x41: {  	s1 =	simm.s32 $0x1;
	p0 =	por !p0, !p0  }
0x42: {  	(v2sf) =	vpush v0, $0x4;
	s0 =	sshrl.u32 s0, $0x3;
	s1 =	simm.s32 @!p0 $0x0  }
0x43: {  	s0 =	ssub.s32 s0, s1  }
0x44: {  	s0 =	sshll.u32 s0, $0x7  }
0x45: {  	s21 =	spop (v2sf);
	s0 =	sand.u32 $0x1FFFFF80, s0  }
0x46: {  	s22 =	rddreg [dreg:$0x6];
	s23 =	sshra.s32 s21, $0x1F;
	s0 =	sadd.s32 s4, s0  }
0x47: {  	[tilespmem:s22], [sflag:$0x1] =	stream.linear.gather [hbm4b:s0+s2], $0x400, $0x38;
	[tilespmem:$0x14400] =	vst v63  }
0x48: {  	s0 =	sshrl.u32 s23, $0x1D  }
0x49: {  	s0 =	sadd.s32 s0, s21  }
0x4a: {  	s24 =	sand.u32 $0xFFFFFFF8, s0  }
0x4b: {  	p5 =	slt.s32 s21, $0x1;
	p6 =	sne.s32 s21, s24  }
0x4c: {  	p0 =	por !p5, !p6  }
0x4d: {  	s1 =	simm.s32 $0x1;
	p0 =	por !p0, !p0  }
0x4e: {  	(v2sf) =	vpush v0, $0x5;
	s0 =	sshrl.u32 s0, $0x3;
	s1 =	simm.s32 @!p0 $0x0  }
0x4f: {  	s0 =	ssub.s32 s0, s1  }
0x50: {  	s0 =	sshll.u32 s0, $0x7  }
0x51: {  	s22 =	spop (v2sf);
	s0 =	sand.u32 $0x1FFFFF80, s0  }
0x52: {  	s25 =	rddreg [dreg:$0x7];
	s26 =	sshra.s32 s22, $0x1F;
	s0 =	sadd.s32 s4, s0  }
0x53: {  	[tilespmem:s25], [sflag:$0x1] =	stream.linear.gather [hbm4b:s0+s2], $0x400, $0x38;
	[tilespmem:$0x14400] =	vst v63  }
0x54: {  	s0 =	sshrl.u32 s26, $0x1D  }
0x55: {  	s0 =	sadd.s32 s0, s22  }
0x56: {  	s28 =	sand.u32 $0xFFFFFFF8, s0  }
0x57: {  	p1 =	slt.s32 s22, $0x1;
	p2 =	sne.s32 s22, s28  }
0x58: {  	p0 =	por !p1, !p2  }
0x59: {  	s1 =	simm.s32 $0x1;
	p0 =	por !p0, !p0  }
0x5a: {  	(v2sf) =	vpush v0, $0x6;
	s0 =	sshrl.u32 s0, $0x3;
	s1 =	simm.s32 @!p0 $0x0  }
0x5b: {  	s0 =	ssub.s32 s0, s1  }
0x5c: {  	s0 =	sshll.u32 s0, $0x7  }
0x5d: {  	s23 =	spop (v2sf);
	s0 =	sand.u32 $0x1FFFFF80, s0  }
0x5e: {  	s29 =	rddreg [dreg:$0x8];
	s30 =	sshra.s32 s23, $0x1F;
	s0 =	sadd.s32 s4, s0  }
0x5f: {  	[tilespmem:s29], [sflag:$0x1] =	stream.linear.gather [hbm4b:s0+s2], $0x400, $0x38;
	[tilespmem:$0x14400] =	vst v63  }
0x60: {  	s0 =	sshrl.u32 s30, $0x1D  }
0x61: {  	s0 =	sadd.s32 s0, s23  }
0x62: {  	s31 =	sand.u32 $0xFFFFFFF8, s0  }
0x63: {  	p3 =	slt.s32 s23, $0x1;
	p4 =	sne.s32 s23, s31  }
0x64: {  	p0 =	por !p3, !p4  }
0x65: {  	s1 =	simm.s32 $0x1;
	p0 =	por !p0, !p0  }
0x66: {  	s0 =	sshrl.u32 s0, $0x3;
	s1 =	simm.s32 @!p0 $0x0  }
0x67: {  	s0 =	ssub.s32 s0, s1  }
0x68: {  	s0 =	sshll.u32 s0, $0x7  }
0x69: {  	(v2sf) =	vpush v0, $0x7;
	s24 =	spop (v2sf);
	s0 =	sand.u32 $0x1FFFFF80, s0  }
0x6a: {  	s3 =	rddreg [dreg:$0x9];
	s5 =	sshra.s32 s24, $0x1F;
	s0 =	sadd.s32 s4, s0  }
0x6b: {  	[tilespmem:s3], [sflag:$0x1] =	stream.linear.gather [hbm4b:s0+s2], $0x400, $0x38;
	[tilespmem:$0x14400] =	vst v63  }
0x6c: {  	s0 =	sshrl.u32 s5, $0x1D  }
0x6d: {  	s0 =	sadd.s32 s0, s24  }
0x6e: {  	s13 =	sand.u32 $0xFFFFFFF8, s0  }
0x6f: {  	p5 =	slt.s32 s24, $0x1;
	p6 =	sne.s32 s24, s13  }
0x70: {  	p0 =	por !p5, !p6  }
0x71: {  	s1 =	simm.s32 $0x1;
	p0 =	por !p0, !p0  }
0x72: {  	s0 =	sshrl.u32 s0, $0x3;
	s1 =	simm.s32 @!p0 $0x0  }
0x73: {  	s0 =	ssub.s32 s0, s1  }
0x74: {  	(v2sf) =	vpush v0, $0x8;
	s0 =	sshll.u32 s0, $0x7  }
0x75: {  	s0 =	sand.u32 $0x1FFFFF80, s0  }
0x76: {  	s25 =	rddreg [dreg:$0xa];
	s0 =	sadd.s32 s4, s0  }
0x77: {  	[tilespmem:s25], [sflag:$0x1] =	stream.linear.gather [hbm4b:s0+s2], $0x400, $0x38;
	[tilespmem:$0x14400] =	vst v63  }
0x78: {  	s25 =	spop (v2sf)  }
0x79: {  	s26 =	sshra.s32 s25, $0x1F  }
0x7a: {  	s0 =	sshrl.u32 s26, $0x1D  }
0x7b: {  	s0 =	sadd.s32 s0, s25  }
0x7c: {  	s28 =	sand.u32 $0xFFFFFFF8, s0  }
0x7d: {  	p1 =	slt.s32 s25, $0x1;
	p2 =	sne.s32 s25, s28  }
0x7e: {  	p0 =	por !p1, !p2  }
0x7f: {  	s1 =	simm.s32 $0x1;
	p0 =	por !p0, !p0  }
0x80: {  	(v2sf) =	vpush v0, $0x9;
	s0 =	sshrl.u32 s0, $0x3;
	s1 =	simm.s32 @!p0 $0x0  }
0x81: {  	s0 =	ssub.s32 s0, s1  }
0x82: {  	s0 =	sshll.u32 s0, $0x7  }
0x83: {  	s26 =	spop (v2sf);
	s0 =	sand.u32 $0x1FFFFF80, s0  }
0x84: {  	s29 =	rddreg [dreg:$0xb];
	s30 =	sshra.s32 s26, $0x1F;
	s0 =	sadd.s32 s4, s0  }
0x85: {  	[tilespmem:s29], [sflag:$0x1] =	stream.linear.gather [hbm4b:s0+s2], $0x400, $0x38;
	[tilespmem:$0x14400] =	vst v63  }
0x86: {  	s0 =	sshrl.u32 s30, $0x1D  }
0x87: {  	s0 =	sadd.s32 s0, s26  }
0x88: {  	s31 =	sand.u32 $0xFFFFFFF8, s0  }
0x89: {  	p3 =	slt.s32 s26, $0x1;
	p4 =	sne.s32 s26, s31  }
0x8a: {  	p0 =	por !p3, !p4  }
0x8b: {  	s1 =	simm.s32 $0x1;
	p0 =	por !p0, !p0  }
0x8c: {  	s0 =	sshrl.u32 s0, $0x3;
	s1 =	simm.s32 @!p0 $0x0  }
0x8d: {  	s0 =	ssub.s32 s0, s1  }
0x8e: {  	s0 =	sshll.u32 s0, $0x7  }
0x8f: {  	(v2sf) =	vpush v0, $0xA;
	s28 =	spop (v2sf);
	s0 =	sand.u32 $0x1FFFFF80, s0  }
0x90: {  	s3 =	rddreg [dreg:$0xc];
	s5 =	sshra.s32 s28, $0x1F;
	s0 =	sadd.s32 s4, s0  }
0x91: {  	[tilespmem:s3], [sflag:$0x1] =	stream.linear.gather [hbm4b:s0+s2], $0x400, $0x38;
	[tilespmem:$0x14400] =	vst v63  }
0x92: {  	s0 =	sshrl.u32 s5, $0x1D  }
0x93: {  	s0 =	sadd.s32 s0, s28  }
0x94: {  	s13 =	sand.u32 $0xFFFFFFF8, s0  }
0x95: {  	p5 =	slt.s32 s28, $0x1;
	p6 =	sne.s32 s28, s13  }
0x96: {  	p0 =	por !p5, !p6  }
0x97: {  	s1 =	simm.s32 $0x1;
	p0 =	por !p0, !p0  }
0x98: {  	s0 =	sshrl.u32 s0, $0x3;
	s1 =	simm.s32 @!p0 $0x0  }
0x99: {  	s0 =	ssub.s32 s0, s1  }
0x9a: {  	(v2sf) =	vpush v0, $0xB;
	s0 =	sshll.u32 s0, $0x7  }
0x9b: {  	s0 =	sand.u32 $0x1FFFFF80, s0  }
0x9c: {  	s29 =	rddreg [dreg:$0xd];
	s0 =	sadd.s32 s4, s0  }
0x9d: {  	[tilespmem:s29], [sflag:$0x1] =	stream.linear.gather [hbm4b:s0+s2], $0x400, $0x38;
	[tilespmem:$0x14400] =	vst v63  }
0x9e: {  	s29 =	spop (v2sf)  }
0x9f: {  	s30 =	sshra.s32 s29, $0x1F  }
0xa0: {  	s0 =	sshrl.u32 s30, $0x1D  }
0xa1: {  	s0 =	sadd.s32 s0, s29  }
0xa2: {  	s31 =	sand.u32 $0xFFFFFFF8, s0  }
0xa3: {  	p1 =	slt.s32 s29, $0x1;
	p2 =	sne.s32 s29, s31  }
0xa4: {  	p0 =	por !p1, !p2  }
0xa5: {  	s1 =	simm.s32 $0x1;
	p0 =	por !p0, !p0  }
0xa6: {  	s0 =	sshrl.u32 s0, $0x3;
	s1 =	simm.s32 @!p0 $0x0  }
0xa7: {  	s0 =	ssub.s32 s0, s1  }
0xa8: {  	s0 =	sshll.u32 s0, $0x7  }
0xa9: {  	(v2sf) =	vpush v0, $0xC;
	s30 =	spop (v2sf);
	s0 =	sand.u32 $0x1FFFFF80, s0  }
0xaa: {  	s3 =	rddreg [dreg:$0xe];
	s5 =	sshra.s32 s30, $0x1F;
	s0 =	sadd.s32 s4, s0  }
0xab: {  	[tilespmem:s3], [sflag:$0x1] =	stream.linear.gather [hbm4b:s0+s2], $0x400, $0x38;
	[tilespmem:$0x14400] =	vst v63  }
0xac: {  	s0 =	sshrl.u32 s5, $0x1D  }
0xad: {  	s0 =	sadd.s32 s0, s30  }
0xae: {  	s13 =	sand.u32 $0xFFFFFFF8, s0  }
0xaf: {  	p3 =	slt.s32 s30, $0x1;
	p4 =	sne.s32 s30, s13  }
0xb0: {  	p0 =	por !p3, !p4  }
0xb1: {  	s1 =	simm.s32 $0x1;
	p0 =	por !p0, !p0  }
0xb2: {  	s0 =	sshrl.u32 s0, $0x3;
	s1 =	simm.s32 @!p0 $0x0  }
0xb3: {  	s0 =	ssub.s32 s0, s1  }
0xb4: {  	s0 =	sshll.u32 s0, $0x7  }
0xb5: {  	(v2sf) =	vpush v0, $0xD;
	s0 =	sand.u32 $0x1FFFFF80, s0  }
0xb6: {  	s31 =	rddreg [dreg:$0xf];
	s0 =	sadd.s32 s4, s0  }
0xb7: {  	[tilespmem:s31], [sflag:$0x1] =	stream.linear.gather [hbm4b:s0+s2], $0x400, $0x38;
	[tilespmem:$0x14400] =	vst v63  }
0xb8: {  	s31 =	spop (v2sf)  }
0xb9: {  	s3 =	sshra.s32 s31, $0x1F  }
0xba: {  	s0 =	sshrl.u32 s3, $0x1D  }
0xbb: {  	s0 =	sadd.s32 s0, s31  }
0xbc: {  	s5 =	sand.u32 $0xFFFFFFF8, s0  }
0xbd: {  	p5 =	slt.s32 s31, $0x1;
	p6 =	sne.s32 s31, s5  }
0xbe: {  	p0 =	por !p5, !p6  }
0xbf: {  	s1 =	simm.s32 $0x1;
	p0 =	por !p0, !p0  }
0xc0: {  	s0 =	sshrl.u32 s0, $0x3;
	s1 =	simm.s32 @!p0 $0x0  }
0xc1: {  	s0 =	ssub.s32 s0, s1  }
0xc2: {  	(v2sf) =	vpush v0, $0xE;
	s0 =	sshll.u32 s0, $0x7  }
0xc3: {  	s3 =	sand.u32 $0x1FFFFF80, s0  }
0xc4: {  	s13 =	rddreg [dreg:$0x10];
	s0 =	spop (v2sf);
	s3 =	sadd.s32 s4, s3  }
0xc5: {  	[tilespmem:s13], [sflag:$0x1] =	stream.linear.gather [hbm4b:s3+s2], $0x400, $0x38;
	[tilespmem:$0x14400] =	vst v63  }
0xc6: {  	s3 =	sshra.s32 s0, $0x1F  }
0xc7: {  	s1 =	sshrl.u32 s3, $0x1D  }
0xc8: {  	s1 =	sadd.s32 s1, s0  }
0xc9: {  	s5 =	sand.u32 $0xFFFFFFF8, s1  }
0xca: {  	p1 =	slt.s32 s0, $0x1;
	p2 =	sne.s32 s0, s5  }
0xcb: {  	p0 =	por !p1, !p2  }
0xcc: {  	s3 =	simm.s32 $0x1;
	p0 =	por !p0, !p0  }
0xcd: {  	s1 =	sshrl.u32 s1, $0x3;
	s3 =	simm.s32 @!p0 $0x0  }
0xce: {  	s1 =	ssub.s32 s1, s3  }
0xcf: {  	s1 =	sshll.u32 s1, $0x7  }
0xd0: {  	s1 =	sand.u32 $0x1FFFFF80, s1  }
0xd1: {  	s13 =	rddreg [dreg:$0x11];
	s3 =	spop (v2sf);
	(v2sf) =	vpush v0, $0xF;
	s1 =	sadd.s32 s4, s1  }
0xd2: {  	[tilespmem:s13], [sflag:$0x1] =	stream.linear.gather [hbm4b:s1+s2], $0x400, $0x38;
	[tilespmem:$0x14400] =	vst v63  }
0xd3: {  	s13 =	sshra.s32 s3, $0x1F  }
0xd4: {  	s1 =	sshrl.u32 s13, $0x1D  }
0xd5: {  	s1 =	sadd.s32 s1, s3  }
0xd6: {  	s5 =	sand.u32 $0xFFFFFFF8, s1  }
0xd7: {  	p3 =	slt.s32 s3, $0x1;
	p4 =	sne.s32 s3, s5  }
0xd8: {  	p0 =	por !p3, !p4  }
0xd9: {  	s13 =	simm.s32 $0x1;
	p0 =	por !p0, !p0  }
0xda: {  	s1 =	sshrl.u32 s1, $0x3;
	s13 =	simm.s32 @!p0 $0x0  }
0xdb: {  	s1 =	ssub.s32 s1, s13  }
0xdc: {  	s1 =	sshll.u32 s1, $0x7  }
0xdd: {  	s1 =	sand.u32 $0x1FFFFF80, s1  }
0xde: {  	s5 =	rddreg [dreg:$0x12];
	s1 =	sadd.s32 s4, s1  }
0xdf: {  	[tilespmem:s5], [sflag:$0x1] =	stream.linear.gather [hbm4b:s1+s2], $0x400, $0x38;
	[tilespmem:$0x14400] =	vst v63  }
0xe0: {  	s1 =	spop (v2sf)  }
0xe1: {  	s5 =	sshra.s32 s1, $0x1F  }
0xe2: {  	s13 =	sshrl.u32 s5, $0x1D  }
0xe3: {  	s13 =	sadd.s32 s13, s1  }
0xe4: {  	s5 =	sand.u32 $0xFFFFFFF8, s13  }
0xe5: {  	p5 =	slt.s32 s1, $0x1;
	p6 =	sne.s32 s1, s5  }
0xe6: {  	p0 =	por !p5, !p6  }
0xe7: {  	s5 =	simm.s32 $0x1;
	p0 =	por !p0, !p0  }
0xe8: {  	s13 =	sshrl.u32 s13, $0x3;
	s5 =	simm.s32 @!p0 $0x0  }
0xe9: {  	s5 =	ssub.s32 s13, s5  }
0xea: {  	s5 =	sshll.u32 s5, $0x7  }
0xeb: {  	s5 =	sand.u32 $0x1FFFFF80, s5  }
0xec: {  	s13 =	rddreg [dreg:$0x13];
	s5 =	sadd.s32 s4, s5  }
0xed: {  	[tilespmem:s13], [sflag:$0x1] =	stream.linear.gather [hbm4b:s5+s2], $0x400, $0x38;
	[tilespmem:$0x14400] =	vst v63  }
0xee: {  	s18 =	sshll.u32 s18, $0x7;
	_ =	swait.ge [sflag:s12], $0x4000  }
0xef: {  	s5 =	sadd.s32 $0x400, s18;
	[sflag:s12] =	ssyncset.done $0x0  }
0xf0: {  	s5 =	sand.u32 $0x380, s5;
	[sflag:s12] =	ssyncadd.s32 $0xFFFFC000  }
0xf1: {  	v63 =	vld [tilespmem:s5+$0x200];
	_ =	sdelay $0x4  }
0xf2: {  	[tilespmem:s16+$0xFFFFFC00] =	vst v63  }
0xf3: {  	v0 =	vld [tilespmem:s5+$0x210];
	_ =	sdelay $0x4  }
0xf4: {  	[tilespmem:s16+$0xFFFFFC10] =	vst v0  }
0xf5: {  	v0 =	vld [tilespmem:s5+$0x220];
	_ =	sdelay $0x4  }
0xf6: {  	[tilespmem:s16+$0xFFFFFC20] =	vst v0  }
0xf7: {  	v0 =	vld [tilespmem:s5+$0x230];
	_ =	sdelay $0x2  }
0xf8: {  	s13 =	sshll.u32 s19, $0x7  }
0xf9: {  	s5 =	sadd.s32 $0x400, s13  }
0xfa: {  	s5 =	sand.u32 $0x380, s5;
	[tilespmem:s16+$0xFFFFFC30] =	vst v0  }
0xfb: {  	v0 =	vld [tilespmem:s5+$0x600];
	_ =	sdelay $0x4  }
0xfc: {  	[tilespmem:s16+$0xFFFFFC80] =	vst v0  }
0xfd: {  	v0 =	vld [tilespmem:s5+$0x610];
	_ =	sdelay $0x4  }
0xfe: {  	[tilespmem:s16+$0xFFFFFC90] =	vst v0  }
0xff: {  	v0 =	vld [tilespmem:s5+$0x620];
	_ =	sdelay $0x4  }
0x100: {  	[tilespmem:s16+$0xFFFFFCA0] =	vst v0  }
0x101: {  	v0 =	vld [tilespmem:s5+$0x630];
	_ =	sdelay $0x2  }
0x102: {  	s18 =	sshll.u32 s20, $0x7  }
0x103: {  	s5 =	sadd.s32 $0x400, s18  }
0x104: {  	s5 =	sand.u32 $0x380, s5;
	[tilespmem:s16+$0xFFFFFCB0] =	vst v0  }
0x105: {  	v0 =	vld [tilespmem:s5+$0xA00];
	_ =	sdelay $0x4  }
0x106: {  	[tilespmem:s16+$0xFFFFFD00] =	vst v0  }
0x107: {  	v0 =	vld [tilespmem:s5+$0xA10];
	_ =	sdelay $0x4  }
0x108: {  	[tilespmem:s16+$0xFFFFFD10] =	vst v0  }
0x109: {  	v0 =	vld [tilespmem:s5+$0xA20];
	_ =	sdelay $0x4  }
0x10a: {  	[tilespmem:s16+$0xFFFFFD20] =	vst v0  }
0x10b: {  	v0 =	vld [tilespmem:s5+$0xA30];
	_ =	sdelay $0x2  }
0x10c: {  	s19 =	sshll.u32 s21, $0x7  }
0x10d: {  	s5 =	sadd.s32 $0x400, s19  }
0x10e: {  	s5 =	sand.u32 $0x380, s5;
	[tilespmem:s16+$0xFFFFFD30] =	vst v0  }
0x10f: {  	v0 =	vld [tilespmem:s5+$0xE00];
	_ =	sdelay $0x4  }
0x110: {  	[tilespmem:s16+$0xFFFFFD80] =	vst v0  }
0x111: {  	v0 =	vld [tilespmem:s5+$0xE10];
	_ =	sdelay $0x4  }
0x112: {  	[tilespmem:s16+$0xFFFFFD90] =	vst v0  }
0x113: {  	v0 =	vld [tilespmem:s5+$0xE20];
	_ =	sdelay $0x4  }
0x114: {  	[tilespmem:s16+$0xFFFFFDA0] =	vst v0  }
0x115: {  	v0 =	vld [tilespmem:s5+$0xE30];
	_ =	sdelay $0x2  }
0x116: {  	s20 =	sshll.u32 s22, $0x7  }
0x117: {  	s5 =	sadd.s32 $0x400, s20  }
0x118: {  	s5 =	sand.u32 $0x380, s5;
	[tilespmem:s16+$0xFFFFFDB0] =	vst v0  }
0x119: {  	v0 =	vld [tilespmem:s5+$0x1200];
	_ =	sdelay $0x4  }
0x11a: {  	[tilespmem:s16+$0xFFFFFE00] =	vst v0  }
0x11b: {  	v0 =	vld [tilespmem:s5+$0x1210];
	_ =	sdelay $0x4  }
0x11c: {  	[tilespmem:s16+$0xFFFFFE10] =	vst v0  }
0x11d: {  	v0 =	vld [tilespmem:s5+$0x1220];
	_ =	sdelay $0x4  }
0x11e: {  	[tilespmem:s16+$0xFFFFFE20] =	vst v0  }
0x11f: {  	v0 =	vld [tilespmem:s5+$0x1230];
	_ =	sdelay $0x2  }
0x120: {  	s21 =	sshll.u32 s23, $0x7  }
0x121: {  	s5 =	sadd.s32 $0x400, s21  }
0x122: {  	s5 =	sand.u32 $0x380, s5;
	[tilespmem:s16+$0xFFFFFE30] =	vst v0  }
0x123: {  	v0 =	vld [tilespmem:s5+$0x1600];
	_ =	sdelay $0x4  }
0x124: {  	[tilespmem:s16+$0xFFFFFE80] =	vst v0  }
0x125: {  	v0 =	vld [tilespmem:s5+$0x1610];
	_ =	sdelay $0x4  }
0x126: {  	[tilespmem:s16+$0xFFFFFE90] =	vst v0  }
0x127: {  	v0 =	vld [tilespmem:s5+$0x1620];
	_ =	sdelay $0x4  }
0x128: {  	[tilespmem:s16+$0xFFFFFEA0] =	vst v0  }
0x129: {  	v0 =	vld [tilespmem:s5+$0x1630];
	_ =	sdelay $0x2  }
0x12a: {  	s22 =	sshll.u32 s24, $0x7  }
0x12b: {  	s5 =	sadd.s32 $0x400, s22  }
0x12c: {  	s5 =	sand.u32 $0x380, s5;
	[tilespmem:s16+$0xFFFFFEB0] =	vst v0  }
0x12d: {  	v0 =	vld [tilespmem:s5+$0x1A00];
	_ =	sdelay $0x4  }
0x12e: {  	[tilespmem:s16+$0xFFFFFF00] =	vst v0  }
0x12f: {  	v0 =	vld [tilespmem:s5+$0x1A10];
	_ =	sdelay $0x4  }
0x130: {  	[tilespmem:s16+$0xFFFFFF10] =	vst v0  }
0x131: {  	v0 =	vld [tilespmem:s5+$0x1A20];
	_ =	sdelay $0x4  }
0x132: {  	[tilespmem:s16+$0xFFFFFF20] =	vst v0  }
0x133: {  	v0 =	vld [tilespmem:s5+$0x1A30];
	_ =	sdelay $0x2  }
0x134: {  	s23 =	sshll.u32 s25, $0x7  }
0x135: {  	s5 =	sadd.s32 $0x400, s23  }
0x136: {  	s5 =	sand.u32 $0x380, s5;
	[tilespmem:s16+$0xFFFFFF30] =	vst v0  }
0x137: {  	v0 =	vld [tilespmem:s5+$0x1E00];
	_ =	sdelay $0x4  }
0x138: {  	[tilespmem:s16+$0xFFFFFF80] =	vst v0  }
0x139: {  	v0 =	vld [tilespmem:s5+$0x1E10];
	_ =	sdelay $0x4  }
0x13a: {  	[tilespmem:s16+$0xFFFFFF90] =	vst v0  }
0x13b: {  	v0 =	vld [tilespmem:s5+$0x1E20];
	_ =	sdelay $0x4  }
0x13c: {  	[tilespmem:s16+$0xFFFFFFA0] =	vst v0  }
0x13d: {  	v0 =	vld [tilespmem:s5+$0x1E30];
	_ =	sdelay $0x2  }
0x13e: {  	s24 =	sshll.u32 s26, $0x7  }
0x13f: {  	s5 =	sadd.s32 $0x400, s24  }
0x140: {  	s5 =	sand.u32 $0x380, s5;
	[tilespmem:s16+$0xFFFFFFB0] =	vst v0  }
0x141: {  	v0 =	vld [tilespmem:s5+$0x2200];
	_ =	sdelay $0x4  }
0x142: {  	[tilespmem:s16+$0x0] =	vst v0  }
0x143: {  	v0 =	vld [tilespmem:s5+$0x2210];
	_ =	sdelay $0x4  }
0x144: {  	[tilespmem:s16+$0x10] =	vst v0  }
0x145: {  	v0 =	vld [tilespmem:s5+$0x2220];
	_ =	sdelay $0x4  }
0x146: {  	[tilespmem:s16+$0x20] =	vst v0  }
0x147: {  	v0 =	vld [tilespmem:s5+$0x2230];
	_ =	sdelay $0x2  }
0x148: {  	s25 =	sshll.u32 s28, $0x7  }
0x149: {  	s5 =	sadd.s32 $0x400, s25  }
0x14a: {  	s5 =	sand.u32 $0x380, s5;
	[tilespmem:s16+$0x30] =	vst v0  }
0x14b: {  	v0 =	vld [tilespmem:s5+$0x2600];
	_ =	sdelay $0x4  }
0x14c: {  	[tilespmem:s16+$0x80] =	vst v0  }
0x14d: {  	v0 =	vld [tilespmem:s5+$0x2610];
	_ =	sdelay $0x4  }
0x14e: {  	[tilespmem:s16+$0x90] =	vst v0  }
0x14f: {  	v0 =	vld [tilespmem:s5+$0x2620];
	_ =	sdelay $0x4  }
0x150: {  	[tilespmem:s16+$0xA0] =	vst v0  }
0x151: {  	v0 =	vld [tilespmem:s5+$0x2630];
	_ =	sdelay $0x2  }
0x152: {  	s26 =	sshll.u32 s29, $0x7  }
0x153: {  	s5 =	sadd.s32 $0x400, s26  }
0x154: {  	s5 =	sand.u32 $0x380, s5;
	[tilespmem:s16+$0xB0] =	vst v0  }
0x155: {  	v0 =	vld [tilespmem:s5+$0x2A00];
	_ =	sdelay $0x4  }
0x156: {  	[tilespmem:s16+$0x100] =	vst v0  }
0x157: {  	v0 =	vld [tilespmem:s5+$0x2A10];
	_ =	sdelay $0x4  }
0x158: {  	[tilespmem:s16+$0x110] =	vst v0  }
0x159: {  	v0 =	vld [tilespmem:s5+$0x2A20];
	_ =	sdelay $0x4  }
0x15a: {  	[tilespmem:s16+$0x120] =	vst v0  }
0x15b: {  	v0 =	vld [tilespmem:s5+$0x2A30];
	_ =	sdelay $0x2  }
0x15c: {  	s28 =	sshll.u32 s30, $0x7  }
0x15d: {  	s5 =	sadd.s32 $0x400, s28  }
0x15e: {  	s5 =	sand.u32 $0x380, s5;
	[tilespmem:s16+$0x130] =	vst v0  }
0x15f: {  	v0 =	vld [tilespmem:s5+$0x2E00];
	_ =	sdelay $0x4  }
0x160: {  	[tilespmem:s16+$0x180] =	vst v0  }
0x161: {  	v0 =	vld [tilespmem:s5+$0x2E10];
	_ =	sdelay $0x4  }
0x162: {  	[tilespmem:s16+$0x190] =	vst v0  }
0x163: {  	v0 =	vld [tilespmem:s5+$0x2E20];
	_ =	sdelay $0x4  }
0x164: {  	[tilespmem:s16+$0x1A0] =	vst v0  }
0x165: {  	v0 =	vld [tilespmem:s5+$0x2E30];
	_ =	sdelay $0x2  }
0x166: {  	s29 =	sshll.u32 s31, $0x7  }
0x167: {  	s5 =	sadd.s32 $0x400, s29  }
0x168: {  	s5 =	sand.u32 $0x380, s5;
	[tilespmem:s16+$0x1B0] =	vst v0  }
0x169: {  	v0 =	vld [tilespmem:s5+$0x3200];
	_ =	sdelay $0x4  }
0x16a: {  	[tilespmem:s16+$0x200] =	vst v0  }
0x16b: {  	v0 =	vld [tilespmem:s5+$0x3210];
	_ =	sdelay $0x4  }
0x16c: {  	[tilespmem:s16+$0x210] =	vst v0  }
0x16d: {  	v0 =	vld [tilespmem:s5+$0x3220];
	_ =	sdelay $0x4  }
0x16e: {  	[tilespmem:s16+$0x220] =	vst v0  }
0x16f: {  	v0 =	vld [tilespmem:s5+$0x3230];
	_ =	sdelay $0x2  }
0x170: {  	s0 =	sshll.u32 s0, $0x7  }
0x171: {  	s0 =	sadd.s32 $0x400, s0  }
0x172: {  	s0 =	sand.u32 $0x380, s0;
	[tilespmem:s16+$0x230] =	vst v0  }
0x173: {  	v0 =	vld [tilespmem:s0+$0x3600];
	_ =	sdelay $0x4  }
0x174: {  	[tilespmem:s16+$0x280] =	vst v0  }
0x175: {  	v0 =	vld [tilespmem:s0+$0x3610];
	_ =	sdelay $0x4  }
0x176: {  	[tilespmem:s16+$0x290] =	vst v0  }
0x177: {  	v0 =	vld [tilespmem:s0+$0x3620];
	_ =	sdelay $0x4  }
0x178: {  	[tilespmem:s16+$0x2A0] =	vst v0  }
0x179: {  	v0 =	vld [tilespmem:s0+$0x3630];
	_ =	sdelay $0x2  }
0x17a: {  	s30 =	sshll.u32 s3, $0x7  }
0x17b: {  	s0 =	sadd.s32 $0x400, s30  }
0x17c: {  	s0 =	sand.u32 $0x380, s0;
	[tilespmem:s16+$0x2B0] =	vst v0  }
0x17d: {  	v0 =	vld [tilespmem:s0+$0x3A00];
	_ =	sdelay $0x4  }
0x17e: {  	[tilespmem:s16+$0x300] =	vst v0  }
0x17f: {  	v0 =	vld [tilespmem:s0+$0x3A10];
	_ =	sdelay $0x4  }
0x180: {  	[tilespmem:s16+$0x310] =	vst v0  }
0x181: {  	v0 =	vld [tilespmem:s0+$0x3A20];
	_ =	sdelay $0x4  }
0x182: {  	[tilespmem:s16+$0x320] =	vst v0  }
0x183: {  	v0 =	vld [tilespmem:s0+$0x3A30];
	_ =	sdelay $0x2  }
0x184: {  	s31 =	sshll.u32 s1, $0x7  }
0x185: {  	s0 =	sadd.s32 $0x400, s31  }
0x186: {  	s0 =	sand.u32 $0x380, s0;
	[tilespmem:s16+$0x330] =	vst v0  }
0x187: {  	v0 =	vld [tilespmem:s0+$0x3E00];
	_ =	sdelay $0x4  }
0x188: {  	[tilespmem:s16+$0x380] =	vst v0  }
0x189: {  	v0 =	vld [tilespmem:s0+$0x3E10];
	_ =	sdelay $0x4  }
0x18a: {  	[tilespmem:s16+$0x390] =	vst v0  }
0x18b: {  	v0 =	vld [tilespmem:s0+$0x3E20];
	_ =	sdelay $0x4  }
0x18c: {  	[tilespmem:s16+$0x3A0] =	vst v0  }
0x18d: {  	p0 =	sne.s32 s17, $0x7C0;
	v0 =	vld [tilespmem:s0+$0x3E30]  }
.Ltmp0:
0x18e: {  	_ = 	snop;
	(pc) =	sbr.rel @p0 .LBB2_2-.Ltmp0, $2  }
0x18f: {  	_ =	sdelay $0x2  }
0x190: {  	s17 =	sadd.s32 $0x40, s17;
	[tilespmem:s16+$0x3B0] =	vst v0;
	s16 =	sadd.s32 $0x800, s16  }
0x191: {  	s0 =	simm.s32 $0x4200  }
0x192: {  	[hbm4b:s6+s2] =	stream.linear.scatter [tilespmem:s0], [sflag:$0x3], $0x10000, $0x38;
	[tilespmem:$0x14400] =	vst v63  }
0x193: {  	_ =	swait.ge [sflag:s9], $0x10000  }
0x194: {  	[sflag:s9] =	ssyncset.done $0x0  }
0x195: {  	[sflag:s9] =	ssyncadd.s32 $0xFFFF0000  }
0x196: {  	s15 =	sadd.s32 $0x1, s15;
	_ =	swait.ge [sflag:s14], $0x200  }
0x197: {  	p0 =	sne.s32 s15, s8;
	[sflag:s14] =	ssyncset.done $0x0  }
.Ltmp1:
0x198: {  	[sflag:s14] =	ssyncadd.s32 $0xFFFFFE00;
	(pc) =	sbr.rel @p0 .LBB2_1-.Ltmp1, $4  }
0x199: {  	[hbm4b:s7+s2] =	stream.linear.scatter [tilespmem:s11], [sflag:$0x3], $0x200, $0x38;
	[tilespmem:$0x14400] =	vst v63  }
0x19a: {  	_ =	swait.ge [sflag:s9], $0x200  }
0x19b: {  	[sflag:s9] =	ssyncset.done $0x0  }
0x19c: {  	[sflag:s9] =	ssyncadd.s32 $0xFFFFFE00  }
0x19d: {  	_ =	sfence.sel $0x180000  }
0x19e: {  	[bflag:$0x0] =	sbarrier.arrive $0xFFFF  }
0x19f: {  	_ =	strace $0x90000047  }
0x1a0: {  	s0 =	stileid.u32;
	[bflag:$0x2] =	sbarrier.arrive $0xFFFF  }
0x1a1: {  	p0 =	sne.s32 s0, $0x0;
	s0 =	rddreg [dreg:$0x4]  }
0x1a2: {  	s0 =	sadd.s32 @!p0 $0x100000, s0  }
0x1a3: {  	[sflag:s0] =	ssyncadd.tile.s32 @!p0 $0x1;
	_ =	shalt  }
.Lfunc_end2:
_tile_overlayer_lowered:
.L_overlay_start_2:
0x1a4: {  	(tag) =	ssettag $0x2  }
0x1a5: {  	s0 =	rddreg [dreg:$0x0];
	s2 =	stileid.u32  }
0x1a6: {  	s1 =	rddreg [dreg:$0x1];
	p0 =	sne.s32 s2, $0x0  }
0x1a7: {  	s3 =	rddreg [dreg:$0x2];
	[bflag:$0x3] =	sbarrier.arrive $0xFFFF;
	s2 =	simm.s32 @!p0 $0x1C03  }
0x1a8: {  	[timem:s3], [sflag:s2] =	dma.local @!p0 [hbm:s0], s1  }
0x1a9: {  	s0 =	simm.s32 @!p0 $0x3  }
0x1aa: {  	_ =	swait.ge @!p0 [sflag:s0], s1  }
0x1ab: {  	s1 =	ssub.s32 @!p0 $0x0, s1;
	[sflag:s0] =	ssyncset.done @!p0 $0x0  }
0x1ac: {  	[sflag:s0] =	ssyncadd.s32 @!p0 s1  }
0x1ad: {  	[bflag:$0x3] =	sbarrier.arrive $0xFFFF  }
0x1ae: {  	_ =	shalt  }

// kernel: kernel.7.cloned.1.call-start
scs
__scs_entry_jumppad:
0x0: {  	(pc) =	sbr.rel $0x88, $3  }
0x1: {  	(tag) =	ssettag $0x0;
	lr =	simm.s32 $0x1  }
0x2: {  	[smem:$0x3F9D] =	sst lr;
	_ =	strace $0xD0000000  }
0x3: {  	_ = 	snop  }
0x4: {  	_ = 	snop  }
0x5: {  	_ = 	snop  }
0x6: {  	_ = 	snop  }
0x7: {  	_ = 	snop  }
__scs_overlays_trampoline_lowered:
0x8: {  	[smem:$0x3FAC] =	sst s0  }
0x9: {  	[smem:$0x3FAD] =	sst s1  }
0xa: {  	[smem:$0x3FAE] =	sst s2  }
0xb: {  	[smem:$0x3FAF] =	sst s3  }
0xc: {  	[smem:$0x3FB0] =	sst s4  }
0xd: {  	[smem:$0x3FB1] =	sst s5  }
0xe: {  	[smem:$0x3FB2] =	sst s6  }
0xf: {  	[smem:$0x3FB3] =	sst s7  }
0x10: {  	[smem:$0x3FB4] =	sst s8  }
0x11: {  	[smem:$0x3FB5] =	sst s9;
	s0 =	simm.s32 @!p0 $0x0  }
0x12: {  	s1 =	sld [smem:$0x3F9B];
	s0 =	simm.s32 @p0 $0x1  }
0x13: {  	[smem:$0x3FB6] =	sst s0;
	s0 =	simm.s32 @!p1 $0x0  }
0x14: {  	s2 =	sld [smem:$0x3F9A];
	s0 =	simm.s32 @p1 $0x1  }
0x15: {  	[smem:$0x3FB7] =	sst s0;
	s0 =	simm.s32 @!p2 $0x0  }
0x16: {  	s3 =	sld [smem:$0x3FDB];
	s0 =	simm.s32 @p2 $0x1  }
0x17: {  	s4 =	simm.s32 $0x1BF5;
	[smem:$0x3FB9] =	sst s0  }
0x18: {  	s0 =	sld [smem:$0x3F9C];
	_ =	swait.ge [sflag:s4], $0x0  }
0x19: {  	s7 =	sld [smem:$0x3F9D]  }
0x1a: {  	s8 =	sadd.s32 $0xFFFFE003, lr  }
0x1b: {  	s9 =	sadd.s32 $0xFFFFFEF7, lr;
	s5 =	simm.s32 $0xFFFFFFFF;
	p2 =	slt.u32 s8, $0xFFFFF086  }
0x1c: {  	p1 =	slt.u32 s9, $0xF7A;
	s5 =	simm.s32 @!p2 $0x0  }
0x1d: {  	s5 =	simm.s32 @p1 $0x1;
	p0 =	seq.s32 s7, s2  }
0x1e: {  	s7 =	smul.u32 @!p0 $0xF7A, s2;
	p2 =	seq.s32 @!p0 s5, $0x0  }
0x1f: {  	s9 =	smul.u32 $0xF7A, s1;
	s8 =	simm.s32 @!p0 $0x1BF5;
	p2 =	por !p2, p0  }
0x20: {  	[sflag:s8] =	ssyncset.s32 @!p0 $0xFFFFF086;
	s6 =	sadd.s32 @!p0 s3, s7;
	s7 =	simm.s32 @!p0 $0x108  }
0x21: {  	s3 =	sadd.s32 s3, s9;
	s6 =	sadd.s32 @!p0 $0x88, s6;
	s7 =	simm.s32 @p2 $0x1082  }
0x22: {  	[simem:s7], [sflag:s8] =	dma.local @!p0 [hbm:s6], $0xF7A  }
0x23: {  	s9 =	sor.u32 $0xD0000000, s2;
	s6 =	simm.s32 $0x108;
	_ =	swait.ge @!p0 [sflag:s8], $0x0  }
0x24: {  	s3 =	sadd.s32 $0x88, s3;
	s6 =	simm.s32 @!p1 $0x1082;
	[sflag:s4] =	ssyncset.s32 $0xFFFFF086  }
0x25: {  	[simem:s6], [sflag:s4] =	dma.local [hbm:s3], $0xF7A  }
0x26: {  	[smem:$0x3F9D] =	sst s1;
	(tag) =	ssettag s2;
	_ =	strace s9  }
0x27: {  	s1 =	sld [smem:$0x3FAD]  }
0x28: {  	s2 =	sld [smem:$0x3FAE]  }
0x29: {  	s4 =	sld [smem:$0x3FB0]  }
0x2a: {  	p0 =	seq.s32 s5, $0x0;
	s5 =	sld [smem:$0x3FB1]  }
0x2b: {  	s6 =	sld [smem:$0x3FB2]  }
0x2c: {  	s7 =	sld [smem:$0x3FB3]  }
0x2d: {  	s3 =	simm.s32 $0x108;
	s8 =	sld [smem:$0x3FB4]  }
0x2e: {  	s3 =	simm.s32 @!p0 $0x1082;
	s9 =	sld [smem:$0x3FB5]  }
0x2f: {  	lr =	sadd.s32 s0, s3;
	s0 =	sld [smem:$0x3FAC]  }
0x30: {  	s3 =	sld [smem:$0x3FAF]  }
0x31: {  	[smem:$0x3FB8] =	sst s10  }
0x32: {  	s10 =	sld [smem:$0x3FB6];
	_ =	sdelay $0x3  }
0x33: {  	p0 =	seq.s32 s10, $0x1;
	s10 =	sld [smem:$0x3FB8];
	_ =	sdelay $0x3  }
0x34: {  	[smem:$0x3FB8] =	sst s10  }
0x35: {  	s10 =	sld [smem:$0x3FB7];
	_ =	sdelay $0x3  }
0x36: {  	p1 =	seq.s32 s10, $0x1;
	s10 =	sld [smem:$0x3FB8];
	_ =	sdelay $0x3  }
0x37: {  	[smem:$0x3FB8] =	sst s10  }
0x38: {  	s10 =	sld [smem:$0x3FB9]  }
0x39: {  	_ = 	snop;
	(pc) =	sbr.ind lr, $3  }
0x3a: {  	_ = 	snop  }
0x3b: {  	_ = 	snop  }
0x3c: {  	p2 =	seq.s32 s10, $0x1;
	s10 =	sld [smem:$0x3FB8]  }
0x3d: {  	_ =	shalt  }
0x3e: {  	_ =	shalt  }
0x3f: {  	_ =	shalt  }
0x40: {  	_ =	shalt  }
0x41: {  	_ =	shalt  }
0x42: {  	_ =	shalt  }
0x43: {  	_ =	shalt  }
0x44: {  	_ =	shalt  }
0x45: {  	_ =	shalt  }
0x46: {  	_ =	shalt  }
0x47: {  	_ =	shalt  }
0x48: {  	_ =	shalt  }
0x49: {  	_ =	shalt  }
0x4a: {  	_ =	shalt  }
0x4b: {  	_ =	shalt  }
0x4c: {  	_ =	shalt  }
0x4d: {  	_ =	shalt  }
0x4e: {  	_ =	shalt  }
0x4f: {  	_ =	shalt  }
0x50: {  	_ =	shalt  }
0x51: {  	_ =	shalt  }
0x52: {  	_ =	shalt  }
0x53: {  	_ =	shalt  }
0x54: {  	_ =	shalt  }
0x55: {  	_ =	shalt  }
0x56: {  	_ =	shalt  }
0x57: {  	_ =	shalt  }
0x58: {  	_ =	shalt  }
0x59: {  	_ =	shalt  }
0x5a: {  	_ =	shalt  }
0x5b: {  	_ =	shalt  }
0x5c: {  	_ =	shalt  }
0x5d: {  	_ =	shalt  }
0x5e: {  	_ =	shalt  }
0x5f: {  	_ =	shalt  }
0x60: {  	_ =	shalt  }
0x61: {  	_ =	shalt  }
0x62: {  	_ =	shalt  }
0x63: {  	_ =	shalt  }
0x64: {  	_ =	shalt  }
0x65: {  	_ =	shalt  }
0x66: {  	_ =	shalt  }
0x67: {  	_ =	shalt  }
0x68: {  	_ =	shalt  }
0x69: {  	_ =	shalt  }
0x6a: {  	_ =	shalt  }
0x6b: {  	_ =	shalt  }
0x6c: {  	_ =	shalt  }
0x6d: {  	_ =	shalt  }
0x6e: {  	_ =	shalt  }
0x6f: {  	_ =	shalt  }
0x70: {  	_ =	shalt  }
0x71: {  	_ =	shalt  }
0x72: {  	_ =	shalt  }
0x73: {  	_ =	shalt  }
0x74: {  	_ =	shalt  }
0x75: {  	_ =	shalt  }
0x76: {  	_ =	shalt  }
0x77: {  	_ =	shalt  }
0x78: {  	_ =	shalt  }
0x79: {  	_ =	shalt  }
0x7a: {  	_ =	shalt  }
0x7b: {  	_ =	shalt  }
0x7c: {  	_ =	shalt  }
0x7d: {  	_ =	shalt  }
0x7e: {  	_ =	shalt  }
0x7f: {  	_ =	shalt  }
0x80: {  	_ =	shalt  }
0x81: {  	_ =	shalt  }
0x82: {  	_ =	shalt  }
0x83: {  	_ =	shalt  }
0x84: {  	_ =	shalt  }
0x85: {  	_ =	shalt  }
0x86: {  	_ =	shalt  }
0x87: {  	_ =	shalt  }
.Lfunc_end0:
.L_simem_size_0:
called_computation.1_lowered:
.L_overlay_start_0:
0x88: {  	s2 =	sld [smem:$0x3FD9]  }
0x89: {  	s3 =	sld [smem:$0x3FFE];
	_ =	sdelay $0x1  }
0x8a: {  	s1 =	srdreg.scid  }
0x8b: {  	s0 =	sand.u32 $0x1, s1  }
0x8c: {  	s15 =	sshll.u32 s0, $0xA;
	s2 =	sadd.s32 s3, s2  }
0x8d: {  	s2 =	sadd.s32 s2, s15  }
0x8e: {  	[smem:$0x3FC4] =	sst s2  }
0x8f: {  	_ = 	snop  }
0x90: {  	s4 =	sld [smem:$0x3FD0];
	_ =	sdelay $0x1  }
0x91: {  	s2 =	sld [smem:$0x3FC7]  }
0x92: {  	s5 =	simm.s32 $0xB;
	s6 =	simm.s32 $0x10;
	s16 =	sld [smem:$0x3FC6]  }
0x93: {  	[smem:s6], [sflag:s5] =	dma.local [hbm:s4], $0x1  }
0x94: {  	_ =	swait.eq [sflag:s5], $0x1  }
0x95: {  	[sflag:s5] =	ssyncset.done $0x0  }
0x96: {  	[sflag:s5] =	ssyncadd.s32 $0xFFFFFFFF  }
0x97: {  	s17 =	sld [smem:$0x11];
	(tm) =	ssettm $0x1  }
0x98: {  	s18 =	sld [smem:$0x3FFB];
	_ =	sdelay $0x3  }
0x99: {  	_ =	strace s18  }
0x9a: {  	s4 =	sld [smem:$0x3FFC];
	_ =	sdelay $0x3  }
0x9b: {  	_ =	strace s4  }
0x9c: {  	s4 =	sld [smem:$0x3FFD];
	_ =	sdelay $0x3  }
0x9d: {  	_ =	strace s4  }
0x9e: {  	_ =	strace $0x8FFFFFFF  }
0x9f: {  	s19 =	sld [smem:$0x3FDB];
	_ =	sdelay $0x1  }
0xa0: {  	s20 =	simm.s32 $_scs_section_size  }
0xa1: {  	s7 =	simm.s32 $_size__tile_overlayer_lowered;
	s8 =	simm.s32 $_tile_overlayer_lowered  }
0xa2: {  	s9 =	simm.s32 $0x1BFF;
	s21 =	sshll.u32 s8, $0x1;
	s6 =	sadd.s32 s20, s19  }
0xa3: {  	s22 =	simm.s32 $0x0;
	s7 =	sshll.u32 s7, $0x1;
	s8 =	sadd.s32 s21, s6  }
0xa4: {  	[timem:s22], [sflag:s9] =	dma.local [hbm:s8], s7  }
0xa5: {  	_ =	swait.ge [sflag:s9], s7  }
0xa6: {  	s7 =	ssub.s32 $0x0, s7;
	[sflag:s9] =	ssyncset.done $0x0  }
0xa7: {  	[sflag:s9] =	ssyncadd.s32 s7;
	_ =	sdelay $0x1  }
0xa8: {  	s23 =	simm.s32 $0x1B8B  }
0xa9: {  	_ =	swait.ge [sflag:s23], $0x1  }
0xaa: {  	[sflag:s23] =	ssyncset.done $0x0  }
0xab: {  	[sflag:s23] =	ssyncadd.s32 $0xFFFFFFFF  }
0xac: {  	s7 =	sld [smem:$0x0]  }
0xad: {  	s8 =	sand.u32 $0xFFFFFFFE, s1  }
0xae: {  	p0 =	sne.s32 s1, s8  }
0xaf: {  	s8 =	sshll.u32 @p0 s8, $0xE  }
0xb0: {  	s8 =	sadd.s32 @p0 $0x11B8D, s8;
	s9 =	sshll.u32 @p0 s7, $0x11  }
0xb1: {  	s8 =	sor.u32 @p0 s9, s8  }
0xb2: {  	[sflag:s8] =	ssyncadd.remote.s32 @p0 $0x1;
	_ =	sdelay $0x1  }
0xb3: {  	s8 =	simm.s32 @p0 $0x1B8D  }
0xb4: {  	_ =	swait.eq @p0 [sflag:s8], $0x1  }
0xb5: {  	[sflag:s8] =	ssyncadd.s32 @p0 $0xFFFFFFFF  }
0xb6: {  	s9 =	sshll.u32 @!p0 s1, $0xE  }
0xb7: {  	s9 =	sor.u32 @!p0 $0x4000, s9;
	s8 =	simm.s32 @!p0 $0x1B8D  }
0xb8: {  	s7 =	sshll.u32 @!p0 s7, $0x11;
	s9 =	sadd.s32 @!p0 $0x11B8D, s9;
	_ =	swait.eq @!p0 [sflag:s8], $0x1  }
0xb9: {  	s7 =	sor.u32 @!p0 s7, s9;
	[sflag:s8] =	ssyncadd.s32 @!p0 $0xFFFFFFFF  }
0xba: {  	s25 =	simm.s32 $0x1B8E;
	s24 =	sld [smem:$0x3FFE];
	[sflag:s7] =	ssyncadd.remote.s32 @!p0 $0x1  }
0xbb: {  	s26 =	simm.s32 $execute0_lowered;
	[smem:$0x3FD2] =	sst s25  }
0xbc: {  	s8 =	sshll.u32 s26, $0x1;
	_ =	strace $0x80000049;
	[dreg:$0x1] =	wrdreg $0xFFFFFFFF  }
0xbd: {  	s28 =	simm.s32 $_size_execute0_lowered;
	s6 =	sadd.s32 s6, s8;
	[dreg:$0x0] =	wrdreg $0x0  }
0xbe: {  	s8 =	sshll.u32 s28, $0x1;
	[dreg:$0x2] =	wrdreg s6  }
0xbf: {  	[dreg:$0x3] =	wrdreg s8  }
0xc0: {  	[dreg:$0x4] =	wrdreg $0xC0  }
0xc1: {  	_ =	task [dreg:s22], $0x5FFFF  }
0xc2: {  	[dreg:$0x1] =	wrdreg $0xFFFFFFFF  }
0xc3: {  	[dreg:$0x0] =	wrdreg $0x60  }
0xc4: {  	[dreg:$0x2] =	wrdreg s24  }
0xc5: {  	[dreg:$0x3] =	wrdreg s2  }
0xc6: {  	[dreg:$0x4] =	wrdreg s16  }
0xc7: {  	[dreg:$0x5] =	wrdreg s17  }
0xc8: {  	[dreg:$0x6] =	wrdreg $0xA  }
0xc9: {  	_ =	task.clear_ibuf [dreg:s22], $0x7FFFF;
	_ =	strace $0x90000049  }
0xca: {  	s29 =	simm.s32 $0xA;
	_ =	strace $0x8000004B  }
0xcb: {  	_ =	swait.ge [sflag:s29], $0x1  }
0xcc: {  	[sflag:s29] =	ssyncadd.s32 $0xFFFFFFFF  }
0xcd: {  	_ =	strace $0x9000004B  }
0xce: {  	_ =	sfence  }
0xcf: {  	s30 =	sld [smem:$0x0];
	_ =	sdelay $0x2  }
0xd0: {  	s31 =	sshll.u32 s1, $0xD;
	s1 =	sshrl.u32 s1, $0x2  }
0xd1: {  	s3 =	sand.u32 $0x4000, s31;
	s1 =	sadd.s32 s1, s30  }
0xd2: {  	s0 =	sor.u32 s3, s0;
	s1 =	sshll.u32 s1, $0x11  }
0xd3: {  	s0 =	sor.u32 s1, s0  }
0xd4: {  	s0 =	sadd.s32 $0x8F2B, s0  }
0xd5: {  	[sflag:s0] =	ssyncadd.remote.s32 $0x1  }
0xd6: {  	_ =	sfence.sel $0xFFFF  }
0xd7: {  	[dreg:$0x0] =	wrdreg $0xFFFFFFFF;
	(pc) =	sbr.abs _section_cstart, $3  }
0xd8: {  	[dreg:$0x1] =	wrdreg $0xFFFFFFFF  }
0xd9: {  	_ =	task.clear_ibuf [dreg:s22], $0x2FFFF;
	_ =	strace $0x9FFFFFFF  }
0xda: {  	(tm) =	ssettm $0x7FFFFFFF  }
0xdb: {  	_ =	shalt  }
tec
execute0_lowered:
.L_overlay_start_1:
0x0: {  	(tag) =	ssettag $0x1  }
0x1: {  	s0 =	rddreg [dreg:$0x0]  }
0x2: {  	s1 =	rddreg [dreg:$0x2]  }
0x3: {  	s3 =	rddreg [dreg:$0x3];
	s2 =	simm.s32 $0x0  }
0x4: {  	s7 =	simm.s32 $0x600;
	[smem:$0x7FF] =	sst s2  }
0x5: {  	s15 =	simm.s32 $0xA00;
	_ =	strace $0x8000004A;
	[dreg:$0x5] =	wrdreg s7  }
0x6: {  	s5 =	srdreg.scid;
	s16 =	simm.s32 $0xE00;
	[dreg:$0x6] =	wrdreg s15  }
0x7: {  	s6 =	stileid.u32;
	s17 =	simm.s32 $0x1200;
	[dreg:$0x7] =	wrdreg s16  }
0x8: {  	s18 =	simm.s32 $0x1600;
	s19 =	simm.s32 $0x1A00;
	[dreg:$0x8] =	wrdreg s17  }
0x9: {  	s21 =	simm.s32 $0x1E00;
	s22 =	simm.s32 $0x2200;
	[dreg:$0x9] =	wrdreg s18  }
0xa: {  	s24 =	simm.s32 $0x2600;
	s25 =	simm.s32 $0x2A00;
	[dreg:$0xa] =	wrdreg s19  }
0xb: {  	s26 =	simm.s32 $0x2E00;
	s28 =	simm.s32 $0x3200;
	[dreg:$0xb] =	wrdreg s21  }
0xc: {  	s29 =	simm.s32 $0x3600;
	s9 =	simm.s32 $0x3;
	[dreg:$0xc] =	wrdreg s22  }
0xd: {  	s30 =	simm.s32 $0x3A00;
	s10 =	simm.s32 $0x200;
	[dreg:$0xd] =	wrdreg s24  }
0xe: {  	s31 =	simm.s32 $0x3E00;
	s11 =	simm.s32 $0x14200;
	[dreg:$0xe] =	wrdreg s25  }
0xf: {  	s12 =	simm.s32 $0x1;
	s14 =	simm.s32 $0x2;
	[dreg:$0xf] =	wrdreg s26  }
0x10: {  	s4 =	sadd.s32 $0xF83400, s0;
	s5 =	sand.u32 $0x1, s5;
	[dreg:$0x10] =	wrdreg s28  }
0x11: {  	s6 =	sshll.u32 s6, $0xA;
	s8 =	sshll.u32 s5, $0x9;
	[dreg:$0x11] =	wrdreg s29  }
0x12: {  	s5 =	ssub.s32 $0x2, s5;
	[dreg:$0x12] =	wrdreg s30;
	s6 =	sor.u32 s8, s6  }
0x13: {  	[dreg:$0x13] =	wrdreg s31;
	s15 =	simm.s32 $0x0;
	s8 =	sshll.u32 s6, $0x4  }
0x14: {  	s20 =	sshrl.u32 s5, $0x1;
	s23 =	sshrl.u32 s6, $0x3;
	s0 =	sadd.s32 s8, s0  }
0x15: {  	s8 =	ssub.s32 s5, s20;
	s1 =	sadd.s32 s1, s23;
	s7 =	sadd.s32 s3, s23  }
0x16: {  	[dreg:$0x14] =	wrdreg s1;
	s6 =	sadd.s32 $0x1EC5800, s0;
	s8 =	smax.u32 s8, $0x1  }
.LBB2_1:
0x17: {  	s0 =	rddreg [dreg:$0x14]  }
0x18: {  	[tilespmem:s2], [sflag:$0x3] =	stream.linear.gather [hbm4b:s0+s2], $0x200, $0x38;
	[tilespmem:$0x14400] =	vst v63  }
0x19: {  	_ =	swait.ge [sflag:s9], $0x200  }
0x1a: {  	[sflag:s9] =	ssyncset.done $0x0  }
0x1b: {  	[sflag:s9] =	ssyncadd.s32 $0xFFFFFE00  }
0x1c: {  	s16 =	simm.s32 $0x4600;
	s17 =	simm.s32 $0x0;
	s31 =	rddreg [dreg:$0x1]  }
0x1d: {  	[tilespmem:s11], [sflag:$0x2] =	stream.indirect.gather [hbm4b:s31+s10], $0x1, s2, s10, $0xb8;
	[tilespmem:$0x14400] =	vst v63  }
.LBB2_2:
0x1e: {  	s0 =	sshra.s32 s17, $0x2  }
0x1f: {  	v0 =	vld [tilespmem:s0+$0x0];
	_ =	sdelay $0x4  }
0x20: {  	(v2sf) =	vpush v0, $0x0;
	_ =	sdelay $0xa  }
0x21: {  	(v2sf) =	vpush v0, $0x1;
	_ =	sdelay $0x3  }
0x22: {  	s18 =	spop (v2sf)  }
0x23: {  	s31 =	sshra.s32 s18, $0x1F  }
0x24: {  	s0 =	sshrl.u32 s31, $0x1D  }
0x25: {  	s0 =	sadd.s32 s0, s18  }
0x26: {  	s1 =	sand.u32 $0xFFFFFFF8, s0  }
0x27: {  	p0 =	slt.s32 s18, $0x1;
	p1 =	sne.s32 s18, s1  }
0x28: {  	p0 =	por !p0, !p1  }
0x29: {  	s1 =	simm.s32 $0x1;
	p0 =	por !p0, !p0  }
0x2a: {  	(v2sf) =	vpush v0, $0x2;
	s0 =	sshrl.u32 s0, $0x3;
	s1 =	simm.s32 @!p0 $0x0  }
0x2b: {  	s0 =	ssub.s32 s0, s1  }
0x2c: {  	s0 =	sshll.u32 s0, $0x7  }
0x2d: {  	s19 =	spop (v2sf);
	s0 =	sand.u32 $0x1FFFFF80, s0  }
0x2e: {  	s1 =	sshra.s32 s19, $0x1F;
	s0 =	sadd.s32 s4, s0  }
0x2f: {  	[tilespmem:s10], [sflag:$0x1] =	stream.linear.gather [hbm4b:s0+s2], $0x400, $0x38;
	[tilespmem:$0x14400] =	vst v63  }
0x30: {  	s0 =	sshrl.u32 s1, $0x1D  }
0x31: {  	s0 =	sadd.s32 s0, s19  }
0x32: {  	s3 =	sand.u32 $0xFFFFFFF8, s0  }
0x33: {  	p1 =	slt.s32 s19, $0x1;
	p2 =	sne.s32 s19, s3  }
0x34: {  	p0 =	por !p1, !p2  }
0x35: {  	s1 =	simm.s32 $0x1;
	p0 =	por !p0, !p0  }
0x36: {  	(v2sf) =	vpush v0, $0x3;
	s0 =	sshrl.u32 s0, $0x3;
	s1 =	simm.s32 @!p0 $0x0  }
0x37: {  	s0 =	ssub.s32 s0, s1  }
0x38: {  	s0 =	sshll.u32 s0, $0x7  }
0x39: {  	s20 =	spop (v2sf);
	s0 =	sand.u32 $0x1FFFFF80, s0  }
0x3a: {  	s5 =	rddreg [dreg:$0x5];
	s13 =	sshra.s32 s20, $0x1F;
	s0 =	sadd.s32 s4, s0  }
0x3b: {  	[tilespmem:s5], [sflag:$0x1] =	stream.linear.gather [hbm4b:s0+s2], $0x400, $0x38;
	[tilespmem:$0x14400] =	vst v63  }
0x3c: {  	s0 =	sshrl.u32 s13, $0x1D  }
0x3d: {  	s0 =	sadd.s32 s0, s20  }
0x3e: {  	s21 =	sand.u32 $0xFFFFFFF8, s0  }
0x3f: {  	p3 =	slt.s32 s20, $0x1;
	p4 =	sne.s32 s20, s21  }
0x40: {  	p0 =	por !p3, !p4  }
0x41: {  	s1 =	simm.s32 $0x1;
	p0 =	por !p0, !p0  }
0x42: {  	(v2sf) =	vpush v0, $0x4;
	s0 =	sshrl.u32 s0, $0x3;
	s1 =	simm.s32 @!p0 $0x0  }
0x43: {  	s0 =	ssub.s32 s0, s1  }
0x44: {  	s0 =	sshll.u32 s0, $0x7  }
0x45: {  	s21 =	spop (v2sf);
	s0 =	sand.u32 $0x1FFFFF80, s0  }
0x46: {  	s22 =	rddreg [dreg:$0x6];
	s23 =	sshra.s32 s21, $0x1F;
	s0 =	sadd.s32 s4, s0  }
0x47: {  	[tilespmem:s22], [sflag:$0x1] =	stream.linear.gather [hbm4b:s0+s2], $0x400, $0x38;
	[tilespmem:$0x14400] =	vst v63  }
0x48: {  	s0 =	sshrl.u32 s23, $0x1D  }
0x49: {  	s0 =	sadd.s32 s0, s21  }
0x4a: {  	s24 =	sand.u32 $0xFFFFFFF8, s0  }
0x4b: {  	p5 =	slt.s32 s21, $0x1;
	p6 =	sne.s32 s21, s24  }
0x4c: {  	p0 =	por !p5, !p6  }
0x4d: {  	s1 =	simm.s32 $0x1;
	p0 =	por !p0, !p0  }
0x4e: {  	(v2sf) =	vpush v0, $0x5;
	s0 =	sshrl.u32 s0, $0x3;
	s1 =	simm.s32 @!p0 $0x0  }
0x4f: {  	s0 =	ssub.s32 s0, s1  }
0x50: {  	s0 =	sshll.u32 s0, $0x7  }
0x51: {  	s22 =	spop (v2sf);
	s0 =	sand.u32 $0x1FFFFF80, s0  }
0x52: {  	s25 =	rddreg [dreg:$0x7];
	s26 =	sshra.s32 s22, $0x1F;
	s0 =	sadd.s32 s4, s0  }
0x53: {  	[tilespmem:s25], [sflag:$0x1] =	stream.linear.gather [hbm4b:s0+s2], $0x400, $0x38;
	[tilespmem:$0x14400] =	vst v63  }
0x54: {  	s0 =	sshrl.u32 s26, $0x1D  }
0x55: {  	s0 =	sadd.s32 s0, s22  }
0x56: {  	s28 =	sand.u32 $0xFFFFFFF8, s0  }
0x57: {  	p1 =	slt.s32 s22, $0x1;
	p2 =	sne.s32 s22, s28  }
0x58: {  	p0 =	por !p1, !p2  }
0x59: {  	s1 =	simm.s32 $0x1;
	p0 =	por !p0, !p0  }
0x5a: {  	(v2sf) =	vpush v0, $0x6;
	s0 =	sshrl.u32 s0, $0x3;
	s1 =	simm.s32 @!p0 $0x0  }
0x5b: {  	s0 =	ssub.s32 s0, s1  }
0x5c: {  	s0 =	sshll.u32 s0, $0x7  }
0x5d: {  	s23 =	spop (v2sf);
	s0 =	sand.u32 $0x1FFFFF80, s0  }
0x5e: {  	s29 =	rddreg [dreg:$0x8];
	s30 =	sshra.s32 s23, $0x1F;
	s0 =	sadd.s32 s4, s0  }
0x5f: {  	[tilespmem:s29], [sflag:$0x1] =	stream.linear.gather [hbm4b:s0+s2], $0x400, $0x38;
	[tilespmem:$0x14400] =	vst v63  }
0x60: {  	s0 =	sshrl.u32 s30, $0x1D  }
0x61: {  	s0 =	sadd.s32 s0, s23  }
0x62: {  	s31 =	sand.u32 $0xFFFFFFF8, s0  }
0x63: {  	p3 =	slt.s32 s23, $0x1;
	p4 =	sne.s32 s23, s31  }
0x64: {  	p0 =	por !p3, !p4  }
0x65: {  	s1 =	simm.s32 $0x1;
	p0 =	por !p0, !p0  }
0x66: {  	s0 =	sshrl.u32 s0, $0x3;
	s1 =	simm.s32 @!p0 $0x0  }
0x67: {  	s0 =	ssub.s32 s0, s1  }
0x68: {  	s0 =	sshll.u32 s0, $0x7  }
0x69: {  	(v2sf) =	vpush v0, $0x7;
	s24 =	spop (v2sf);
	s0 =	sand.u32 $0x1FFFFF80, s0  }
0x6a: {  	s3 =	rddreg [dreg:$0x9];
	s5 =	sshra.s32 s24, $0x1F;
	s0 =	sadd.s32 s4, s0  }
0x6b: {  	[tilespmem:s3], [sflag:$0x1] =	stream.linear.gather [hbm4b:s0+s2], $0x400, $0x38;
	[tilespmem:$0x14400] =	vst v63  }
0x6c: {  	s0 =	sshrl.u32 s5, $0x1D  }
0x6d: {  	s0 =	sadd.s32 s0, s24  }
0x6e: {  	s13 =	sand.u32 $0xFFFFFFF8, s0  }
0x6f: {  	p5 =	slt.s32 s24, $0x1;
	p6 =	sne.s32 s24, s13  }
0x70: {  	p0 =	por !p5, !p6  }
0x71: {  	s1 =	simm.s32 $0x1;
	p0 =	por !p0, !p0  }
0x72: {  	s0 =	sshrl.u32 s0, $0x3;
	s1 =	simm.s32 @!p0 $0x0  }
0x73: {  	s0 =	ssub.s32 s0, s1  }
0x74: {  	(v2sf) =	vpush v0, $0x8;
	s0 =	sshll.u32 s0, $0x7  }
0x75: {  	s0 =	sand.u32 $0x1FFFFF80, s0  }
0x76: {  	s25 =	rddreg [dreg:$0xa];
	s0 =	sadd.s32 s4, s0  }
0x77: {  	[tilespmem:s25], [sflag:$0x1] =	stream.linear.gather [hbm4b:s0+s2], $0x400, $0x38;
	[tilespmem:$0x14400] =	vst v63  }
0x78: {  	s25 =	spop (v2sf)  }
0x79: {  	s26 =	sshra.s32 s25, $0x1F  }
0x7a: {  	s0 =	sshrl.u32 s26, $0x1D  }
0x7b: {  	s0 =	sadd.s32 s0, s25  }
0x7c: {  	s28 =	sand.u32 $0xFFFFFFF8, s0  }
0x7d: {  	p1 =	slt.s32 s25, $0x1;
	p2 =	sne.s32 s25, s28  }
0x7e: {  	p0 =	por !p1, !p2  }
0x7f: {  	s1 =	simm.s32 $0x1;
	p0 =	por !p0, !p0  }
0x80: {  	(v2sf) =	vpush v0, $0x9;
	s0 =	sshrl.u32 s0, $0x3;
	s1 =	simm.s32 @!p0 $0x0  }
0x81: {  	s0 =	ssub.s32 s0, s1  }
0x82: {  	s0 =	sshll.u32 s0, $0x7  }
0x83: {  	s26 =	spop (v2sf);
	s0 =	sand.u32 $0x1FFFFF80, s0  }
0x84: {  	s29 =	rddreg [dreg:$0xb];
	s30 =	sshra.s32 s26, $0x1F;
	s0 =	sadd.s32 s4, s0  }
0x85: {  	[tilespmem:s29], [sflag:$0x1] =	stream.linear.gather [hbm4b:s0+s2], $0x400, $0x38;
	[tilespmem:$0x14400] =	vst v63  }
0x86: {  	s0 =	sshrl.u32 s30, $0x1D  }
0x87: {  	s0 =	sadd.s32 s0, s26  }
0x88: {  	s31 =	sand.u32 $0xFFFFFFF8, s0  }
0x89: {  	p3 =	slt.s32 s26, $0x1;
	p4 =	sne.s32 s26, s31  }
0x8a: {  	p0 =	por !p3, !p4  }
0x8b: {  	s1 =	simm.s32 $0x1;
	p0 =	por !p0, !p0  }
0x8c: {  	s0 =	sshrl.u32 s0, $0x3;
	s1 =	simm.s32 @!p0 $0x0  }
0x8d: {  	s0 =	ssub.s32 s0, s1  }
0x8e: {  	s0 =	sshll.u32 s0, $0x7  }
0x8f: {  	(v2sf) =	vpush v0, $0xA;
	s28 =	spop (v2sf);
	s0 =	sand.u32 $0x1FFFFF80, s0  }
0x90: {  	s3 =	rddreg [dreg:$0xc];
	s5 =	sshra.s32 s28, $0x1F;
	s0 =	sadd.s32 s4, s0  }
0x91: {  	[tilespmem:s3], [sflag:$0x1] =	stream.linear.gather [hbm4b:s0+s2], $0x400, $0x38;
	[tilespmem:$0x14400] =	vst v63  }
0x92: {  	s0 =	sshrl.u32 s5, $0x1D  }
0x93: {  	s0 =	sadd.s32 s0, s28  }
0x94: {  	s13 =	sand.u32 $0xFFFFFFF8, s0  }
0x95: {  	p5 =	slt.s32 s28, $0x1;
	p6 =	sne.s32 s28, s13  }
0x96: {  	p0 =	por !p5, !p6  }
0x97: {  	s1 =	simm.s32 $0x1;
	p0 =	por !p0, !p0  }
0x98: {  	s0 =	sshrl.u32 s0, $0x3;
	s1 =	simm.s32 @!p0 $0x0  }
0x99: {  	s0 =	ssub.s32 s0, s1  }
0x9a: {  	(v2sf) =	vpush v0, $0xB;
	s0 =	sshll.u32 s0, $0x7  }
0x9b: {  	s0 =	sand.u32 $0x1FFFFF80, s0  }
0x9c: {  	s29 =	rddreg [dreg:$0xd];
	s0 =	sadd.s32 s4, s0  }
0x9d: {  	[tilespmem:s29], [sflag:$0x1] =	stream.linear.gather [hbm4b:s0+s2], $0x400, $0x38;
	[tilespmem:$0x14400] =	vst v63  }
0x9e: {  	s29 =	spop (v2sf)  }
0x9f: {  	s30 =	sshra.s32 s29, $0x1F  }
0xa0: {  	s0 =	sshrl.u32 s30, $0x1D  }
0xa1: {  	s0 =	sadd.s32 s0, s29  }
0xa2: {  	s31 =	sand.u32 $0xFFFFFFF8, s0  }
0xa3: {  	p1 =	slt.s32 s29, $0x1;
	p2 =	sne.s32 s29, s31  }
0xa4: {  	p0 =	por !p1, !p2  }
0xa5: {  	s1 =	simm.s32 $0x1;
	p0 =	por !p0, !p0  }
0xa6: {  	s0 =	sshrl.u32 s0, $0x3;
	s1 =	simm.s32 @!p0 $0x0  }
0xa7: {  	s0 =	ssub.s32 s0, s1  }
0xa8: {  	s0 =	sshll.u32 s0, $0x7  }
0xa9: {  	(v2sf) =	vpush v0, $0xC;
	s30 =	spop (v2sf);
	s0 =	sand.u32 $0x1FFFFF80, s0  }
0xaa: {  	s3 =	rddreg [dreg:$0xe];
	s5 =	sshra.s32 s30, $0x1F;
	s0 =	sadd.s32 s4, s0  }
0xab: {  	[tilespmem:s3], [sflag:$0x1] =	stream.linear.gather [hbm4b:s0+s2], $0x400, $0x38;
	[tilespmem:$0x14400] =	vst v63  }
0xac: {  	s0 =	sshrl.u32 s5, $0x1D  }
0xad: {  	s0 =	sadd.s32 s0, s30  }
0xae: {  	s13 =	sand.u32 $0xFFFFFFF8, s0  }
0xaf: {  	p3 =	slt.s32 s30, $0x1;
	p4 =	sne.s32 s30, s13  }
0xb0: {  	p0 =	por !p3, !p4  }
0xb1: {  	s1 =	simm.s32 $0x1;
	p0 =	por !p0, !p0  }
0xb2: {  	s0 =	sshrl.u32 s0, $0x3;
	s1 =	simm.s32 @!p0 $0x0  }
0xb3: {  	s0 =	ssub.s32 s0, s1  }
0xb4: {  	s0 =	sshll.u32 s0, $0x7  }
0xb5: {  	(v2sf) =	vpush v0, $0xD;
	s0 =	sand.u32 $0x1FFFFF80, s0  }
0xb6: {  	s31 =	rddreg [dreg:$0xf];
	s0 =	sadd.s32 s4, s0  }
0xb7: {  	[tilespmem:s31], [sflag:$0x1] =	stream.linear.gather [hbm4b:s0+s2], $0x400, $0x38;
	[tilespmem:$0x14400] =	vst v63  }
0xb8: {  	s31 =	spop (v2sf)  }
0xb9: {  	s3 =	sshra.s32 s31, $0x1F  }
0xba: {  	s0 =	sshrl.u32 s3, $0x1D  }
0xbb: {  	s0 =	sadd.s32 s0, s31  }
0xbc: {  	s5 =	sand.u32 $0xFFFFFFF8, s0  }
0xbd: {  	p5 =	slt.s32 s31, $0x1;
	p6 =	sne.s32 s31, s5  }
0xbe: {  	p0 =	por !p5, !p6  }
0xbf: {  	s1 =	simm.s32 $0x1;
	p0 =	por !p0, !p0  }
0xc0: {  	s0 =	sshrl.u32 s0, $0x3;
	s1 =	simm.s32 @!p0 $0x0  }
0xc1: {  	s0 =	ssub.s32 s0, s1  }
0xc2: {  	(v2sf) =	vpush v0, $0xE;
	s0 =	sshll.u32 s0, $0x7  }
0xc3: {  	s3 =	sand.u32 $0x1FFFFF80, s0  }
0xc4: {  	s13 =	rddreg [dreg:$0x10];
	s0 =	spop (v2sf);
	s3 =	sadd.s32 s4, s3  }
0xc5: {  	[tilespmem:s13], [sflag:$0x1] =	stream.linear.gather [hbm4b:s3+s2], $0x400, $0x38;
	[tilespmem:$0x14400] =	vst v63  }
0xc6: {  	s3 =	sshra.s32 s0, $0x1F  }
0xc7: {  	s1 =	sshrl.u32 s3, $0x1D  }
0xc8: {  	s1 =	sadd.s32 s1, s0  }
0xc9: {  	s5 =	sand.u32 $0xFFFFFFF8, s1  }
0xca: {  	p1 =	slt.s32 s0, $0x1;
	p2 =	sne.s32 s0, s5  }
0xcb: {  	p0 =	por !p1, !p2  }
0xcc: {  	s3 =	simm.s32 $0x1;
	p0 =	por !p0, !p0  }
0xcd: {  	s1 =	sshrl.u32 s1, $0x3;
	s3 =	simm.s32 @!p0 $0x0  }
0xce: {  	s1 =	ssub.s32 s1, s3  }
0xcf: {  	s1 =	sshll.u32 s1, $0x7  }
0xd0: {  	s1 =	sand.u32 $0x1FFFFF80, s1  }
0xd1: {  	s13 =	rddreg [dreg:$0x11];
	s3 =	spop (v2sf);
	(v2sf) =	vpush v0, $0xF;
	s1 =	sadd.s32 s4, s1  }
0xd2: {  	[tilespmem:s13], [sflag:$0x1] =	stream.linear.gather [hbm4b:s1+s2], $0x400, $0x38;
	[tilespmem:$0x14400] =	vst v63  }
0xd3: {  	s13 =	sshra.s32 s3, $0x1F  }
0xd4: {  	s1 =	sshrl.u32 s13, $0x1D  }
0xd5: {  	s1 =	sadd.s32 s1, s3  }
0xd6: {  	s5 =	sand.u32 $0xFFFFFFF8, s1  }
0xd7: {  	p3 =	slt.s32 s3, $0x1;
	p4 =	sne.s32 s3, s5  }
0xd8: {  	p0 =	por !p3, !p4  }
0xd9: {  	s13 =	simm.s32 $0x1;
	p0 =	por !p0, !p0  }
0xda: {  	s1 =	sshrl.u32 s1, $0x3;
	s13 =	simm.s32 @!p0 $0x0  }
0xdb: {  	s1 =	ssub.s32 s1, s13  }
0xdc: {  	s1 =	sshll.u32 s1, $0x7  }
0xdd: {  	s1 =	sand.u32 $0x1FFFFF80, s1  }
0xde: {  	s5 =	rddreg [dreg:$0x12];
	s1 =	sadd.s32 s4, s1  }
0xdf: {  	[tilespmem:s5], [sflag:$0x1] =	stream.linear.gather [hbm4b:s1+s2], $0x400, $0x38;
	[tilespmem:$0x14400] =	vst v63  }
0xe0: {  	s1 =	spop (v2sf)  }
0xe1: {  	s5 =	sshra.s32 s1, $0x1F  }
0xe2: {  	s13 =	sshrl.u32 s5, $0x1D  }
0xe3: {  	s13 =	sadd.s32 s13, s1  }
0xe4: {  	s5 =	sand.u32 $0xFFFFFFF8, s13  }
0xe5: {  	p5 =	slt.s32 s1, $0x1;
	p6 =	sne.s32 s1, s5  }
0xe6: {  	p0 =	por !p5, !p6  }
0xe7: {  	s5 =	simm.s32 $0x1;
	p0 =	por !p0, !p0  }
0xe8: {  	s13 =	sshrl.u32 s13, $0x3;
	s5 =	simm.s32 @!p0 $0x0  }
0xe9: {  	s5 =	ssub.s32 s13, s5  }
0xea: {  	s5 =	sshll.u32 s5, $0x7  }
0xeb: {  	s5 =	sand.u32 $0x1FFFFF80, s5  }
0xec: {  	s13 =	rddreg [dreg:$0x13];
	s5 =	sadd.s32 s4, s5  }
0xed: {  	[tilespmem:s13], [sflag:$0x1] =	stream.linear.gather [hbm4b:s5+s2], $0x400, $0x38;
	[tilespmem:$0x14400] =	vst v63  }
0xee: {  	s18 =	sshll.u32 s18, $0x7;
	_ =	swait.ge [sflag:s12], $0x4000  }
0xef: {  	s5 =	sadd.s32 $0x400, s18;
	[sflag:s12] =	ssyncset.done $0x0  }
0xf0: {  	s5 =	sand.u32 $0x380, s5;
	[sflag:s12] =	ssyncadd.s32 $0xFFFFC000  }
0xf1: {  	v63 =	vld [tilespmem:s5+$0x200];
	_ =	sdelay $0x4  }
0xf2: {  	[tilespmem:s16+$0xFFFFFC00] =	vst v63  }
0xf3: {  	v0 =	vld [tilespmem:s5+$0x210];
	_ =	sdelay $0x4  }
0xf4: {  	[tilespmem:s16+$0xFFFFFC10] =	vst v0  }
0xf5: {  	v0 =	vld [tilespmem:s5+$0x220];
	_ =	sdelay $0x4  }
0xf6: {  	[tilespmem:s16+$0xFFFFFC20] =	vst v0  }
0xf7: {  	v0 =	vld [tilespmem:s5+$0x230];
	_ =	sdelay $0x2  }
0xf8: {  	s13 =	sshll.u32 s19, $0x7  }
0xf9: {  	s5 =	sadd.s32 $0x400, s13  }
0xfa: {  	s5 =	sand.u32 $0x380, s5;
	[tilespmem:s16+$0xFFFFFC30] =	vst v0  }
0xfb: {  	v0 =	vld [tilespmem:s5+$0x600];
	_ =	sdelay $0x4  }
0xfc: {  	[tilespmem:s16+$0xFFFFFC80] =	vst v0  }
0xfd: {  	v0 =	vld [tilespmem:s5+$0x610];
	_ =	sdelay $0x4  }
0xfe: {  	[tilespmem:s16+$0xFFFFFC90] =	vst v0  }
0xff: {  	v0 =	vld [tilespmem:s5+$0x620];
	_ =	sdelay $0x4  }
0x100: {  	[tilespmem:s16+$0xFFFFFCA0] =	vst v0  }
0x101: {  	v0 =	vld [tilespmem:s5+$0x630];
	_ =	sdelay $0x2  }
0x102: {  	s18 =	sshll.u32 s20, $0x7  }
0x103: {  	s5 =	sadd.s32 $0x400, s18  }
0x104: {  	s5 =	sand.u32 $0x380, s5;
	[tilespmem:s16+$0xFFFFFCB0] =	vst v0  }
0x105: {  	v0 =	vld [tilespmem:s5+$0xA00];
	_ =	sdelay $0x4  }
0x106: {  	[tilespmem:s16+$0xFFFFFD00] =	vst v0  }
0x107: {  	v0 =	vld [tilespmem:s5+$0xA10];
	_ =	sdelay $0x4  }
0x108: {  	[tilespmem:s16+$0xFFFFFD10] =	vst v0  }
0x109: {  	v0 =	vld [tilespmem:s5+$0xA20];
	_ =	sdelay $0x4  }
0x10a: {  	[tilespmem:s16+$0xFFFFFD20] =	vst v0  }
0x10b: {  	v0 =	vld [tilespmem:s5+$0xA30];
	_ =	sdelay $0x2  }
0x10c: {  	s19 =	sshll.u32 s21, $0x7  }
0x10d: {  	s5 =	sadd.s32 $0x400, s19  }
0x10e: {  	s5 =	sand.u32 $0x380, s5;
	[tilespmem:s16+$0xFFFFFD30] =	vst v0  }
0x10f: {  	v0 =	vld [tilespmem:s5+$0xE00];
	_ =	sdelay $0x4  }
0x110: {  	[tilespmem:s16+$0xFFFFFD80] =	vst v0  }
0x111: {  	v0 =	vld [tilespmem:s5+$0xE10];
	_ =	sdelay $0x4  }
0x112: {  	[tilespmem:s16+$0xFFFFFD90] =	vst v0  }
0x113: {  	v0 =	vld [tilespmem:s5+$0xE20];
	_ =	sdelay $0x4  }
0x114: {  	[tilespmem:s16+$0xFFFFFDA0] =	vst v0  }
0x115: {  	v0 =	vld [tilespmem:s5+$0xE30];
	_ =	sdelay $0x2  }
0x116: {  	s20 =	sshll.u32 s22, $0x7  }
0x117: {  	s5 =	sadd.s32 $0x400, s20  }
0x118: {  	s5 =	sand.u32 $0x380, s5;
	[tilespmem:s16+$0xFFFFFDB0] =	vst v0  }
0x119: {  	v0 =	vld [tilespmem:s5+$0x1200];
	_ =	sdelay $0x4  }
0x11a: {  	[tilespmem:s16+$0xFFFFFE00] =	vst v0  }
0x11b: {  	v0 =	vld [tilespmem:s5+$0x1210];
	_ =	sdelay $0x4  }
0x11c: {  	[tilespmem:s16+$0xFFFFFE10] =	vst v0  }
0x11d: {  	v0 =	vld [tilespmem:s5+$0x1220];
	_ =	sdelay $0x4  }
0x11e: {  	[tilespmem:s16+$0xFFFFFE20] =	vst v0  }
0x11f: {  	v0 =	vld [tilespmem:s5+$0x1230];
	_ =	sdelay $0x2  }
0x120: {  	s21 =	sshll.u32 s23, $0x7  }
0x121: {  	s5 =	sadd.s32 $0x400, s21  }
0x122: {  	s5 =	sand.u32 $0x380, s5;
	[tilespmem:s16+$0xFFFFFE30] =	vst v0  }
0x123: {  	v0 =	vld [tilespmem:s5+$0x1600];
	_ =	sdelay $0x4  }
0x124: {  	[tilespmem:s16+$0xFFFFFE80] =	vst v0  }
0x125: {  	v0 =	vld [tilespmem:s5+$0x1610];
	_ =	sdelay $0x4  }
0x126: {  	[tilespmem:s16+$0xFFFFFE90] =	vst v0  }
0x127: {  	v0 =	vld [tilespmem:s5+$0x1620];
	_ =	sdelay $0x4  }
0x128: {  	[tilespmem:s16+$0xFFFFFEA0] =	vst v0  }
0x129: {  	v0 =	vld [tilespmem:s5+$0x1630];
	_ =	sdelay $0x2  }
0x12a: {  	s22 =	sshll.u32 s24, $0x7  }
0x12b: {  	s5 =	sadd.s32 $0x400, s22  }
0x12c: {  	s5 =	sand.u32 $0x380, s5;
	[tilespmem:s16+$0xFFFFFEB0] =	vst v0  }
0x12d: {  	v0 =	vld [tilespmem:s5+$0x1A00];
	_ =	sdelay $0x4  }
0x12e: {  	[tilespmem:s16+$0xFFFFFF00] =	vst v0  }
0x12f: {  	v0 =	vld [tilespmem:s5+$0x1A10];
	_ =	sdelay $0x4  }
0x130: {  	[tilespmem:s16+$0xFFFFFF10] =	vst v0  }
0x131: {  	v0 =	vld [tilespmem:s5+$0x1A20];
	_ =	sdelay $0x4  }
0x132: {  	[tilespmem:s16+$0xFFFFFF20] =	vst v0  }
0x133: {  	v0 =	vld [tilespmem:s5+$0x1A30];
	_ =	sdelay $0x2  }
0x134: {  	s23 =	sshll.u32 s25, $0x7  }
0x135: {  	s5 =	sadd.s32 $0x400, s23  }
0x136: {  	s5 =	sand.u32 $0x380, s5;
	[tilespmem:s16+$0xFFFFFF30] =	vst v0  }
0x137: {  	v0 =	vld [tilespmem:s5+$0x1E00];
	_ =	sdelay $0x4  }
0x138: {  	[tilespmem:s16+$0xFFFFFF80] =	vst v0  }
0x139: {  	v0 =	vld [tilespmem:s5+$0x1E10];
	_ =	sdelay $0x4  }
0x13a: {  	[tilespmem:s16+$0xFFFFFF90] =	vst v0  }
0x13b: {  	v0 =	vld [tilespmem:s5+$0x1E20];
	_ =	sdelay $0x4  }
0x13c: {  	[tilespmem:s16+$0xFFFFFFA0] =	vst v0  }
0x13d: {  	v0 =	vld [tilespmem:s5+$0x1E30];
	_ =	sdelay $0x2  }
0x13e: {  	s24 =	sshll.u32 s26, $0x7  }
0x13f: {  	s5 =	sadd.s32 $0x400, s24  }
0x140: {  	s5 =	sand.u32 $0x380, s5;
	[tilespmem:s16+$0xFFFFFFB0] =	vst v0  }
0x141: {  	v0 =	vld [tilespmem:s5+$0x2200];
	_ =	sdelay $0x4  }
0x142: {  	[tilespmem:s16+$0x0] =	vst v0  }
0x143: {  	v0 =	vld [tilespmem:s5+$0x2210];
	_ =	sdelay $0x4  }
0x144: {  	[tilespmem:s16+$0x10] =	vst v0  }
0x145: {  	v0 =	vld [tilespmem:s5+$0x2220];
	_ =	sdelay $0x4  }
0x146: {  	[tilespmem:s16+$0x20] =	vst v0  }
0x147: {  	v0 =	vld [tilespmem:s5+$0x2230];
	_ =	sdelay $0x2  }
0x148: {  	s25 =	sshll.u32 s28, $0x7  }
0x149: {  	s5 =	sadd.s32 $0x400, s25  }
0x14a: {  	s5 =	sand.u32 $0x380, s5;
	[tilespmem:s16+$0x30] =	vst v0  }
0x14b: {  	v0 =	vld [tilespmem:s5+$0x2600];
	_ =	sdelay $0x4  }
0x14c: {  	[tilespmem:s16+$0x80] =	vst v0  }
0x14d: {  	v0 =	vld [tilespmem:s5+$0x2610];
	_ =	sdelay $0x4  }
0x14e: {  	[tilespmem:s16+$0x90] =	vst v0  }
0x14f: {  	v0 =	vld [tilespmem:s5+$0x2620];
	_ =	sdelay $0x4  }
0x150: {  	[tilespmem:s16+$0xA0] =	vst v0  }
0x151: {  	v0 =	vld [tilespmem:s5+$0x2630];
	_ =	sdelay $0x2  }
0x152: {  	s26 =	sshll.u32 s29, $0x7  }
0x153: {  	s5 =	sadd.s32 $0x400, s26  }
0x154: {  	s5 =	sand.u32 $0x380, s5;
	[tilespmem:s16+$0xB0] =	vst v0  }
0x155: {  	v0 =	vld [tilespmem:s5+$0x2A00];
	_ =	sdelay $0x4  }
0x156: {  	[tilespmem:s16+$0x100] =	vst v0  }
0x157: {  	v0 =	vld [tilespmem:s5+$0x2A10];
	_ =	sdelay $0x4  }
0x158: {  	[tilespmem:s16+$0x110] =	vst v0  }
0x159: {  	v0 =	vld [tilespmem:s5+$0x2A20];
	_ =	sdelay $0x4  }
0x15a: {  	[tilespmem:s16+$0x120] =	vst v0  }
0x15b: {  	v0 =	vld [tilespmem:s5+$0x2A30];
	_ =	sdelay $0x2  }
0x15c: {  	s28 =	sshll.u32 s30, $0x7  }
0x15d: {  	s5 =	sadd.s32 $0x400, s28  }
0x15e: {  	s5 =	sand.u32 $0x380, s5;
	[tilespmem:s16+$0x130] =	vst v0  }
0x15f: {  	v0 =	vld [tilespmem:s5+$0x2E00];
	_ =	sdelay $0x4  }
0x160: {  	[tilespmem:s16+$0x180] =	vst v0  }
0x161: {  	v0 =	vld [tilespmem:s5+$0x2E10];
	_ =	sdelay $0x4  }
0x162: {  	[tilespmem:s16+$0x190] =	vst v0  }
0x163: {  	v0 =	vld [tilespmem:s5+$0x2E20];
	_ =	sdelay $0x4  }
0x164: {  	[tilespmem:s16+$0x1A0] =	vst v0  }
0x165: {  	v0 =	vld [tilespmem:s5+$0x2E30];
	_ =	sdelay $0x2  }
0x166: {  	s29 =	sshll.u32 s31, $0x7  }
0x167: {  	s5 =	sadd.s32 $0x400, s29  }
0x168: {  	s5 =	sand.u32 $0x380, s5;
	[tilespmem:s16+$0x1B0] =	vst v0  }
0x169: {  	v0 =	vld [tilespmem:s5+$0x3200];
	_ =	sdelay $0x4  }
0x16a: {  	[tilespmem:s16+$0x200] =	vst v0  }
0x16b: {  	v0 =	vld [tilespmem:s5+$0x3210];
	_ =	sdelay $0x4  }
0x16c: {  	[tilespmem:s16+$0x210] =	vst v0  }
0x16d: {  	v0 =	vld [tilespmem:s5+$0x3220];
	_ =	sdelay $0x4  }
0x16e: {  	[tilespmem:s16+$0x220] =	vst v0  }
0x16f: {  	v0 =	vld [tilespmem:s5+$0x3230];
	_ =	sdelay $0x2  }
0x170: {  	s0 =	sshll.u32 s0, $0x7  }
0x171: {  	s0 =	sadd.s32 $0x400, s0  }
0x172: {  	s0 =	sand.u32 $0x380, s0;
	[tilespmem:s16+$0x230] =	vst v0  }
0x173: {  	v0 =	vld [tilespmem:s0+$0x3600];
	_ =	sdelay $0x4  }
0x174: {  	[tilespmem:s16+$0x280] =	vst v0  }
0x175: {  	v0 =	vld [tilespmem:s0+$0x3610];
	_ =	sdelay $0x4  }
0x176: {  	[tilespmem:s16+$0x290] =	vst v0  }
0x177: {  	v0 =	vld [tilespmem:s0+$0x3620];
	_ =	sdelay $0x4  }
0x178: {  	[tilespmem:s16+$0x2A0] =	vst v0  }
0x179: {  	v0 =	vld [tilespmem:s0+$0x3630];
	_ =	sdelay $0x2  }
0x17a: {  	s30 =	sshll.u32 s3, $0x7  }
0x17b: {  	s0 =	sadd.s32 $0x400, s30  }
0x17c: {  	s0 =	sand.u32 $0x380, s0;
	[tilespmem:s16+$0x2B0] =	vst v0  }
0x17d: {  	v0 =	vld [tilespmem:s0+$0x3A00];
	_ =	sdelay $0x4  }
0x17e: {  	[tilespmem:s16+$0x300] =	vst v0  }
0x17f: {  	v0 =	vld [tilespmem:s0+$0x3A10];
	_ =	sdelay $0x4  }
0x180: {  	[tilespmem:s16+$0x310] =	vst v0  }
0x181: {  	v0 =	vld [tilespmem:s0+$0x3A20];
	_ =	sdelay $0x4  }
0x182: {  	[tilespmem:s16+$0x320] =	vst v0  }
0x183: {  	v0 =	vld [tilespmem:s0+$0x3A30];
	_ =	sdelay $0x2  }
0x184: {  	s31 =	sshll.u32 s1, $0x7  }
0x185: {  	s0 =	sadd.s32 $0x400, s31  }
0x186: {  	s0 =	sand.u32 $0x380, s0;
	[tilespmem:s16+$0x330] =	vst v0  }
0x187: {  	v0 =	vld [tilespmem:s0+$0x3E00];
	_ =	sdelay $0x4  }
0x188: {  	[tilespmem:s16+$0x380] =	vst v0  }
0x189: {  	v0 =	vld [tilespmem:s0+$0x3E10];
	_ =	sdelay $0x4  }
0x18a: {  	[tilespmem:s16+$0x390] =	vst v0  }
0x18b: {  	v0 =	vld [tilespmem:s0+$0x3E20];
	_ =	sdelay $0x4  }
0x18c: {  	[tilespmem:s16+$0x3A0] =	vst v0  }
0x18d: {  	p0 =	sne.s32 s17, $0x7C0;
	v0 =	vld [tilespmem:s0+$0x3E30]  }
.Ltmp0:
0x18e: {  	_ = 	snop;
	(pc) =	sbr.rel @p0 .LBB2_2-.Ltmp0, $2  }
0x18f: {  	_ =	sdelay $0x2  }
0x190: {  	s17 =	sadd.s32 $0x40, s17;
	[tilespmem:s16+$0x3B0] =	vst v0;
	s16 =	sadd.s32 $0x800, s16  }
0x191: {  	s0 =	simm.s32 $0x4200  }
0x192: {  	[hbm4b:s6+s2] =	stream.linear.scatter [tilespmem:s0], [sflag:$0x3], $0x10000, $0x38;
	[tilespmem:$0x14400] =	vst v63  }
0x193: {  	_ =	swait.ge [sflag:s9], $0x10000  }
0x194: {  	[sflag:s9] =	ssyncset.done $0x0  }
0x195: {  	[sflag:s9] =	ssyncadd.s32 $0xFFFF0000  }
0x196: {  	s15 =	sadd.s32 $0x1, s15;
	_ =	swait.ge [sflag:s14], $0x200  }
0x197: {  	p0 =	sne.s32 s15, s8;
	[sflag:s14] =	ssyncset.done $0x0  }
.Ltmp1:
0x198: {  	[sflag:s14] =	ssyncadd.s32 $0xFFFFFE00;
	(pc) =	sbr.rel @p0 .LBB2_1-.Ltmp1, $4  }
0x199: {  	[hbm4b:s7+s2] =	stream.linear.scatter [tilespmem:s11], [sflag:$0x3], $0x200, $0x38;
	[tilespmem:$0x14400] =	vst v63  }
0x19a: {  	_ =	swait.ge [sflag:s9], $0x200  }
0x19b: {  	[sflag:s9] =	ssyncset.done $0x0  }
0x19c: {  	[sflag:s9] =	ssyncadd.s32 $0xFFFFFE00  }
0x19d: {  	_ =	sfence.sel $0x180000  }
0x19e: {  	[bflag:$0x0] =	sbarrier.arrive $0xFFFF  }
0x19f: {  	_ =	strace $0x9000004A  }
0x1a0: {  	s0 =	stileid.u32;
	[bflag:$0x2] =	sbarrier.arrive $0xFFFF  }
0x1a1: {  	p0 =	sne.s32 s0, $0x0;
	s0 =	rddreg [dreg:$0x4]  }
0x1a2: {  	s0 =	sadd.s32 @!p0 $0x100000, s0  }
0x1a3: {  	[sflag:s0] =	ssyncadd.tile.s32 @!p0 $0x1;
	_ =	shalt  }
.Lfunc_end2:
_tile_overlayer_lowered:
.L_overlay_start_2:
0x1a4: {  	(tag) =	ssettag $0x2  }
0x1a5: {  	s0 =	rddreg [dreg:$0x0];
	s2 =	stileid.u32  }
0x1a6: {  	s1 =	rddreg [dreg:$0x1];
	p0 =	sne.s32 s2, $0x0  }
0x1a7: {  	s3 =	rddreg [dreg:$0x2];
	[bflag:$0x3] =	sbarrier.arrive $0xFFFF;
	s2 =	simm.s32 @!p0 $0x1C03  }
0x1a8: {  	[timem:s3], [sflag:s2] =	dma.local @!p0 [hbm:s0], s1  }
0x1a9: {  	s0 =	simm.s32 @!p0 $0x3  }
0x1aa: {  	_ =	swait.ge @!p0 [sflag:s0], s1  }
0x1ab: {  	s1 =	ssub.s32 @!p0 $0x0, s1;
	[sflag:s0] =	ssyncset.done @!p0 $0x0  }
0x1ac: {  	[sflag:s0] =	ssyncadd.s32 @!p0 s1  }
0x1ad: {  	[bflag:$0x3] =	sbarrier.arrive $0xFFFF  }
0x1ae: {  	_ =	shalt  }

</sc_bundles>
